<compile_context>
chip_gen: v7x
topology: tpu7x:2x2x1
jax: 0.10.2.dev20260603
libtpu: 0.0.44.dev20260713+nightly
codegen_flags: <defaults>
</compile_context>

<pallas_src>
import functools

import jax
import jax.numpy as jnp
from jax import lax
from jax.experimental import pallas as pl
from jax.experimental.pallas import tpu as pltpu
from jax.experimental.pallas import tpu_sc as plsc

N = 10000
E = 320000
G = 64
D_LIN = 64
D_CONV = 64
D_EDGE = 16
D_H = 128
D_OUT = 32

NC = 2
NS = 16
NW = NC * NS
L = 16

K = 128
EH = E // 2
NCHUNK = EH // K
JMAX = -(-NCHUNK // NW)



def _tables_body(lin_ref, conv_ref, wl_ref, wc_ref, bn_ref, ws_ref, wd_ref,
                 a_ref, b_ref):
    x = (jnp.dot(lin_ref[...], wl_ref[...], preferred_element_type=jnp.float32)
         + jnp.dot(conv_ref[...], wc_ref[...], preferred_element_type=jnp.float32)
         + bn_ref[...])
    nodes = jnp.maximum(x, 0.0)
    a_ref[...] = jnp.dot(nodes, ws_ref[...], preferred_element_type=jnp.float32)
    b_ref[...] = jnp.dot(nodes, wd_ref[...], preferred_element_type=jnp.float32)


def _node_tables(lin, conv, W_l, W_c, b_node, W_s, W_d):
    blk = 1000
    grid = N // blk
    return pl.pallas_call(
        _tables_body,
        grid=(grid,),
        in_specs=[
            pl.BlockSpec((blk, D_LIN), lambda i: (i, 0)),
            pl.BlockSpec((blk, D_CONV), lambda i: (i, 0)),
            pl.BlockSpec((D_LIN, D_H), lambda i: (0, 0)),
            pl.BlockSpec((D_CONV, D_H), lambda i: (0, 0)),
            pl.BlockSpec((1, D_H), lambda i: (0, 0)),
            pl.BlockSpec((D_H, D_H), lambda i: (0, 0)),
            pl.BlockSpec((D_H, D_H), lambda i: (0, 0)),
        ],
        out_specs=[
            pl.BlockSpec((blk, D_H), lambda i: (i, 0)),
            pl.BlockSpec((blk, D_H), lambda i: (i, 0)),
        ],
        out_shape=[
            jax.ShapeDtypeStruct((N, D_H), jnp.float32),
            jax.ShapeDtypeStruct((N, D_H), jnp.float32),
        ],
    )(lin, conv, W_l, W_c, b_node, W_s, W_d)


def _edge_term_body(ea_ref, w1_ref, b1_ref, w2_ref, bm_ref, c_ref):
    t = jnp.maximum(
        jnp.dot(ea_ref[...], w1_ref[...], preferred_element_type=jnp.float32)
        + b1_ref[...], 0.0)
    c_ref[...] = (jnp.dot(t, w2_ref[...], preferred_element_type=jnp.float32)
                  + bm_ref[...])


def _edge_term(edge_attr, W1, b1, W2, b_em):
    blk = 5000
    grid = edge_attr.shape[0] // blk
    return pl.pallas_call(
        _edge_term_body,
        grid=(grid,),
        in_specs=[
            pl.BlockSpec((blk, D_EDGE), lambda i: (i, 0)),
            pl.BlockSpec((D_EDGE, D_H), lambda i: (0, 0)),
            pl.BlockSpec((1, D_H), lambda i: (0, 0)),
            pl.BlockSpec((D_H, D_H), lambda i: (0, 0)),
            pl.BlockSpec((1, D_H), lambda i: (0, 0)),
        ],
        out_specs=pl.BlockSpec((blk, D_H), lambda i: (i, 0)),
        out_shape=jax.ShapeDtypeStruct((edge_attr.shape[0], D_H), jnp.float32),
    )(edge_attr, W1, b1, W2, b_em)


def _final_body(p1_ref, p2_ref, wg_ref, bg_ref, out_ref):
    g = p1_ref[0] + p1_ref[1] + p2_ref[0] + p2_ref[1]
    out_ref[...] = (jnp.dot(g, wg_ref[...], preferred_element_type=jnp.float32)
                    + bg_ref[...])


def _final(p1, p2, W_g, b_g):
    return pl.pallas_call(
        _final_body,
        out_shape=jax.ShapeDtypeStruct((G, D_OUT), jnp.float32),
    )(p1, p2, W_g, b_g)



def _sc_body(ebase, a_hbm, b_hbm, c_hbm, ei_hbm, batch_hbm, out_hbm,
             srcv, dstv, egv, av, bv, cv, acc_sh,
             sema, semb, semc, semg, semi, sems):
    cid = lax.axis_index("c")
    sid = lax.axis_index("s")
    wid = sid * NC + cid

    @pl.when(sid == 0)
    def _zero():
        def zrow(i, _):
            for gblk in range(D_H // L):
                cv[0, i, pl.ds(gblk * L, L)] = jnp.zeros((L,), jnp.float32)
            return 0
        lax.fori_loop(0, G, zrow, 0)
        pltpu.sync_copy(cv.at[0, pl.ds(0, G), :], acc_sh)

    plsc.subcore_barrier()

    def cidx_of(j):
        return j * NW + wid

    def issue_idx(j, q):
        off = ebase + cidx_of(j) * K
        pltpu.async_copy(ei_hbm.at[0, pl.ds(off, K)], srcv.at[q], semi.at[q])
        pltpu.async_copy(ei_hbm.at[1, pl.ds(off, K)], dstv.at[q], semi.at[q])

    def wait_idx(q):
        pltpu.make_async_copy(ei_hbm.at[0, pl.ds(0, K)], srcv.at[q],
                              semi.at[q]).wait()
        pltpu.make_async_copy(ei_hbm.at[1, pl.ds(0, K)], dstv.at[q],
                              semi.at[q]).wait()

    def issue_gathers(j, q):
        off = cidx_of(j) * K
        pltpu.async_copy(a_hbm.at[srcv.at[q]], av.at[q], sema.at[q])
        pltpu.async_copy(b_hbm.at[dstv.at[q]], bv.at[q], semb.at[q])
        pltpu.async_copy(c_hbm.at[pl.ds(off, K), :], cv.at[q], semc.at[q])
        pltpu.async_copy(batch_hbm.at[srcv.at[q]], egv.at[q], semg.at[q])

    off0 = ebase + cidx_of(0) * K
    pltpu.sync_copy(ei_hbm.at[0, pl.ds(off0, K)], srcv.at[0])
    pltpu.sync_copy(ei_hbm.at[1, pl.ds(off0, K)], dstv.at[0])
    issue_gathers(0, 0)

    @pl.when(cidx_of(1) < NCHUNK)
    def _pro1():
        issue_idx(1, 1)

    def half(j, p, q):
        @pl.when(cidx_of(j) < NCHUNK)
        def _do():
            @pl.when(j >= 1)
            def _drain():
                pltpu.make_async_copy(av.at[q], acc_sh.at[egv.at[q]],
                                      sems.at[q]).wait()

            @pl.when(cidx_of(j + 1) < NCHUNK)
            def _pre():
                wait_idx(q)
                issue_gathers(j + 1, q)

            pltpu.make_async_copy(a_hbm.at[srcv.at[p]], av.at[p],
                                  sema.at[p]).wait()
            pltpu.make_async_copy(b_hbm.at[dstv.at[p]], bv.at[p],
                                  semb.at[p]).wait()
            pltpu.make_async_copy(c_hbm.at[pl.ds(0, K), :], cv.at[p],
                                  semc.at[p]).wait()
            pltpu.make_async_copy(batch_hbm.at[srcv.at[p]], egv.at[p],
                                  semg.at[p]).wait()

            @pl.when(cidx_of(j + 2) < NCHUNK)
            def _preidx():
                issue_idx(j + 2, p)

            def edge(e, _):
                for gblk in range(D_H // L):
                    sl = pl.ds(gblk * L, L)
                    v = av[p, e, sl] + bv[p, e, sl] + cv[p, e, sl]
                    av[p, e, sl] = jnp.maximum(v, 0.0)
                return 0
            lax.fori_loop(0, K, edge, 0)

            pltpu.async_copy(av.at[p], acc_sh.at[egv.at[p]], sems.at[p],
                             add=True)

    def chunk2(j2, _):
        half(j2 * 2, 0, 1)
        half(j2 * 2 + 1, 1, 0)
        return 0

    lax.fori_loop(0, (JMAX + 1) // 2, chunk2, 0)

    extra = NCHUNK - (JMAX - 1) * NW
    last = lax.select(wid < extra, (JMAX - 1) % 2, (JMAX - 2) % 2)
    pltpu.make_async_copy(av.at[last], acc_sh.at[egv.at[last]],
                          sems.at[last]).wait()

    plsc.subcore_barrier()

    @pl.when(sid == 0)
    def _out():
        pltpu.sync_copy(acc_sh, out_hbm.at[cid])


def _sc_segment(ebase, a_tab, b_tab, c_term, edge_index, batch):
    body = functools.partial(_sc_body, ebase)
    return pl.kernel(
        body,
        out_type=jax.ShapeDtypeStruct((NC, G, D_H), jnp.float32),
        mesh=plsc.VectorSubcoreMesh(core_axis_name="c", subcore_axis_name="s"),
        scratch_types=[
        pltpu.VMEM((2, K), jnp.int32),
        pltpu.VMEM((2, K), jnp.int32),
        pltpu.VMEM((2, K), jnp.int32),
        pltpu.VMEM((2, K, D_H), jnp.float32),
        pltpu.VMEM((2, K, D_H), jnp.float32),
        pltpu.VMEM((2, K, D_H), jnp.float32),
        pltpu.VMEM_SHARED((G, D_H), jnp.float32),
        pltpu.SemaphoreType.DMA((2,)),
        pltpu.SemaphoreType.DMA((2,)),
        pltpu.SemaphoreType.DMA((2,)),
        pltpu.SemaphoreType.DMA((2,)),
        pltpu.SemaphoreType.DMA((2,)),
        pltpu.SemaphoreType.DMA((2,)),
        ],
    )(a_tab, b_tab, c_term, edge_index, batch)



def kernel(node_linear_features, node_conv_features, edge_attr, edge_index,
           batch, num_graphs, W_node, b_node, W_edge_in, b_edge_in, W_em,
           b_em, W_g, b_g):
    del num_graphs
    W_l = W_node[:D_LIN]
    W_c = W_node[D_LIN:]
    W_s = W_em[:D_H]
    W_d = W_em[D_H:2 * D_H]
    W_e = W_em[2 * D_H:]
    a_tab, b_tab = _node_tables(node_linear_features, node_conv_features,
                                W_l, W_c, b_node.reshape(1, D_H), W_s, W_d)
    b_in = b_edge_in.reshape(1, D_H)
    b_m = b_em.reshape(1, D_H)
    c1 = _edge_term(edge_attr[:EH], W_edge_in, b_in, W_e, b_m)
    p1 = _sc_segment(0, a_tab, b_tab, c1, edge_index, batch)
    c2 = _edge_term(edge_attr[EH:], W_edge_in, b_in, W_e, b_m)
    p2 = _sc_segment(EH, a_tab, b_tab, c2, edge_index, batch)
    return _final(p1, p2, W_g, b_g.reshape(1, D_OUT))

# --- scband reference (transcript-rebuilt; emitter-appended) ---
"""Pipeline reference for scband-relational-network-5995774345768 (READ-ONLY COPY).

The authoritative reference and input builder live on the scoring server;
editing this copy changes nothing except your own understanding.
"""

import jax, jax.numpy as jnp
import numpy as np

N = 10000
E = 320000
G = 64
D_LIN = 64
D_CONV = 64
D_EDGE = 16
D_H = 128
D_OUT = 32


def setup_inputs(seed: int = 0) -> dict:
    key = jax.random.key(seed)
    ks = jax.random.split(key, 16)
    s = 0.05
    inp = {}
    inp['node_linear_features'] = jax.random.normal(ks[0], (N, D_LIN), dtype=jnp.float32)
    inp['node_conv_features'] = jax.random.normal(ks[1], (N, D_CONV), dtype=jnp.float32)
    inp['edge_attr'] = jax.random.normal(ks[2], (E, D_EDGE), dtype=jnp.float32)
    inp['edge_index'] = jax.random.randint(ks[3], (2, E), 0, N, dtype=jnp.int32)
    inp['batch'] = jnp.sort(jax.random.randint(ks[4], (N,), 0, G, dtype=jnp.int32))
    inp['num_graphs'] = G
    inp['W_node'] = jax.random.normal(ks[5], (D_LIN + D_CONV, D_H), dtype=jnp.float32) * s
    inp['b_node'] = jnp.zeros((D_H,), dtype=jnp.float32)
    inp['W_edge_in'] = jax.random.normal(ks[6], (D_EDGE, D_H), dtype=jnp.float32) * s
    inp['b_edge_in'] = jnp.zeros((D_H,), dtype=jnp.float32)
    inp['W_em'] = jax.random.normal(ks[7], (2 * D_H + D_H, D_H), dtype=jnp.float32) * s
    inp['b_em'] = jnp.zeros((D_H,), dtype=jnp.float32)
    inp['W_g'] = jax.random.normal(ks[8], (D_H, D_OUT), dtype=jnp.float32) * s
    inp['b_g'] = jnp.zeros((D_OUT,), dtype=jnp.float32)
    return inp


def reference(node_linear_features, node_conv_features, edge_attr, edge_index, batch, num_graphs, W_node, b_node, W_edge_in, b_edge_in, W_em, b_em, W_g, b_g):
    # InputNodeModel: fuse linear + conv node features -> hidden
    x = jnp.concatenate([node_linear_features, node_conv_features], axis=1)
    nodes = jax.nn.relu(jnp.dot(x, W_node) + b_node)
    # InputEdgeModel: project raw edge attributes -> hidden
    edges = jax.nn.relu(jnp.dot(edge_attr, W_edge_in) + b_edge_in)
    # EdgeModel: per-edge update from gathered endpoint node features
    src = edge_index[0]
    dst = edge_index[1]
    e_in = jnp.concatenate([jnp.take(nodes, src, axis=0), jnp.take(nodes, dst, axis=0), edges], axis=1)
    edges = jax.nn.relu(jnp.dot(e_in, W_em) + b_em)
    # OutputGlobalModel: map each edge to its graph via the source node, segment-sum, project
    edge_graph = jnp.take(batch, src, axis=0) % num_graphs
    g = jax.ops.segment_sum(edges, edge_graph, num_segments=G)
    out = jnp.dot(g, W_g) + b_g
    return out

if __name__ == "__main__":
    import jax
    _d = setup_inputs()
    print(jax.jit(kernel)(*tuple(_d.values())))

</pallas_src>

<mosaic_0001>
#map = affine_map<(d0, d1) -> (0, 0)>
#map1 = affine_map<(d0, d1) -> (0)>
#map2 = affine_map<(d0, d1) -> (0, 0, 0)>
module attributes {stable_mosaic.version = 14 : i64} {
  func.func @_sc_body(%arg0: i32, %arg1: i32, %arg2: memref<10000x128xf32, #tpu.memory_space<hbm>>, %arg3: memref<10000x128xf32, #tpu.memory_space<hbm>>, %arg4: memref<160000x128xf32, #tpu.memory_space<hbm>>, %arg5: memref<2x320000xi32, #tpu.memory_space<hbm>>, %arg6: memref<10000xi32, #tpu.memory_space<hbm>>, %arg7: memref<2x64x128xf32, #tpu.memory_space<hbm>>, %arg8: memref<2x128xi32, #tpu.memory_space<vmem>>, %arg9: memref<2x128xi32, #tpu.memory_space<vmem>>, %arg10: memref<2x128xi32, #tpu.memory_space<vmem>>, %arg11: memref<2x128x128xf32, #tpu.memory_space<vmem>>, %arg12: memref<2x128x128xf32, #tpu.memory_space<vmem>>, %arg13: memref<2x128x128xf32, #tpu.memory_space<vmem>>, %arg14: memref<64x128xf32, #tpu.memory_space<vmem_shared>>, %arg15: memref<2x!tpu.dma_semaphore, #tpu.memory_space<semaphore_mem>>, %arg16: memref<2x!tpu.dma_semaphore, #tpu.memory_space<semaphore_mem>>, %arg17: memref<2x!tpu.dma_semaphore, #tpu.memory_space<semaphore_mem>>, %arg18: memref<2x!tpu.dma_semaphore, #tpu.memory_space<semaphore_mem>>, %arg19: memref<2x!tpu.dma_semaphore, #tpu.memory_space<semaphore_mem>>, %arg20: memref<2x!tpu.dma_semaphore, #tpu.memory_space<semaphore_mem>>) attributes {dimension_semantics = [#tpu.dimension_semantics<core_parallel>, #tpu.dimension_semantics<subcore_parallel>], iteration_bounds = array<i64: 2, 16>, scalar_prefetch = 0 : i64, scratch_operands = 13 : i64, tpu.core_type = #tpu.core_type<sc_vector_subcore>, window_params = [{transform_indices = #map}, {transform_indices = #map}, {transform_indices = #map}, {transform_indices = #map}, {transform_indices = #map1}, {transform_indices = #map2}]} {
    %mul3A = arith.constant 2 : i32
    %mul3A_0 = arith.muli %arg1, %mul3A : i32
    %add3A = arith.addi %mul3A_0, %arg0 : i32
    %eq3A = arith.constant 0 : i32
    %eq3A_1 = arith.cmpi eq, %arg1, %eq3A : i32
    %convert_element_type3A = arith.extui %eq3A_1 : i1 to i32
    %cond3A = arith.constant 0 : i32
    %cond3A_2 = arith.cmpi ne, %convert_element_type3A, %cond3A : i32
    scf.if %cond3A_2 {
      %scan3A_107 = arith.constant 0 : i32
      %scan3A_108 = arith.constant 0 : i32
      %scan3A_109 = arith.constant 64 : i32
      %scan3A_110 = arith.addi %scan3A_108, %scan3A_109 : i32
      %scan3A_111 = arith.constant 1 : i32
      %scan3A_112 = scf.for %scan3A_115 = %scan3A_108 to %scan3A_110 step %scan3A_111 iter_args(%scan3A_116 = %scan3A_107) -> (i32)  : i32 {
        %broadcast_in_dim3A = arith.constant 0.000000e+00 : f32
        %broadcast_in_dim3A_117 = vector.broadcast %broadcast_in_dim3A : f32 to vector<16xf32>
        %swap3A = arith.constant 0 : i32
        %swap3A_118 = arith.index_cast %swap3A : i32 to index
        %swap3A_119 = arith.index_cast %scan3A_115 : i32 to index
        %swap3A_120 = arith.constant 0 : index
        %swap3A_121 = tpu.vector_load %arg13[%swap3A_118, %swap3A_119, %swap3A_120] {strides = array<i32>} : memref<2x128x128xf32, #tpu.memory_space<vmem>>, vector<1x1x16xf32>,
        %swap3A_122 = vector.shape_cast %swap3A_121 : vector<1x1x16xf32> to vector<16xf32>
        %swap3A_123 = vector.shape_cast %broadcast_in_dim3A_117 : vector<16xf32> to vector<1x1x16xf32>
        tpu.vector_store %arg13[%swap3A_118, %swap3A_119, %swap3A_120], %swap3A_123 {strides = array<i32>} : memref<2x128x128xf32, #tpu.memory_space<vmem>>, vector<1x1x16xf32>,
        %broadcast_in_dim3A_124 = arith.constant 0.000000e+00 : f32
        %broadcast_in_dim3A_125 = vector.broadcast %broadcast_in_dim3A_124 : f32 to vector<16xf32>
        %swap3A_126 = arith.constant 0 : i32
        %swap3A_127 = arith.index_cast %swap3A_126 : i32 to index
        %swap3A_128 = arith.index_cast %scan3A_115 : i32 to index
        %swap3A_129 = arith.constant 16 : index
        %swap3A_130 = tpu.vector_load %arg13[%swap3A_127, %swap3A_128, %swap3A_129] {strides = array<i32>} : memref<2x128x128xf32, #tpu.memory_space<vmem>>, vector<1x1x16xf32>,
        %swap3A_131 = vector.shape_cast %swap3A_130 : vector<1x1x16xf32> to vector<16xf32>
        %swap3A_132 = vector.shape_cast %broadcast_in_dim3A_125 : vector<16xf32> to vector<1x1x16xf32>
        tpu.vector_store %arg13[%swap3A_127, %swap3A_128, %swap3A_129], %swap3A_132 {strides = array<i32>} : memref<2x128x128xf32, #tpu.memory_space<vmem>>, vector<1x1x16xf32>,
        %broadcast_in_dim3A_133 = arith.constant 0.000000e+00 : f32
        %broadcast_in_dim3A_134 = vector.broadcast %broadcast_in_dim3A_133 : f32 to vector<16xf32>
        %swap3A_135 = arith.constant 0 : i32
        %swap3A_136 = arith.index_cast %swap3A_135 : i32 to index
        %swap3A_137 = arith.index_cast %scan3A_115 : i32 to index
        %swap3A_138 = arith.constant 32 : index
        %swap3A_139 = tpu.vector_load %arg13[%swap3A_136, %swap3A_137, %swap3A_138] {strides = array<i32>} : memref<2x128x128xf32, #tpu.memory_space<vmem>>, vector<1x1x16xf32>,
        %swap3A_140 = vector.shape_cast %swap3A_139 : vector<1x1x16xf32> to vector<16xf32>
        %swap3A_141 = vector.shape_cast %broadcast_in_dim3A_134 : vector<16xf32> to vector<1x1x16xf32>
        tpu.vector_store %arg13[%swap3A_136, %swap3A_137, %swap3A_138], %swap3A_141 {strides = array<i32>} : memref<2x128x128xf32, #tpu.memory_space<vmem>>, vector<1x1x16xf32>,
        %broadcast_in_dim3A_142 = arith.constant 0.000000e+00 : f32
        %broadcast_in_dim3A_143 = vector.broadcast %broadcast_in_dim3A_142 : f32 to vector<16xf32>
        %swap3A_144 = arith.constant 0 : i32
        %swap3A_145 = arith.index_cast %swap3A_144 : i32 to index
        %swap3A_146 = arith.index_cast %scan3A_115 : i32 to index
        %swap3A_147 = arith.constant 48 : index
        %swap3A_148 = tpu.vector_load %arg13[%swap3A_145, %swap3A_146, %swap3A_147] {strides = array<i32>} : memref<2x128x128xf32, #tpu.memory_space<vmem>>, vector<1x1x16xf32>,
        %swap3A_149 = vector.shape_cast %swap3A_148 : vector<1x1x16xf32> to vector<16xf32>
        %swap3A_150 = vector.shape_cast %broadcast_in_dim3A_143 : vector<16xf32> to vector<1x1x16xf32>
        tpu.vector_store %arg13[%swap3A_145, %swap3A_146, %swap3A_147], %swap3A_150 {strides = array<i32>} : memref<2x128x128xf32, #tpu.memory_space<vmem>>, vector<1x1x16xf32>,
        %broadcast_in_dim3A_151 = arith.constant 0.000000e+00 : f32
        %broadcast_in_dim3A_152 = vector.broadcast %broadcast_in_dim3A_151 : f32 to vector<16xf32>
        %swap3A_153 = arith.constant 0 : i32
        %swap3A_154 = arith.index_cast %swap3A_153 : i32 to index
        %swap3A_155 = arith.index_cast %scan3A_115 : i32 to index
        %swap3A_156 = arith.constant 64 : index
        %swap3A_157 = tpu.vector_load %arg13[%swap3A_154, %swap3A_155, %swap3A_156] {strides = array<i32>} : memref<2x128x128xf32, #tpu.memory_space<vmem>>, vector<1x1x16xf32>,
        %swap3A_158 = vector.shape_cast %swap3A_157 : vector<1x1x16xf32> to vector<16xf32>
        %swap3A_159 = vector.shape_cast %broadcast_in_dim3A_152 : vector<16xf32> to vector<1x1x16xf32>
        tpu.vector_store %arg13[%swap3A_154, %swap3A_155, %swap3A_156], %swap3A_159 {strides = array<i32>} : memref<2x128x128xf32, #tpu.memory_space<vmem>>, vector<1x1x16xf32>,
        %broadcast_in_dim3A_160 = arith.constant 0.000000e+00 : f32
        %broadcast_in_dim3A_161 = vector.broadcast %broadcast_in_dim3A_160 : f32 to vector<16xf32>
        %swap3A_162 = arith.constant 0 : i32
        %swap3A_163 = arith.index_cast %swap3A_162 : i32 to index
        %swap3A_164 = arith.index_cast %scan3A_115 : i32 to index
        %swap3A_165 = arith.constant 80 : index
        %swap3A_166 = tpu.vector_load %arg13[%swap3A_163, %swap3A_164, %swap3A_165] {strides = array<i32>} : memref<2x128x128xf32, #tpu.memory_space<vmem>>, vector<1x1x16xf32>,
        %swap3A_167 = vector.shape_cast %swap3A_166 : vector<1x1x16xf32> to vector<16xf32>
        %swap3A_168 = vector.shape_cast %broadcast_in_dim3A_161 : vector<16xf32> to vector<1x1x16xf32>
        tpu.vector_store %arg13[%swap3A_163, %swap3A_164, %swap3A_165], %swap3A_168 {strides = array<i32>} : memref<2x128x128xf32, #tpu.memory_space<vmem>>, vector<1x1x16xf32>,
        %broadcast_in_dim3A_169 = arith.constant 0.000000e+00 : f32
        %broadcast_in_dim3A_170 = vector.broadcast %broadcast_in_dim3A_169 : f32 to vector<16xf32>
        %swap3A_171 = arith.constant 0 : i32
        %swap3A_172 = arith.index_cast %swap3A_171 : i32 to index
        %swap3A_173 = arith.index_cast %scan3A_115 : i32 to index
        %swap3A_174 = arith.constant 96 : index
        %swap3A_175 = tpu.vector_load %arg13[%swap3A_172, %swap3A_173, %swap3A_174] {strides = array<i32>} : memref<2x128x128xf32, #tpu.memory_space<vmem>>, vector<1x1x16xf32>,
        %swap3A_176 = vector.shape_cast %swap3A_175 : vector<1x1x16xf32> to vector<16xf32>
        %swap3A_177 = vector.shape_cast %broadcast_in_dim3A_170 : vector<16xf32> to vector<1x1x16xf32>
        tpu.vector_store %arg13[%swap3A_172, %swap3A_173, %swap3A_174], %swap3A_177 {strides = array<i32>} : memref<2x128x128xf32, #tpu.memory_space<vmem>>, vector<1x1x16xf32>,
        %broadcast_in_dim3A_178 = arith.constant 0.000000e+00 : f32
        %broadcast_in_dim3A_179 = vector.broadcast %broadcast_in_dim3A_178 : f32 to vector<16xf32>
        %swap3A_180 = arith.constant 0 : i32
        %swap3A_181 = arith.index_cast %swap3A_180 : i32 to index
        %swap3A_182 = arith.index_cast %scan3A_115 : i32 to index
        %swap3A_183 = arith.constant 112 : index
        %swap3A_184 = tpu.vector_load %arg13[%swap3A_181, %swap3A_182, %swap3A_183] {strides = array<i32>} : memref<2x128x128xf32, #tpu.memory_space<vmem>>, vector<1x1x16xf32>,
        %swap3A_185 = vector.shape_cast %swap3A_184 : vector<1x1x16xf32> to vector<16xf32>
        %swap3A_186 = vector.shape_cast %broadcast_in_dim3A_179 : vector<16xf32> to vector<1x1x16xf32>
        tpu.vector_store %arg13[%swap3A_181, %swap3A_182, %swap3A_183], %swap3A_186 {strides = array<i32>} : memref<2x128x128xf32, #tpu.memory_space<vmem>>, vector<1x1x16xf32>,
        %scan3A_187 = arith.constant 0 : i32
        scf.yield %scan3A_187 : i32
      }
      %scan3A_113 = arith.constant 64 : i32
      %run_scoped3A_114 = arith.constant 0 : i32
      "tpu.region"() ({
        %run_scoped3A_115 = tpu.sem_alloc : memref<!tpu.dma_semaphore, #tpu.memory_space<semaphore_mem>>
        %dma_start3A_116 = arith.constant 0 : i32
        %dma_start3A_117 = arith.constant 0 : i32
        %dma_start3A_118 = tpu.memref_slice %arg13[%run_scoped3A_114, %dma_start3A_116, %dma_start3A_117] : memref<2x128x128xf32, #tpu.memory_space<vmem>> -> memref<1x64x128xf32, #tpu.memory_space<vmem>>
        %dma_start3A_119 = tpu.memref_squeeze %dma_start3A_118 : memref<1x64x128xf32, #tpu.memory_space<vmem>> -> memref<64x128xf32, #tpu.memory_space<vmem>>
        %dma_start3A_120 = arith.constant 0 : i32
        %dma_start3A_121 = arith.constant 0 : i32
        %dma_start3A_122 = tpu.memref_slice %arg13[%run_scoped3A_114, %dma_start3A_120, %dma_start3A_121] : memref<2x128x128xf32, #tpu.memory_space<vmem>> -> memref<1x64x128xf32, #tpu.memory_space<vmem>>
        %dma_start3A_123 = tpu.memref_squeeze %dma_start3A_122 : memref<1x64x128xf32, #tpu.memory_space<vmem>> -> memref<64x128xf32, #tpu.memory_space<vmem>>
        tpu.enqueue_dma source(%dma_start3A_123 : memref<64x128xf32, #tpu.memory_space<vmem>>) target(%arg14 : memref<64x128xf32, #tpu.memory_space<vmem_shared>>) target_semaphore(%run_scoped3A_115 : memref<!tpu.dma_semaphore, #tpu.memory_space<semaphore_mem>>)
        %dma_wait3A_124 = arith.constant 0 : i32
        %dma_wait3A_125 = arith.constant 0 : i32
        %dma_wait3A_126 = tpu.memref_slice %arg13[%run_scoped3A_114, %dma_wait3A_124, %dma_wait3A_125] : memref<2x128x128xf32, #tpu.memory_space<vmem>> -> memref<1x64x128xf32, #tpu.memory_space<vmem>>
        %dma_wait3A_127 = tpu.memref_squeeze %dma_wait3A_126 : memref<1x64x128xf32, #tpu.memory_space<vmem>> -> memref<64x128xf32, #tpu.memory_space<vmem>>
        %dma_wait3A_128 = arith.constant 0 : i32
        %dma_wait3A_129 = arith.constant 0 : i32
        %dma_wait3A_130 = tpu.memref_slice %arg13[%run_scoped3A_114, %dma_wait3A_128, %dma_wait3A_129] : memref<2x128x128xf32, #tpu.memory_space<vmem>> -> memref<1x64x128xf32, #tpu.memory_space<vmem>>
        %dma_wait3A_131 = tpu.memref_squeeze %dma_wait3A_130 : memref<1x64x128xf32, #tpu.memory_space<vmem>> -> memref<64x128xf32, #tpu.memory_space<vmem>>
        tpu.wait_dma2 semaphore(%run_scoped3A_115 : memref<!tpu.dma_semaphore, #tpu.memory_space<semaphore_mem>>) src(%dma_wait3A_131 : memref<64x128xf32, #tpu.memory_space<vmem>>) dst(%arg14 : memref<64x128xf32, #tpu.memory_space<vmem_shared>>)
        tpu.yield
      }) : () -> ()
    } else {
    }
    %barrier3A = arith.constant 0 : index
    tpu.barrier barrier_id(%barrier3A)
    %add3A_3 = arith.constant 0 : i32
    %add3A_4 = arith.addi %add3A_3, %add3A : i32
    %mul3A_5 = arith.constant 128 : i32
    %mul3A_6 = arith.muli %add3A_4, %mul3A_5 : i32
    %add3A_7 = arith.constant 160000 : i32
    %add3A_8 = arith.addi %add3A_7, %mul3A_6 : i32
    %run_scoped3A = arith.constant 0 : i32
    %run_scoped3A_9 = arith.constant 0 : i32
    "tpu.region"() ({
      %run_scoped3A_107 = tpu.sem_alloc : memref<!tpu.dma_semaphore, #tpu.memory_space<semaphore_mem>>
      %dma_start3A_108 = arith.constant 0 : i32
      %dma_start3A_109 = tpu.memref_slice %arg8[%run_scoped3A_9, %dma_start3A_108] : memref<2x128xi32, #tpu.memory_space<vmem>> -> memref<1x128xi32, #tpu.memory_space<vmem>>
      %dma_start3A_110 = tpu.memref_squeeze %dma_start3A_109 : memref<1x128xi32, #tpu.memory_space<vmem>> -> memref<128xi32, #tpu.memory_space<vmem>>
      %dma_start3A_111 = tpu.memref_slice %arg5[%run_scoped3A, %add3A_8] : memref<2x320000xi32, #tpu.memory_space<hbm>> -> memref<1x128xi32, #tpu.memory_space<hbm>>
      %dma_start3A_112 = tpu.memref_squeeze %dma_start3A_111 : memref<1x128xi32, #tpu.memory_space<hbm>> -> memref<128xi32, #tpu.memory_space<hbm>>
      %dma_start3A_113 = arith.constant 0 : i32
      %dma_start3A_114 = tpu.memref_slice %arg8[%run_scoped3A_9, %dma_start3A_113] : memref<2x128xi32, #tpu.memory_space<vmem>> -> memref<1x128xi32, #tpu.memory_space<vmem>>
      %dma_start3A_115 = tpu.memref_squeeze %dma_start3A_114 : memref<1x128xi32, #tpu.memory_space<vmem>> -> memref<128xi32, #tpu.memory_space<vmem>>
      %dma_start3A_116 = tpu.memref_slice %arg5[%run_scoped3A, %add3A_8] : memref<2x320000xi32, #tpu.memory_space<hbm>> -> memref<1x128xi32, #tpu.memory_space<hbm>>
      %dma_start3A_117 = tpu.memref_squeeze %dma_start3A_116 : memref<1x128xi32, #tpu.memory_space<hbm>> -> memref<128xi32, #tpu.memory_space<hbm>>
      tpu.enqueue_dma source(%dma_start3A_117 : memref<128xi32, #tpu.memory_space<hbm>>) target(%dma_start3A_115 : memref<128xi32, #tpu.memory_space<vmem>>) target_semaphore(%run_scoped3A_107 : memref<!tpu.dma_semaphore, #tpu.memory_space<semaphore_mem>>)
      %dma_wait3A_118 = arith.constant 0 : i32
      %dma_wait3A_119 = tpu.memref_slice %arg8[%run_scoped3A_9, %dma_wait3A_118] : memref<2x128xi32, #tpu.memory_space<vmem>> -> memref<1x128xi32, #tpu.memory_space<vmem>>
      %dma_wait3A_120 = tpu.memref_squeeze %dma_wait3A_119 : memref<1x128xi32, #tpu.memory_space<vmem>> -> memref<128xi32, #tpu.memory_space<vmem>>
      %dma_wait3A_121 = tpu.memref_slice %arg5[%run_scoped3A, %add3A_8] : memref<2x320000xi32, #tpu.memory_space<hbm>> -> memref<1x128xi32, #tpu.memory_space<hbm>>
      %dma_wait3A_122 = tpu.memref_squeeze %dma_wait3A_121 : memref<1x128xi32, #tpu.memory_space<hbm>> -> memref<128xi32, #tpu.memory_space<hbm>>
      %dma_wait3A_123 = arith.constant 0 : i32
      %dma_wait3A_124 = tpu.memref_slice %arg8[%run_scoped3A_9, %dma_wait3A_123] : memref<2x128xi32, #tpu.memory_space<vmem>> -> memref<1x128xi32, #tpu.memory_space<vmem>>
      %dma_wait3A_125 = tpu.memref_squeeze %dma_wait3A_124 : memref<1x128xi32, #tpu.memory_space<vmem>> -> memref<128xi32, #tpu.memory_space<vmem>>
      %dma_wait3A_126 = tpu.memref_slice %arg5[%run_scoped3A, %add3A_8] : memref<2x320000xi32, #tpu.memory_space<hbm>> -> memref<1x128xi32, #tpu.memory_space<hbm>>
      %dma_wait3A_127 = tpu.memref_squeeze %dma_wait3A_126 : memref<1x128xi32, #tpu.memory_space<hbm>> -> memref<128xi32, #tpu.memory_space<hbm>>
      tpu.wait_dma2 semaphore(%run_scoped3A_107 : memref<!tpu.dma_semaphore, #tpu.memory_space<semaphore_mem>>) src(%dma_wait3A_127 : memref<128xi32, #tpu.memory_space<hbm>>) dst(%dma_wait3A_125 : memref<128xi32, #tpu.memory_space<vmem>>)
      tpu.yield
    }) : () -> ()
    %run_scoped3A_10 = arith.constant 1 : i32
    %run_scoped3A_11 = arith.constant 0 : i32
    "tpu.region"() ({
      %run_scoped3A_107 = tpu.sem_alloc : memref<!tpu.dma_semaphore, #tpu.memory_space<semaphore_mem>>
      %dma_start3A_108 = arith.constant 0 : i32
      %dma_start3A_109 = tpu.memref_slice %arg9[%run_scoped3A_11, %dma_start3A_108] : memref<2x128xi32, #tpu.memory_space<vmem>> -> memref<1x128xi32, #tpu.memory_space<vmem>>
      %dma_start3A_110 = tpu.memref_squeeze %dma_start3A_109 : memref<1x128xi32, #tpu.memory_space<vmem>> -> memref<128xi32, #tpu.memory_space<vmem>>
      %dma_start3A_111 = tpu.memref_slice %arg5[%run_scoped3A_10, %add3A_8] : memref<2x320000xi32, #tpu.memory_space<hbm>> -> memref<1x128xi32, #tpu.memory_space<hbm>>
      %dma_start3A_112 = tpu.memref_squeeze %dma_start3A_111 : memref<1x128xi32, #tpu.memory_space<hbm>> -> memref<128xi32, #tpu.memory_space<hbm>>
      %dma_start3A_113 = arith.constant 0 : i32
      %dma_start3A_114 = tpu.memref_slice %arg9[%run_scoped3A_11, %dma_start3A_113] : memref<2x128xi32, #tpu.memory_space<vmem>> -> memref<1x128xi32, #tpu.memory_space<vmem>>
      %dma_start3A_115 = tpu.memref_squeeze %dma_start3A_114 : memref<1x128xi32, #tpu.memory_space<vmem>> -> memref<128xi32, #tpu.memory_space<vmem>>
      %dma_start3A_116 = tpu.memref_slice %arg5[%run_scoped3A_10, %add3A_8] : memref<2x320000xi32, #tpu.memory_space<hbm>> -> memref<1x128xi32, #tpu.memory_space<hbm>>
      %dma_start3A_117 = tpu.memref_squeeze %dma_start3A_116 : memref<1x128xi32, #tpu.memory_space<hbm>> -> memref<128xi32, #tpu.memory_space<hbm>>
      tpu.enqueue_dma source(%dma_start3A_117 : memref<128xi32, #tpu.memory_space<hbm>>) target(%dma_start3A_115 : memref<128xi32, #tpu.memory_space<vmem>>) target_semaphore(%run_scoped3A_107 : memref<!tpu.dma_semaphore, #tpu.memory_space<semaphore_mem>>)
      %dma_wait3A_118 = arith.constant 0 : i32
      %dma_wait3A_119 = tpu.memref_slice %arg9[%run_scoped3A_11, %dma_wait3A_118] : memref<2x128xi32, #tpu.memory_space<vmem>> -> memref<1x128xi32, #tpu.memory_space<vmem>>
      %dma_wait3A_120 = tpu.memref_squeeze %dma_wait3A_119 : memref<1x128xi32, #tpu.memory_space<vmem>> -> memref<128xi32, #tpu.memory_space<vmem>>
      %dma_wait3A_121 = tpu.memref_slice %arg5[%run_scoped3A_10, %add3A_8] : memref<2x320000xi32, #tpu.memory_space<hbm>> -> memref<1x128xi32, #tpu.memory_space<hbm>>
      %dma_wait3A_122 = tpu.memref_squeeze %dma_wait3A_121 : memref<1x128xi32, #tpu.memory_space<hbm>> -> memref<128xi32, #tpu.memory_space<hbm>>
      %dma_wait3A_123 = arith.constant 0 : i32
      %dma_wait3A_124 = tpu.memref_slice %arg9[%run_scoped3A_11, %dma_wait3A_123] : memref<2x128xi32, #tpu.memory_space<vmem>> -> memref<1x128xi32, #tpu.memory_space<vmem>>
      %dma_wait3A_125 = tpu.memref_squeeze %dma_wait3A_124 : memref<1x128xi32, #tpu.memory_space<vmem>> -> memref<128xi32, #tpu.memory_space<vmem>>
      %dma_wait3A_126 = tpu.memref_slice %arg5[%run_scoped3A_10, %add3A_8] : memref<2x320000xi32, #tpu.memory_space<hbm>> -> memref<1x128xi32, #tpu.memory_space<hbm>>
      %dma_wait3A_127 = tpu.memref_squeeze %dma_wait3A_126 : memref<1x128xi32, #tpu.memory_space<hbm>> -> memref<128xi32, #tpu.memory_space<hbm>>
      tpu.wait_dma2 semaphore(%run_scoped3A_107 : memref<!tpu.dma_semaphore, #tpu.memory_space<semaphore_mem>>) src(%dma_wait3A_127 : memref<128xi32, #tpu.memory_space<hbm>>) dst(%dma_wait3A_125 : memref<128xi32, #tpu.memory_space<vmem>>)
      tpu.yield
    }) : () -> ()
    %add3A_12 = arith.constant 0 : i32
    %add3A_13 = arith.addi %add3A_12, %add3A : i32
    %mul3A_14 = arith.constant 128 : i32
    %mul3A_15 = arith.muli %add3A_13, %mul3A_14 : i32
    %dma_start3A = arith.constant 0 : i32
    %dma_start3A_16 = arith.constant 0 : i32
    %dma_start3A_17 = arith.constant 0 : i32
    %dma_start3A_18 = arith.constant 0 : i32
    %dma_start3A_19 = arith.constant 0 : i32
    %dma_start3A_20 = tpu.memref_slice %arg11[%dma_start3A_16, %dma_start3A_18, %dma_start3A_19] : memref<2x128x128xf32, #tpu.memory_space<vmem>> -> memref<1x128x128xf32, #tpu.memory_space<vmem>>
    %dma_start3A_21 = tpu.memref_squeeze %dma_start3A_20 : memref<1x128x128xf32, #tpu.memory_space<vmem>> -> memref<128x128xf32, #tpu.memory_space<vmem>>
    %dma_start3A_22 = arith.constant 0 : i32
    %dma_start3A_23 = tpu.memref_slice %arg8[%dma_start3A, %dma_start3A_22] : memref<2x128xi32, #tpu.memory_space<vmem>> -> memref<1x128xi32, #tpu.memory_space<vmem>>
    %dma_start3A_24 = tpu.memref_squeeze %dma_start3A_23 : memref<1x128xi32, #tpu.memory_space<vmem>> -> memref<128xi32, #tpu.memory_space<vmem>>
    %dma_start3A_25 = arith.constant 0 : i32
    %dma_start3A_26 = arith.constant 0 : i32
    %dma_start3A_27 = tpu.memref_slice %arg2[%dma_start3A_25, %dma_start3A_26] : memref<10000x128xf32, #tpu.memory_space<hbm>> -> memref<10000x128xf32, #tpu.memory_space<hbm>>
    %dma_start3A_28 = tpu.memref_slice %arg15[%dma_start3A_17] : memref<2x!tpu.dma_semaphore, #tpu.memory_space<semaphore_mem>> -> memref<1x!tpu.dma_semaphore, #tpu.memory_space<semaphore_mem>>
    %dma_start3A_29 = tpu.memref_squeeze %dma_start3A_28 : memref<1x!tpu.dma_semaphore, #tpu.memory_space<semaphore_mem>> -> memref<!tpu.dma_semaphore, #tpu.memory_space<semaphore_mem>>
    tpu.enqueue_indirect_dma source(%dma_start3A_27 : memref<10000x128xf32, #tpu.memory_space<hbm>>) target(%dma_start3A_21 : memref<128x128xf32, #tpu.memory_space<vmem>>) offsets(%dma_start3A_24 : memref<128xi32, #tpu.memory_space<vmem>>) semaphore(%dma_start3A_29 : memref<!tpu.dma_semaphore, #tpu.memory_space<semaphore_mem>>)
    %dma_start3A_30 = arith.constant 0 : i32
    %dma_start3A_31 = arith.constant 0 : i32
    %dma_start3A_32 = arith.constant 0 : i32
    %dma_start3A_33 = arith.constant 0 : i32
    %dma_start3A_34 = arith.constant 0 : i32
    %dma_start3A_35 = tpu.memref_slice %arg12[%dma_start3A_31, %dma_start3A_33, %dma_start3A_34] : memref<2x128x128xf32, #tpu.memory_space<vmem>> -> memref<1x128x128xf32, #tpu.memory_space<vmem>>
    %dma_start3A_36 = tpu.memref_squeeze %dma_start3A_35 : memref<1x128x128xf32, #tpu.memory_space<vmem>> -> memref<128x128xf32, #tpu.memory_space<vmem>>
    %dma_start3A_37 = arith.constant 0 : i32
    %dma_start3A_38 = tpu.memref_slice %arg9[%dma_start3A_30, %dma_start3A_37] : memref<2x128xi32, #tpu.memory_space<vmem>> -> memref<1x128xi32, #tpu.memory_space<vmem>>
    %dma_start3A_39 = tpu.memref_squeeze %dma_start3A_38 : memref<1x128xi32, #tpu.memory_space<vmem>> -> memref<128xi32, #tpu.memory_space<vmem>>
    %dma_start3A_40 = arith.constant 0 : i32
    %dma_start3A_41 = arith.constant 0 : i32
    %dma_start3A_42 = tpu.memref_slice %arg3[%dma_start3A_40, %dma_start3A_41] : memref<10000x128xf32, #tpu.memory_space<hbm>> -> memref<10000x128xf32, #tpu.memory_space<hbm>>
    %dma_start3A_43 = tpu.memref_slice %arg16[%dma_start3A_32] : memref<2x!tpu.dma_semaphore, #tpu.memory_space<semaphore_mem>> -> memref<1x!tpu.dma_semaphore, #tpu.memory_space<semaphore_mem>>
    %dma_start3A_44 = tpu.memref_squeeze %dma_start3A_43 : memref<1x!tpu.dma_semaphore, #tpu.memory_space<semaphore_mem>> -> memref<!tpu.dma_semaphore, #tpu.memory_space<semaphore_mem>>
    tpu.enqueue_indirect_dma source(%dma_start3A_42 : memref<10000x128xf32, #tpu.memory_space<hbm>>) target(%dma_start3A_36 : memref<128x128xf32, #tpu.memory_space<vmem>>) offsets(%dma_start3A_39 : memref<128xi32, #tpu.memory_space<vmem>>) semaphore(%dma_start3A_44 : memref<!tpu.dma_semaphore, #tpu.memory_space<semaphore_mem>>)
    %dma_start3A_45 = arith.constant 0 : i32
    %dma_start3A_46 = arith.constant 0 : i32
    %dma_start3A_47 = arith.constant 0 : i32
    %dma_start3A_48 = arith.constant 0 : i32
    %dma_start3A_49 = tpu.memref_slice %arg13[%dma_start3A_45, %dma_start3A_47, %dma_start3A_48] : memref<2x128x128xf32, #tpu.memory_space<vmem>> -> memref<1x128x128xf32, #tpu.memory_space<vmem>>
    %dma_start3A_50 = tpu.memref_squeeze %dma_start3A_49 : memref<1x128x128xf32, #tpu.memory_space<vmem>> -> memref<128x128xf32, #tpu.memory_space<vmem>>
    %dma_start3A_51 = arith.constant 0 : i32
    %dma_start3A_52 = tpu.memref_slice %arg4[%mul3A_15, %dma_start3A_51] : memref<160000x128xf32, #tpu.memory_space<hbm>> -> memref<128x128xf32, #tpu.memory_space<hbm>>
    %dma_start3A_53 = tpu.memref_slice %arg17[%dma_start3A_46] : memref<2x!tpu.dma_semaphore, #tpu.memory_space<semaphore_mem>> -> memref<1x!tpu.dma_semaphore, #tpu.memory_space<semaphore_mem>>
    %dma_start3A_54 = tpu.memref_squeeze %dma_start3A_53 : memref<1x!tpu.dma_semaphore, #tpu.memory_space<semaphore_mem>> -> memref<!tpu.dma_semaphore, #tpu.memory_space<semaphore_mem>>
    %dma_start3A_55 = arith.constant 0 : i32
    %dma_start3A_56 = arith.constant 0 : i32
    %dma_start3A_57 = tpu.memref_slice %arg13[%dma_start3A_45, %dma_start3A_55, %dma_start3A_56] : memref<2x128x128xf32, #tpu.memory_space<vmem>> -> memref<1x128x128xf32, #tpu.memory_space<vmem>>
    %dma_start3A_58 = tpu.memref_squeeze %dma_start3A_57 : memref<1x128x128xf32, #tpu.memory_space<vmem>> -> memref<128x128xf32, #tpu.memory_space<vmem>>
    %dma_start3A_59 = arith.constant 0 : i32
    %dma_start3A_60 = tpu.memref_slice %arg4[%mul3A_15, %dma_start3A_59] : memref<160000x128xf32, #tpu.memory_space<hbm>> -> memref<128x128xf32, #tpu.memory_space<hbm>>
    tpu.enqueue_dma source(%dma_start3A_60 : memref<128x128xf32, #tpu.memory_space<hbm>>) target(%dma_start3A_58 : memref<128x128xf32, #tpu.memory_space<vmem>>) target_semaphore(%dma_start3A_54 : memref<!tpu.dma_semaphore, #tpu.memory_space<semaphore_mem>>)
    %dma_start3A_61 = arith.constant 0 : i32
    %dma_start3A_62 = arith.constant 0 : i32
    %dma_start3A_63 = arith.constant 0 : i32
    %dma_start3A_64 = arith.constant 0 : i32
    %dma_start3A_65 = tpu.memref_slice %arg10[%dma_start3A_62, %dma_start3A_64] : memref<2x128xi32, #tpu.memory_space<vmem>> -> memref<1x128xi32, #tpu.memory_space<vmem>>
    %dma_start3A_66 = tpu.memref_squeeze %dma_start3A_65 : memref<1x128xi32, #tpu.memory_space<vmem>> -> memref<128xi32, #tpu.memory_space<vmem>>
    %dma_start3A_67 = arith.constant 0 : i32
    %dma_start3A_68 = tpu.memref_slice %arg8[%dma_start3A_61, %dma_start3A_67] : memref<2x128xi32, #tpu.memory_space<vmem>> -> memref<1x128xi32, #tpu.memory_space<vmem>>
    %dma_start3A_69 = tpu.memref_squeeze %dma_start3A_68 : memref<1x128xi32, #tpu.memory_space<vmem>> -> memref<128xi32, #tpu.memory_space<vmem>>
    %dma_start3A_70 = arith.constant 0 : i32
    %dma_start3A_71 = tpu.memref_slice %arg6[%dma_start3A_70] : memref<10000xi32, #tpu.memory_space<hbm>> -> memref<10000xi32, #tpu.memory_space<hbm>>
    %dma_start3A_72 = tpu.memref_slice %arg18[%dma_start3A_63] : memref<2x!tpu.dma_semaphore, #tpu.memory_space<semaphore_mem>> -> memref<1x!tpu.dma_semaphore, #tpu.memory_space<semaphore_mem>>
    %dma_start3A_73 = tpu.memref_squeeze %dma_start3A_72 : memref<1x!tpu.dma_semaphore, #tpu.memory_space<semaphore_mem>> -> memref<!tpu.dma_semaphore, #tpu.memory_space<semaphore_mem>>
    tpu.enqueue_indirect_dma source(%dma_start3A_71 : memref<10000xi32, #tpu.memory_space<hbm>>) target(%dma_start3A_66 : memref<128xi32, #tpu.memory_space<vmem>>) offsets(%dma_start3A_69 : memref<128xi32, #tpu.memory_space<vmem>>) semaphore(%dma_start3A_73 : memref<!tpu.dma_semaphore, #tpu.memory_space<semaphore_mem>>)
    %add3A_74 = arith.constant 32 : i32
    %add3A_75 = arith.addi %add3A_74, %add3A : i32
    %lt3A = arith.constant 1250 : i32
    %lt3A_76 = arith.cmpi slt, %add3A_75, %lt3A : i32
    %convert_element_type3A_77 = arith.extui %lt3A_76 : i1 to i32
    %cond3A_78 = arith.constant 0 : i32
    %cond3A_79 = arith.cmpi ne, %convert_element_type3A_77, %cond3A_78 : i32
    scf.if %cond3A_79 {
      %add3A_107 = arith.constant 32 : i32
      %add3A_108 = arith.addi %add3A_107, %add3A : i32
      %mul3A_109 = arith.constant 128 : i32
      %mul3A_110 = arith.muli %add3A_108, %mul3A_109 : i32
      %add3A_111 = arith.constant 160000 : i32
      %add3A_112 = arith.addi %add3A_111, %mul3A_110 : i32
      %dma_start3A_113 = arith.constant 0 : i32
      %dma_start3A_114 = arith.constant 1 : i32
      %dma_start3A_115 = arith.constant 1 : i32
      %dma_start3A_116 = arith.constant 0 : i32
      %dma_start3A_117 = tpu.memref_slice %arg8[%dma_start3A_114, %dma_start3A_116] : memref<2x128xi32, #tpu.memory_space<vmem>> -> memref<1x128xi32, #tpu.memory_space<vmem>>
      %dma_start3A_118 = tpu.memref_squeeze %dma_start3A_117 : memref<1x128xi32, #tpu.memory_space<vmem>> -> memref<128xi32, #tpu.memory_space<vmem>>
      %dma_start3A_119 = tpu.memref_slice %arg5[%dma_start3A_113, %add3A_112] : memref<2x320000xi32, #tpu.memory_space<hbm>> -> memref<1x128xi32, #tpu.memory_space<hbm>>
      %dma_start3A_120 = tpu.memref_squeeze %dma_start3A_119 : memref<1x128xi32, #tpu.memory_space<hbm>> -> memref<128xi32, #tpu.memory_space<hbm>>
      %dma_start3A_121 = tpu.memref_slice %arg19[%dma_start3A_115] : memref<2x!tpu.dma_semaphore, #tpu.memory_space<semaphore_mem>> -> memref<1x!tpu.dma_semaphore, #tpu.memory_space<semaphore_mem>>
      %dma_start3A_122 = tpu.memref_squeeze %dma_start3A_121 : memref<1x!tpu.dma_semaphore, #tpu.memory_space<semaphore_mem>> -> memref<!tpu.dma_semaphore, #tpu.memory_space<semaphore_mem>>
      %dma_start3A_123 = arith.constant 0 : i32
      %dma_start3A_124 = tpu.memref_slice %arg8[%dma_start3A_114, %dma_start3A_123] : memref<2x128xi32, #tpu.memory_space<vmem>> -> memref<1x128xi32, #tpu.memory_space<vmem>>
      %dma_start3A_125 = tpu.memref_squeeze %dma_start3A_124 : memref<1x128xi32, #tpu.memory_space<vmem>> -> memref<128xi32, #tpu.memory_space<vmem>>
      %dma_start3A_126 = tpu.memref_slice %arg5[%dma_start3A_113, %add3A_112] : memref<2x320000xi32, #tpu.memory_space<hbm>> -> memref<1x128xi32, #tpu.memory_space<hbm>>
      %dma_start3A_127 = tpu.memref_squeeze %dma_start3A_126 : memref<1x128xi32, #tpu.memory_space<hbm>> -> memref<128xi32, #tpu.memory_space<hbm>>
      tpu.enqueue_dma source(%dma_start3A_127 : memref<128xi32, #tpu.memory_space<hbm>>) target(%dma_start3A_125 : memref<128xi32, #tpu.memory_space<vmem>>) target_semaphore(%dma_start3A_122 : memref<!tpu.dma_semaphore, #tpu.memory_space<semaphore_mem>>)
      %dma_start3A_128 = arith.constant 1 : i32
      %dma_start3A_129 = arith.constant 1 : i32
      %dma_start3A_130 = arith.constant 1 : i32
      %dma_start3A_131 = arith.constant 0 : i32
      %dma_start3A_132 = tpu.memref_slice %arg9[%dma_start3A_129, %dma_start3A_131] : memref<2x128xi32, #tpu.memory_space<vmem>> -> memref<1x128xi32, #tpu.memory_space<vmem>>
      %dma_start3A_133 = tpu.memref_squeeze %dma_start3A_132 : memref<1x128xi32, #tpu.memory_space<vmem>> -> memref<128xi32, #tpu.memory_space<vmem>>
      %dma_start3A_134 = tpu.memref_slice %arg5[%dma_start3A_128, %add3A_112] : memref<2x320000xi32, #tpu.memory_space<hbm>> -> memref<1x128xi32, #tpu.memory_space<hbm>>
      %dma_start3A_135 = tpu.memref_squeeze %dma_start3A_134 : memref<1x128xi32, #tpu.memory_space<hbm>> -> memref<128xi32, #tpu.memory_space<hbm>>
      %dma_start3A_136 = tpu.memref_slice %arg19[%dma_start3A_130] : memref<2x!tpu.dma_semaphore, #tpu.memory_space<semaphore_mem>> -> memref<1x!tpu.dma_semaphore, #tpu.memory_space<semaphore_mem>>
      %dma_start3A_137 = tpu.memref_squeeze %dma_start3A_136 : memref<1x!tpu.dma_semaphore, #tpu.memory_space<semaphore_mem>> -> memref<!tpu.dma_semaphore, #tpu.memory_space<semaphore_mem>>
      %dma_start3A_138 = arith.constant 0 : i32
      %dma_start3A_139 = tpu.memref_slice %arg9[%dma_start3A_129, %dma_start3A_138] : memref<2x128xi32, #tpu.memory_space<vmem>> -> memref<1x128xi32, #tpu.memory_space<vmem>>
      %dma_start3A_140 = tpu.memref_squeeze %dma_start3A_139 : memref<1x128xi32, #tpu.memory_space<vmem>> -> memref<128xi32, #tpu.memory_space<vmem>>
      %dma_start3A_141 = tpu.memref_slice %arg5[%dma_start3A_128, %add3A_112] : memref<2x320000xi32, #tpu.memory_space<hbm>> -> memref<1x128xi32, #tpu.memory_space<hbm>>
      %dma_start3A_142 = tpu.memref_squeeze %dma_start3A_141 : memref<1x128xi32, #tpu.memory_space<hbm>> -> memref<128xi32, #tpu.memory_space<hbm>>
      tpu.enqueue_dma source(%dma_start3A_142 : memref<128xi32, #tpu.memory_space<hbm>>) target(%dma_start3A_140 : memref<128xi32, #tpu.memory_space<vmem>>) target_semaphore(%dma_start3A_137 : memref<!tpu.dma_semaphore, #tpu.memory_space<semaphore_mem>>)
    } else {
    }
    %scan3A = arith.constant 0 : i32
    %scan3A_80 = arith.constant 0 : i32
    %scan3A_81 = arith.constant 20 : i32
    %scan3A_82 = arith.addi %scan3A_80, %scan3A_81 : i32
    %scan3A_83 = arith.constant 1 : i32
    %scan3A_84 = scf.for %scan3A_107 = %scan3A_80 to %scan3A_82 step %scan3A_83 iter_args(%scan3A_108 = %scan3A) -> (i32)  : i32 {
      %mul3A_109 = arith.constant 2 : i32
      %mul3A_110 = arith.muli %scan3A_107, %mul3A_109 : i32
      %mul3A_111 = arith.constant 32 : i32
      %mul3A_112 = arith.muli %mul3A_110, %mul3A_111 : i32
      %add3A_113 = arith.addi %mul3A_112, %add3A : i32
      %lt3A_114 = arith.constant 1250 : i32
      %lt3A_115 = arith.cmpi slt, %add3A_113, %lt3A_114 : i32
      %convert_element_type3A_116 = arith.extui %lt3A_115 : i1 to i32
      %cond3A_117 = arith.constant 0 : i32
      %cond3A_118 = arith.cmpi ne, %convert_element_type3A_116, %cond3A_117 : i32
      scf.if %cond3A_118 {
        %ge3A = arith.constant 1 : i32
        %ge3A_132 = arith.cmpi sge, %mul3A_110, %ge3A : i32
        %convert_element_type3A_133 = arith.extui %ge3A_132 : i1 to i32
        %cond3A_134 = arith.constant 0 : i32
        %cond3A_135 = arith.cmpi ne, %convert_element_type3A_133, %cond3A_134 : i32
        scf.if %cond3A_135 {
          %dma_wait3A_239 = arith.constant 1 : i32
          %dma_wait3A_240 = arith.constant 1 : i32
          %dma_wait3A_241 = arith.constant 1 : i32
          %dma_wait3A_242 = arith.constant 0 : i32
          %dma_wait3A_243 = arith.constant 0 : i32
          %dma_wait3A_244 = tpu.memref_slice %arg11[%dma_wait3A_239, %dma_wait3A_242, %dma_wait3A_243] : memref<2x128x128xf32, #tpu.memory_space<vmem>> -> memref<1x128x128xf32, #tpu.memory_space<vmem>>
          %dma_wait3A_245 = tpu.memref_squeeze %dma_wait3A_244 : memref<1x128x128xf32, #tpu.memory_space<vmem>> -> memref<128x128xf32, #tpu.memory_space<vmem>>
          %dma_wait3A_246 = arith.constant 0 : i32
          %dma_wait3A_247 = tpu.memref_slice %arg10[%dma_wait3A_240, %dma_wait3A_246] : memref<2x128xi32, #tpu.memory_space<vmem>> -> memref<1x128xi32, #tpu.memory_space<vmem>>
          %dma_wait3A_248 = tpu.memref_squeeze %dma_wait3A_247 : memref<1x128xi32, #tpu.memory_space<vmem>> -> memref<128xi32, #tpu.memory_space<vmem>>
          %dma_wait3A_249 = arith.constant 0 : i32
          %dma_wait3A_250 = arith.constant 0 : i32
          %dma_wait3A_251 = tpu.memref_slice %arg14[%dma_wait3A_249, %dma_wait3A_250] : memref<64x128xf32, #tpu.memory_space<vmem_shared>> -> memref<64x128xf32, #tpu.memory_space<vmem_shared>>
          %dma_wait3A_252 = tpu.memref_slice %arg20[%dma_wait3A_241] : memref<2x!tpu.dma_semaphore, #tpu.memory_space<semaphore_mem>> -> memref<1x!tpu.dma_semaphore, #tpu.memory_space<semaphore_mem>>
          %dma_wait3A_253 = tpu.memref_squeeze %dma_wait3A_252 : memref<1x!tpu.dma_semaphore, #tpu.memory_space<semaphore_mem>> -> memref<!tpu.dma_semaphore, #tpu.memory_space<semaphore_mem>>
          tpu.wait_indirect_dma semaphore(%dma_wait3A_253 : memref<!tpu.dma_semaphore, #tpu.memory_space<semaphore_mem>>) src(%dma_wait3A_245 : memref<128x128xf32, #tpu.memory_space<vmem>>) dst(%dma_wait3A_251 : memref<64x128xf32, #tpu.memory_space<vmem_shared>>)
        } else {
        }
        %add3A_136 = arith.constant 1 : i32
        %add3A_137 = arith.addi %mul3A_110, %add3A_136 : i32
        %mul3A_138 = arith.constant 32 : i32
        %mul3A_139 = arith.muli %add3A_137, %mul3A_138 : i32
        %add3A_140 = arith.addi %mul3A_139, %add3A : i32
        %lt3A_141 = arith.constant 1250 : i32
        %lt3A_142 = arith.cmpi slt, %add3A_140, %lt3A_141 : i32
        %convert_element_type3A_143 = arith.extui %lt3A_142 : i1 to i32
        %cond3A_144 = arith.constant 0 : i32
        %cond3A_145 = arith.cmpi ne, %convert_element_type3A_143, %cond3A_144 : i32
        scf.if %cond3A_145 {
          %dma_wait3A_239 = arith.constant 0 : i32
          %dma_wait3A_240 = arith.constant 1 : i32
          %dma_wait3A_241 = arith.constant 1 : i32
          %dma_wait3A_242 = arith.constant 0 : i32
          %dma_wait3A_243 = tpu.memref_slice %arg8[%dma_wait3A_240, %dma_wait3A_242] : memref<2x128xi32, #tpu.memory_space<vmem>> -> memref<1x128xi32, #tpu.memory_space<vmem>>
          %dma_wait3A_244 = tpu.memref_squeeze %dma_wait3A_243 : memref<1x128xi32, #tpu.memory_space<vmem>> -> memref<128xi32, #tpu.memory_space<vmem>>
          %dma_wait3A_245 = arith.constant 0 : i32
          %dma_wait3A_246 = tpu.memref_slice %arg5[%dma_wait3A_239, %dma_wait3A_245] : memref<2x320000xi32, #tpu.memory_space<hbm>> -> memref<1x128xi32, #tpu.memory_space<hbm>>
          %dma_wait3A_247 = tpu.memref_squeeze %dma_wait3A_246 : memref<1x128xi32, #tpu.memory_space<hbm>> -> memref<128xi32, #tpu.memory_space<hbm>>
          %dma_wait3A_248 = tpu.memref_slice %arg19[%dma_wait3A_241] : memref<2x!tpu.dma_semaphore, #tpu.memory_space<semaphore_mem>> -> memref<1x!tpu.dma_semaphore, #tpu.memory_space<semaphore_mem>>
          %dma_wait3A_249 = tpu.memref_squeeze %dma_wait3A_248 : memref<1x!tpu.dma_semaphore, #tpu.memory_space<semaphore_mem>> -> memref<!tpu.dma_semaphore, #tpu.memory_space<semaphore_mem>>
          %dma_wait3A_250 = arith.constant 0 : i32
          %dma_wait3A_251 = tpu.memref_slice %arg8[%dma_wait3A_240, %dma_wait3A_250] : memref<2x128xi32, #tpu.memory_space<vmem>> -> memref<1x128xi32, #tpu.memory_space<vmem>>
          %dma_wait3A_252 = tpu.memref_squeeze %dma_wait3A_251 : memref<1x128xi32, #tpu.memory_space<vmem>> -> memref<128xi32, #tpu.memory_space<vmem>>
          %dma_wait3A_253 = arith.constant 0 : i32
          %dma_wait3A_254 = tpu.memref_slice %arg5[%dma_wait3A_239, %dma_wait3A_253] : memref<2x320000xi32, #tpu.memory_space<hbm>> -> memref<1x128xi32, #tpu.memory_space<hbm>>
          %dma_wait3A_255 = tpu.memref_squeeze %dma_wait3A_254 : memref<1x128xi32, #tpu.memory_space<hbm>> -> memref<128xi32, #tpu.memory_space<hbm>>
          tpu.wait_dma2 semaphore(%dma_wait3A_249 : memref<!tpu.dma_semaphore, #tpu.memory_space<semaphore_mem>>) src(%dma_wait3A_255 : memref<128xi32, #tpu.memory_space<hbm>>) dst(%dma_wait3A_252 : memref<128xi32, #tpu.memory_space<vmem>>)
          %dma_wait3A_256 = arith.constant 1 : i32
          %dma_wait3A_257 = arith.constant 1 : i32
          %dma_wait3A_258 = arith.constant 1 : i32
          %dma_wait3A_259 = arith.constant 0 : i32
          %dma_wait3A_260 = tpu.memref_slice %arg9[%dma_wait3A_257, %dma_wait3A_259] : memref<2x128xi32, #tpu.memory_space<vmem>> -> memref<1x128xi32, #tpu.memory_space<vmem>>
          %dma_wait3A_261 = tpu.memref_squeeze %dma_wait3A_260 : memref<1x128xi32, #tpu.memory_space<vmem>> -> memref<128xi32, #tpu.memory_space<vmem>>
          %dma_wait3A_262 = arith.constant 0 : i32
          %dma_wait3A_263 = tpu.memref_slice %arg5[%dma_wait3A_256, %dma_wait3A_262] : memref<2x320000xi32, #tpu.memory_space<hbm>> -> memref<1x128xi32, #tpu.memory_space<hbm>>
          %dma_wait3A_264 = tpu.memref_squeeze %dma_wait3A_263 : memref<1x128xi32, #tpu.memory_space<hbm>> -> memref<128xi32, #tpu.memory_space<hbm>>
          %dma_wait3A_265 = tpu.memref_slice %arg19[%dma_wait3A_258] : memref<2x!tpu.dma_semaphore, #tpu.memory_space<semaphore_mem>> -> memref<1x!tpu.dma_semaphore, #tpu.memory_space<semaphore_mem>>
          %dma_wait3A_266 = tpu.memref_squeeze %dma_wait3A_265 : memref<1x!tpu.dma_semaphore, #tpu.memory_space<semaphore_mem>> -> memref<!tpu.dma_semaphore, #tpu.memory_space<semaphore_mem>>
          %dma_wait3A_267 = arith.constant 0 : i32
          %dma_wait3A_268 = tpu.memref_slice %arg9[%dma_wait3A_257, %dma_wait3A_267] : memref<2x128xi32, #tpu.memory_space<vmem>> -> memref<1x128xi32, #tpu.memory_space<vmem>>
          %dma_wait3A_269 = tpu.memref_squeeze %dma_wait3A_268 : memref<1x128xi32, #tpu.memory_space<vmem>> -> memref<128xi32, #tpu.memory_space<vmem>>
          %dma_wait3A_270 = arith.constant 0 : i32
          %dma_wait3A_271 = tpu.memref_slice %arg5[%dma_wait3A_256, %dma_wait3A_270] : memref<2x320000xi32, #tpu.memory_space<hbm>> -> memref<1x128xi32, #tpu.memory_space<hbm>>
          %dma_wait3A_272 = tpu.memref_squeeze %dma_wait3A_271 : memref<1x128xi32, #tpu.memory_space<hbm>> -> memref<128xi32, #tpu.memory_space<hbm>>
          tpu.wait_dma2 semaphore(%dma_wait3A_266 : memref<!tpu.dma_semaphore, #tpu.memory_space<semaphore_mem>>) src(%dma_wait3A_272 : memref<128xi32, #tpu.memory_space<hbm>>) dst(%dma_wait3A_269 : memref<128xi32, #tpu.memory_space<vmem>>)
          %add3A_273 = arith.constant 1 : i32
          %add3A_274 = arith.addi %mul3A_110, %add3A_273 : i32
          %mul3A_275 = arith.constant 32 : i32
          %mul3A_276 = arith.muli %add3A_274, %mul3A_275 : i32
          %add3A_277 = arith.addi %mul3A_276, %add3A : i32
          %mul3A_278 = arith.constant 128 : i32
          %mul3A_279 = arith.muli %add3A_277, %mul3A_278 : i32
          %dma_start3A_280 = arith.constant 1 : i32
          %dma_start3A_281 = arith.constant 1 : i32
          %dma_start3A_282 = arith.constant 1 : i32
          %dma_start3A_283 = arith.constant 0 : i32
          %dma_start3A_284 = arith.constant 0 : i32
          %dma_start3A_285 = tpu.memref_slice %arg11[%dma_start3A_281, %dma_start3A_283, %dma_start3A_284] : memref<2x128x128xf32, #tpu.memory_space<vmem>> -> memref<1x128x128xf32, #tpu.memory_space<vmem>>
          %dma_start3A_286 = tpu.memref_squeeze %dma_start3A_285 : memref<1x128x128xf32, #tpu.memory_space<vmem>> -> memref<128x128xf32, #tpu.memory_space<vmem>>
          %dma_start3A_287 = arith.constant 0 : i32
          %dma_start3A_288 = tpu.memref_slice %arg8[%dma_start3A_280, %dma_start3A_287] : memref<2x128xi32, #tpu.memory_space<vmem>> -> memref<1x128xi32, #tpu.memory_space<vmem>>
          %dma_start3A_289 = tpu.memref_squeeze %dma_start3A_288 : memref<1x128xi32, #tpu.memory_space<vmem>> -> memref<128xi32, #tpu.memory_space<vmem>>
          %dma_start3A_290 = arith.constant 0 : i32
          %dma_start3A_291 = arith.constant 0 : i32
          %dma_start3A_292 = tpu.memref_slice %arg2[%dma_start3A_290, %dma_start3A_291] : memref<10000x128xf32, #tpu.memory_space<hbm>> -> memref<10000x128xf32, #tpu.memory_space<hbm>>
          %dma_start3A_293 = tpu.memref_slice %arg15[%dma_start3A_282] : memref<2x!tpu.dma_semaphore, #tpu.memory_space<semaphore_mem>> -> memref<1x!tpu.dma_semaphore, #tpu.memory_space<semaphore_mem>>
          %dma_start3A_294 = tpu.memref_squeeze %dma_start3A_293 : memref<1x!tpu.dma_semaphore, #tpu.memory_space<semaphore_mem>> -> memref<!tpu.dma_semaphore, #tpu.memory_space<semaphore_mem>>
          tpu.enqueue_indirect_dma source(%dma_start3A_292 : memref<10000x128xf32, #tpu.memory_space<hbm>>) target(%dma_start3A_286 : memref<128x128xf32, #tpu.memory_space<vmem>>) offsets(%dma_start3A_289 : memref<128xi32, #tpu.memory_space<vmem>>) semaphore(%dma_start3A_294 : memref<!tpu.dma_semaphore, #tpu.memory_space<semaphore_mem>>)
          %dma_start3A_295 = arith.constant 1 : i32
          %dma_start3A_296 = arith.constant 1 : i32
          %dma_start3A_297 = arith.constant 1 : i32
          %dma_start3A_298 = arith.constant 0 : i32
          %dma_start3A_299 = arith.constant 0 : i32
          %dma_start3A_300 = tpu.memref_slice %arg12[%dma_start3A_296, %dma_start3A_298, %dma_start3A_299] : memref<2x128x128xf32, #tpu.memory_space<vmem>> -> memref<1x128x128xf32, #tpu.memory_space<vmem>>
          %dma_start3A_301 = tpu.memref_squeeze %dma_start3A_300 : memref<1x128x128xf32, #tpu.memory_space<vmem>> -> memref<128x128xf32, #tpu.memory_space<vmem>>
          %dma_start3A_302 = arith.constant 0 : i32
          %dma_start3A_303 = tpu.memref_slice %arg9[%dma_start3A_295, %dma_start3A_302] : memref<2x128xi32, #tpu.memory_space<vmem>> -> memref<1x128xi32, #tpu.memory_space<vmem>>
          %dma_start3A_304 = tpu.memref_squeeze %dma_start3A_303 : memref<1x128xi32, #tpu.memory_space<vmem>> -> memref<128xi32, #tpu.memory_space<vmem>>
          %dma_start3A_305 = arith.constant 0 : i32
          %dma_start3A_306 = arith.constant 0 : i32
          %dma_start3A_307 = tpu.memref_slice %arg3[%dma_start3A_305, %dma_start3A_306] : memref<10000x128xf32, #tpu.memory_space<hbm>> -> memref<10000x128xf32, #tpu.memory_space<hbm>>
          %dma_start3A_308 = tpu.memref_slice %arg16[%dma_start3A_297] : memref<2x!tpu.dma_semaphore, #tpu.memory_space<semaphore_mem>> -> memref<1x!tpu.dma_semaphore, #tpu.memory_space<semaphore_mem>>
          %dma_start3A_309 = tpu.memref_squeeze %dma_start3A_308 : memref<1x!tpu.dma_semaphore, #tpu.memory_space<semaphore_mem>> -> memref<!tpu.dma_semaphore, #tpu.memory_space<semaphore_mem>>
          tpu.enqueue_indirect_dma source(%dma_start3A_307 : memref<10000x128xf32, #tpu.memory_space<hbm>>) target(%dma_start3A_301 : memref<128x128xf32, #tpu.memory_space<vmem>>) offsets(%dma_start3A_304 : memref<128xi32, #tpu.memory_space<vmem>>) semaphore(%dma_start3A_309 : memref<!tpu.dma_semaphore, #tpu.memory_space<semaphore_mem>>)
          %dma_start3A_310 = arith.constant 1 : i32
          %dma_start3A_311 = arith.constant 1 : i32
          %dma_start3A_312 = arith.constant 0 : i32
          %dma_start3A_313 = arith.constant 0 : i32
          %dma_start3A_314 = tpu.memref_slice %arg13[%dma_start3A_310, %dma_start3A_312, %dma_start3A_313] : memref<2x128x128xf32, #tpu.memory_space<vmem>> -> memref<1x128x128xf32, #tpu.memory_space<vmem>>
          %dma_start3A_315 = tpu.memref_squeeze %dma_start3A_314 : memref<1x128x128xf32, #tpu.memory_space<vmem>> -> memref<128x128xf32, #tpu.memory_space<vmem>>
          %dma_start3A_316 = arith.constant 0 : i32
          %dma_start3A_317 = tpu.memref_slice %arg4[%mul3A_279, %dma_start3A_316] : memref<160000x128xf32, #tpu.memory_space<hbm>> -> memref<128x128xf32, #tpu.memory_space<hbm>>
          %dma_start3A_318 = tpu.memref_slice %arg17[%dma_start3A_311] : memref<2x!tpu.dma_semaphore, #tpu.memory_space<semaphore_mem>> -> memref<1x!tpu.dma_semaphore, #tpu.memory_space<semaphore_mem>>
          %dma_start3A_319 = tpu.memref_squeeze %dma_start3A_318 : memref<1x!tpu.dma_semaphore, #tpu.memory_space<semaphore_mem>> -> memref<!tpu.dma_semaphore, #tpu.memory_space<semaphore_mem>>
          %dma_start3A_320 = arith.constant 0 : i32
          %dma_start3A_321 = arith.constant 0 : i32
          %dma_start3A_322 = tpu.memref_slice %arg13[%dma_start3A_310, %dma_start3A_320, %dma_start3A_321] : memref<2x128x128xf32, #tpu.memory_space<vmem>> -> memref<1x128x128xf32, #tpu.memory_space<vmem>>
          %dma_start3A_323 = tpu.memref_squeeze %dma_start3A_322 : memref<1x128x128xf32, #tpu.memory_space<vmem>> -> memref<128x128xf32, #tpu.memory_space<vmem>>
          %dma_start3A_324 = arith.constant 0 : i32
          %dma_start3A_325 = tpu.memref_slice %arg4[%mul3A_279, %dma_start3A_324] : memref<160000x128xf32, #tpu.memory_space<hbm>> -> memref<128x128xf32, #tpu.memory_space<hbm>>
          tpu.enqueue_dma source(%dma_start3A_325 : memref<128x128xf32, #tpu.memory_space<hbm>>) target(%dma_start3A_323 : memref<128x128xf32, #tpu.memory_space<vmem>>) target_semaphore(%dma_start3A_319 : memref<!tpu.dma_semaphore, #tpu.memory_space<semaphore_mem>>)
          %dma_start3A_326 = arith.constant 1 : i32
          %dma_start3A_327 = arith.constant 1 : i32
          %dma_start3A_328 = arith.constant 1 : i32
          %dma_start3A_329 = arith.constant 0 : i32
          %dma_start3A_330 = tpu.memref_slice %arg10[%dma_start3A_327, %dma_start3A_329] : memref<2x128xi32, #tpu.memory_space<vmem>> -> memref<1x128xi32, #tpu.memory_space<vmem>>
          %dma_start3A_331 = tpu.memref_squeeze %dma_start3A_330 : memref<1x128xi32, #tpu.memory_space<vmem>> -> memref<128xi32, #tpu.memory_space<vmem>>
          %dma_start3A_332 = arith.constant 0 : i32
          %dma_start3A_333 = tpu.memref_slice %arg8[%dma_start3A_326, %dma_start3A_332] : memref<2x128xi32, #tpu.memory_space<vmem>> -> memref<1x128xi32, #tpu.memory_space<vmem>>
          %dma_start3A_334 = tpu.memref_squeeze %dma_start3A_333 : memref<1x128xi32, #tpu.memory_space<vmem>> -> memref<128xi32, #tpu.memory_space<vmem>>
          %dma_start3A_335 = arith.constant 0 : i32
          %dma_start3A_336 = tpu.memref_slice %arg6[%dma_start3A_335] : memref<10000xi32, #tpu.memory_space<hbm>> -> memref<10000xi32, #tpu.memory_space<hbm>>
          %dma_start3A_337 = tpu.memref_slice %arg18[%dma_start3A_328] : memref<2x!tpu.dma_semaphore, #tpu.memory_space<semaphore_mem>> -> memref<1x!tpu.dma_semaphore, #tpu.memory_space<semaphore_mem>>
          %dma_start3A_338 = tpu.memref_squeeze %dma_start3A_337 : memref<1x!tpu.dma_semaphore, #tpu.memory_space<semaphore_mem>> -> memref<!tpu.dma_semaphore, #tpu.memory_space<semaphore_mem>>
          tpu.enqueue_indirect_dma source(%dma_start3A_336 : memref<10000xi32, #tpu.memory_space<hbm>>) target(%dma_start3A_331 : memref<128xi32, #tpu.memory_space<vmem>>) offsets(%dma_start3A_334 : memref<128xi32, #tpu.memory_space<vmem>>) semaphore(%dma_start3A_338 : memref<!tpu.dma_semaphore, #tpu.memory_space<semaphore_mem>>)
        } else {
        }
        %dma_wait3A_146 = arith.constant 0 : i32
        %dma_wait3A_147 = arith.constant 0 : i32
        %dma_wait3A_148 = arith.constant 0 : i32
        %dma_wait3A_149 = arith.constant 0 : i32
        %dma_wait3A_150 = arith.constant 0 : i32
        %dma_wait3A_151 = tpu.memref_slice %arg11[%dma_wait3A_147, %dma_wait3A_149, %dma_wait3A_150] : memref<2x128x128xf32, #tpu.memory_space<vmem>> -> memref<1x128x128xf32, #tpu.memory_space<vmem>>
        %dma_wait3A_152 = tpu.memref_squeeze %dma_wait3A_151 : memref<1x128x128xf32, #tpu.memory_space<vmem>> -> memref<128x128xf32, #tpu.memory_space<vmem>>
        %dma_wait3A_153 = arith.constant 0 : i32
        %dma_wait3A_154 = tpu.memref_slice %arg8[%dma_wait3A_146, %dma_wait3A_153] : memref<2x128xi32, #tpu.memory_space<vmem>> -> memref<1x128xi32, #tpu.memory_space<vmem>>
        %dma_wait3A_155 = tpu.memref_squeeze %dma_wait3A_154 : memref<1x128xi32, #tpu.memory_space<vmem>> -> memref<128xi32, #tpu.memory_space<vmem>>
        %dma_wait3A_156 = arith.constant 0 : i32
        %dma_wait3A_157 = arith.constant 0 : i32
        %dma_wait3A_158 = tpu.memref_slice %arg2[%dma_wait3A_156, %dma_wait3A_157] : memref<10000x128xf32, #tpu.memory_space<hbm>> -> memref<10000x128xf32, #tpu.memory_space<hbm>>
        %dma_wait3A_159 = tpu.memref_slice %arg15[%dma_wait3A_148] : memref<2x!tpu.dma_semaphore, #tpu.memory_space<semaphore_mem>> -> memref<1x!tpu.dma_semaphore, #tpu.memory_space<semaphore_mem>>
        %dma_wait3A_160 = tpu.memref_squeeze %dma_wait3A_159 : memref<1x!tpu.dma_semaphore, #tpu.memory_space<semaphore_mem>> -> memref<!tpu.dma_semaphore, #tpu.memory_space<semaphore_mem>>
        tpu.wait_indirect_dma semaphore(%dma_wait3A_160 : memref<!tpu.dma_semaphore, #tpu.memory_space<semaphore_mem>>) src(%dma_wait3A_158 : memref<10000x128xf32, #tpu.memory_space<hbm>>) dst(%dma_wait3A_152 : memref<128x128xf32, #tpu.memory_space<vmem>>)
        %dma_wait3A_161 = arith.constant 0 : i32
        %dma_wait3A_162 = arith.constant 0 : i32
        %dma_wait3A_163 = arith.constant 0 : i32
        %dma_wait3A_164 = arith.constant 0 : i32
        %dma_wait3A_165 = arith.constant 0 : i32
        %dma_wait3A_166 = tpu.memref_slice %arg12[%dma_wait3A_162, %dma_wait3A_164, %dma_wait3A_165] : memref<2x128x128xf32, #tpu.memory_space<vmem>> -> memref<1x128x128xf32, #tpu.memory_space<vmem>>
        %dma_wait3A_167 = tpu.memref_squeeze %dma_wait3A_166 : memref<1x128x128xf32, #tpu.memory_space<vmem>> -> memref<128x128xf32, #tpu.memory_space<vmem>>
        %dma_wait3A_168 = arith.constant 0 : i32
        %dma_wait3A_169 = tpu.memref_slice %arg9[%dma_wait3A_161, %dma_wait3A_168] : memref<2x128xi32, #tpu.memory_space<vmem>> -> memref<1x128xi32, #tpu.memory_space<vmem>>
        %dma_wait3A_170 = tpu.memref_squeeze %dma_wait3A_169 : memref<1x128xi32, #tpu.memory_space<vmem>> -> memref<128xi32, #tpu.memory_space<vmem>>
        %dma_wait3A_171 = arith.constant 0 : i32
        %dma_wait3A_172 = arith.constant 0 : i32
        %dma_wait3A_173 = tpu.memref_slice %arg3[%dma_wait3A_171, %dma_wait3A_172] : memref<10000x128xf32, #tpu.memory_space<hbm>> -> memref<10000x128xf32, #tpu.memory_space<hbm>>
        %dma_wait3A_174 = tpu.memref_slice %arg16[%dma_wait3A_163] : memref<2x!tpu.dma_semaphore, #tpu.memory_space<semaphore_mem>> -> memref<1x!tpu.dma_semaphore, #tpu.memory_space<semaphore_mem>>
        %dma_wait3A_175 = tpu.memref_squeeze %dma_wait3A_174 : memref<1x!tpu.dma_semaphore, #tpu.memory_space<semaphore_mem>> -> memref<!tpu.dma_semaphore, #tpu.memory_space<semaphore_mem>>
        tpu.wait_indirect_dma semaphore(%dma_wait3A_175 : memref<!tpu.dma_semaphore, #tpu.memory_space<semaphore_mem>>) src(%dma_wait3A_173 : memref<10000x128xf32, #tpu.memory_space<hbm>>) dst(%dma_wait3A_167 : memref<128x128xf32, #tpu.memory_space<vmem>>)
        %dma_wait3A_176 = arith.constant 0 : i32
        %dma_wait3A_177 = arith.constant 0 : i32
        %dma_wait3A_178 = arith.constant 0 : i32
        %dma_wait3A_179 = arith.constant 0 : i32
        %dma_wait3A_180 = tpu.memref_slice %arg13[%dma_wait3A_176, %dma_wait3A_178, %dma_wait3A_179] : memref<2x128x128xf32, #tpu.memory_space<vmem>> -> memref<1x128x128xf32, #tpu.memory_space<vmem>>
        %dma_wait3A_181 = tpu.memref_squeeze %dma_wait3A_180 : memref<1x128x128xf32, #tpu.memory_space<vmem>> -> memref<128x128xf32, #tpu.memory_space<vmem>>
        %dma_wait3A_182 = arith.constant 0 : i32
        %dma_wait3A_183 = arith.constant 0 : i32
        %dma_wait3A_184 = tpu.memref_slice %arg4[%dma_wait3A_182, %dma_wait3A_183] : memref<160000x128xf32, #tpu.memory_space<hbm>> -> memref<128x128xf32, #tpu.memory_space<hbm>>
        %dma_wait3A_185 = tpu.memref_slice %arg17[%dma_wait3A_177] : memref<2x!tpu.dma_semaphore, #tpu.memory_space<semaphore_mem>> -> memref<1x!tpu.dma_semaphore, #tpu.memory_space<semaphore_mem>>
        %dma_wait3A_186 = tpu.memref_squeeze %dma_wait3A_185 : memref<1x!tpu.dma_semaphore, #tpu.memory_space<semaphore_mem>> -> memref<!tpu.dma_semaphore, #tpu.memory_space<semaphore_mem>>
        %dma_wait3A_187 = arith.constant 0 : i32
        %dma_wait3A_188 = arith.constant 0 : i32
        %dma_wait3A_189 = tpu.memref_slice %arg13[%dma_wait3A_176, %dma_wait3A_187, %dma_wait3A_188] : memref<2x128x128xf32, #tpu.memory_space<vmem>> -> memref<1x128x128xf32, #tpu.memory_space<vmem>>
        %dma_wait3A_190 = tpu.memref_squeeze %dma_wait3A_189 : memref<1x128x128xf32, #tpu.memory_space<vmem>> -> memref<128x128xf32, #tpu.memory_space<vmem>>
        %dma_wait3A_191 = arith.constant 0 : i32
        %dma_wait3A_192 = arith.constant 0 : i32
        %dma_wait3A_193 = tpu.memref_slice %arg4[%dma_wait3A_191, %dma_wait3A_192] : memref<160000x128xf32, #tpu.memory_space<hbm>> -> memref<128x128xf32, #tpu.memory_space<hbm>>
        tpu.wait_dma2 semaphore(%dma_wait3A_186 : memref<!tpu.dma_semaphore, #tpu.memory_space<semaphore_mem>>) src(%dma_wait3A_193 : memref<128x128xf32, #tpu.memory_space<hbm>>) dst(%dma_wait3A_190 : memref<128x128xf32, #tpu.memory_space<vmem>>)
        %dma_wait3A_194 = arith.constant 0 : i32
        %dma_wait3A_195 = arith.constant 0 : i32
        %dma_wait3A_196 = arith.constant 0 : i32
        %dma_wait3A_197 = arith.constant 0 : i32
        %dma_wait3A_198 = tpu.memref_slice %arg10[%dma_wait3A_195, %dma_wait3A_197] : memref<2x128xi32, #tpu.memory_space<vmem>> -> memref<1x128xi32, #tpu.memory_space<vmem>>
        %dma_wait3A_199 = tpu.memref_squeeze %dma_wait3A_198 : memref<1x128xi32, #tpu.memory_space<vmem>> -> memref<128xi32, #tpu.memory_space<vmem>>
        %dma_wait3A_200 = arith.constant 0 : i32
        %dma_wait3A_201 = tpu.memref_slice %arg8[%dma_wait3A_194, %dma_wait3A_200] : memref<2x128xi32, #tpu.memory_space<vmem>> -> memref<1x128xi32, #tpu.memory_space<vmem>>
        %dma_wait3A_202 = tpu.memref_squeeze %dma_wait3A_201 : memref<1x128xi32, #tpu.memory_space<vmem>> -> memref<128xi32, #tpu.memory_space<vmem>>
        %dma_wait3A_203 = arith.constant 0 : i32
        %dma_wait3A_204 = tpu.memref_slice %arg6[%dma_wait3A_203] : memref<10000xi32, #tpu.memory_space<hbm>> -> memref<10000xi32, #tpu.memory_space<hbm>>
        %dma_wait3A_205 = tpu.memref_slice %arg18[%dma_wait3A_196] : memref<2x!tpu.dma_semaphore, #tpu.memory_space<semaphore_mem>> -> memref<1x!tpu.dma_semaphore, #tpu.memory_space<semaphore_mem>>
        %dma_wait3A_206 = tpu.memref_squeeze %dma_wait3A_205 : memref<1x!tpu.dma_semaphore, #tpu.memory_space<semaphore_mem>> -> memref<!tpu.dma_semaphore, #tpu.memory_space<semaphore_mem>>
        tpu.wait_indirect_dma semaphore(%dma_wait3A_206 : memref<!tpu.dma_semaphore, #tpu.memory_space<semaphore_mem>>) src(%dma_wait3A_204 : memref<10000xi32, #tpu.memory_space<hbm>>) dst(%dma_wait3A_199 : memref<128xi32, #tpu.memory_space<vmem>>)
        %add3A_207 = arith.constant 2 : i32
        %add3A_208 = arith.addi %mul3A_110, %add3A_207 : i32
        %mul3A_209 = arith.constant 32 : i32
        %mul3A_210 = arith.muli %add3A_208, %mul3A_209 : i32
        %add3A_211 = arith.addi %mul3A_210, %add3A : i32
        %lt3A_212 = arith.constant 1250 : i32
        %lt3A_213 = arith.cmpi slt, %add3A_211, %lt3A_212 : i32
        %convert_element_type3A_214 = arith.extui %lt3A_213 : i1 to i32
        %cond3A_215 = arith.constant 0 : i32
        %cond3A_216 = arith.cmpi ne, %convert_element_type3A_214, %cond3A_215 : i32
        scf.if %cond3A_216 {
          %add3A_239 = arith.constant 2 : i32
          %add3A_240 = arith.addi %mul3A_110, %add3A_239 : i32
          %mul3A_241 = arith.constant 32 : i32
          %mul3A_242 = arith.muli %add3A_240, %mul3A_241 : i32
          %add3A_243 = arith.addi %mul3A_242, %add3A : i32
          %mul3A_244 = arith.constant 128 : i32
          %mul3A_245 = arith.muli %add3A_243, %mul3A_244 : i32
          %add3A_246 = arith.constant 160000 : i32
          %add3A_247 = arith.addi %add3A_246, %mul3A_245 : i32
          %dma_start3A_248 = arith.constant 0 : i32
          %dma_start3A_249 = arith.constant 0 : i32
          %dma_start3A_250 = arith.constant 0 : i32
          %dma_start3A_251 = arith.constant 0 : i32
          %dma_start3A_252 = tpu.memref_slice %arg8[%dma_start3A_249, %dma_start3A_251] : memref<2x128xi32, #tpu.memory_space<vmem>> -> memref<1x128xi32, #tpu.memory_space<vmem>>
          %dma_start3A_253 = tpu.memref_squeeze %dma_start3A_252 : memref<1x128xi32, #tpu.memory_space<vmem>> -> memref<128xi32, #tpu.memory_space<vmem>>
          %dma_start3A_254 = tpu.memref_slice %arg5[%dma_start3A_248, %add3A_247] : memref<2x320000xi32, #tpu.memory_space<hbm>> -> memref<1x128xi32, #tpu.memory_space<hbm>>
          %dma_start3A_255 = tpu.memref_squeeze %dma_start3A_254 : memref<1x128xi32, #tpu.memory_space<hbm>> -> memref<128xi32, #tpu.memory_space<hbm>>
          %dma_start3A_256 = tpu.memref_slice %arg19[%dma_start3A_250] : memref<2x!tpu.dma_semaphore, #tpu.memory_space<semaphore_mem>> -> memref<1x!tpu.dma_semaphore, #tpu.memory_space<semaphore_mem>>
          %dma_start3A_257 = tpu.memref_squeeze %dma_start3A_256 : memref<1x!tpu.dma_semaphore, #tpu.memory_space<semaphore_mem>> -> memref<!tpu.dma_semaphore, #tpu.memory_space<semaphore_mem>>
          %dma_start3A_258 = arith.constant 0 : i32
          %dma_start3A_259 = tpu.memref_slice %arg8[%dma_start3A_249, %dma_start3A_258] : memref<2x128xi32, #tpu.memory_space<vmem>> -> memref<1x128xi32, #tpu.memory_space<vmem>>
          %dma_start3A_260 = tpu.memref_squeeze %dma_start3A_259 : memref<1x128xi32, #tpu.memory_space<vmem>> -> memref<128xi32, #tpu.memory_space<vmem>>
          %dma_start3A_261 = tpu.memref_slice %arg5[%dma_start3A_248, %add3A_247] : memref<2x320000xi32, #tpu.memory_space<hbm>> -> memref<1x128xi32, #tpu.memory_space<hbm>>
          %dma_start3A_262 = tpu.memref_squeeze %dma_start3A_261 : memref<1x128xi32, #tpu.memory_space<hbm>> -> memref<128xi32, #tpu.memory_space<hbm>>
          tpu.enqueue_dma source(%dma_start3A_262 : memref<128xi32, #tpu.memory_space<hbm>>) target(%dma_start3A_260 : memref<128xi32, #tpu.memory_space<vmem>>) target_semaphore(%dma_start3A_257 : memref<!tpu.dma_semaphore, #tpu.memory_space<semaphore_mem>>)
          %dma_start3A_263 = arith.constant 1 : i32
          %dma_start3A_264 = arith.constant 0 : i32
          %dma_start3A_265 = arith.constant 0 : i32
          %dma_start3A_266 = arith.constant 0 : i32
          %dma_start3A_267 = tpu.memref_slice %arg9[%dma_start3A_264, %dma_start3A_266] : memref<2x128xi32, #tpu.memory_space<vmem>> -> memref<1x128xi32, #tpu.memory_space<vmem>>
          %dma_start3A_268 = tpu.memref_squeeze %dma_start3A_267 : memref<1x128xi32, #tpu.memory_space<vmem>> -> memref<128xi32, #tpu.memory_space<vmem>>
          %dma_start3A_269 = tpu.memref_slice %arg5[%dma_start3A_263, %add3A_247] : memref<2x320000xi32, #tpu.memory_space<hbm>> -> memref<1x128xi32, #tpu.memory_space<hbm>>
          %dma_start3A_270 = tpu.memref_squeeze %dma_start3A_269 : memref<1x128xi32, #tpu.memory_space<hbm>> -> memref<128xi32, #tpu.memory_space<hbm>>
          %dma_start3A_271 = tpu.memref_slice %arg19[%dma_start3A_265] : memref<2x!tpu.dma_semaphore, #tpu.memory_space<semaphore_mem>> -> memref<1x!tpu.dma_semaphore, #tpu.memory_space<semaphore_mem>>
          %dma_start3A_272 = tpu.memref_squeeze %dma_start3A_271 : memref<1x!tpu.dma_semaphore, #tpu.memory_space<semaphore_mem>> -> memref<!tpu.dma_semaphore, #tpu.memory_space<semaphore_mem>>
          %dma_start3A_273 = arith.constant 0 : i32
          %dma_start3A_274 = tpu.memref_slice %arg9[%dma_start3A_264, %dma_start3A_273] : memref<2x128xi32, #tpu.memory_space<vmem>> -> memref<1x128xi32, #tpu.memory_space<vmem>>
          %dma_start3A_275 = tpu.memref_squeeze %dma_start3A_274 : memref<1x128xi32, #tpu.memory_space<vmem>> -> memref<128xi32, #tpu.memory_space<vmem>>
          %dma_start3A_276 = tpu.memref_slice %arg5[%dma_start3A_263, %add3A_247] : memref<2x320000xi32, #tpu.memory_space<hbm>> -> memref<1x128xi32, #tpu.memory_space<hbm>>
          %dma_start3A_277 = tpu.memref_squeeze %dma_start3A_276 : memref<1x128xi32, #tpu.memory_space<hbm>> -> memref<128xi32, #tpu.memory_space<hbm>>
          tpu.enqueue_dma source(%dma_start3A_277 : memref<128xi32, #tpu.memory_space<hbm>>) target(%dma_start3A_275 : memref<128xi32, #tpu.memory_space<vmem>>) target_semaphore(%dma_start3A_272 : memref<!tpu.dma_semaphore, #tpu.memory_space<semaphore_mem>>)
        } else {
        }
        %scan3A_217 = arith.constant 0 : i32
        %scan3A_218 = arith.constant 0 : i32
        %scan3A_219 = arith.constant 128 : i32
        %scan3A_220 = arith.addi %scan3A_218, %scan3A_219 : i32
        %scan3A_221 = arith.constant 1 : i32
        %scan3A_222 = scf.for %scan3A_239 = %scan3A_218 to %scan3A_220 step %scan3A_221 iter_args(%scan3A_240 = %scan3A_217) -> (i32)  : i32 {
          %get3A = arith.constant 0 : i32
          %get3A_241 = arith.index_cast %get3A : i32 to index
          %get3A_242 = arith.index_cast %scan3A_239 : i32 to index
          %get3A_243 = arith.constant 0 : index
          %get3A_244 = tpu.vector_load %arg11[%get3A_241, %get3A_242, %get3A_243] {strides = array<i32>} : memref<2x128x128xf32, #tpu.memory_space<vmem>>, vector<1x1x16xf32>,
          %get3A_245 = vector.shape_cast %get3A_244 : vector<1x1x16xf32> to vector<16xf32>
          %get3A_246 = arith.constant 0 : i32
          %get3A_247 = arith.index_cast %get3A_246 : i32 to index
          %get3A_248 = arith.index_cast %scan3A_239 : i32 to index
          %get3A_249 = arith.constant 0 : index
          %get3A_250 = tpu.vector_load %arg12[%get3A_247, %get3A_248, %get3A_249] {strides = array<i32>} : memref<2x128x128xf32, #tpu.memory_space<vmem>>, vector<1x1x16xf32>,
          %get3A_251 = vector.shape_cast %get3A_250 : vector<1x1x16xf32> to vector<16xf32>
          %add3A_252 = arith.addf %get3A_245, %get3A_251 : vector<16xf32>
          %get3A_253 = arith.constant 0 : i32
          %get3A_254 = arith.index_cast %get3A_253 : i32 to index
          %get3A_255 = arith.index_cast %scan3A_239 : i32 to index
          %get3A_256 = arith.constant 0 : index
          %get3A_257 = tpu.vector_load %arg13[%get3A_254, %get3A_255, %get3A_256] {strides = array<i32>} : memref<2x128x128xf32, #tpu.memory_space<vmem>>, vector<1x1x16xf32>,
          %get3A_258 = vector.shape_cast %get3A_257 : vector<1x1x16xf32> to vector<16xf32>
          %add3A_259 = arith.addf %add3A_252, %get3A_258 : vector<16xf32>
          %max3A = arith.constant 0.000000e+00 : f32
          %max3A_260 = vector.broadcast %max3A : f32 to vector<16xf32>
          %max3A_261 = arith.maximumf %add3A_259, %max3A_260 : vector<16xf32>
          %swap3A = arith.constant 0 : i32
          %swap3A_262 = arith.index_cast %swap3A : i32 to index
          %swap3A_263 = arith.index_cast %scan3A_239 : i32 to index
          %swap3A_264 = arith.constant 0 : index
          %swap3A_265 = tpu.vector_load %arg11[%swap3A_262, %swap3A_263, %swap3A_264] {strides = array<i32>} : memref<2x128x128xf32, #tpu.memory_space<vmem>>, vector<1x1x16xf32>,
          %swap3A_266 = vector.shape_cast %swap3A_265 : vector<1x1x16xf32> to vector<16xf32>
          %swap3A_267 = vector.shape_cast %max3A_261 : vector<16xf32> to vector<1x1x16xf32>
          tpu.vector_store %arg11[%swap3A_262, %swap3A_263, %swap3A_264], %swap3A_267 {strides = array<i32>} : memref<2x128x128xf32, #tpu.memory_space<vmem>>, vector<1x1x16xf32>,
          %get3A_268 = arith.constant 0 : i32
          %get3A_269 = arith.index_cast %get3A_268 : i32 to index
          %get3A_270 = arith.index_cast %scan3A_239 : i32 to index
          %get3A_271 = arith.constant 16 : index
          %get3A_272 = tpu.vector_load %arg11[%get3A_269, %get3A_270, %get3A_271] {strides = array<i32>} : memref<2x128x128xf32, #tpu.memory_space<vmem>>, vector<1x1x16xf32>,
          %get3A_273 = vector.shape_cast %get3A_272 : vector<1x1x16xf32> to vector<16xf32>
          %get3A_274 = arith.constant 0 : i32
          %get3A_275 = arith.index_cast %get3A_274 : i32 to index
          %get3A_276 = arith.index_cast %scan3A_239 : i32 to index
          %get3A_277 = arith.constant 16 : index
          %get3A_278 = tpu.vector_load %arg12[%get3A_275, %get3A_276, %get3A_277] {strides = array<i32>} : memref<2x128x128xf32, #tpu.memory_space<vmem>>, vector<1x1x16xf32>,
          %get3A_279 = vector.shape_cast %get3A_278 : vector<1x1x16xf32> to vector<16xf32>
          %add3A_280 = arith.addf %get3A_273, %get3A_279 : vector<16xf32>
          %get3A_281 = arith.constant 0 : i32
          %get3A_282 = arith.index_cast %get3A_281 : i32 to index
          %get3A_283 = arith.index_cast %scan3A_239 : i32 to index
          %get3A_284 = arith.constant 16 : index
          %get3A_285 = tpu.vector_load %arg13[%get3A_282, %get3A_283, %get3A_284] {strides = array<i32>} : memref<2x128x128xf32, #tpu.memory_space<vmem>>, vector<1x1x16xf32>,
          %get3A_286 = vector.shape_cast %get3A_285 : vector<1x1x16xf32> to vector<16xf32>
          %add3A_287 = arith.addf %add3A_280, %get3A_286 : vector<16xf32>
          %max3A_288 = arith.constant 0.000000e+00 : f32
          %max3A_289 = vector.broadcast %max3A_288 : f32 to vector<16xf32>
          %max3A_290 = arith.maximumf %add3A_287, %max3A_289 : vector<16xf32>
          %swap3A_291 = arith.constant 0 : i32
          %swap3A_292 = arith.index_cast %swap3A_291 : i32 to index
          %swap3A_293 = arith.index_cast %scan3A_239 : i32 to index
          %swap3A_294 = arith.constant 16 : index
          %swap3A_295 = tpu.vector_load %arg11[%swap3A_292, %swap3A_293, %swap3A_294] {strides = array<i32>} : memref<2x128x128xf32, #tpu.memory_space<vmem>>, vector<1x1x16xf32>,
          %swap3A_296 = vector.shape_cast %swap3A_295 : vector<1x1x16xf32> to vector<16xf32>
          %swap3A_297 = vector.shape_cast %max3A_290 : vector<16xf32> to vector<1x1x16xf32>
          tpu.vector_store %arg11[%swap3A_292, %swap3A_293, %swap3A_294], %swap3A_297 {strides = array<i32>} : memref<2x128x128xf32, #tpu.memory_space<vmem>>, vector<1x1x16xf32>,
          %get3A_298 = arith.constant 0 : i32
          %get3A_299 = arith.index_cast %get3A_298 : i32 to index
          %get3A_300 = arith.index_cast %scan3A_239 : i32 to index
          %get3A_301 = arith.constant 32 : index
          %get3A_302 = tpu.vector_load %arg11[%get3A_299, %get3A_300, %get3A_301] {strides = array<i32>} : memref<2x128x128xf32, #tpu.memory_space<vmem>>, vector<1x1x16xf32>,
          %get3A_303 = vector.shape_cast %get3A_302 : vector<1x1x16xf32> to vector<16xf32>
          %get3A_304 = arith.constant 0 : i32
          %get3A_305 = arith.index_cast %get3A_304 : i32 to index
          %get3A_306 = arith.index_cast %scan3A_239 : i32 to index
          %get3A_307 = arith.constant 32 : index
          %get3A_308 = tpu.vector_load %arg12[%get3A_305, %get3A_306, %get3A_307] {strides = array<i32>} : memref<2x128x128xf32, #tpu.memory_space<vmem>>, vector<1x1x16xf32>,
          %get3A_309 = vector.shape_cast %get3A_308 : vector<1x1x16xf32> to vector<16xf32>
          %add3A_310 = arith.addf %get3A_303, %get3A_309 : vector<16xf32>
          %get3A_311 = arith.constant 0 : i32
          %get3A_312 = arith.index_cast %get3A_311 : i32 to index
          %get3A_313 = arith.index_cast %scan3A_239 : i32 to index
          %get3A_314 = arith.constant 32 : index
          %get3A_315 = tpu.vector_load %arg13[%get3A_312, %get3A_313, %get3A_314] {strides = array<i32>} : memref<2x128x128xf32, #tpu.memory_space<vmem>>, vector<1x1x16xf32>,
          %get3A_316 = vector.shape_cast %get3A_315 : vector<1x1x16xf32> to vector<16xf32>
          %add3A_317 = arith.addf %add3A_310, %get3A_316 : vector<16xf32>
          %max3A_318 = arith.constant 0.000000e+00 : f32
          %max3A_319 = vector.broadcast %max3A_318 : f32 to vector<16xf32>
          %max3A_320 = arith.maximumf %add3A_317, %max3A_319 : vector<16xf32>
          %swap3A_321 = arith.constant 0 : i32
          %swap3A_322 = arith.index_cast %swap3A_321 : i32 to index
          %swap3A_323 = arith.index_cast %scan3A_239 : i32 to index
          %swap3A_324 = arith.constant 32 : index
          %swap3A_325 = tpu.vector_load %arg11[%swap3A_322, %swap3A_323, %swap3A_324] {strides = array<i32>} : memref<2x128x128xf32, #tpu.memory_space<vmem>>, vector<1x1x16xf32>,
          %swap3A_326 = vector.shape_cast %swap3A_325 : vector<1x1x16xf32> to vector<16xf32>
          %swap3A_327 = vector.shape_cast %max3A_320 : vector<16xf32> to vector<1x1x16xf32>
          tpu.vector_store %arg11[%swap3A_322, %swap3A_323, %swap3A_324], %swap3A_327 {strides = array<i32>} : memref<2x128x128xf32, #tpu.memory_space<vmem>>, vector<1x1x16xf32>,
          %get3A_328 = arith.constant 0 : i32
          %get3A_329 = arith.index_cast %get3A_328 : i32 to index
          %get3A_330 = arith.index_cast %scan3A_239 : i32 to index
          %get3A_331 = arith.constant 48 : index
          %get3A_332 = tpu.vector_load %arg11[%get3A_329, %get3A_330, %get3A_331] {strides = array<i32>} : memref<2x128x128xf32, #tpu.memory_space<vmem>>, vector<1x1x16xf32>,
          %get3A_333 = vector.shape_cast %get3A_332 : vector<1x1x16xf32> to vector<16xf32>
          %get3A_334 = arith.constant 0 : i32
          %get3A_335 = arith.index_cast %get3A_334 : i32 to index
          %get3A_336 = arith.index_cast %scan3A_239 : i32 to index
          %get3A_337 = arith.constant 48 : index
          %get3A_338 = tpu.vector_load %arg12[%get3A_335, %get3A_336, %get3A_337] {strides = array<i32>} : memref<2x128x128xf32, #tpu.memory_space<vmem>>, vector<1x1x16xf32>,
          %get3A_339 = vector.shape_cast %get3A_338 : vector<1x1x16xf32> to vector<16xf32>
          %add3A_340 = arith.addf %get3A_333, %get3A_339 : vector<16xf32>
          %get3A_341 = arith.constant 0 : i32
          %get3A_342 = arith.index_cast %get3A_341 : i32 to index
          %get3A_343 = arith.index_cast %scan3A_239 : i32 to index
          %get3A_344 = arith.constant 48 : index
          %get3A_345 = tpu.vector_load %arg13[%get3A_342, %get3A_343, %get3A_344] {strides = array<i32>} : memref<2x128x128xf32, #tpu.memory_space<vmem>>, vector<1x1x16xf32>,
          %get3A_346 = vector.shape_cast %get3A_345 : vector<1x1x16xf32> to vector<16xf32>
          %add3A_347 = arith.addf %add3A_340, %get3A_346 : vector<16xf32>
          %max3A_348 = arith.constant 0.000000e+00 : f32
          %max3A_349 = vector.broadcast %max3A_348 : f32 to vector<16xf32>
          %max3A_350 = arith.maximumf %add3A_347, %max3A_349 : vector<16xf32>
          %swap3A_351 = arith.constant 0 : i32
          %swap3A_352 = arith.index_cast %swap3A_351 : i32 to index
          %swap3A_353 = arith.index_cast %scan3A_239 : i32 to index
          %swap3A_354 = arith.constant 48 : index
          %swap3A_355 = tpu.vector_load %arg11[%swap3A_352, %swap3A_353, %swap3A_354] {strides = array<i32>} : memref<2x128x128xf32, #tpu.memory_space<vmem>>, vector<1x1x16xf32>,
          %swap3A_356 = vector.shape_cast %swap3A_355 : vector<1x1x16xf32> to vector<16xf32>
          %swap3A_357 = vector.shape_cast %max3A_350 : vector<16xf32> to vector<1x1x16xf32>
          tpu.vector_store %arg11[%swap3A_352, %swap3A_353, %swap3A_354], %swap3A_357 {strides = array<i32>} : memref<2x128x128xf32, #tpu.memory_space<vmem>>, vector<1x1x16xf32>,
          %get3A_358 = arith.constant 0 : i32
          %get3A_359 = arith.index_cast %get3A_358 : i32 to index
          %get3A_360 = arith.index_cast %scan3A_239 : i32 to index
          %get3A_361 = arith.constant 64 : index
          %get3A_362 = tpu.vector_load %arg11[%get3A_359, %get3A_360, %get3A_361] {strides = array<i32>} : memref<2x128x128xf32, #tpu.memory_space<vmem>>, vector<1x1x16xf32>,
          %get3A_363 = vector.shape_cast %get3A_362 : vector<1x1x16xf32> to vector<16xf32>
          %get3A_364 = arith.constant 0 : i32
          %get3A_365 = arith.index_cast %get3A_364 : i32 to index
          %get3A_366 = arith.index_cast %scan3A_239 : i32 to index
          %get3A_367 = arith.constant 64 : index
          %get3A_368 = tpu.vector_load %arg12[%get3A_365, %get3A_366, %get3A_367] {strides = array<i32>} : memref<2x128x128xf32, #tpu.memory_space<vmem>>, vector<1x1x16xf32>,
          %get3A_369 = vector.shape_cast %get3A_368 : vector<1x1x16xf32> to vector<16xf32>
          %add3A_370 = arith.addf %get3A_363, %get3A_369 : vector<16xf32>
          %get3A_371 = arith.constant 0 : i32
          %get3A_372 = arith.index_cast %get3A_371 : i32 to index
          %get3A_373 = arith.index_cast %scan3A_239 : i32 to index
          %get3A_374 = arith.constant 64 : index
          %get3A_375 = tpu.vector_load %arg13[%get3A_372, %get3A_373, %get3A_374] {strides = array<i32>} : memref<2x128x128xf32, #tpu.memory_space<vmem>>, vector<1x1x16xf32>,
          %get3A_376 = vector.shape_cast %get3A_375 : vector<1x1x16xf32> to vector<16xf32>
          %add3A_377 = arith.addf %add3A_370, %get3A_376 : vector<16xf32>
          %max3A_378 = arith.constant 0.000000e+00 : f32
          %max3A_379 = vector.broadcast %max3A_378 : f32 to vector<16xf32>
          %max3A_380 = arith.maximumf %add3A_377, %max3A_379 : vector<16xf32>
          %swap3A_381 = arith.constant 0 : i32
          %swap3A_382 = arith.index_cast %swap3A_381 : i32 to index
          %swap3A_383 = arith.index_cast %scan3A_239 : i32 to index
          %swap3A_384 = arith.constant 64 : index
          %swap3A_385 = tpu.vector_load %arg11[%swap3A_382, %swap3A_383, %swap3A_384] {strides = array<i32>} : memref<2x128x128xf32, #tpu.memory_space<vmem>>, vector<1x1x16xf32>,
          %swap3A_386 = vector.shape_cast %swap3A_385 : vector<1x1x16xf32> to vector<16xf32>
          %swap3A_387 = vector.shape_cast %max3A_380 : vector<16xf32> to vector<1x1x16xf32>
          tpu.vector_store %arg11[%swap3A_382, %swap3A_383, %swap3A_384], %swap3A_387 {strides = array<i32>} : memref<2x128x128xf32, #tpu.memory_space<vmem>>, vector<1x1x16xf32>,
          %get3A_388 = arith.constant 0 : i32
          %get3A_389 = arith.index_cast %get3A_388 : i32 to index
          %get3A_390 = arith.index_cast %scan3A_239 : i32 to index
          %get3A_391 = arith.constant 80 : index
          %get3A_392 = tpu.vector_load %arg11[%get3A_389, %get3A_390, %get3A_391] {strides = array<i32>} : memref<2x128x128xf32, #tpu.memory_space<vmem>>, vector<1x1x16xf32>,
          %get3A_393 = vector.shape_cast %get3A_392 : vector<1x1x16xf32> to vector<16xf32>
          %get3A_394 = arith.constant 0 : i32
          %get3A_395 = arith.index_cast %get3A_394 : i32 to index
          %get3A_396 = arith.index_cast %scan3A_239 : i32 to index
          %get3A_397 = arith.constant 80 : index
          %get3A_398 = tpu.vector_load %arg12[%get3A_395, %get3A_396, %get3A_397] {strides = array<i32>} : memref<2x128x128xf32, #tpu.memory_space<vmem>>, vector<1x1x16xf32>,
          %get3A_399 = vector.shape_cast %get3A_398 : vector<1x1x16xf32> to vector<16xf32>
          %add3A_400 = arith.addf %get3A_393, %get3A_399 : vector<16xf32>
          %get3A_401 = arith.constant 0 : i32
          %get3A_402 = arith.index_cast %get3A_401 : i32 to index
          %get3A_403 = arith.index_cast %scan3A_239 : i32 to index
          %get3A_404 = arith.constant 80 : index
          %get3A_405 = tpu.vector_load %arg13[%get3A_402, %get3A_403, %get3A_404] {strides = array<i32>} : memref<2x128x128xf32, #tpu.memory_space<vmem>>, vector<1x1x16xf32>,
          %get3A_406 = vector.shape_cast %get3A_405 : vector<1x1x16xf32> to vector<16xf32>
          %add3A_407 = arith.addf %add3A_400, %get3A_406 : vector<16xf32>
          %max3A_408 = arith.constant 0.000000e+00 : f32
          %max3A_409 = vector.broadcast %max3A_408 : f32 to vector<16xf32>
          %max3A_410 = arith.maximumf %add3A_407, %max3A_409 : vector<16xf32>
          %swap3A_411 = arith.constant 0 : i32
          %swap3A_412 = arith.index_cast %swap3A_411 : i32 to index
          %swap3A_413 = arith.index_cast %scan3A_239 : i32 to index
          %swap3A_414 = arith.constant 80 : index
          %swap3A_415 = tpu.vector_load %arg11[%swap3A_412, %swap3A_413, %swap3A_414] {strides = array<i32>} : memref<2x128x128xf32, #tpu.memory_space<vmem>>, vector<1x1x16xf32>,
          %swap3A_416 = vector.shape_cast %swap3A_415 : vector<1x1x16xf32> to vector<16xf32>
          %swap3A_417 = vector.shape_cast %max3A_410 : vector<16xf32> to vector<1x1x16xf32>
          tpu.vector_store %arg11[%swap3A_412, %swap3A_413, %swap3A_414], %swap3A_417 {strides = array<i32>} : memref<2x128x128xf32, #tpu.memory_space<vmem>>, vector<1x1x16xf32>,
          %get3A_418 = arith.constant 0 : i32
          %get3A_419 = arith.index_cast %get3A_418 : i32 to index
          %get3A_420 = arith.index_cast %scan3A_239 : i32 to index
          %get3A_421 = arith.constant 96 : index
          %get3A_422 = tpu.vector_load %arg11[%get3A_419, %get3A_420, %get3A_421] {strides = array<i32>} : memref<2x128x128xf32, #tpu.memory_space<vmem>>, vector<1x1x16xf32>,
          %get3A_423 = vector.shape_cast %get3A_422 : vector<1x1x16xf32> to vector<16xf32>
          %get3A_424 = arith.constant 0 : i32
          %get3A_425 = arith.index_cast %get3A_424 : i32 to index
          %get3A_426 = arith.index_cast %scan3A_239 : i32 to index
          %get3A_427 = arith.constant 96 : index
          %get3A_428 = tpu.vector_load %arg12[%get3A_425, %get3A_426, %get3A_427] {strides = array<i32>} : memref<2x128x128xf32, #tpu.memory_space<vmem>>, vector<1x1x16xf32>,
          %get3A_429 = vector.shape_cast %get3A_428 : vector<1x1x16xf32> to vector<16xf32>
          %add3A_430 = arith.addf %get3A_423, %get3A_429 : vector<16xf32>
          %get3A_431 = arith.constant 0 : i32
          %get3A_432 = arith.index_cast %get3A_431 : i32 to index
          %get3A_433 = arith.index_cast %scan3A_239 : i32 to index
          %get3A_434 = arith.constant 96 : index
          %get3A_435 = tpu.vector_load %arg13[%get3A_432, %get3A_433, %get3A_434] {strides = array<i32>} : memref<2x128x128xf32, #tpu.memory_space<vmem>>, vector<1x1x16xf32>,
          %get3A_436 = vector.shape_cast %get3A_435 : vector<1x1x16xf32> to vector<16xf32>
          %add3A_437 = arith.addf %add3A_430, %get3A_436 : vector<16xf32>
          %max3A_438 = arith.constant 0.000000e+00 : f32
          %max3A_439 = vector.broadcast %max3A_438 : f32 to vector<16xf32>
          %max3A_440 = arith.maximumf %add3A_437, %max3A_439 : vector<16xf32>
          %swap3A_441 = arith.constant 0 : i32
          %swap3A_442 = arith.index_cast %swap3A_441 : i32 to index
          %swap3A_443 = arith.index_cast %scan3A_239 : i32 to index
          %swap3A_444 = arith.constant 96 : index
          %swap3A_445 = tpu.vector_load %arg11[%swap3A_442, %swap3A_443, %swap3A_444] {strides = array<i32>} : memref<2x128x128xf32, #tpu.memory_space<vmem>>, vector<1x1x16xf32>,
          %swap3A_446 = vector.shape_cast %swap3A_445 : vector<1x1x16xf32> to vector<16xf32>
          %swap3A_447 = vector.shape_cast %max3A_440 : vector<16xf32> to vector<1x1x16xf32>
          tpu.vector_store %arg11[%swap3A_442, %swap3A_443, %swap3A_444], %swap3A_447 {strides = array<i32>} : memref<2x128x128xf32, #tpu.memory_space<vmem>>, vector<1x1x16xf32>,
          %get3A_448 = arith.constant 0 : i32
          %get3A_449 = arith.index_cast %get3A_448 : i32 to index
          %get3A_450 = arith.index_cast %scan3A_239 : i32 to index
          %get3A_451 = arith.constant 112 : index
          %get3A_452 = tpu.vector_load %arg11[%get3A_449, %get3A_450, %get3A_451] {strides = array<i32>} : memref<2x128x128xf32, #tpu.memory_space<vmem>>, vector<1x1x16xf32>,
          %get3A_453 = vector.shape_cast %get3A_452 : vector<1x1x16xf32> to vector<16xf32>
          %get3A_454 = arith.constant 0 : i32
          %get3A_455 = arith.index_cast %get3A_454 : i32 to index
          %get3A_456 = arith.index_cast %scan3A_239 : i32 to index
          %get3A_457 = arith.constant 112 : index
          %get3A_458 = tpu.vector_load %arg12[%get3A_455, %get3A_456, %get3A_457] {strides = array<i32>} : memref<2x128x128xf32, #tpu.memory_space<vmem>>, vector<1x1x16xf32>,
          %get3A_459 = vector.shape_cast %get3A_458 : vector<1x1x16xf32> to vector<16xf32>
          %add3A_460 = arith.addf %get3A_453, %get3A_459 : vector<16xf32>
          %get3A_461 = arith.constant 0 : i32
          %get3A_462 = arith.index_cast %get3A_461 : i32 to index
          %get3A_463 = arith.index_cast %scan3A_239 : i32 to index
          %get3A_464 = arith.constant 112 : index
          %get3A_465 = tpu.vector_load %arg13[%get3A_462, %get3A_463, %get3A_464] {strides = array<i32>} : memref<2x128x128xf32, #tpu.memory_space<vmem>>, vector<1x1x16xf32>,
          %get3A_466 = vector.shape_cast %get3A_465 : vector<1x1x16xf32> to vector<16xf32>
          %add3A_467 = arith.addf %add3A_460, %get3A_466 : vector<16xf32>
          %max3A_468 = arith.constant 0.000000e+00 : f32
          %max3A_469 = vector.broadcast %max3A_468 : f32 to vector<16xf32>
          %max3A_470 = arith.maximumf %add3A_467, %max3A_469 : vector<16xf32>
          %swap3A_471 = arith.constant 0 : i32
          %swap3A_472 = arith.index_cast %swap3A_471 : i32 to index
          %swap3A_473 = arith.index_cast %scan3A_239 : i32 to index
          %swap3A_474 = arith.constant 112 : index
          %swap3A_475 = tpu.vector_load %arg11[%swap3A_472, %swap3A_473, %swap3A_474] {strides = array<i32>} : memref<2x128x128xf32, #tpu.memory_space<vmem>>, vector<1x1x16xf32>,
          %swap3A_476 = vector.shape_cast %swap3A_475 : vector<1x1x16xf32> to vector<16xf32>
          %swap3A_477 = vector.shape_cast %max3A_470 : vector<16xf32> to vector<1x1x16xf32>
          tpu.vector_store %arg11[%swap3A_472, %swap3A_473, %swap3A_474], %swap3A_477 {strides = array<i32>} : memref<2x128x128xf32, #tpu.memory_space<vmem>>, vector<1x1x16xf32>,
          %scan3A_478 = arith.constant 0 : i32
          scf.yield %scan3A_478 : i32
        }
        %scan3A_223 = arith.constant 128 : i32
        %dma_start3A_224 = arith.constant 0 : i32
        %dma_start3A_225 = arith.constant 0 : i32
        %dma_start3A_226 = arith.constant 0 : i32
        %dma_start3A_227 = arith.constant 0 : i32
        %dma_start3A_228 = arith.constant 0 : i32
        %dma_start3A_229 = tpu.memref_slice %arg11[%dma_start3A_224, %dma_start3A_227, %dma_start3A_228] : memref<2x128x128xf32, #tpu.memory_space<vmem>> -> memref<1x128x128xf32, #tpu.memory_space<vmem>>
        %dma_start3A_230 = tpu.memref_squeeze %dma_start3A_229 : memref<1x128x128xf32, #tpu.memory_space<vmem>> -> memref<128x128xf32, #tpu.memory_space<vmem>>
        %dma_start3A_231 = arith.constant 0 : i32
        %dma_start3A_232 = tpu.memref_slice %arg10[%dma_start3A_225, %dma_start3A_231] : memref<2x128xi32, #tpu.memory_space<vmem>> -> memref<1x128xi32, #tpu.memory_space<vmem>>
        %dma_start3A_233 = tpu.memref_squeeze %dma_start3A_232 : memref<1x128xi32, #tpu.memory_space<vmem>> -> memref<128xi32, #tpu.memory_space<vmem>>
        %dma_start3A_234 = arith.constant 0 : i32
        %dma_start3A_235 = arith.constant 0 : i32
        %dma_start3A_236 = tpu.memref_slice %arg14[%dma_start3A_234, %dma_start3A_235] : memref<64x128xf32, #tpu.memory_space<vmem_shared>> -> memref<64x128xf32, #tpu.memory_space<vmem_shared>>
        %dma_start3A_237 = tpu.memref_slice %arg20[%dma_start3A_226] : memref<2x!tpu.dma_semaphore, #tpu.memory_space<semaphore_mem>> -> memref<1x!tpu.dma_semaphore, #tpu.memory_space<semaphore_mem>>
        %dma_start3A_238 = tpu.memref_squeeze %dma_start3A_237 : memref<1x!tpu.dma_semaphore, #tpu.memory_space<semaphore_mem>> -> memref<!tpu.dma_semaphore, #tpu.memory_space<semaphore_mem>>
        tpu.enqueue_indirect_dma source(%dma_start3A_230 : memref<128x128xf32, #tpu.memory_space<vmem>>) target(%dma_start3A_236 : memref<64x128xf32, #tpu.memory_space<vmem_shared>>) offsets(%dma_start3A_233 : memref<128xi32, #tpu.memory_space<vmem>>) semaphore(%dma_start3A_238 : memref<!tpu.dma_semaphore, #tpu.memory_space<semaphore_mem>>) {add = true}
      } else {
      }
      %mul3A_119 = arith.constant 2 : i32
      %mul3A_120 = arith.muli %scan3A_107, %mul3A_119 : i32
      %add3A_121 = arith.constant 1 : i32
      %add3A_122 = arith.addi %mul3A_120, %add3A_121 : i32
      %mul3A_123 = arith.constant 32 : i32
      %mul3A_124 = arith.muli %add3A_122, %mul3A_123 : i32
      %add3A_125 = arith.addi %mul3A_124, %add3A : i32
      %lt3A_126 = arith.constant 1250 : i32
      %lt3A_127 = arith.cmpi slt, %add3A_125, %lt3A_126 : i32
      %convert_element_type3A_128 = arith.extui %lt3A_127 : i1 to i32
      %cond3A_129 = arith.constant 0 : i32
      %cond3A_130 = arith.cmpi ne, %convert_element_type3A_128, %cond3A_129 : i32
      scf.if %cond3A_130 {
        %ge3A = arith.constant 1 : i32
        %ge3A_132 = arith.cmpi sge, %add3A_122, %ge3A : i32
        %convert_element_type3A_133 = arith.extui %ge3A_132 : i1 to i32
        %cond3A_134 = arith.constant 0 : i32
        %cond3A_135 = arith.cmpi ne, %convert_element_type3A_133, %cond3A_134 : i32
        scf.if %cond3A_135 {
          %dma_wait3A_239 = arith.constant 0 : i32
          %dma_wait3A_240 = arith.constant 0 : i32
          %dma_wait3A_241 = arith.constant 0 : i32
          %dma_wait3A_242 = arith.constant 0 : i32
          %dma_wait3A_243 = arith.constant 0 : i32
          %dma_wait3A_244 = tpu.memref_slice %arg11[%dma_wait3A_239, %dma_wait3A_242, %dma_wait3A_243] : memref<2x128x128xf32, #tpu.memory_space<vmem>> -> memref<1x128x128xf32, #tpu.memory_space<vmem>>
          %dma_wait3A_245 = tpu.memref_squeeze %dma_wait3A_244 : memref<1x128x128xf32, #tpu.memory_space<vmem>> -> memref<128x128xf32, #tpu.memory_space<vmem>>
          %dma_wait3A_246 = arith.constant 0 : i32
          %dma_wait3A_247 = tpu.memref_slice %arg10[%dma_wait3A_240, %dma_wait3A_246] : memref<2x128xi32, #tpu.memory_space<vmem>> -> memref<1x128xi32, #tpu.memory_space<vmem>>
          %dma_wait3A_248 = tpu.memref_squeeze %dma_wait3A_247 : memref<1x128xi32, #tpu.memory_space<vmem>> -> memref<128xi32, #tpu.memory_space<vmem>>
          %dma_wait3A_249 = arith.constant 0 : i32
          %dma_wait3A_250 = arith.constant 0 : i32
          %dma_wait3A_251 = tpu.memref_slice %arg14[%dma_wait3A_249, %dma_wait3A_250] : memref<64x128xf32, #tpu.memory_space<vmem_shared>> -> memref<64x128xf32, #tpu.memory_space<vmem_shared>>
          %dma_wait3A_252 = tpu.memref_slice %arg20[%dma_wait3A_241] : memref<2x!tpu.dma_semaphore, #tpu.memory_space<semaphore_mem>> -> memref<1x!tpu.dma_semaphore, #tpu.memory_space<semaphore_mem>>
          %dma_wait3A_253 = tpu.memref_squeeze %dma_wait3A_252 : memref<1x!tpu.dma_semaphore, #tpu.memory_space<semaphore_mem>> -> memref<!tpu.dma_semaphore, #tpu.memory_space<semaphore_mem>>
          tpu.wait_indirect_dma semaphore(%dma_wait3A_253 : memref<!tpu.dma_semaphore, #tpu.memory_space<semaphore_mem>>) src(%dma_wait3A_245 : memref<128x128xf32, #tpu.memory_space<vmem>>) dst(%dma_wait3A_251 : memref<64x128xf32, #tpu.memory_space<vmem_shared>>)
        } else {
        }
        %add3A_136 = arith.constant 1 : i32
        %add3A_137 = arith.addi %add3A_122, %add3A_136 : i32
        %mul3A_138 = arith.constant 32 : i32
        %mul3A_139 = arith.muli %add3A_137, %mul3A_138 : i32
        %add3A_140 = arith.addi %mul3A_139, %add3A : i32
        %lt3A_141 = arith.constant 1250 : i32
        %lt3A_142 = arith.cmpi slt, %add3A_140, %lt3A_141 : i32
        %convert_element_type3A_143 = arith.extui %lt3A_142 : i1 to i32
        %cond3A_144 = arith.constant 0 : i32
        %cond3A_145 = arith.cmpi ne, %convert_element_type3A_143, %cond3A_144 : i32
        scf.if %cond3A_145 {
          %dma_wait3A_239 = arith.constant 0 : i32
          %dma_wait3A_240 = arith.constant 0 : i32
          %dma_wait3A_241 = arith.constant 0 : i32
          %dma_wait3A_242 = arith.constant 0 : i32
          %dma_wait3A_243 = tpu.memref_slice %arg8[%dma_wait3A_240, %dma_wait3A_242] : memref<2x128xi32, #tpu.memory_space<vmem>> -> memref<1x128xi32, #tpu.memory_space<vmem>>
          %dma_wait3A_244 = tpu.memref_squeeze %dma_wait3A_243 : memref<1x128xi32, #tpu.memory_space<vmem>> -> memref<128xi32, #tpu.memory_space<vmem>>
          %dma_wait3A_245 = arith.constant 0 : i32
          %dma_wait3A_246 = tpu.memref_slice %arg5[%dma_wait3A_239, %dma_wait3A_245] : memref<2x320000xi32, #tpu.memory_space<hbm>> -> memref<1x128xi32, #tpu.memory_space<hbm>>
          %dma_wait3A_247 = tpu.memref_squeeze %dma_wait3A_246 : memref<1x128xi32, #tpu.memory_space<hbm>> -> memref<128xi32, #tpu.memory_space<hbm>>
          %dma_wait3A_248 = tpu.memref_slice %arg19[%dma_wait3A_241] : memref<2x!tpu.dma_semaphore, #tpu.memory_space<semaphore_mem>> -> memref<1x!tpu.dma_semaphore, #tpu.memory_space<semaphore_mem>>
          %dma_wait3A_249 = tpu.memref_squeeze %dma_wait3A_248 : memref<1x!tpu.dma_semaphore, #tpu.memory_space<semaphore_mem>> -> memref<!tpu.dma_semaphore, #tpu.memory_space<semaphore_mem>>
          %dma_wait3A_250 = arith.constant 0 : i32
          %dma_wait3A_251 = tpu.memref_slice %arg8[%dma_wait3A_240, %dma_wait3A_250] : memref<2x128xi32, #tpu.memory_space<vmem>> -> memref<1x128xi32, #tpu.memory_space<vmem>>
          %dma_wait3A_252 = tpu.memref_squeeze %dma_wait3A_251 : memref<1x128xi32, #tpu.memory_space<vmem>> -> memref<128xi32, #tpu.memory_space<vmem>>
          %dma_wait3A_253 = arith.constant 0 : i32
          %dma_wait3A_254 = tpu.memref_slice %arg5[%dma_wait3A_239, %dma_wait3A_253] : memref<2x320000xi32, #tpu.memory_space<hbm>> -> memref<1x128xi32, #tpu.memory_space<hbm>>
          %dma_wait3A_255 = tpu.memref_squeeze %dma_wait3A_254 : memref<1x128xi32, #tpu.memory_space<hbm>> -> memref<128xi32, #tpu.memory_space<hbm>>
          tpu.wait_dma2 semaphore(%dma_wait3A_249 : memref<!tpu.dma_semaphore, #tpu.memory_space<semaphore_mem>>) src(%dma_wait3A_255 : memref<128xi32, #tpu.memory_space<hbm>>) dst(%dma_wait3A_252 : memref<128xi32, #tpu.memory_space<vmem>>)
          %dma_wait3A_256 = arith.constant 1 : i32
          %dma_wait3A_257 = arith.constant 0 : i32
          %dma_wait3A_258 = arith.constant 0 : i32
          %dma_wait3A_259 = arith.constant 0 : i32
          %dma_wait3A_260 = tpu.memref_slice %arg9[%dma_wait3A_257, %dma_wait3A_259] : memref<2x128xi32, #tpu.memory_space<vmem>> -> memref<1x128xi32, #tpu.memory_space<vmem>>
          %dma_wait3A_261 = tpu.memref_squeeze %dma_wait3A_260 : memref<1x128xi32, #tpu.memory_space<vmem>> -> memref<128xi32, #tpu.memory_space<vmem>>
          %dma_wait3A_262 = arith.constant 0 : i32
          %dma_wait3A_263 = tpu.memref_slice %arg5[%dma_wait3A_256, %dma_wait3A_262] : memref<2x320000xi32, #tpu.memory_space<hbm>> -> memref<1x128xi32, #tpu.memory_space<hbm>>
          %dma_wait3A_264 = tpu.memref_squeeze %dma_wait3A_263 : memref<1x128xi32, #tpu.memory_space<hbm>> -> memref<128xi32, #tpu.memory_space<hbm>>
          %dma_wait3A_265 = tpu.memref_slice %arg19[%dma_wait3A_258] : memref<2x!tpu.dma_semaphore, #tpu.memory_space<semaphore_mem>> -> memref<1x!tpu.dma_semaphore, #tpu.memory_space<semaphore_mem>>
          %dma_wait3A_266 = tpu.memref_squeeze %dma_wait3A_265 : memref<1x!tpu.dma_semaphore, #tpu.memory_space<semaphore_mem>> -> memref<!tpu.dma_semaphore, #tpu.memory_space<semaphore_mem>>
          %dma_wait3A_267 = arith.constant 0 : i32
          %dma_wait3A_268 = tpu.memref_slice %arg9[%dma_wait3A_257, %dma_wait3A_267] : memref<2x128xi32, #tpu.memory_space<vmem>> -> memref<1x128xi32, #tpu.memory_space<vmem>>
          %dma_wait3A_269 = tpu.memref_squeeze %dma_wait3A_268 : memref<1x128xi32, #tpu.memory_space<vmem>> -> memref<128xi32, #tpu.memory_space<vmem>>
          %dma_wait3A_270 = arith.constant 0 : i32
          %dma_wait3A_271 = tpu.memref_slice %arg5[%dma_wait3A_256, %dma_wait3A_270] : memref<2x320000xi32, #tpu.memory_space<hbm>> -> memref<1x128xi32, #tpu.memory_space<hbm>>
          %dma_wait3A_272 = tpu.memref_squeeze %dma_wait3A_271 : memref<1x128xi32, #tpu.memory_space<hbm>> -> memref<128xi32, #tpu.memory_space<hbm>>
          tpu.wait_dma2 semaphore(%dma_wait3A_266 : memref<!tpu.dma_semaphore, #tpu.memory_space<semaphore_mem>>) src(%dma_wait3A_272 : memref<128xi32, #tpu.memory_space<hbm>>) dst(%dma_wait3A_269 : memref<128xi32, #tpu.memory_space<vmem>>)
          %add3A_273 = arith.constant 1 : i32
          %add3A_274 = arith.addi %add3A_122, %add3A_273 : i32
          %mul3A_275 = arith.constant 32 : i32
          %mul3A_276 = arith.muli %add3A_274, %mul3A_275 : i32
          %add3A_277 = arith.addi %mul3A_276, %add3A : i32
          %mul3A_278 = arith.constant 128 : i32
          %mul3A_279 = arith.muli %add3A_277, %mul3A_278 : i32
          %dma_start3A_280 = arith.constant 0 : i32
          %dma_start3A_281 = arith.constant 0 : i32
          %dma_start3A_282 = arith.constant 0 : i32
          %dma_start3A_283 = arith.constant 0 : i32
          %dma_start3A_284 = arith.constant 0 : i32
          %dma_start3A_285 = tpu.memref_slice %arg11[%dma_start3A_281, %dma_start3A_283, %dma_start3A_284] : memref<2x128x128xf32, #tpu.memory_space<vmem>> -> memref<1x128x128xf32, #tpu.memory_space<vmem>>
          %dma_start3A_286 = tpu.memref_squeeze %dma_start3A_285 : memref<1x128x128xf32, #tpu.memory_space<vmem>> -> memref<128x128xf32, #tpu.memory_space<vmem>>
          %dma_start3A_287 = arith.constant 0 : i32
          %dma_start3A_288 = tpu.memref_slice %arg8[%dma_start3A_280, %dma_start3A_287] : memref<2x128xi32, #tpu.memory_space<vmem>> -> memref<1x128xi32, #tpu.memory_space<vmem>>
          %dma_start3A_289 = tpu.memref_squeeze %dma_start3A_288 : memref<1x128xi32, #tpu.memory_space<vmem>> -> memref<128xi32, #tpu.memory_space<vmem>>
          %dma_start3A_290 = arith.constant 0 : i32
          %dma_start3A_291 = arith.constant 0 : i32
          %dma_start3A_292 = tpu.memref_slice %arg2[%dma_start3A_290, %dma_start3A_291] : memref<10000x128xf32, #tpu.memory_space<hbm>> -> memref<10000x128xf32, #tpu.memory_space<hbm>>
          %dma_start3A_293 = tpu.memref_slice %arg15[%dma_start3A_282] : memref<2x!tpu.dma_semaphore, #tpu.memory_space<semaphore_mem>> -> memref<1x!tpu.dma_semaphore, #tpu.memory_space<semaphore_mem>>
          %dma_start3A_294 = tpu.memref_squeeze %dma_start3A_293 : memref<1x!tpu.dma_semaphore, #tpu.memory_space<semaphore_mem>> -> memref<!tpu.dma_semaphore, #tpu.memory_space<semaphore_mem>>
          tpu.enqueue_indirect_dma source(%dma_start3A_292 : memref<10000x128xf32, #tpu.memory_space<hbm>>) target(%dma_start3A_286 : memref<128x128xf32, #tpu.memory_space<vmem>>) offsets(%dma_start3A_289 : memref<128xi32, #tpu.memory_space<vmem>>) semaphore(%dma_start3A_294 : memref<!tpu.dma_semaphore, #tpu.memory_space<semaphore_mem>>)
          %dma_start3A_295 = arith.constant 0 : i32
          %dma_start3A_296 = arith.constant 0 : i32
          %dma_start3A_297 = arith.constant 0 : i32
          %dma_start3A_298 = arith.constant 0 : i32
          %dma_start3A_299 = arith.constant 0 : i32
          %dma_start3A_300 = tpu.memref_slice %arg12[%dma_start3A_296, %dma_start3A_298, %dma_start3A_299] : memref<2x128x128xf32, #tpu.memory_space<vmem>> -> memref<1x128x128xf32, #tpu.memory_space<vmem>>
          %dma_start3A_301 = tpu.memref_squeeze %dma_start3A_300 : memref<1x128x128xf32, #tpu.memory_space<vmem>> -> memref<128x128xf32, #tpu.memory_space<vmem>>
          %dma_start3A_302 = arith.constant 0 : i32
          %dma_start3A_303 = tpu.memref_slice %arg9[%dma_start3A_295, %dma_start3A_302] : memref<2x128xi32, #tpu.memory_space<vmem>> -> memref<1x128xi32, #tpu.memory_space<vmem>>
          %dma_start3A_304 = tpu.memref_squeeze %dma_start3A_303 : memref<1x128xi32, #tpu.memory_space<vmem>> -> memref<128xi32, #tpu.memory_space<vmem>>
          %dma_start3A_305 = arith.constant 0 : i32
          %dma_start3A_306 = arith.constant 0 : i32
          %dma_start3A_307 = tpu.memref_slice %arg3[%dma_start3A_305, %dma_start3A_306] : memref<10000x128xf32, #tpu.memory_space<hbm>> -> memref<10000x128xf32, #tpu.memory_space<hbm>>
          %dma_start3A_308 = tpu.memref_slice %arg16[%dma_start3A_297] : memref<2x!tpu.dma_semaphore, #tpu.memory_space<semaphore_mem>> -> memref<1x!tpu.dma_semaphore, #tpu.memory_space<semaphore_mem>>
          %dma_start3A_309 = tpu.memref_squeeze %dma_start3A_308 : memref<1x!tpu.dma_semaphore, #tpu.memory_space<semaphore_mem>> -> memref<!tpu.dma_semaphore, #tpu.memory_space<semaphore_mem>>
          tpu.enqueue_indirect_dma source(%dma_start3A_307 : memref<10000x128xf32, #tpu.memory_space<hbm>>) target(%dma_start3A_301 : memref<128x128xf32, #tpu.memory_space<vmem>>) offsets(%dma_start3A_304 : memref<128xi32, #tpu.memory_space<vmem>>) semaphore(%dma_start3A_309 : memref<!tpu.dma_semaphore, #tpu.memory_space<semaphore_mem>>)
          %dma_start3A_310 = arith.constant 0 : i32
          %dma_start3A_311 = arith.constant 0 : i32
          %dma_start3A_312 = arith.constant 0 : i32
          %dma_start3A_313 = arith.constant 0 : i32
          %dma_start3A_314 = tpu.memref_slice %arg13[%dma_start3A_310, %dma_start3A_312, %dma_start3A_313] : memref<2x128x128xf32, #tpu.memory_space<vmem>> -> memref<1x128x128xf32, #tpu.memory_space<vmem>>
          %dma_start3A_315 = tpu.memref_squeeze %dma_start3A_314 : memref<1x128x128xf32, #tpu.memory_space<vmem>> -> memref<128x128xf32, #tpu.memory_space<vmem>>
          %dma_start3A_316 = arith.constant 0 : i32
          %dma_start3A_317 = tpu.memref_slice %arg4[%mul3A_279, %dma_start3A_316] : memref<160000x128xf32, #tpu.memory_space<hbm>> -> memref<128x128xf32, #tpu.memory_space<hbm>>
          %dma_start3A_318 = tpu.memref_slice %arg17[%dma_start3A_311] : memref<2x!tpu.dma_semaphore, #tpu.memory_space<semaphore_mem>> -> memref<1x!tpu.dma_semaphore, #tpu.memory_space<semaphore_mem>>
          %dma_start3A_319 = tpu.memref_squeeze %dma_start3A_318 : memref<1x!tpu.dma_semaphore, #tpu.memory_space<semaphore_mem>> -> memref<!tpu.dma_semaphore, #tpu.memory_space<semaphore_mem>>
          %dma_start3A_320 = arith.constant 0 : i32
          %dma_start3A_321 = arith.constant 0 : i32
          %dma_start3A_322 = tpu.memref_slice %arg13[%dma_start3A_310, %dma_start3A_320, %dma_start3A_321] : memref<2x128x128xf32, #tpu.memory_space<vmem>> -> memref<1x128x128xf32, #tpu.memory_space<vmem>>
          %dma_start3A_323 = tpu.memref_squeeze %dma_start3A_322 : memref<1x128x128xf32, #tpu.memory_space<vmem>> -> memref<128x128xf32, #tpu.memory_space<vmem>>
          %dma_start3A_324 = arith.constant 0 : i32
          %dma_start3A_325 = tpu.memref_slice %arg4[%mul3A_279, %dma_start3A_324] : memref<160000x128xf32, #tpu.memory_space<hbm>> -> memref<128x128xf32, #tpu.memory_space<hbm>>
          tpu.enqueue_dma source(%dma_start3A_325 : memref<128x128xf32, #tpu.memory_space<hbm>>) target(%dma_start3A_323 : memref<128x128xf32, #tpu.memory_space<vmem>>) target_semaphore(%dma_start3A_319 : memref<!tpu.dma_semaphore, #tpu.memory_space<semaphore_mem>>)
          %dma_start3A_326 = arith.constant 0 : i32
          %dma_start3A_327 = arith.constant 0 : i32
          %dma_start3A_328 = arith.constant 0 : i32
          %dma_start3A_329 = arith.constant 0 : i32
          %dma_start3A_330 = tpu.memref_slice %arg10[%dma_start3A_327, %dma_start3A_329] : memref<2x128xi32, #tpu.memory_space<vmem>> -> memref<1x128xi32, #tpu.memory_space<vmem>>
          %dma_start3A_331 = tpu.memref_squeeze %dma_start3A_330 : memref<1x128xi32, #tpu.memory_space<vmem>> -> memref<128xi32, #tpu.memory_space<vmem>>
          %dma_start3A_332 = arith.constant 0 : i32
          %dma_start3A_333 = tpu.memref_slice %arg8[%dma_start3A_326, %dma_start3A_332] : memref<2x128xi32, #tpu.memory_space<vmem>> -> memref<1x128xi32, #tpu.memory_space<vmem>>
          %dma_start3A_334 = tpu.memref_squeeze %dma_start3A_333 : memref<1x128xi32, #tpu.memory_space<vmem>> -> memref<128xi32, #tpu.memory_space<vmem>>
          %dma_start3A_335 = arith.constant 0 : i32
          %dma_start3A_336 = tpu.memref_slice %arg6[%dma_start3A_335] : memref<10000xi32, #tpu.memory_space<hbm>> -> memref<10000xi32, #tpu.memory_space<hbm>>
          %dma_start3A_337 = tpu.memref_slice %arg18[%dma_start3A_328] : memref<2x!tpu.dma_semaphore, #tpu.memory_space<semaphore_mem>> -> memref<1x!tpu.dma_semaphore, #tpu.memory_space<semaphore_mem>>
          %dma_start3A_338 = tpu.memref_squeeze %dma_start3A_337 : memref<1x!tpu.dma_semaphore, #tpu.memory_space<semaphore_mem>> -> memref<!tpu.dma_semaphore, #tpu.memory_space<semaphore_mem>>
          tpu.enqueue_indirect_dma source(%dma_start3A_336 : memref<10000xi32, #tpu.memory_space<hbm>>) target(%dma_start3A_331 : memref<128xi32, #tpu.memory_space<vmem>>) offsets(%dma_start3A_334 : memref<128xi32, #tpu.memory_space<vmem>>) semaphore(%dma_start3A_338 : memref<!tpu.dma_semaphore, #tpu.memory_space<semaphore_mem>>)
        } else {
        }
        %dma_wait3A_146 = arith.constant 1 : i32
        %dma_wait3A_147 = arith.constant 1 : i32
        %dma_wait3A_148 = arith.constant 1 : i32
        %dma_wait3A_149 = arith.constant 0 : i32
        %dma_wait3A_150 = arith.constant 0 : i32
        %dma_wait3A_151 = tpu.memref_slice %arg11[%dma_wait3A_147, %dma_wait3A_149, %dma_wait3A_150] : memref<2x128x128xf32, #tpu.memory_space<vmem>> -> memref<1x128x128xf32, #tpu.memory_space<vmem>>
        %dma_wait3A_152 = tpu.memref_squeeze %dma_wait3A_151 : memref<1x128x128xf32, #tpu.memory_space<vmem>> -> memref<128x128xf32, #tpu.memory_space<vmem>>
        %dma_wait3A_153 = arith.constant 0 : i32
        %dma_wait3A_154 = tpu.memref_slice %arg8[%dma_wait3A_146, %dma_wait3A_153] : memref<2x128xi32, #tpu.memory_space<vmem>> -> memref<1x128xi32, #tpu.memory_space<vmem>>
        %dma_wait3A_155 = tpu.memref_squeeze %dma_wait3A_154 : memref<1x128xi32, #tpu.memory_space<vmem>> -> memref<128xi32, #tpu.memory_space<vmem>>
        %dma_wait3A_156 = arith.constant 0 : i32
        %dma_wait3A_157 = arith.constant 0 : i32
        %dma_wait3A_158 = tpu.memref_slice %arg2[%dma_wait3A_156, %dma_wait3A_157] : memref<10000x128xf32, #tpu.memory_space<hbm>> -> memref<10000x128xf32, #tpu.memory_space<hbm>>
        %dma_wait3A_159 = tpu.memref_slice %arg15[%dma_wait3A_148] : memref<2x!tpu.dma_semaphore, #tpu.memory_space<semaphore_mem>> -> memref<1x!tpu.dma_semaphore, #tpu.memory_space<semaphore_mem>>
        %dma_wait3A_160 = tpu.memref_squeeze %dma_wait3A_159 : memref<1x!tpu.dma_semaphore, #tpu.memory_space<semaphore_mem>> -> memref<!tpu.dma_semaphore, #tpu.memory_space<semaphore_mem>>
        tpu.wait_indirect_dma semaphore(%dma_wait3A_160 : memref<!tpu.dma_semaphore, #tpu.memory_space<semaphore_mem>>) src(%dma_wait3A_158 : memref<10000x128xf32, #tpu.memory_space<hbm>>) dst(%dma_wait3A_152 : memref<128x128xf32, #tpu.memory_space<vmem>>)
        %dma_wait3A_161 = arith.constant 1 : i32
        %dma_wait3A_162 = arith.constant 1 : i32
        %dma_wait3A_163 = arith.constant 1 : i32
        %dma_wait3A_164 = arith.constant 0 : i32
        %dma_wait3A_165 = arith.constant 0 : i32
        %dma_wait3A_166 = tpu.memref_slice %arg12[%dma_wait3A_162, %dma_wait3A_164, %dma_wait3A_165] : memref<2x128x128xf32, #tpu.memory_space<vmem>> -> memref<1x128x128xf32, #tpu.memory_space<vmem>>
        %dma_wait3A_167 = tpu.memref_squeeze %dma_wait3A_166 : memref<1x128x128xf32, #tpu.memory_space<vmem>> -> memref<128x128xf32, #tpu.memory_space<vmem>>
        %dma_wait3A_168 = arith.constant 0 : i32
        %dma_wait3A_169 = tpu.memref_slice %arg9[%dma_wait3A_161, %dma_wait3A_168] : memref<2x128xi32, #tpu.memory_space<vmem>> -> memref<1x128xi32, #tpu.memory_space<vmem>>
        %dma_wait3A_170 = tpu.memref_squeeze %dma_wait3A_169 : memref<1x128xi32, #tpu.memory_space<vmem>> -> memref<128xi32, #tpu.memory_space<vmem>>
        %dma_wait3A_171 = arith.constant 0 : i32
        %dma_wait3A_172 = arith.constant 0 : i32
        %dma_wait3A_173 = tpu.memref_slice %arg3[%dma_wait3A_171, %dma_wait3A_172] : memref<10000x128xf32, #tpu.memory_space<hbm>> -> memref<10000x128xf32, #tpu.memory_space<hbm>>
        %dma_wait3A_174 = tpu.memref_slice %arg16[%dma_wait3A_163] : memref<2x!tpu.dma_semaphore, #tpu.memory_space<semaphore_mem>> -> memref<1x!tpu.dma_semaphore, #tpu.memory_space<semaphore_mem>>
        %dma_wait3A_175 = tpu.memref_squeeze %dma_wait3A_174 : memref<1x!tpu.dma_semaphore, #tpu.memory_space<semaphore_mem>> -> memref<!tpu.dma_semaphore, #tpu.memory_space<semaphore_mem>>
        tpu.wait_indirect_dma semaphore(%dma_wait3A_175 : memref<!tpu.dma_semaphore, #tpu.memory_space<semaphore_mem>>) src(%dma_wait3A_173 : memref<10000x128xf32, #tpu.memory_space<hbm>>) dst(%dma_wait3A_167 : memref<128x128xf32, #tpu.memory_space<vmem>>)
        %dma_wait3A_176 = arith.constant 1 : i32
        %dma_wait3A_177 = arith.constant 1 : i32
        %dma_wait3A_178 = arith.constant 0 : i32
        %dma_wait3A_179 = arith.constant 0 : i32
        %dma_wait3A_180 = tpu.memref_slice %arg13[%dma_wait3A_176, %dma_wait3A_178, %dma_wait3A_179] : memref<2x128x128xf32, #tpu.memory_space<vmem>> -> memref<1x128x128xf32, #tpu.memory_space<vmem>>
        %dma_wait3A_181 = tpu.memref_squeeze %dma_wait3A_180 : memref<1x128x128xf32, #tpu.memory_space<vmem>> -> memref<128x128xf32, #tpu.memory_space<vmem>>
        %dma_wait3A_182 = arith.constant 0 : i32
        %dma_wait3A_183 = arith.constant 0 : i32
        %dma_wait3A_184 = tpu.memref_slice %arg4[%dma_wait3A_182, %dma_wait3A_183] : memref<160000x128xf32, #tpu.memory_space<hbm>> -> memref<128x128xf32, #tpu.memory_space<hbm>>
        %dma_wait3A_185 = tpu.memref_slice %arg17[%dma_wait3A_177] : memref<2x!tpu.dma_semaphore, #tpu.memory_space<semaphore_mem>> -> memref<1x!tpu.dma_semaphore, #tpu.memory_space<semaphore_mem>>
        %dma_wait3A_186 = tpu.memref_squeeze %dma_wait3A_185 : memref<1x!tpu.dma_semaphore, #tpu.memory_space<semaphore_mem>> -> memref<!tpu.dma_semaphore, #tpu.memory_space<semaphore_mem>>
        %dma_wait3A_187 = arith.constant 0 : i32
        %dma_wait3A_188 = arith.constant 0 : i32
        %dma_wait3A_189 = tpu.memref_slice %arg13[%dma_wait3A_176, %dma_wait3A_187, %dma_wait3A_188] : memref<2x128x128xf32, #tpu.memory_space<vmem>> -> memref<1x128x128xf32, #tpu.memory_space<vmem>>
        %dma_wait3A_190 = tpu.memref_squeeze %dma_wait3A_189 : memref<1x128x128xf32, #tpu.memory_space<vmem>> -> memref<128x128xf32, #tpu.memory_space<vmem>>
        %dma_wait3A_191 = arith.constant 0 : i32
        %dma_wait3A_192 = arith.constant 0 : i32
        %dma_wait3A_193 = tpu.memref_slice %arg4[%dma_wait3A_191, %dma_wait3A_192] : memref<160000x128xf32, #tpu.memory_space<hbm>> -> memref<128x128xf32, #tpu.memory_space<hbm>>
        tpu.wait_dma2 semaphore(%dma_wait3A_186 : memref<!tpu.dma_semaphore, #tpu.memory_space<semaphore_mem>>) src(%dma_wait3A_193 : memref<128x128xf32, #tpu.memory_space<hbm>>) dst(%dma_wait3A_190 : memref<128x128xf32, #tpu.memory_space<vmem>>)
        %dma_wait3A_194 = arith.constant 1 : i32
        %dma_wait3A_195 = arith.constant 1 : i32
        %dma_wait3A_196 = arith.constant 1 : i32
        %dma_wait3A_197 = arith.constant 0 : i32
        %dma_wait3A_198 = tpu.memref_slice %arg10[%dma_wait3A_195, %dma_wait3A_197] : memref<2x128xi32, #tpu.memory_space<vmem>> -> memref<1x128xi32, #tpu.memory_space<vmem>>
        %dma_wait3A_199 = tpu.memref_squeeze %dma_wait3A_198 : memref<1x128xi32, #tpu.memory_space<vmem>> -> memref<128xi32, #tpu.memory_space<vmem>>
        %dma_wait3A_200 = arith.constant 0 : i32
        %dma_wait3A_201 = tpu.memref_slice %arg8[%dma_wait3A_194, %dma_wait3A_200] : memref<2x128xi32, #tpu.memory_space<vmem>> -> memref<1x128xi32, #tpu.memory_space<vmem>>
        %dma_wait3A_202 = tpu.memref_squeeze %dma_wait3A_201 : memref<1x128xi32, #tpu.memory_space<vmem>> -> memref<128xi32, #tpu.memory_space<vmem>>
        %dma_wait3A_203 = arith.constant 0 : i32
        %dma_wait3A_204 = tpu.memref_slice %arg6[%dma_wait3A_203] : memref<10000xi32, #tpu.memory_space<hbm>> -> memref<10000xi32, #tpu.memory_space<hbm>>
        %dma_wait3A_205 = tpu.memref_slice %arg18[%dma_wait3A_196] : memref<2x!tpu.dma_semaphore, #tpu.memory_space<semaphore_mem>> -> memref<1x!tpu.dma_semaphore, #tpu.memory_space<semaphore_mem>>
        %dma_wait3A_206 = tpu.memref_squeeze %dma_wait3A_205 : memref<1x!tpu.dma_semaphore, #tpu.memory_space<semaphore_mem>> -> memref<!tpu.dma_semaphore, #tpu.memory_space<semaphore_mem>>
        tpu.wait_indirect_dma semaphore(%dma_wait3A_206 : memref<!tpu.dma_semaphore, #tpu.memory_space<semaphore_mem>>) src(%dma_wait3A_204 : memref<10000xi32, #tpu.memory_space<hbm>>) dst(%dma_wait3A_199 : memref<128xi32, #tpu.memory_space<vmem>>)
        %add3A_207 = arith.constant 2 : i32
        %add3A_208 = arith.addi %add3A_122, %add3A_207 : i32
        %mul3A_209 = arith.constant 32 : i32
        %mul3A_210 = arith.muli %add3A_208, %mul3A_209 : i32
        %add3A_211 = arith.addi %mul3A_210, %add3A : i32
        %lt3A_212 = arith.constant 1250 : i32
        %lt3A_213 = arith.cmpi slt, %add3A_211, %lt3A_212 : i32
        %convert_element_type3A_214 = arith.extui %lt3A_213 : i1 to i32
        %cond3A_215 = arith.constant 0 : i32
        %cond3A_216 = arith.cmpi ne, %convert_element_type3A_214, %cond3A_215 : i32
        scf.if %cond3A_216 {
          %add3A_239 = arith.constant 2 : i32
          %add3A_240 = arith.addi %add3A_122, %add3A_239 : i32
          %mul3A_241 = arith.constant 32 : i32
          %mul3A_242 = arith.muli %add3A_240, %mul3A_241 : i32
          %add3A_243 = arith.addi %mul3A_242, %add3A : i32
          %mul3A_244 = arith.constant 128 : i32
          %mul3A_245 = arith.muli %add3A_243, %mul3A_244 : i32
          %add3A_246 = arith.constant 160000 : i32
          %add3A_247 = arith.addi %add3A_246, %mul3A_245 : i32
          %dma_start3A_248 = arith.constant 0 : i32
          %dma_start3A_249 = arith.constant 1 : i32
          %dma_start3A_250 = arith.constant 1 : i32
          %dma_start3A_251 = arith.constant 0 : i32
          %dma_start3A_252 = tpu.memref_slice %arg8[%dma_start3A_249, %dma_start3A_251] : memref<2x128xi32, #tpu.memory_space<vmem>> -> memref<1x128xi32, #tpu.memory_space<vmem>>
          %dma_start3A_253 = tpu.memref_squeeze %dma_start3A_252 : memref<1x128xi32, #tpu.memory_space<vmem>> -> memref<128xi32, #tpu.memory_space<vmem>>
          %dma_start3A_254 = tpu.memref_slice %arg5[%dma_start3A_248, %add3A_247] : memref<2x320000xi32, #tpu.memory_space<hbm>> -> memref<1x128xi32, #tpu.memory_space<hbm>>
          %dma_start3A_255 = tpu.memref_squeeze %dma_start3A_254 : memref<1x128xi32, #tpu.memory_space<hbm>> -> memref<128xi32, #tpu.memory_space<hbm>>
          %dma_start3A_256 = tpu.memref_slice %arg19[%dma_start3A_250] : memref<2x!tpu.dma_semaphore, #tpu.memory_space<semaphore_mem>> -> memref<1x!tpu.dma_semaphore, #tpu.memory_space<semaphore_mem>>
          %dma_start3A_257 = tpu.memref_squeeze %dma_start3A_256 : memref<1x!tpu.dma_semaphore, #tpu.memory_space<semaphore_mem>> -> memref<!tpu.dma_semaphore, #tpu.memory_space<semaphore_mem>>
          %dma_start3A_258 = arith.constant 0 : i32
          %dma_start3A_259 = tpu.memref_slice %arg8[%dma_start3A_249, %dma_start3A_258] : memref<2x128xi32, #tpu.memory_space<vmem>> -> memref<1x128xi32, #tpu.memory_space<vmem>>
          %dma_start3A_260 = tpu.memref_squeeze %dma_start3A_259 : memref<1x128xi32, #tpu.memory_space<vmem>> -> memref<128xi32, #tpu.memory_space<vmem>>
          %dma_start3A_261 = tpu.memref_slice %arg5[%dma_start3A_248, %add3A_247] : memref<2x320000xi32, #tpu.memory_space<hbm>> -> memref<1x128xi32, #tpu.memory_space<hbm>>
          %dma_start3A_262 = tpu.memref_squeeze %dma_start3A_261 : memref<1x128xi32, #tpu.memory_space<hbm>> -> memref<128xi32, #tpu.memory_space<hbm>>
          tpu.enqueue_dma source(%dma_start3A_262 : memref<128xi32, #tpu.memory_space<hbm>>) target(%dma_start3A_260 : memref<128xi32, #tpu.memory_space<vmem>>) target_semaphore(%dma_start3A_257 : memref<!tpu.dma_semaphore, #tpu.memory_space<semaphore_mem>>)
          %dma_start3A_263 = arith.constant 1 : i32
          %dma_start3A_264 = arith.constant 1 : i32
          %dma_start3A_265 = arith.constant 1 : i32
          %dma_start3A_266 = arith.constant 0 : i32
          %dma_start3A_267 = tpu.memref_slice %arg9[%dma_start3A_264, %dma_start3A_266] : memref<2x128xi32, #tpu.memory_space<vmem>> -> memref<1x128xi32, #tpu.memory_space<vmem>>
          %dma_start3A_268 = tpu.memref_squeeze %dma_start3A_267 : memref<1x128xi32, #tpu.memory_space<vmem>> -> memref<128xi32, #tpu.memory_space<vmem>>
          %dma_start3A_269 = tpu.memref_slice %arg5[%dma_start3A_263, %add3A_247] : memref<2x320000xi32, #tpu.memory_space<hbm>> -> memref<1x128xi32, #tpu.memory_space<hbm>>
          %dma_start3A_270 = tpu.memref_squeeze %dma_start3A_269 : memref<1x128xi32, #tpu.memory_space<hbm>> -> memref<128xi32, #tpu.memory_space<hbm>>
          %dma_start3A_271 = tpu.memref_slice %arg19[%dma_start3A_265] : memref<2x!tpu.dma_semaphore, #tpu.memory_space<semaphore_mem>> -> memref<1x!tpu.dma_semaphore, #tpu.memory_space<semaphore_mem>>
          %dma_start3A_272 = tpu.memref_squeeze %dma_start3A_271 : memref<1x!tpu.dma_semaphore, #tpu.memory_space<semaphore_mem>> -> memref<!tpu.dma_semaphore, #tpu.memory_space<semaphore_mem>>
          %dma_start3A_273 = arith.constant 0 : i32
          %dma_start3A_274 = tpu.memref_slice %arg9[%dma_start3A_264, %dma_start3A_273] : memref<2x128xi32, #tpu.memory_space<vmem>> -> memref<1x128xi32, #tpu.memory_space<vmem>>
          %dma_start3A_275 = tpu.memref_squeeze %dma_start3A_274 : memref<1x128xi32, #tpu.memory_space<vmem>> -> memref<128xi32, #tpu.memory_space<vmem>>
          %dma_start3A_276 = tpu.memref_slice %arg5[%dma_start3A_263, %add3A_247] : memref<2x320000xi32, #tpu.memory_space<hbm>> -> memref<1x128xi32, #tpu.memory_space<hbm>>
          %dma_start3A_277 = tpu.memref_squeeze %dma_start3A_276 : memref<1x128xi32, #tpu.memory_space<hbm>> -> memref<128xi32, #tpu.memory_space<hbm>>
          tpu.enqueue_dma source(%dma_start3A_277 : memref<128xi32, #tpu.memory_space<hbm>>) target(%dma_start3A_275 : memref<128xi32, #tpu.memory_space<vmem>>) target_semaphore(%dma_start3A_272 : memref<!tpu.dma_semaphore, #tpu.memory_space<semaphore_mem>>)
        } else {
        }
        %scan3A_217 = arith.constant 0 : i32
        %scan3A_218 = arith.constant 0 : i32
        %scan3A_219 = arith.constant 128 : i32
        %scan3A_220 = arith.addi %scan3A_218, %scan3A_219 : i32
        %scan3A_221 = arith.constant 1 : i32
        %scan3A_222 = scf.for %scan3A_239 = %scan3A_218 to %scan3A_220 step %scan3A_221 iter_args(%scan3A_240 = %scan3A_217) -> (i32)  : i32 {
          %get3A = arith.constant 1 : i32
          %get3A_241 = arith.index_cast %get3A : i32 to index
          %get3A_242 = arith.index_cast %scan3A_239 : i32 to index
          %get3A_243 = arith.constant 0 : index
          %get3A_244 = tpu.vector_load %arg11[%get3A_241, %get3A_242, %get3A_243] {strides = array<i32>} : memref<2x128x128xf32, #tpu.memory_space<vmem>>, vector<1x1x16xf32>,
          %get3A_245 = vector.shape_cast %get3A_244 : vector<1x1x16xf32> to vector<16xf32>
          %get3A_246 = arith.constant 1 : i32
          %get3A_247 = arith.index_cast %get3A_246 : i32 to index
          %get3A_248 = arith.index_cast %scan3A_239 : i32 to index
          %get3A_249 = arith.constant 0 : index
          %get3A_250 = tpu.vector_load %arg12[%get3A_247, %get3A_248, %get3A_249] {strides = array<i32>} : memref<2x128x128xf32, #tpu.memory_space<vmem>>, vector<1x1x16xf32>,
          %get3A_251 = vector.shape_cast %get3A_250 : vector<1x1x16xf32> to vector<16xf32>
          %add3A_252 = arith.addf %get3A_245, %get3A_251 : vector<16xf32>
          %get3A_253 = arith.constant 1 : i32
          %get3A_254 = arith.index_cast %get3A_253 : i32 to index
          %get3A_255 = arith.index_cast %scan3A_239 : i32 to index
          %get3A_256 = arith.constant 0 : index
          %get3A_257 = tpu.vector_load %arg13[%get3A_254, %get3A_255, %get3A_256] {strides = array<i32>} : memref<2x128x128xf32, #tpu.memory_space<vmem>>, vector<1x1x16xf32>,
          %get3A_258 = vector.shape_cast %get3A_257 : vector<1x1x16xf32> to vector<16xf32>
          %add3A_259 = arith.addf %add3A_252, %get3A_258 : vector<16xf32>
          %max3A = arith.constant 0.000000e+00 : f32
          %max3A_260 = vector.broadcast %max3A : f32 to vector<16xf32>
          %max3A_261 = arith.maximumf %add3A_259, %max3A_260 : vector<16xf32>
          %swap3A = arith.constant 1 : i32
          %swap3A_262 = arith.index_cast %swap3A : i32 to index
          %swap3A_263 = arith.index_cast %scan3A_239 : i32 to index
          %swap3A_264 = arith.constant 0 : index
          %swap3A_265 = tpu.vector_load %arg11[%swap3A_262, %swap3A_263, %swap3A_264] {strides = array<i32>} : memref<2x128x128xf32, #tpu.memory_space<vmem>>, vector<1x1x16xf32>,
          %swap3A_266 = vector.shape_cast %swap3A_265 : vector<1x1x16xf32> to vector<16xf32>
          %swap3A_267 = vector.shape_cast %max3A_261 : vector<16xf32> to vector<1x1x16xf32>
          tpu.vector_store %arg11[%swap3A_262, %swap3A_263, %swap3A_264], %swap3A_267 {strides = array<i32>} : memref<2x128x128xf32, #tpu.memory_space<vmem>>, vector<1x1x16xf32>,
          %get3A_268 = arith.constant 1 : i32
          %get3A_269 = arith.index_cast %get3A_268 : i32 to index
          %get3A_270 = arith.index_cast %scan3A_239 : i32 to index
          %get3A_271 = arith.constant 16 : index
          %get3A_272 = tpu.vector_load %arg11[%get3A_269, %get3A_270, %get3A_271] {strides = array<i32>} : memref<2x128x128xf32, #tpu.memory_space<vmem>>, vector<1x1x16xf32>,
          %get3A_273 = vector.shape_cast %get3A_272 : vector<1x1x16xf32> to vector<16xf32>
          %get3A_274 = arith.constant 1 : i32
          %get3A_275 = arith.index_cast %get3A_274 : i32 to index
          %get3A_276 = arith.index_cast %scan3A_239 : i32 to index
          %get3A_277 = arith.constant 16 : index
          %get3A_278 = tpu.vector_load %arg12[%get3A_275, %get3A_276, %get3A_277] {strides = array<i32>} : memref<2x128x128xf32, #tpu.memory_space<vmem>>, vector<1x1x16xf32>,
          %get3A_279 = vector.shape_cast %get3A_278 : vector<1x1x16xf32> to vector<16xf32>
          %add3A_280 = arith.addf %get3A_273, %get3A_279 : vector<16xf32>
          %get3A_281 = arith.constant 1 : i32
          %get3A_282 = arith.index_cast %get3A_281 : i32 to index
          %get3A_283 = arith.index_cast %scan3A_239 : i32 to index
          %get3A_284 = arith.constant 16 : index
          %get3A_285 = tpu.vector_load %arg13[%get3A_282, %get3A_283, %get3A_284] {strides = array<i32>} : memref<2x128x128xf32, #tpu.memory_space<vmem>>, vector<1x1x16xf32>,
          %get3A_286 = vector.shape_cast %get3A_285 : vector<1x1x16xf32> to vector<16xf32>
          %add3A_287 = arith.addf %add3A_280, %get3A_286 : vector<16xf32>
          %max3A_288 = arith.constant 0.000000e+00 : f32
          %max3A_289 = vector.broadcast %max3A_288 : f32 to vector<16xf32>
          %max3A_290 = arith.maximumf %add3A_287, %max3A_289 : vector<16xf32>
          %swap3A_291 = arith.constant 1 : i32
          %swap3A_292 = arith.index_cast %swap3A_291 : i32 to index
          %swap3A_293 = arith.index_cast %scan3A_239 : i32 to index
          %swap3A_294 = arith.constant 16 : index
          %swap3A_295 = tpu.vector_load %arg11[%swap3A_292, %swap3A_293, %swap3A_294] {strides = array<i32>} : memref<2x128x128xf32, #tpu.memory_space<vmem>>, vector<1x1x16xf32>,
          %swap3A_296 = vector.shape_cast %swap3A_295 : vector<1x1x16xf32> to vector<16xf32>
          %swap3A_297 = vector.shape_cast %max3A_290 : vector<16xf32> to vector<1x1x16xf32>
          tpu.vector_store %arg11[%swap3A_292, %swap3A_293, %swap3A_294], %swap3A_297 {strides = array<i32>} : memref<2x128x128xf32, #tpu.memory_space<vmem>>, vector<1x1x16xf32>,
          %get3A_298 = arith.constant 1 : i32
          %get3A_299 = arith.index_cast %get3A_298 : i32 to index
          %get3A_300 = arith.index_cast %scan3A_239 : i32 to index
          %get3A_301 = arith.constant 32 : index
          %get3A_302 = tpu.vector_load %arg11[%get3A_299, %get3A_300, %get3A_301] {strides = array<i32>} : memref<2x128x128xf32, #tpu.memory_space<vmem>>, vector<1x1x16xf32>,
          %get3A_303 = vector.shape_cast %get3A_302 : vector<1x1x16xf32> to vector<16xf32>
          %get3A_304 = arith.constant 1 : i32
          %get3A_305 = arith.index_cast %get3A_304 : i32 to index
          %get3A_306 = arith.index_cast %scan3A_239 : i32 to index
          %get3A_307 = arith.constant 32 : index
          %get3A_308 = tpu.vector_load %arg12[%get3A_305, %get3A_306, %get3A_307] {strides = array<i32>} : memref<2x128x128xf32, #tpu.memory_space<vmem>>, vector<1x1x16xf32>,
          %get3A_309 = vector.shape_cast %get3A_308 : vector<1x1x16xf32> to vector<16xf32>
          %add3A_310 = arith.addf %get3A_303, %get3A_309 : vector<16xf32>
          %get3A_311 = arith.constant 1 : i32
          %get3A_312 = arith.index_cast %get3A_311 : i32 to index
          %get3A_313 = arith.index_cast %scan3A_239 : i32 to index
          %get3A_314 = arith.constant 32 : index
          %get3A_315 = tpu.vector_load %arg13[%get3A_312, %get3A_313, %get3A_314] {strides = array<i32>} : memref<2x128x128xf32, #tpu.memory_space<vmem>>, vector<1x1x16xf32>,
          %get3A_316 = vector.shape_cast %get3A_315 : vector<1x1x16xf32> to vector<16xf32>
          %add3A_317 = arith.addf %add3A_310, %get3A_316 : vector<16xf32>
          %max3A_318 = arith.constant 0.000000e+00 : f32
          %max3A_319 = vector.broadcast %max3A_318 : f32 to vector<16xf32>
          %max3A_320 = arith.maximumf %add3A_317, %max3A_319 : vector<16xf32>
          %swap3A_321 = arith.constant 1 : i32
          %swap3A_322 = arith.index_cast %swap3A_321 : i32 to index
          %swap3A_323 = arith.index_cast %scan3A_239 : i32 to index
          %swap3A_324 = arith.constant 32 : index
          %swap3A_325 = tpu.vector_load %arg11[%swap3A_322, %swap3A_323, %swap3A_324] {strides = array<i32>} : memref<2x128x128xf32, #tpu.memory_space<vmem>>, vector<1x1x16xf32>,
          %swap3A_326 = vector.shape_cast %swap3A_325 : vector<1x1x16xf32> to vector<16xf32>
          %swap3A_327 = vector.shape_cast %max3A_320 : vector<16xf32> to vector<1x1x16xf32>
          tpu.vector_store %arg11[%swap3A_322, %swap3A_323, %swap3A_324], %swap3A_327 {strides = array<i32>} : memref<2x128x128xf32, #tpu.memory_space<vmem>>, vector<1x1x16xf32>,
          %get3A_328 = arith.constant 1 : i32
          %get3A_329 = arith.index_cast %get3A_328 : i32 to index
          %get3A_330 = arith.index_cast %scan3A_239 : i32 to index
          %get3A_331 = arith.constant 48 : index
          %get3A_332 = tpu.vector_load %arg11[%get3A_329, %get3A_330, %get3A_331] {strides = array<i32>} : memref<2x128x128xf32, #tpu.memory_space<vmem>>, vector<1x1x16xf32>,
          %get3A_333 = vector.shape_cast %get3A_332 : vector<1x1x16xf32> to vector<16xf32>
          %get3A_334 = arith.constant 1 : i32
          %get3A_335 = arith.index_cast %get3A_334 : i32 to index
          %get3A_336 = arith.index_cast %scan3A_239 : i32 to index
          %get3A_337 = arith.constant 48 : index
          %get3A_338 = tpu.vector_load %arg12[%get3A_335, %get3A_336, %get3A_337] {strides = array<i32>} : memref<2x128x128xf32, #tpu.memory_space<vmem>>, vector<1x1x16xf32>,
          %get3A_339 = vector.shape_cast %get3A_338 : vector<1x1x16xf32> to vector<16xf32>
          %add3A_340 = arith.addf %get3A_333, %get3A_339 : vector<16xf32>
          %get3A_341 = arith.constant 1 : i32
          %get3A_342 = arith.index_cast %get3A_341 : i32 to index
          %get3A_343 = arith.index_cast %scan3A_239 : i32 to index
          %get3A_344 = arith.constant 48 : index
          %get3A_345 = tpu.vector_load %arg13[%get3A_342, %get3A_343, %get3A_344] {strides = array<i32>} : memref<2x128x128xf32, #tpu.memory_space<vmem>>, vector<1x1x16xf32>,
          %get3A_346 = vector.shape_cast %get3A_345 : vector<1x1x16xf32> to vector<16xf32>
          %add3A_347 = arith.addf %add3A_340, %get3A_346 : vector<16xf32>
          %max3A_348 = arith.constant 0.000000e+00 : f32
          %max3A_349 = vector.broadcast %max3A_348 : f32 to vector<16xf32>
          %max3A_350 = arith.maximumf %add3A_347, %max3A_349 : vector<16xf32>
          %swap3A_351 = arith.constant 1 : i32
          %swap3A_352 = arith.index_cast %swap3A_351 : i32 to index
          %swap3A_353 = arith.index_cast %scan3A_239 : i32 to index
          %swap3A_354 = arith.constant 48 : index
          %swap3A_355 = tpu.vector_load %arg11[%swap3A_352, %swap3A_353, %swap3A_354] {strides = array<i32>} : memref<2x128x128xf32, #tpu.memory_space<vmem>>, vector<1x1x16xf32>,
          %swap3A_356 = vector.shape_cast %swap3A_355 : vector<1x1x16xf32> to vector<16xf32>
          %swap3A_357 = vector.shape_cast %max3A_350 : vector<16xf32> to vector<1x1x16xf32>
          tpu.vector_store %arg11[%swap3A_352, %swap3A_353, %swap3A_354], %swap3A_357 {strides = array<i32>} : memref<2x128x128xf32, #tpu.memory_space<vmem>>, vector<1x1x16xf32>,
          %get3A_358 = arith.constant 1 : i32
          %get3A_359 = arith.index_cast %get3A_358 : i32 to index
          %get3A_360 = arith.index_cast %scan3A_239 : i32 to index
          %get3A_361 = arith.constant 64 : index
          %get3A_362 = tpu.vector_load %arg11[%get3A_359, %get3A_360, %get3A_361] {strides = array<i32>} : memref<2x128x128xf32, #tpu.memory_space<vmem>>, vector<1x1x16xf32>,
          %get3A_363 = vector.shape_cast %get3A_362 : vector<1x1x16xf32> to vector<16xf32>
          %get3A_364 = arith.constant 1 : i32
          %get3A_365 = arith.index_cast %get3A_364 : i32 to index
          %get3A_366 = arith.index_cast %scan3A_239 : i32 to index
          %get3A_367 = arith.constant 64 : index
          %get3A_368 = tpu.vector_load %arg12[%get3A_365, %get3A_366, %get3A_367] {strides = array<i32>} : memref<2x128x128xf32, #tpu.memory_space<vmem>>, vector<1x1x16xf32>,
          %get3A_369 = vector.shape_cast %get3A_368 : vector<1x1x16xf32> to vector<16xf32>
          %add3A_370 = arith.addf %get3A_363, %get3A_369 : vector<16xf32>
          %get3A_371 = arith.constant 1 : i32
          %get3A_372 = arith.index_cast %get3A_371 : i32 to index
          %get3A_373 = arith.index_cast %scan3A_239 : i32 to index
          %get3A_374 = arith.constant 64 : index
          %get3A_375 = tpu.vector_load %arg13[%get3A_372, %get3A_373, %get3A_374] {strides = array<i32>} : memref<2x128x128xf32, #tpu.memory_space<vmem>>, vector<1x1x16xf32>,
          %get3A_376 = vector.shape_cast %get3A_375 : vector<1x1x16xf32> to vector<16xf32>
          %add3A_377 = arith.addf %add3A_370, %get3A_376 : vector<16xf32>
          %max3A_378 = arith.constant 0.000000e+00 : f32
          %max3A_379 = vector.broadcast %max3A_378 : f32 to vector<16xf32>
          %max3A_380 = arith.maximumf %add3A_377, %max3A_379 : vector<16xf32>
          %swap3A_381 = arith.constant 1 : i32
          %swap3A_382 = arith.index_cast %swap3A_381 : i32 to index
          %swap3A_383 = arith.index_cast %scan3A_239 : i32 to index
          %swap3A_384 = arith.constant 64 : index
          %swap3A_385 = tpu.vector_load %arg11[%swap3A_382, %swap3A_383, %swap3A_384] {strides = array<i32>} : memref<2x128x128xf32, #tpu.memory_space<vmem>>, vector<1x1x16xf32>,
          %swap3A_386 = vector.shape_cast %swap3A_385 : vector<1x1x16xf32> to vector<16xf32>
          %swap3A_387 = vector.shape_cast %max3A_380 : vector<16xf32> to vector<1x1x16xf32>
          tpu.vector_store %arg11[%swap3A_382, %swap3A_383, %swap3A_384], %swap3A_387 {strides = array<i32>} : memref<2x128x128xf32, #tpu.memory_space<vmem>>, vector<1x1x16xf32>,
          %get3A_388 = arith.constant 1 : i32
          %get3A_389 = arith.index_cast %get3A_388 : i32 to index
          %get3A_390 = arith.index_cast %scan3A_239 : i32 to index
          %get3A_391 = arith.constant 80 : index
          %get3A_392 = tpu.vector_load %arg11[%get3A_389, %get3A_390, %get3A_391] {strides = array<i32>} : memref<2x128x128xf32, #tpu.memory_space<vmem>>, vector<1x1x16xf32>,
          %get3A_393 = vector.shape_cast %get3A_392 : vector<1x1x16xf32> to vector<16xf32>
          %get3A_394 = arith.constant 1 : i32
          %get3A_395 = arith.index_cast %get3A_394 : i32 to index
          %get3A_396 = arith.index_cast %scan3A_239 : i32 to index
          %get3A_397 = arith.constant 80 : index
          %get3A_398 = tpu.vector_load %arg12[%get3A_395, %get3A_396, %get3A_397] {strides = array<i32>} : memref<2x128x128xf32, #tpu.memory_space<vmem>>, vector<1x1x16xf32>,
          %get3A_399 = vector.shape_cast %get3A_398 : vector<1x1x16xf32> to vector<16xf32>
          %add3A_400 = arith.addf %get3A_393, %get3A_399 : vector<16xf32>
          %get3A_401 = arith.constant 1 : i32
          %get3A_402 = arith.index_cast %get3A_401 : i32 to index
          %get3A_403 = arith.index_cast %scan3A_239 : i32 to index
          %get3A_404 = arith.constant 80 : index
          %get3A_405 = tpu.vector_load %arg13[%get3A_402, %get3A_403, %get3A_404] {strides = array<i32>} : memref<2x128x128xf32, #tpu.memory_space<vmem>>, vector<1x1x16xf32>,
          %get3A_406 = vector.shape_cast %get3A_405 : vector<1x1x16xf32> to vector<16xf32>
          %add3A_407 = arith.addf %add3A_400, %get3A_406 : vector<16xf32>
          %max3A_408 = arith.constant 0.000000e+00 : f32
          %max3A_409 = vector.broadcast %max3A_408 : f32 to vector<16xf32>
          %max3A_410 = arith.maximumf %add3A_407, %max3A_409 : vector<16xf32>
          %swap3A_411 = arith.constant 1 : i32
          %swap3A_412 = arith.index_cast %swap3A_411 : i32 to index
          %swap3A_413 = arith.index_cast %scan3A_239 : i32 to index
          %swap3A_414 = arith.constant 80 : index
          %swap3A_415 = tpu.vector_load %arg11[%swap3A_412, %swap3A_413, %swap3A_414] {strides = array<i32>} : memref<2x128x128xf32, #tpu.memory_space<vmem>>, vector<1x1x16xf32>,
          %swap3A_416 = vector.shape_cast %swap3A_415 : vector<1x1x16xf32> to vector<16xf32>
          %swap3A_417 = vector.shape_cast %max3A_410 : vector<16xf32> to vector<1x1x16xf32>
          tpu.vector_store %arg11[%swap3A_412, %swap3A_413, %swap3A_414], %swap3A_417 {strides = array<i32>} : memref<2x128x128xf32, #tpu.memory_space<vmem>>, vector<1x1x16xf32>,
          %get3A_418 = arith.constant 1 : i32
          %get3A_419 = arith.index_cast %get3A_418 : i32 to index
          %get3A_420 = arith.index_cast %scan3A_239 : i32 to index
          %get3A_421 = arith.constant 96 : index
          %get3A_422 = tpu.vector_load %arg11[%get3A_419, %get3A_420, %get3A_421] {strides = array<i32>} : memref<2x128x128xf32, #tpu.memory_space<vmem>>, vector<1x1x16xf32>,
          %get3A_423 = vector.shape_cast %get3A_422 : vector<1x1x16xf32> to vector<16xf32>
          %get3A_424 = arith.constant 1 : i32
          %get3A_425 = arith.index_cast %get3A_424 : i32 to index
          %get3A_426 = arith.index_cast %scan3A_239 : i32 to index
          %get3A_427 = arith.constant 96 : index
          %get3A_428 = tpu.vector_load %arg12[%get3A_425, %get3A_426, %get3A_427] {strides = array<i32>} : memref<2x128x128xf32, #tpu.memory_space<vmem>>, vector<1x1x16xf32>,
          %get3A_429 = vector.shape_cast %get3A_428 : vector<1x1x16xf32> to vector<16xf32>
          %add3A_430 = arith.addf %get3A_423, %get3A_429 : vector<16xf32>
          %get3A_431 = arith.constant 1 : i32
          %get3A_432 = arith.index_cast %get3A_431 : i32 to index
          %get3A_433 = arith.index_cast %scan3A_239 : i32 to index
          %get3A_434 = arith.constant 96 : index
          %get3A_435 = tpu.vector_load %arg13[%get3A_432, %get3A_433, %get3A_434] {strides = array<i32>} : memref<2x128x128xf32, #tpu.memory_space<vmem>>, vector<1x1x16xf32>,
          %get3A_436 = vector.shape_cast %get3A_435 : vector<1x1x16xf32> to vector<16xf32>
          %add3A_437 = arith.addf %add3A_430, %get3A_436 : vector<16xf32>
          %max3A_438 = arith.constant 0.000000e+00 : f32
          %max3A_439 = vector.broadcast %max3A_438 : f32 to vector<16xf32>
          %max3A_440 = arith.maximumf %add3A_437, %max3A_439 : vector<16xf32>
          %swap3A_441 = arith.constant 1 : i32
          %swap3A_442 = arith.index_cast %swap3A_441 : i32 to index
          %swap3A_443 = arith.index_cast %scan3A_239 : i32 to index
          %swap3A_444 = arith.constant 96 : index
          %swap3A_445 = tpu.vector_load %arg11[%swap3A_442, %swap3A_443, %swap3A_444] {strides = array<i32>} : memref<2x128x128xf32, #tpu.memory_space<vmem>>, vector<1x1x16xf32>,
          %swap3A_446 = vector.shape_cast %swap3A_445 : vector<1x1x16xf32> to vector<16xf32>
          %swap3A_447 = vector.shape_cast %max3A_440 : vector<16xf32> to vector<1x1x16xf32>
          tpu.vector_store %arg11[%swap3A_442, %swap3A_443, %swap3A_444], %swap3A_447 {strides = array<i32>} : memref<2x128x128xf32, #tpu.memory_space<vmem>>, vector<1x1x16xf32>,
          %get3A_448 = arith.constant 1 : i32
          %get3A_449 = arith.index_cast %get3A_448 : i32 to index
          %get3A_450 = arith.index_cast %scan3A_239 : i32 to index
          %get3A_451 = arith.constant 112 : index
          %get3A_452 = tpu.vector_load %arg11[%get3A_449, %get3A_450, %get3A_451] {strides = array<i32>} : memref<2x128x128xf32, #tpu.memory_space<vmem>>, vector<1x1x16xf32>,
          %get3A_453 = vector.shape_cast %get3A_452 : vector<1x1x16xf32> to vector<16xf32>
          %get3A_454 = arith.constant 1 : i32
          %get3A_455 = arith.index_cast %get3A_454 : i32 to index
          %get3A_456 = arith.index_cast %scan3A_239 : i32 to index
          %get3A_457 = arith.constant 112 : index
          %get3A_458 = tpu.vector_load %arg12[%get3A_455, %get3A_456, %get3A_457] {strides = array<i32>} : memref<2x128x128xf32, #tpu.memory_space<vmem>>, vector<1x1x16xf32>,
          %get3A_459 = vector.shape_cast %get3A_458 : vector<1x1x16xf32> to vector<16xf32>
          %add3A_460 = arith.addf %get3A_453, %get3A_459 : vector<16xf32>
          %get3A_461 = arith.constant 1 : i32
          %get3A_462 = arith.index_cast %get3A_461 : i32 to index
          %get3A_463 = arith.index_cast %scan3A_239 : i32 to index
          %get3A_464 = arith.constant 112 : index
          %get3A_465 = tpu.vector_load %arg13[%get3A_462, %get3A_463, %get3A_464] {strides = array<i32>} : memref<2x128x128xf32, #tpu.memory_space<vmem>>, vector<1x1x16xf32>,
          %get3A_466 = vector.shape_cast %get3A_465 : vector<1x1x16xf32> to vector<16xf32>
          %add3A_467 = arith.addf %add3A_460, %get3A_466 : vector<16xf32>
          %max3A_468 = arith.constant 0.000000e+00 : f32
          %max3A_469 = vector.broadcast %max3A_468 : f32 to vector<16xf32>
          %max3A_470 = arith.maximumf %add3A_467, %max3A_469 : vector<16xf32>
          %swap3A_471 = arith.constant 1 : i32
          %swap3A_472 = arith.index_cast %swap3A_471 : i32 to index
          %swap3A_473 = arith.index_cast %scan3A_239 : i32 to index
          %swap3A_474 = arith.constant 112 : index
          %swap3A_475 = tpu.vector_load %arg11[%swap3A_472, %swap3A_473, %swap3A_474] {strides = array<i32>} : memref<2x128x128xf32, #tpu.memory_space<vmem>>, vector<1x1x16xf32>,
          %swap3A_476 = vector.shape_cast %swap3A_475 : vector<1x1x16xf32> to vector<16xf32>
          %swap3A_477 = vector.shape_cast %max3A_470 : vector<16xf32> to vector<1x1x16xf32>
          tpu.vector_store %arg11[%swap3A_472, %swap3A_473, %swap3A_474], %swap3A_477 {strides = array<i32>} : memref<2x128x128xf32, #tpu.memory_space<vmem>>, vector<1x1x16xf32>,
          %scan3A_478 = arith.constant 0 : i32
          scf.yield %scan3A_478 : i32
        }
        %scan3A_223 = arith.constant 128 : i32
        %dma_start3A_224 = arith.constant 1 : i32
        %dma_start3A_225 = arith.constant 1 : i32
        %dma_start3A_226 = arith.constant 1 : i32
        %dma_start3A_227 = arith.constant 0 : i32
        %dma_start3A_228 = arith.constant 0 : i32
        %dma_start3A_229 = tpu.memref_slice %arg11[%dma_start3A_224, %dma_start3A_227, %dma_start3A_228] : memref<2x128x128xf32, #tpu.memory_space<vmem>> -> memref<1x128x128xf32, #tpu.memory_space<vmem>>
        %dma_start3A_230 = tpu.memref_squeeze %dma_start3A_229 : memref<1x128x128xf32, #tpu.memory_space<vmem>> -> memref<128x128xf32, #tpu.memory_space<vmem>>
        %dma_start3A_231 = arith.constant 0 : i32
        %dma_start3A_232 = tpu.memref_slice %arg10[%dma_start3A_225, %dma_start3A_231] : memref<2x128xi32, #tpu.memory_space<vmem>> -> memref<1x128xi32, #tpu.memory_space<vmem>>
        %dma_start3A_233 = tpu.memref_squeeze %dma_start3A_232 : memref<1x128xi32, #tpu.memory_space<vmem>> -> memref<128xi32, #tpu.memory_space<vmem>>
        %dma_start3A_234 = arith.constant 0 : i32
        %dma_start3A_235 = arith.constant 0 : i32
        %dma_start3A_236 = tpu.memref_slice %arg14[%dma_start3A_234, %dma_start3A_235] : memref<64x128xf32, #tpu.memory_space<vmem_shared>> -> memref<64x128xf32, #tpu.memory_space<vmem_shared>>
        %dma_start3A_237 = tpu.memref_slice %arg20[%dma_start3A_226] : memref<2x!tpu.dma_semaphore, #tpu.memory_space<semaphore_mem>> -> memref<1x!tpu.dma_semaphore, #tpu.memory_space<semaphore_mem>>
        %dma_start3A_238 = tpu.memref_squeeze %dma_start3A_237 : memref<1x!tpu.dma_semaphore, #tpu.memory_space<semaphore_mem>> -> memref<!tpu.dma_semaphore, #tpu.memory_space<semaphore_mem>>
        tpu.enqueue_indirect_dma source(%dma_start3A_230 : memref<128x128xf32, #tpu.memory_space<vmem>>) target(%dma_start3A_236 : memref<64x128xf32, #tpu.memory_space<vmem_shared>>) offsets(%dma_start3A_233 : memref<128xi32, #tpu.memory_space<vmem>>) semaphore(%dma_start3A_238 : memref<!tpu.dma_semaphore, #tpu.memory_space<semaphore_mem>>) {add = true}
      } else {
      }
      %scan3A_131 = arith.constant 0 : i32
      scf.yield %scan3A_131 : i32
    }
    %scan3A_85 = arith.constant 20 : i32
    %lt3A_86 = arith.constant 2 : i32
    %lt3A_87 = arith.cmpi slt, %add3A, %lt3A_86 : i32
    %select_n3A = arith.constant 0 : i32
    %select_n3A_88 = arith.constant 1 : i32
    %select_n3A_89 = arith.select %lt3A_87, %select_n3A_88, %select_n3A : i32
    %dma_wait3A = arith.constant 0 : i32
    %dma_wait3A_90 = arith.constant 0 : i32
    %dma_wait3A_91 = tpu.memref_slice %arg11[%select_n3A_89, %dma_wait3A, %dma_wait3A_90] : memref<2x128x128xf32, #tpu.memory_space<vmem>> -> memref<1x128x128xf32, #tpu.memory_space<vmem>>
    %dma_wait3A_92 = tpu.memref_squeeze %dma_wait3A_91 : memref<1x128x128xf32, #tpu.memory_space<vmem>> -> memref<128x128xf32, #tpu.memory_space<vmem>>
    %dma_wait3A_93 = arith.constant 0 : i32
    %dma_wait3A_94 = tpu.memref_slice %arg10[%select_n3A_89, %dma_wait3A_93] : memref<2x128xi32, #tpu.memory_space<vmem>> -> memref<1x128xi32, #tpu.memory_space<vmem>>
    %dma_wait3A_95 = tpu.memref_squeeze %dma_wait3A_94 : memref<1x128xi32, #tpu.memory_space<vmem>> -> memref<128xi32, #tpu.memory_space<vmem>>
    %dma_wait3A_96 = arith.constant 0 : i32
    %dma_wait3A_97 = arith.constant 0 : i32
    %dma_wait3A_98 = tpu.memref_slice %arg14[%dma_wait3A_96, %dma_wait3A_97] : memref<64x128xf32, #tpu.memory_space<vmem_shared>> -> memref<64x128xf32, #tpu.memory_space<vmem_shared>>
    %dma_wait3A_99 = tpu.memref_slice %arg20[%select_n3A_89] : memref<2x!tpu.dma_semaphore, #tpu.memory_space<semaphore_mem>> -> memref<1x!tpu.dma_semaphore, #tpu.memory_space<semaphore_mem>>
    %dma_wait3A_100 = tpu.memref_squeeze %dma_wait3A_99 : memref<1x!tpu.dma_semaphore, #tpu.memory_space<semaphore_mem>> -> memref<!tpu.dma_semaphore, #tpu.memory_space<semaphore_mem>>
    tpu.wait_indirect_dma semaphore(%dma_wait3A_100 : memref<!tpu.dma_semaphore, #tpu.memory_space<semaphore_mem>>) src(%dma_wait3A_92 : memref<128x128xf32, #tpu.memory_space<vmem>>) dst(%dma_wait3A_98 : memref<64x128xf32, #tpu.memory_space<vmem_shared>>)
    %barrier3A_101 = arith.constant 0 : index
    tpu.barrier barrier_id(%barrier3A_101)
    %eq3A_102 = arith.constant 0 : i32
    %eq3A_103 = arith.cmpi eq, %arg1, %eq3A_102 : i32
    %convert_element_type3A_104 = arith.extui %eq3A_103 : i1 to i32
    %cond3A_105 = arith.constant 0 : i32
    %cond3A_106 = arith.cmpi ne, %convert_element_type3A_104, %cond3A_105 : i32
    scf.if %cond3A_106 {
      "tpu.region"() ({
        %run_scoped3A_107 = tpu.sem_alloc : memref<!tpu.dma_semaphore, #tpu.memory_space<semaphore_mem>>
        %dma_start3A_108 = arith.constant 0 : i32
        %dma_start3A_109 = arith.constant 0 : i32
        %dma_start3A_110 = tpu.memref_slice %arg7[%arg0, %dma_start3A_108, %dma_start3A_109] : memref<2x64x128xf32, #tpu.memory_space<hbm>> -> memref<1x64x128xf32, #tpu.memory_space<hbm>>
        %dma_start3A_111 = tpu.memref_squeeze %dma_start3A_110 : memref<1x64x128xf32, #tpu.memory_space<hbm>> -> memref<64x128xf32, #tpu.memory_space<hbm>>
        tpu.enqueue_dma source(%arg14 : memref<64x128xf32, #tpu.memory_space<vmem_shared>>) target(%dma_start3A_111 : memref<64x128xf32, #tpu.memory_space<hbm>>) target_semaphore(%run_scoped3A_107 : memref<!tpu.dma_semaphore, #tpu.memory_space<semaphore_mem>>)
        %dma_wait3A_112 = arith.constant 0 : i32
        %dma_wait3A_113 = arith.constant 0 : i32
        %dma_wait3A_114 = tpu.memref_slice %arg7[%arg0, %dma_wait3A_112, %dma_wait3A_113] : memref<2x64x128xf32, #tpu.memory_space<hbm>> -> memref<1x64x128xf32, #tpu.memory_space<hbm>>
        %dma_wait3A_115 = tpu.memref_squeeze %dma_wait3A_114 : memref<1x64x128xf32, #tpu.memory_space<hbm>> -> memref<64x128xf32, #tpu.memory_space<hbm>>
        tpu.wait_dma2 semaphore(%run_scoped3A_107 : memref<!tpu.dma_semaphore, #tpu.memory_space<semaphore_mem>>) src(%arg14 : memref<64x128xf32, #tpu.memory_space<vmem_shared>>) dst(%dma_wait3A_115 : memref<64x128xf32, #tpu.memory_space<hbm>>)
        tpu.yield
      }) : () -> ()
    } else {
    }
    return
  }
}

#map = affine_map<(d0, d1) -> (0, 0)>
#map1 = affine_map<(d0, d1) -> (0)>
#map2 = affine_map<(d0, d1) -> (0, 0, 0)>
module attributes {stable_mosaic.version = 14 : i64} {
  func.func @_sc_body(%arg0: i32, %arg1: i32, %arg2: memref<10000x128xf32, #tpu.memory_space<hbm>>, %arg3: memref<10000x128xf32, #tpu.memory_space<hbm>>, %arg4: memref<160000x128xf32, #tpu.memory_space<hbm>>, %arg5: memref<2x320000xi32, #tpu.memory_space<hbm>>, %arg6: memref<10000xi32, #tpu.memory_space<hbm>>, %arg7: memref<2x64x128xf32, #tpu.memory_space<hbm>>, %arg8: memref<2x128xi32, #tpu.memory_space<vmem>>, %arg9: memref<2x128xi32, #tpu.memory_space<vmem>>, %arg10: memref<2x128xi32, #tpu.memory_space<vmem>>, %arg11: memref<2x128x128xf32, #tpu.memory_space<vmem>>, %arg12: memref<2x128x128xf32, #tpu.memory_space<vmem>>, %arg13: memref<2x128x128xf32, #tpu.memory_space<vmem>>, %arg14: memref<64x128xf32, #tpu.memory_space<vmem_shared>>, %arg15: memref<2x!tpu.dma_semaphore, #tpu.memory_space<semaphore_mem>>, %arg16: memref<2x!tpu.dma_semaphore, #tpu.memory_space<semaphore_mem>>, %arg17: memref<2x!tpu.dma_semaphore, #tpu.memory_space<semaphore_mem>>, %arg18: memref<2x!tpu.dma_semaphore, #tpu.memory_space<semaphore_mem>>, %arg19: memref<2x!tpu.dma_semaphore, #tpu.memory_space<semaphore_mem>>, %arg20: memref<2x!tpu.dma_semaphore, #tpu.memory_space<semaphore_mem>>) attributes {dimension_semantics = [#tpu.dimension_semantics<core_parallel>, #tpu.dimension_semantics<subcore_parallel>], iteration_bounds = array<i64: 2, 16>, scalar_prefetch = 0 : i64, scratch_operands = 13 : i64, tpu.core_type = #tpu.core_type<sc_vector_subcore>, window_params = [{transform_indices = #map}, {transform_indices = #map}, {transform_indices = #map}, {transform_indices = #map}, {transform_indices = #map1}, {transform_indices = #map2}]} {
    %mul3A = arith.constant 2 : i32
    %mul3A_0 = arith.muli %arg1, %mul3A : i32
    %add3A = arith.addi %mul3A_0, %arg0 : i32
    %eq3A = arith.constant 0 : i32
    %eq3A_1 = arith.cmpi eq, %arg1, %eq3A : i32
    %convert_element_type3A = arith.extui %eq3A_1 : i1 to i32
    %cond3A = arith.constant 0 : i32
    %cond3A_2 = arith.cmpi ne, %convert_element_type3A, %cond3A : i32
    scf.if %cond3A_2 {
      %scan3A_107 = arith.constant 0 : i32
      %scan3A_108 = arith.constant 0 : i32
      %scan3A_109 = arith.constant 64 : i32
      %scan3A_110 = arith.addi %scan3A_108, %scan3A_109 : i32
      %scan3A_111 = arith.constant 1 : i32
      %scan3A_112 = scf.for %scan3A_115 = %scan3A_108 to %scan3A_110 step %scan3A_111 iter_args(%scan3A_116 = %scan3A_107) -> (i32)  : i32 {
        %broadcast_in_dim3A = arith.constant 0.000000e+00 : f32
        %broadcast_in_dim3A_117 = vector.broadcast %broadcast_in_dim3A : f32 to vector<16xf32>
        %swap3A = arith.constant 0 : i32
        %swap3A_118 = arith.index_cast %swap3A : i32 to index
        %swap3A_119 = arith.index_cast %scan3A_115 : i32 to index
        %swap3A_120 = arith.constant 0 : index
        %swap3A_121 = tpu.vector_load %arg13[%swap3A_118, %swap3A_119, %swap3A_120] {strides = array<i32>} : memref<2x128x128xf32, #tpu.memory_space<vmem>>, vector<1x1x16xf32>,
        %swap3A_122 = vector.shape_cast %swap3A_121 : vector<1x1x16xf32> to vector<16xf32>
        %swap3A_123 = vector.shape_cast %broadcast_in_dim3A_117 : vector<16xf32> to vector<1x1x16xf32>
        tpu.vector_store %arg13[%swap3A_118, %swap3A_119, %swap3A_120], %swap3A_123 {strides = array<i32>} : memref<2x128x128xf32, #tpu.memory_space<vmem>>, vector<1x1x16xf32>,
        %broadcast_in_dim3A_124 = arith.constant 0.000000e+00 : f32
        %broadcast_in_dim3A_125 = vector.broadcast %broadcast_in_dim3A_124 : f32 to vector<16xf32>
        %swap3A_126 = arith.constant 0 : i32
        %swap3A_127 = arith.index_cast %swap3A_126 : i32 to index
        %swap3A_128 = arith.index_cast %scan3A_115 : i32 to index
        %swap3A_129 = arith.constant 16 : index
        %swap3A_130 = tpu.vector_load %arg13[%swap3A_127, %swap3A_128, %swap3A_129] {strides = array<i32>} : memref<2x128x128xf32, #tpu.memory_space<vmem>>, vector<1x1x16xf32>,
        %swap3A_131 = vector.shape_cast %swap3A_130 : vector<1x1x16xf32> to vector<16xf32>
        %swap3A_132 = vector.shape_cast %broadcast_in_dim3A_125 : vector<16xf32> to vector<1x1x16xf32>
        tpu.vector_store %arg13[%swap3A_127, %swap3A_128, %swap3A_129], %swap3A_132 {strides = array<i32>} : memref<2x128x128xf32, #tpu.memory_space<vmem>>, vector<1x1x16xf32>,
        %broadcast_in_dim3A_133 = arith.constant 0.000000e+00 : f32
        %broadcast_in_dim3A_134 = vector.broadcast %broadcast_in_dim3A_133 : f32 to vector<16xf32>
        %swap3A_135 = arith.constant 0 : i32
        %swap3A_136 = arith.index_cast %swap3A_135 : i32 to index
        %swap3A_137 = arith.index_cast %scan3A_115 : i32 to index
        %swap3A_138 = arith.constant 32 : index
        %swap3A_139 = tpu.vector_load %arg13[%swap3A_136, %swap3A_137, %swap3A_138] {strides = array<i32>} : memref<2x128x128xf32, #tpu.memory_space<vmem>>, vector<1x1x16xf32>,
        %swap3A_140 = vector.shape_cast %swap3A_139 : vector<1x1x16xf32> to vector<16xf32>
        %swap3A_141 = vector.shape_cast %broadcast_in_dim3A_134 : vector<16xf32> to vector<1x1x16xf32>
        tpu.vector_store %arg13[%swap3A_136, %swap3A_137, %swap3A_138], %swap3A_141 {strides = array<i32>} : memref<2x128x128xf32, #tpu.memory_space<vmem>>, vector<1x1x16xf32>,
        %broadcast_in_dim3A_142 = arith.constant 0.000000e+00 : f32
        %broadcast_in_dim3A_143 = vector.broadcast %broadcast_in_dim3A_142 : f32 to vector<16xf32>
        %swap3A_144 = arith.constant 0 : i32
        %swap3A_145 = arith.index_cast %swap3A_144 : i32 to index
        %swap3A_146 = arith.index_cast %scan3A_115 : i32 to index
        %swap3A_147 = arith.constant 48 : index
        %swap3A_148 = tpu.vector_load %arg13[%swap3A_145, %swap3A_146, %swap3A_147] {strides = array<i32>} : memref<2x128x128xf32, #tpu.memory_space<vmem>>, vector<1x1x16xf32>,
        %swap3A_149 = vector.shape_cast %swap3A_148 : vector<1x1x16xf32> to vector<16xf32>
        %swap3A_150 = vector.shape_cast %broadcast_in_dim3A_143 : vector<16xf32> to vector<1x1x16xf32>
        tpu.vector_store %arg13[%swap3A_145, %swap3A_146, %swap3A_147], %swap3A_150 {strides = array<i32>} : memref<2x128x128xf32, #tpu.memory_space<vmem>>, vector<1x1x16xf32>,
        %broadcast_in_dim3A_151 = arith.constant 0.000000e+00 : f32
        %broadcast_in_dim3A_152 = vector.broadcast %broadcast_in_dim3A_151 : f32 to vector<16xf32>
        %swap3A_153 = arith.constant 0 : i32
        %swap3A_154 = arith.index_cast %swap3A_153 : i32 to index
        %swap3A_155 = arith.index_cast %scan3A_115 : i32 to index
        %swap3A_156 = arith.constant 64 : index
        %swap3A_157 = tpu.vector_load %arg13[%swap3A_154, %swap3A_155, %swap3A_156] {strides = array<i32>} : memref<2x128x128xf32, #tpu.memory_space<vmem>>, vector<1x1x16xf32>,
        %swap3A_158 = vector.shape_cast %swap3A_157 : vector<1x1x16xf32> to vector<16xf32>
        %swap3A_159 = vector.shape_cast %broadcast_in_dim3A_152 : vector<16xf32> to vector<1x1x16xf32>
        tpu.vector_store %arg13[%swap3A_154, %swap3A_155, %swap3A_156], %swap3A_159 {strides = array<i32>} : memref<2x128x128xf32, #tpu.memory_space<vmem>>, vector<1x1x16xf32>,
        %broadcast_in_dim3A_160 = arith.constant 0.000000e+00 : f32
        %broadcast_in_dim3A_161 = vector.broadcast %broadcast_in_dim3A_160 : f32 to vector<16xf32>
        %swap3A_162 = arith.constant 0 : i32
        %swap3A_163 = arith.index_cast %swap3A_162 : i32 to index
        %swap3A_164 = arith.index_cast %scan3A_115 : i32 to index
        %swap3A_165 = arith.constant 80 : index
        %swap3A_166 = tpu.vector_load %arg13[%swap3A_163, %swap3A_164, %swap3A_165] {strides = array<i32>} : memref<2x128x128xf32, #tpu.memory_space<vmem>>, vector<1x1x16xf32>,
        %swap3A_167 = vector.shape_cast %swap3A_166 : vector<1x1x16xf32> to vector<16xf32>
        %swap3A_168 = vector.shape_cast %broadcast_in_dim3A_161 : vector<16xf32> to vector<1x1x16xf32>
        tpu.vector_store %arg13[%swap3A_163, %swap3A_164, %swap3A_165], %swap3A_168 {strides = array<i32>} : memref<2x128x128xf32, #tpu.memory_space<vmem>>, vector<1x1x16xf32>,
        %broadcast_in_dim3A_169 = arith.constant 0.000000e+00 : f32
        %broadcast_in_dim3A_170 = vector.broadcast %broadcast_in_dim3A_169 : f32 to vector<16xf32>
        %swap3A_171 = arith.constant 0 : i32
        %swap3A_172 = arith.index_cast %swap3A_171 : i32 to index
        %swap3A_173 = arith.index_cast %scan3A_115 : i32 to index
        %swap3A_174 = arith.constant 96 : index
        %swap3A_175 = tpu.vector_load %arg13[%swap3A_172, %swap3A_173, %swap3A_174] {strides = array<i32>} : memref<2x128x128xf32, #tpu.memory_space<vmem>>, vector<1x1x16xf32>,
        %swap3A_176 = vector.shape_cast %swap3A_175 : vector<1x1x16xf32> to vector<16xf32>
        %swap3A_177 = vector.shape_cast %broadcast_in_dim3A_170 : vector<16xf32> to vector<1x1x16xf32>
        tpu.vector_store %arg13[%swap3A_172, %swap3A_173, %swap3A_174], %swap3A_177 {strides = array<i32>} : memref<2x128x128xf32, #tpu.memory_space<vmem>>, vector<1x1x16xf32>,
        %broadcast_in_dim3A_178 = arith.constant 0.000000e+00 : f32
        %broadcast_in_dim3A_179 = vector.broadcast %broadcast_in_dim3A_178 : f32 to vector<16xf32>
        %swap3A_180 = arith.constant 0 : i32
        %swap3A_181 = arith.index_cast %swap3A_180 : i32 to index
        %swap3A_182 = arith.index_cast %scan3A_115 : i32 to index
        %swap3A_183 = arith.constant 112 : index
        %swap3A_184 = tpu.vector_load %arg13[%swap3A_181, %swap3A_182, %swap3A_183] {strides = array<i32>} : memref<2x128x128xf32, #tpu.memory_space<vmem>>, vector<1x1x16xf32>,
        %swap3A_185 = vector.shape_cast %swap3A_184 : vector<1x1x16xf32> to vector<16xf32>
        %swap3A_186 = vector.shape_cast %broadcast_in_dim3A_179 : vector<16xf32> to vector<1x1x16xf32>
        tpu.vector_store %arg13[%swap3A_181, %swap3A_182, %swap3A_183], %swap3A_186 {strides = array<i32>} : memref<2x128x128xf32, #tpu.memory_space<vmem>>, vector<1x1x16xf32>,
        %scan3A_187 = arith.constant 0 : i32
        scf.yield %scan3A_187 : i32
      }
      %scan3A_113 = arith.constant 64 : i32
      %run_scoped3A_114 = arith.constant 0 : i32
      "tpu.region"() ({
        %run_scoped3A_115 = tpu.sem_alloc : memref<!tpu.dma_semaphore, #tpu.memory_space<semaphore_mem>>
        %dma_start3A_116 = arith.constant 0 : i32
        %dma_start3A_117 = arith.constant 0 : i32
        %dma_start3A_118 = tpu.memref_slice %arg13[%run_scoped3A_114, %dma_start3A_116, %dma_start3A_117] : memref<2x128x128xf32, #tpu.memory_space<vmem>> -> memref<1x64x128xf32, #tpu.memory_space<vmem>>
        %dma_start3A_119 = tpu.memref_squeeze %dma_start3A_118 : memref<1x64x128xf32, #tpu.memory_space<vmem>> -> memref<64x128xf32, #tpu.memory_space<vmem>>
        %dma_start3A_120 = arith.constant 0 : i32
        %dma_start3A_121 = arith.constant 0 : i32
        %dma_start3A_122 = tpu.memref_slice %arg13[%run_scoped3A_114, %dma_start3A_120, %dma_start3A_121] : memref<2x128x128xf32, #tpu.memory_space<vmem>> -> memref<1x64x128xf32, #tpu.memory_space<vmem>>
        %dma_start3A_123 = tpu.memref_squeeze %dma_start3A_122 : memref<1x64x128xf32, #tpu.memory_space<vmem>> -> memref<64x128xf32, #tpu.memory_space<vmem>>
        tpu.enqueue_dma source(%dma_start3A_123 : memref<64x128xf32, #tpu.memory_space<vmem>>) target(%arg14 : memref<64x128xf32, #tpu.memory_space<vmem_shared>>) target_semaphore(%run_scoped3A_115 : memref<!tpu.dma_semaphore, #tpu.memory_space<semaphore_mem>>)
        %dma_wait3A_124 = arith.constant 0 : i32
        %dma_wait3A_125 = arith.constant 0 : i32
        %dma_wait3A_126 = tpu.memref_slice %arg13[%run_scoped3A_114, %dma_wait3A_124, %dma_wait3A_125] : memref<2x128x128xf32, #tpu.memory_space<vmem>> -> memref<1x64x128xf32, #tpu.memory_space<vmem>>
        %dma_wait3A_127 = tpu.memref_squeeze %dma_wait3A_126 : memref<1x64x128xf32, #tpu.memory_space<vmem>> -> memref<64x128xf32, #tpu.memory_space<vmem>>
        %dma_wait3A_128 = arith.constant 0 : i32
        %dma_wait3A_129 = arith.constant 0 : i32
        %dma_wait3A_130 = tpu.memref_slice %arg13[%run_scoped3A_114, %dma_wait3A_128, %dma_wait3A_129] : memref<2x128x128xf32, #tpu.memory_space<vmem>> -> memref<1x64x128xf32, #tpu.memory_space<vmem>>
        %dma_wait3A_131 = tpu.memref_squeeze %dma_wait3A_130 : memref<1x64x128xf32, #tpu.memory_space<vmem>> -> memref<64x128xf32, #tpu.memory_space<vmem>>
        tpu.wait_dma2 semaphore(%run_scoped3A_115 : memref<!tpu.dma_semaphore, #tpu.memory_space<semaphore_mem>>) src(%dma_wait3A_131 : memref<64x128xf32, #tpu.memory_space<vmem>>) dst(%arg14 : memref<64x128xf32, #tpu.memory_space<vmem_shared>>)
        tpu.yield
      }) : () -> ()
    } else {
    }
    %barrier3A = arith.constant 0 : index
    tpu.barrier barrier_id(%barrier3A)
    %add3A_3 = arith.constant 0 : i32
    %add3A_4 = arith.addi %add3A_3, %add3A : i32
    %mul3A_5 = arith.constant 128 : i32
    %mul3A_6 = arith.muli %add3A_4, %mul3A_5 : i32
    %add3A_7 = arith.constant 0 : i32
    %add3A_8 = arith.addi %add3A_7, %mul3A_6 : i32
    %run_scoped3A = arith.constant 0 : i32
    %run_scoped3A_9 = arith.constant 0 : i32
    "tpu.region"() ({
      %run_scoped3A_107 = tpu.sem_alloc : memref<!tpu.dma_semaphore, #tpu.memory_space<semaphore_mem>>
      %dma_start3A_108 = arith.constant 0 : i32
      %dma_start3A_109 = tpu.memref_slice %arg8[%run_scoped3A_9, %dma_start3A_108] : memref<2x128xi32, #tpu.memory_space<vmem>> -> memref<1x128xi32, #tpu.memory_space<vmem>>
      %dma_start3A_110 = tpu.memref_squeeze %dma_start3A_109 : memref<1x128xi32, #tpu.memory_space<vmem>> -> memref<128xi32, #tpu.memory_space<vmem>>
      %dma_start3A_111 = tpu.memref_slice %arg5[%run_scoped3A, %add3A_8] : memref<2x320000xi32, #tpu.memory_space<hbm>> -> memref<1x128xi32, #tpu.memory_space<hbm>>
      %dma_start3A_112 = tpu.memref_squeeze %dma_start3A_111 : memref<1x128xi32, #tpu.memory_space<hbm>> -> memref<128xi32, #tpu.memory_space<hbm>>
      %dma_start3A_113 = arith.constant 0 : i32
      %dma_start3A_114 = tpu.memref_slice %arg8[%run_scoped3A_9, %dma_start3A_113] : memref<2x128xi32, #tpu.memory_space<vmem>> -> memref<1x128xi32, #tpu.memory_space<vmem>>
      %dma_start3A_115 = tpu.memref_squeeze %dma_start3A_114 : memref<1x128xi32, #tpu.memory_space<vmem>> -> memref<128xi32, #tpu.memory_space<vmem>>
      %dma_start3A_116 = tpu.memref_slice %arg5[%run_scoped3A, %add3A_8] : memref<2x320000xi32, #tpu.memory_space<hbm>> -> memref<1x128xi32, #tpu.memory_space<hbm>>
      %dma_start3A_117 = tpu.memref_squeeze %dma_start3A_116 : memref<1x128xi32, #tpu.memory_space<hbm>> -> memref<128xi32, #tpu.memory_space<hbm>>
      tpu.enqueue_dma source(%dma_start3A_117 : memref<128xi32, #tpu.memory_space<hbm>>) target(%dma_start3A_115 : memref<128xi32, #tpu.memory_space<vmem>>) target_semaphore(%run_scoped3A_107 : memref<!tpu.dma_semaphore, #tpu.memory_space<semaphore_mem>>)
      %dma_wait3A_118 = arith.constant 0 : i32
      %dma_wait3A_119 = tpu.memref_slice %arg8[%run_scoped3A_9, %dma_wait3A_118] : memref<2x128xi32, #tpu.memory_space<vmem>> -> memref<1x128xi32, #tpu.memory_space<vmem>>
      %dma_wait3A_120 = tpu.memref_squeeze %dma_wait3A_119 : memref<1x128xi32, #tpu.memory_space<vmem>> -> memref<128xi32, #tpu.memory_space<vmem>>
      %dma_wait3A_121 = tpu.memref_slice %arg5[%run_scoped3A, %add3A_8] : memref<2x320000xi32, #tpu.memory_space<hbm>> -> memref<1x128xi32, #tpu.memory_space<hbm>>
      %dma_wait3A_122 = tpu.memref_squeeze %dma_wait3A_121 : memref<1x128xi32, #tpu.memory_space<hbm>> -> memref<128xi32, #tpu.memory_space<hbm>>
      %dma_wait3A_123 = arith.constant 0 : i32
      %dma_wait3A_124 = tpu.memref_slice %arg8[%run_scoped3A_9, %dma_wait3A_123] : memref<2x128xi32, #tpu.memory_space<vmem>> -> memref<1x128xi32, #tpu.memory_space<vmem>>
      %dma_wait3A_125 = tpu.memref_squeeze %dma_wait3A_124 : memref<1x128xi32, #tpu.memory_space<vmem>> -> memref<128xi32, #tpu.memory_space<vmem>>
      %dma_wait3A_126 = tpu.memref_slice %arg5[%run_scoped3A, %add3A_8] : memref<2x320000xi32, #tpu.memory_space<hbm>> -> memref<1x128xi32, #tpu.memory_space<hbm>>
      %dma_wait3A_127 = tpu.memref_squeeze %dma_wait3A_126 : memref<1x128xi32, #tpu.memory_space<hbm>> -> memref<128xi32, #tpu.memory_space<hbm>>
      tpu.wait_dma2 semaphore(%run_scoped3A_107 : memref<!tpu.dma_semaphore, #tpu.memory_space<semaphore_mem>>) src(%dma_wait3A_127 : memref<128xi32, #tpu.memory_space<hbm>>) dst(%dma_wait3A_125 : memref<128xi32, #tpu.memory_space<vmem>>)
      tpu.yield
    }) : () -> ()
    %run_scoped3A_10 = arith.constant 1 : i32
    %run_scoped3A_11 = arith.constant 0 : i32
    "tpu.region"() ({
      %run_scoped3A_107 = tpu.sem_alloc : memref<!tpu.dma_semaphore, #tpu.memory_space<semaphore_mem>>
      %dma_start3A_108 = arith.constant 0 : i32
      %dma_start3A_109 = tpu.memref_slice %arg9[%run_scoped3A_11, %dma_start3A_108] : memref<2x128xi32, #tpu.memory_space<vmem>> -> memref<1x128xi32, #tpu.memory_space<vmem>>
      %dma_start3A_110 = tpu.memref_squeeze %dma_start3A_109 : memref<1x128xi32, #tpu.memory_space<vmem>> -> memref<128xi32, #tpu.memory_space<vmem>>
      %dma_start3A_111 = tpu.memref_slice %arg5[%run_scoped3A_10, %add3A_8] : memref<2x320000xi32, #tpu.memory_space<hbm>> -> memref<1x128xi32, #tpu.memory_space<hbm>>
      %dma_start3A_112 = tpu.memref_squeeze %dma_start3A_111 : memref<1x128xi32, #tpu.memory_space<hbm>> -> memref<128xi32, #tpu.memory_space<hbm>>
      %dma_start3A_113 = arith.constant 0 : i32
      %dma_start3A_114 = tpu.memref_slice %arg9[%run_scoped3A_11, %dma_start3A_113] : memref<2x128xi32, #tpu.memory_space<vmem>> -> memref<1x128xi32, #tpu.memory_space<vmem>>
      %dma_start3A_115 = tpu.memref_squeeze %dma_start3A_114 : memref<1x128xi32, #tpu.memory_space<vmem>> -> memref<128xi32, #tpu.memory_space<vmem>>
      %dma_start3A_116 = tpu.memref_slice %arg5[%run_scoped3A_10, %add3A_8] : memref<2x320000xi32, #tpu.memory_space<hbm>> -> memref<1x128xi32, #tpu.memory_space<hbm>>
      %dma_start3A_117 = tpu.memref_squeeze %dma_start3A_116 : memref<1x128xi32, #tpu.memory_space<hbm>> -> memref<128xi32, #tpu.memory_space<hbm>>
      tpu.enqueue_dma source(%dma_start3A_117 : memref<128xi32, #tpu.memory_space<hbm>>) target(%dma_start3A_115 : memref<128xi32, #tpu.memory_space<vmem>>) target_semaphore(%run_scoped3A_107 : memref<!tpu.dma_semaphore, #tpu.memory_space<semaphore_mem>>)
      %dma_wait3A_118 = arith.constant 0 : i32
      %dma_wait3A_119 = tpu.memref_slice %arg9[%run_scoped3A_11, %dma_wait3A_118] : memref<2x128xi32, #tpu.memory_space<vmem>> -> memref<1x128xi32, #tpu.memory_space<vmem>>
      %dma_wait3A_120 = tpu.memref_squeeze %dma_wait3A_119 : memref<1x128xi32, #tpu.memory_space<vmem>> -> memref<128xi32, #tpu.memory_space<vmem>>
      %dma_wait3A_121 = tpu.memref_slice %arg5[%run_scoped3A_10, %add3A_8] : memref<2x320000xi32, #tpu.memory_space<hbm>> -> memref<1x128xi32, #tpu.memory_space<hbm>>
      %dma_wait3A_122 = tpu.memref_squeeze %dma_wait3A_121 : memref<1x128xi32, #tpu.memory_space<hbm>> -> memref<128xi32, #tpu.memory_space<hbm>>
      %dma_wait3A_123 = arith.constant 0 : i32
      %dma_wait3A_124 = tpu.memref_slice %arg9[%run_scoped3A_11, %dma_wait3A_123] : memref<2x128xi32, #tpu.memory_space<vmem>> -> memref<1x128xi32, #tpu.memory_space<vmem>>
      %dma_wait3A_125 = tpu.memref_squeeze %dma_wait3A_124 : memref<1x128xi32, #tpu.memory_space<vmem>> -> memref<128xi32, #tpu.memory_space<vmem>>
      %dma_wait3A_126 = tpu.memref_slice %arg5[%run_scoped3A_10, %add3A_8] : memref<2x320000xi32, #tpu.memory_space<hbm>> -> memref<1x128xi32, #tpu.memory_space<hbm>>
      %dma_wait3A_127 = tpu.memref_squeeze %dma_wait3A_126 : memref<1x128xi32, #tpu.memory_space<hbm>> -> memref<128xi32, #tpu.memory_space<hbm>>
      tpu.wait_dma2 semaphore(%run_scoped3A_107 : memref<!tpu.dma_semaphore, #tpu.memory_space<semaphore_mem>>) src(%dma_wait3A_127 : memref<128xi32, #tpu.memory_space<hbm>>) dst(%dma_wait3A_125 : memref<128xi32, #tpu.memory_space<vmem>>)
      tpu.yield
    }) : () -> ()
    %add3A_12 = arith.constant 0 : i32
    %add3A_13 = arith.addi %add3A_12, %add3A : i32
    %mul3A_14 = arith.constant 128 : i32
    %mul3A_15 = arith.muli %add3A_13, %mul3A_14 : i32
    %dma_start3A = arith.constant 0 : i32
    %dma_start3A_16 = arith.constant 0 : i32
    %dma_start3A_17 = arith.constant 0 : i32
    %dma_start3A_18 = arith.constant 0 : i32
    %dma_start3A_19 = arith.constant 0 : i32
    %dma_start3A_20 = tpu.memref_slice %arg11[%dma_start3A_16, %dma_start3A_18, %dma_start3A_19] : memref<2x128x128xf32, #tpu.memory_space<vmem>> -> memref<1x128x128xf32, #tpu.memory_space<vmem>>
    %dma_start3A_21 = tpu.memref_squeeze %dma_start3A_20 : memref<1x128x128xf32, #tpu.memory_space<vmem>> -> memref<128x128xf32, #tpu.memory_space<vmem>>
    %dma_start3A_22 = arith.constant 0 : i32
    %dma_start3A_23 = tpu.memref_slice %arg8[%dma_start3A, %dma_start3A_22] : memref<2x128xi32, #tpu.memory_space<vmem>> -> memref<1x128xi32, #tpu.memory_space<vmem>>
    %dma_start3A_24 = tpu.memref_squeeze %dma_start3A_23 : memref<1x128xi32, #tpu.memory_space<vmem>> -> memref<128xi32, #tpu.memory_space<vmem>>
    %dma_start3A_25 = arith.constant 0 : i32
    %dma_start3A_26 = arith.constant 0 : i32
    %dma_start3A_27 = tpu.memref_slice %arg2[%dma_start3A_25, %dma_start3A_26] : memref<10000x128xf32, #tpu.memory_space<hbm>> -> memref<10000x128xf32, #tpu.memory_space<hbm>>
    %dma_start3A_28 = tpu.memref_slice %arg15[%dma_start3A_17] : memref<2x!tpu.dma_semaphore, #tpu.memory_space<semaphore_mem>> -> memref<1x!tpu.dma_semaphore, #tpu.memory_space<semaphore_mem>>
    %dma_start3A_29 = tpu.memref_squeeze %dma_start3A_28 : memref<1x!tpu.dma_semaphore, #tpu.memory_space<semaphore_mem>> -> memref<!tpu.dma_semaphore, #tpu.memory_space<semaphore_mem>>
    tpu.enqueue_indirect_dma source(%dma_start3A_27 : memref<10000x128xf32, #tpu.memory_space<hbm>>) target(%dma_start3A_21 : memref<128x128xf32, #tpu.memory_space<vmem>>) offsets(%dma_start3A_24 : memref<128xi32, #tpu.memory_space<vmem>>) semaphore(%dma_start3A_29 : memref<!tpu.dma_semaphore, #tpu.memory_space<semaphore_mem>>)
    %dma_start3A_30 = arith.constant 0 : i32
    %dma_start3A_31 = arith.constant 0 : i32
    %dma_start3A_32 = arith.constant 0 : i32
    %dma_start3A_33 = arith.constant 0 : i32
    %dma_start3A_34 = arith.constant 0 : i32
    %dma_start3A_35 = tpu.memref_slice %arg12[%dma_start3A_31, %dma_start3A_33, %dma_start3A_34] : memref<2x128x128xf32, #tpu.memory_space<vmem>> -> memref<1x128x128xf32, #tpu.memory_space<vmem>>
    %dma_start3A_36 = tpu.memref_squeeze %dma_start3A_35 : memref<1x128x128xf32, #tpu.memory_space<vmem>> -> memref<128x128xf32, #tpu.memory_space<vmem>>
    %dma_start3A_37 = arith.constant 0 : i32
    %dma_start3A_38 = tpu.memref_slice %arg9[%dma_start3A_30, %dma_start3A_37] : memref<2x128xi32, #tpu.memory_space<vmem>> -> memref<1x128xi32, #tpu.memory_space<vmem>>
    %dma_start3A_39 = tpu.memref_squeeze %dma_start3A_38 : memref<1x128xi32, #tpu.memory_space<vmem>> -> memref<128xi32, #tpu.memory_space<vmem>>
    %dma_start3A_40 = arith.constant 0 : i32
    %dma_start3A_41 = arith.constant 0 : i32
    %dma_start3A_42 = tpu.memref_slice %arg3[%dma_start3A_40, %dma_start3A_41] : memref<10000x128xf32, #tpu.memory_space<hbm>> -> memref<10000x128xf32, #tpu.memory_space<hbm>>
    %dma_start3A_43 = tpu.memref_slice %arg16[%dma_start3A_32] : memref<2x!tpu.dma_semaphore, #tpu.memory_space<semaphore_mem>> -> memref<1x!tpu.dma_semaphore, #tpu.memory_space<semaphore_mem>>
    %dma_start3A_44 = tpu.memref_squeeze %dma_start3A_43 : memref<1x!tpu.dma_semaphore, #tpu.memory_space<semaphore_mem>> -> memref<!tpu.dma_semaphore, #tpu.memory_space<semaphore_mem>>
    tpu.enqueue_indirect_dma source(%dma_start3A_42 : memref<10000x128xf32, #tpu.memory_space<hbm>>) target(%dma_start3A_36 : memref<128x128xf32, #tpu.memory_space<vmem>>) offsets(%dma_start3A_39 : memref<128xi32, #tpu.memory_space<vmem>>) semaphore(%dma_start3A_44 : memref<!tpu.dma_semaphore, #tpu.memory_space<semaphore_mem>>)
    %dma_start3A_45 = arith.constant 0 : i32
    %dma_start3A_46 = arith.constant 0 : i32
    %dma_start3A_47 = arith.constant 0 : i32
    %dma_start3A_48 = arith.constant 0 : i32
    %dma_start3A_49 = tpu.memref_slice %arg13[%dma_start3A_45, %dma_start3A_47, %dma_start3A_48] : memref<2x128x128xf32, #tpu.memory_space<vmem>> -> memref<1x128x128xf32, #tpu.memory_space<vmem>>
    %dma_start3A_50 = tpu.memref_squeeze %dma_start3A_49 : memref<1x128x128xf32, #tpu.memory_space<vmem>> -> memref<128x128xf32, #tpu.memory_space<vmem>>
    %dma_start3A_51 = arith.constant 0 : i32
    %dma_start3A_52 = tpu.memref_slice %arg4[%mul3A_15, %dma_start3A_51] : memref<160000x128xf32, #tpu.memory_space<hbm>> -> memref<128x128xf32, #tpu.memory_space<hbm>>
    %dma_start3A_53 = tpu.memref_slice %arg17[%dma_start3A_46] : memref<2x!tpu.dma_semaphore, #tpu.memory_space<semaphore_mem>> -> memref<1x!tpu.dma_semaphore, #tpu.memory_space<semaphore_mem>>
    %dma_start3A_54 = tpu.memref_squeeze %dma_start3A_53 : memref<1x!tpu.dma_semaphore, #tpu.memory_space<semaphore_mem>> -> memref<!tpu.dma_semaphore, #tpu.memory_space<semaphore_mem>>
    %dma_start3A_55 = arith.constant 0 : i32
    %dma_start3A_56 = arith.constant 0 : i32
    %dma_start3A_57 = tpu.memref_slice %arg13[%dma_start3A_45, %dma_start3A_55, %dma_start3A_56] : memref<2x128x128xf32, #tpu.memory_space<vmem>> -> memref<1x128x128xf32, #tpu.memory_space<vmem>>
    %dma_start3A_58 = tpu.memref_squeeze %dma_start3A_57 : memref<1x128x128xf32, #tpu.memory_space<vmem>> -> memref<128x128xf32, #tpu.memory_space<vmem>>
    %dma_start3A_59 = arith.constant 0 : i32
    %dma_start3A_60 = tpu.memref_slice %arg4[%mul3A_15, %dma_start3A_59] : memref<160000x128xf32, #tpu.memory_space<hbm>> -> memref<128x128xf32, #tpu.memory_space<hbm>>
    tpu.enqueue_dma source(%dma_start3A_60 : memref<128x128xf32, #tpu.memory_space<hbm>>) target(%dma_start3A_58 : memref<128x128xf32, #tpu.memory_space<vmem>>) target_semaphore(%dma_start3A_54 : memref<!tpu.dma_semaphore, #tpu.memory_space<semaphore_mem>>)
    %dma_start3A_61 = arith.constant 0 : i32
    %dma_start3A_62 = arith.constant 0 : i32
    %dma_start3A_63 = arith.constant 0 : i32
    %dma_start3A_64 = arith.constant 0 : i32
    %dma_start3A_65 = tpu.memref_slice %arg10[%dma_start3A_62, %dma_start3A_64] : memref<2x128xi32, #tpu.memory_space<vmem>> -> memref<1x128xi32, #tpu.memory_space<vmem>>
    %dma_start3A_66 = tpu.memref_squeeze %dma_start3A_65 : memref<1x128xi32, #tpu.memory_space<vmem>> -> memref<128xi32, #tpu.memory_space<vmem>>
    %dma_start3A_67 = arith.constant 0 : i32
    %dma_start3A_68 = tpu.memref_slice %arg8[%dma_start3A_61, %dma_start3A_67] : memref<2x128xi32, #tpu.memory_space<vmem>> -> memref<1x128xi32, #tpu.memory_space<vmem>>
    %dma_start3A_69 = tpu.memref_squeeze %dma_start3A_68 : memref<1x128xi32, #tpu.memory_space<vmem>> -> memref<128xi32, #tpu.memory_space<vmem>>
    %dma_start3A_70 = arith.constant 0 : i32
    %dma_start3A_71 = tpu.memref_slice %arg6[%dma_start3A_70] : memref<10000xi32, #tpu.memory_space<hbm>> -> memref<10000xi32, #tpu.memory_space<hbm>>
    %dma_start3A_72 = tpu.memref_slice %arg18[%dma_start3A_63] : memref<2x!tpu.dma_semaphore, #tpu.memory_space<semaphore_mem>> -> memref<1x!tpu.dma_semaphore, #tpu.memory_space<semaphore_mem>>
    %dma_start3A_73 = tpu.memref_squeeze %dma_start3A_72 : memref<1x!tpu.dma_semaphore, #tpu.memory_space<semaphore_mem>> -> memref<!tpu.dma_semaphore, #tpu.memory_space<semaphore_mem>>
    tpu.enqueue_indirect_dma source(%dma_start3A_71 : memref<10000xi32, #tpu.memory_space<hbm>>) target(%dma_start3A_66 : memref<128xi32, #tpu.memory_space<vmem>>) offsets(%dma_start3A_69 : memref<128xi32, #tpu.memory_space<vmem>>) semaphore(%dma_start3A_73 : memref<!tpu.dma_semaphore, #tpu.memory_space<semaphore_mem>>)
    %add3A_74 = arith.constant 32 : i32
    %add3A_75 = arith.addi %add3A_74, %add3A : i32
    %lt3A = arith.constant 1250 : i32
    %lt3A_76 = arith.cmpi slt, %add3A_75, %lt3A : i32
    %convert_element_type3A_77 = arith.extui %lt3A_76 : i1 to i32
    %cond3A_78 = arith.constant 0 : i32
    %cond3A_79 = arith.cmpi ne, %convert_element_type3A_77, %cond3A_78 : i32
    scf.if %cond3A_79 {
      %add3A_107 = arith.constant 32 : i32
      %add3A_108 = arith.addi %add3A_107, %add3A : i32
      %mul3A_109 = arith.constant 128 : i32
      %mul3A_110 = arith.muli %add3A_108, %mul3A_109 : i32
      %add3A_111 = arith.constant 0 : i32
      %add3A_112 = arith.addi %add3A_111, %mul3A_110 : i32
      %dma_start3A_113 = arith.constant 0 : i32
      %dma_start3A_114 = arith.constant 1 : i32
      %dma_start3A_115 = arith.constant 1 : i32
      %dma_start3A_116 = arith.constant 0 : i32
      %dma_start3A_117 = tpu.memref_slice %arg8[%dma_start3A_114, %dma_start3A_116] : memref<2x128xi32, #tpu.memory_space<vmem>> -> memref<1x128xi32, #tpu.memory_space<vmem>>
      %dma_start3A_118 = tpu.memref_squeeze %dma_start3A_117 : memref<1x128xi32, #tpu.memory_space<vmem>> -> memref<128xi32, #tpu.memory_space<vmem>>
      %dma_start3A_119 = tpu.memref_slice %arg5[%dma_start3A_113, %add3A_112] : memref<2x320000xi32, #tpu.memory_space<hbm>> -> memref<1x128xi32, #tpu.memory_space<hbm>>
      %dma_start3A_120 = tpu.memref_squeeze %dma_start3A_119 : memref<1x128xi32, #tpu.memory_space<hbm>> -> memref<128xi32, #tpu.memory_space<hbm>>
      %dma_start3A_121 = tpu.memref_slice %arg19[%dma_start3A_115] : memref<2x!tpu.dma_semaphore, #tpu.memory_space<semaphore_mem>> -> memref<1x!tpu.dma_semaphore, #tpu.memory_space<semaphore_mem>>
      %dma_start3A_122 = tpu.memref_squeeze %dma_start3A_121 : memref<1x!tpu.dma_semaphore, #tpu.memory_space<semaphore_mem>> -> memref<!tpu.dma_semaphore, #tpu.memory_space<semaphore_mem>>
      %dma_start3A_123 = arith.constant 0 : i32
      %dma_start3A_124 = tpu.memref_slice %arg8[%dma_start3A_114, %dma_start3A_123] : memref<2x128xi32, #tpu.memory_space<vmem>> -> memref<1x128xi32, #tpu.memory_space<vmem>>
      %dma_start3A_125 = tpu.memref_squeeze %dma_start3A_124 : memref<1x128xi32, #tpu.memory_space<vmem>> -> memref<128xi32, #tpu.memory_space<vmem>>
      %dma_start3A_126 = tpu.memref_slice %arg5[%dma_start3A_113, %add3A_112] : memref<2x320000xi32, #tpu.memory_space<hbm>> -> memref<1x128xi32, #tpu.memory_space<hbm>>
      %dma_start3A_127 = tpu.memref_squeeze %dma_start3A_126 : memref<1x128xi32, #tpu.memory_space<hbm>> -> memref<128xi32, #tpu.memory_space<hbm>>
      tpu.enqueue_dma source(%dma_start3A_127 : memref<128xi32, #tpu.memory_space<hbm>>) target(%dma_start3A_125 : memref<128xi32, #tpu.memory_space<vmem>>) target_semaphore(%dma_start3A_122 : memref<!tpu.dma_semaphore, #tpu.memory_space<semaphore_mem>>)
      %dma_start3A_128 = arith.constant 1 : i32
      %dma_start3A_129 = arith.constant 1 : i32
      %dma_start3A_130 = arith.constant 1 : i32
      %dma_start3A_131 = arith.constant 0 : i32
      %dma_start3A_132 = tpu.memref_slice %arg9[%dma_start3A_129, %dma_start3A_131] : memref<2x128xi32, #tpu.memory_space<vmem>> -> memref<1x128xi32, #tpu.memory_space<vmem>>
      %dma_start3A_133 = tpu.memref_squeeze %dma_start3A_132 : memref<1x128xi32, #tpu.memory_space<vmem>> -> memref<128xi32, #tpu.memory_space<vmem>>
      %dma_start3A_134 = tpu.memref_slice %arg5[%dma_start3A_128, %add3A_112] : memref<2x320000xi32, #tpu.memory_space<hbm>> -> memref<1x128xi32, #tpu.memory_space<hbm>>
      %dma_start3A_135 = tpu.memref_squeeze %dma_start3A_134 : memref<1x128xi32, #tpu.memory_space<hbm>> -> memref<128xi32, #tpu.memory_space<hbm>>
      %dma_start3A_136 = tpu.memref_slice %arg19[%dma_start3A_130] : memref<2x!tpu.dma_semaphore, #tpu.memory_space<semaphore_mem>> -> memref<1x!tpu.dma_semaphore, #tpu.memory_space<semaphore_mem>>
      %dma_start3A_137 = tpu.memref_squeeze %dma_start3A_136 : memref<1x!tpu.dma_semaphore, #tpu.memory_space<semaphore_mem>> -> memref<!tpu.dma_semaphore, #tpu.memory_space<semaphore_mem>>
      %dma_start3A_138 = arith.constant 0 : i32
      %dma_start3A_139 = tpu.memref_slice %arg9[%dma_start3A_129, %dma_start3A_138] : memref<2x128xi32, #tpu.memory_space<vmem>> -> memref<1x128xi32, #tpu.memory_space<vmem>>
      %dma_start3A_140 = tpu.memref_squeeze %dma_start3A_139 : memref<1x128xi32, #tpu.memory_space<vmem>> -> memref<128xi32, #tpu.memory_space<vmem>>
      %dma_start3A_141 = tpu.memref_slice %arg5[%dma_start3A_128, %add3A_112] : memref<2x320000xi32, #tpu.memory_space<hbm>> -> memref<1x128xi32, #tpu.memory_space<hbm>>
      %dma_start3A_142 = tpu.memref_squeeze %dma_start3A_141 : memref<1x128xi32, #tpu.memory_space<hbm>> -> memref<128xi32, #tpu.memory_space<hbm>>
      tpu.enqueue_dma source(%dma_start3A_142 : memref<128xi32, #tpu.memory_space<hbm>>) target(%dma_start3A_140 : memref<128xi32, #tpu.memory_space<vmem>>) target_semaphore(%dma_start3A_137 : memref<!tpu.dma_semaphore, #tpu.memory_space<semaphore_mem>>)
    } else {
    }
    %scan3A = arith.constant 0 : i32
    %scan3A_80 = arith.constant 0 : i32
    %scan3A_81 = arith.constant 20 : i32
    %scan3A_82 = arith.addi %scan3A_80, %scan3A_81 : i32
    %scan3A_83 = arith.constant 1 : i32
    %scan3A_84 = scf.for %scan3A_107 = %scan3A_80 to %scan3A_82 step %scan3A_83 iter_args(%scan3A_108 = %scan3A) -> (i32)  : i32 {
      %mul3A_109 = arith.constant 2 : i32
      %mul3A_110 = arith.muli %scan3A_107, %mul3A_109 : i32
      %mul3A_111 = arith.constant 32 : i32
      %mul3A_112 = arith.muli %mul3A_110, %mul3A_111 : i32
      %add3A_113 = arith.addi %mul3A_112, %add3A : i32
      %lt3A_114 = arith.constant 1250 : i32
      %lt3A_115 = arith.cmpi slt, %add3A_113, %lt3A_114 : i32
      %convert_element_type3A_116 = arith.extui %lt3A_115 : i1 to i32
      %cond3A_117 = arith.constant 0 : i32
      %cond3A_118 = arith.cmpi ne, %convert_element_type3A_116, %cond3A_117 : i32
      scf.if %cond3A_118 {
        %ge3A = arith.constant 1 : i32
        %ge3A_132 = arith.cmpi sge, %mul3A_110, %ge3A : i32
        %convert_element_type3A_133 = arith.extui %ge3A_132 : i1 to i32
        %cond3A_134 = arith.constant 0 : i32
        %cond3A_135 = arith.cmpi ne, %convert_element_type3A_133, %cond3A_134 : i32
        scf.if %cond3A_135 {
          %dma_wait3A_239 = arith.constant 1 : i32
          %dma_wait3A_240 = arith.constant 1 : i32
          %dma_wait3A_241 = arith.constant 1 : i32
          %dma_wait3A_242 = arith.constant 0 : i32
          %dma_wait3A_243 = arith.constant 0 : i32
          %dma_wait3A_244 = tpu.memref_slice %arg11[%dma_wait3A_239, %dma_wait3A_242, %dma_wait3A_243] : memref<2x128x128xf32, #tpu.memory_space<vmem>> -> memref<1x128x128xf32, #tpu.memory_space<vmem>>
          %dma_wait3A_245 = tpu.memref_squeeze %dma_wait3A_244 : memref<1x128x128xf32, #tpu.memory_space<vmem>> -> memref<128x128xf32, #tpu.memory_space<vmem>>
          %dma_wait3A_246 = arith.constant 0 : i32
          %dma_wait3A_247 = tpu.memref_slice %arg10[%dma_wait3A_240, %dma_wait3A_246] : memref<2x128xi32, #tpu.memory_space<vmem>> -> memref<1x128xi32, #tpu.memory_space<vmem>>
          %dma_wait3A_248 = tpu.memref_squeeze %dma_wait3A_247 : memref<1x128xi32, #tpu.memory_space<vmem>> -> memref<128xi32, #tpu.memory_space<vmem>>
          %dma_wait3A_249 = arith.constant 0 : i32
          %dma_wait3A_250 = arith.constant 0 : i32
          %dma_wait3A_251 = tpu.memref_slice %arg14[%dma_wait3A_249, %dma_wait3A_250] : memref<64x128xf32, #tpu.memory_space<vmem_shared>> -> memref<64x128xf32, #tpu.memory_space<vmem_shared>>
          %dma_wait3A_252 = tpu.memref_slice %arg20[%dma_wait3A_241] : memref<2x!tpu.dma_semaphore, #tpu.memory_space<semaphore_mem>> -> memref<1x!tpu.dma_semaphore, #tpu.memory_space<semaphore_mem>>
          %dma_wait3A_253 = tpu.memref_squeeze %dma_wait3A_252 : memref<1x!tpu.dma_semaphore, #tpu.memory_space<semaphore_mem>> -> memref<!tpu.dma_semaphore, #tpu.memory_space<semaphore_mem>>
          tpu.wait_indirect_dma semaphore(%dma_wait3A_253 : memref<!tpu.dma_semaphore, #tpu.memory_space<semaphore_mem>>) src(%dma_wait3A_245 : memref<128x128xf32, #tpu.memory_space<vmem>>) dst(%dma_wait3A_251 : memref<64x128xf32, #tpu.memory_space<vmem_shared>>)
        } else {
        }
        %add3A_136 = arith.constant 1 : i32
        %add3A_137 = arith.addi %mul3A_110, %add3A_136 : i32
        %mul3A_138 = arith.constant 32 : i32
        %mul3A_139 = arith.muli %add3A_137, %mul3A_138 : i32
        %add3A_140 = arith.addi %mul3A_139, %add3A : i32
        %lt3A_141 = arith.constant 1250 : i32
        %lt3A_142 = arith.cmpi slt, %add3A_140, %lt3A_141 : i32
        %convert_element_type3A_143 = arith.extui %lt3A_142 : i1 to i32
        %cond3A_144 = arith.constant 0 : i32
        %cond3A_145 = arith.cmpi ne, %convert_element_type3A_143, %cond3A_144 : i32
        scf.if %cond3A_145 {
          %dma_wait3A_239 = arith.constant 0 : i32
          %dma_wait3A_240 = arith.constant 1 : i32
          %dma_wait3A_241 = arith.constant 1 : i32
          %dma_wait3A_242 = arith.constant 0 : i32
          %dma_wait3A_243 = tpu.memref_slice %arg8[%dma_wait3A_240, %dma_wait3A_242] : memref<2x128xi32, #tpu.memory_space<vmem>> -> memref<1x128xi32, #tpu.memory_space<vmem>>
          %dma_wait3A_244 = tpu.memref_squeeze %dma_wait3A_243 : memref<1x128xi32, #tpu.memory_space<vmem>> -> memref<128xi32, #tpu.memory_space<vmem>>
          %dma_wait3A_245 = arith.constant 0 : i32
          %dma_wait3A_246 = tpu.memref_slice %arg5[%dma_wait3A_239, %dma_wait3A_245] : memref<2x320000xi32, #tpu.memory_space<hbm>> -> memref<1x128xi32, #tpu.memory_space<hbm>>
          %dma_wait3A_247 = tpu.memref_squeeze %dma_wait3A_246 : memref<1x128xi32, #tpu.memory_space<hbm>> -> memref<128xi32, #tpu.memory_space<hbm>>
          %dma_wait3A_248 = tpu.memref_slice %arg19[%dma_wait3A_241] : memref<2x!tpu.dma_semaphore, #tpu.memory_space<semaphore_mem>> -> memref<1x!tpu.dma_semaphore, #tpu.memory_space<semaphore_mem>>
          %dma_wait3A_249 = tpu.memref_squeeze %dma_wait3A_248 : memref<1x!tpu.dma_semaphore, #tpu.memory_space<semaphore_mem>> -> memref<!tpu.dma_semaphore, #tpu.memory_space<semaphore_mem>>
          %dma_wait3A_250 = arith.constant 0 : i32
          %dma_wait3A_251 = tpu.memref_slice %arg8[%dma_wait3A_240, %dma_wait3A_250] : memref<2x128xi32, #tpu.memory_space<vmem>> -> memref<1x128xi32, #tpu.memory_space<vmem>>
          %dma_wait3A_252 = tpu.memref_squeeze %dma_wait3A_251 : memref<1x128xi32, #tpu.memory_space<vmem>> -> memref<128xi32, #tpu.memory_space<vmem>>
          %dma_wait3A_253 = arith.constant 0 : i32
          %dma_wait3A_254 = tpu.memref_slice %arg5[%dma_wait3A_239, %dma_wait3A_253] : memref<2x320000xi32, #tpu.memory_space<hbm>> -> memref<1x128xi32, #tpu.memory_space<hbm>>
          %dma_wait3A_255 = tpu.memref_squeeze %dma_wait3A_254 : memref<1x128xi32, #tpu.memory_space<hbm>> -> memref<128xi32, #tpu.memory_space<hbm>>
          tpu.wait_dma2 semaphore(%dma_wait3A_249 : memref<!tpu.dma_semaphore, #tpu.memory_space<semaphore_mem>>) src(%dma_wait3A_255 : memref<128xi32, #tpu.memory_space<hbm>>) dst(%dma_wait3A_252 : memref<128xi32, #tpu.memory_space<vmem>>)
          %dma_wait3A_256 = arith.constant 1 : i32
          %dma_wait3A_257 = arith.constant 1 : i32
          %dma_wait3A_258 = arith.constant 1 : i32
          %dma_wait3A_259 = arith.constant 0 : i32
          %dma_wait3A_260 = tpu.memref_slice %arg9[%dma_wait3A_257, %dma_wait3A_259] : memref<2x128xi32, #tpu.memory_space<vmem>> -> memref<1x128xi32, #tpu.memory_space<vmem>>
          %dma_wait3A_261 = tpu.memref_squeeze %dma_wait3A_260 : memref<1x128xi32, #tpu.memory_space<vmem>> -> memref<128xi32, #tpu.memory_space<vmem>>
          %dma_wait3A_262 = arith.constant 0 : i32
          %dma_wait3A_263 = tpu.memref_slice %arg5[%dma_wait3A_256, %dma_wait3A_262] : memref<2x320000xi32, #tpu.memory_space<hbm>> -> memref<1x128xi32, #tpu.memory_space<hbm>>
          %dma_wait3A_264 = tpu.memref_squeeze %dma_wait3A_263 : memref<1x128xi32, #tpu.memory_space<hbm>> -> memref<128xi32, #tpu.memory_space<hbm>>
          %dma_wait3A_265 = tpu.memref_slice %arg19[%dma_wait3A_258] : memref<2x!tpu.dma_semaphore, #tpu.memory_space<semaphore_mem>> -> memref<1x!tpu.dma_semaphore, #tpu.memory_space<semaphore_mem>>
          %dma_wait3A_266 = tpu.memref_squeeze %dma_wait3A_265 : memref<1x!tpu.dma_semaphore, #tpu.memory_space<semaphore_mem>> -> memref<!tpu.dma_semaphore, #tpu.memory_space<semaphore_mem>>
          %dma_wait3A_267 = arith.constant 0 : i32
          %dma_wait3A_268 = tpu.memref_slice %arg9[%dma_wait3A_257, %dma_wait3A_267] : memref<2x128xi32, #tpu.memory_space<vmem>> -> memref<1x128xi32, #tpu.memory_space<vmem>>
          %dma_wait3A_269 = tpu.memref_squeeze %dma_wait3A_268 : memref<1x128xi32, #tpu.memory_space<vmem>> -> memref<128xi32, #tpu.memory_space<vmem>>
          %dma_wait3A_270 = arith.constant 0 : i32
          %dma_wait3A_271 = tpu.memref_slice %arg5[%dma_wait3A_256, %dma_wait3A_270] : memref<2x320000xi32, #tpu.memory_space<hbm>> -> memref<1x128xi32, #tpu.memory_space<hbm>>
          %dma_wait3A_272 = tpu.memref_squeeze %dma_wait3A_271 : memref<1x128xi32, #tpu.memory_space<hbm>> -> memref<128xi32, #tpu.memory_space<hbm>>
          tpu.wait_dma2 semaphore(%dma_wait3A_266 : memref<!tpu.dma_semaphore, #tpu.memory_space<semaphore_mem>>) src(%dma_wait3A_272 : memref<128xi32, #tpu.memory_space<hbm>>) dst(%dma_wait3A_269 : memref<128xi32, #tpu.memory_space<vmem>>)
          %add3A_273 = arith.constant 1 : i32
          %add3A_274 = arith.addi %mul3A_110, %add3A_273 : i32
          %mul3A_275 = arith.constant 32 : i32
          %mul3A_276 = arith.muli %add3A_274, %mul3A_275 : i32
          %add3A_277 = arith.addi %mul3A_276, %add3A : i32
          %mul3A_278 = arith.constant 128 : i32
          %mul3A_279 = arith.muli %add3A_277, %mul3A_278 : i32
          %dma_start3A_280 = arith.constant 1 : i32
          %dma_start3A_281 = arith.constant 1 : i32
          %dma_start3A_282 = arith.constant 1 : i32
          %dma_start3A_283 = arith.constant 0 : i32
          %dma_start3A_284 = arith.constant 0 : i32
          %dma_start3A_285 = tpu.memref_slice %arg11[%dma_start3A_281, %dma_start3A_283, %dma_start3A_284] : memref<2x128x128xf32, #tpu.memory_space<vmem>> -> memref<1x128x128xf32, #tpu.memory_space<vmem>>
          %dma_start3A_286 = tpu.memref_squeeze %dma_start3A_285 : memref<1x128x128xf32, #tpu.memory_space<vmem>> -> memref<128x128xf32, #tpu.memory_space<vmem>>
          %dma_start3A_287 = arith.constant 0 : i32
          %dma_start3A_288 = tpu.memref_slice %arg8[%dma_start3A_280, %dma_start3A_287] : memref<2x128xi32, #tpu.memory_space<vmem>> -> memref<1x128xi32, #tpu.memory_space<vmem>>
          %dma_start3A_289 = tpu.memref_squeeze %dma_start3A_288 : memref<1x128xi32, #tpu.memory_space<vmem>> -> memref<128xi32, #tpu.memory_space<vmem>>
          %dma_start3A_290 = arith.constant 0 : i32
          %dma_start3A_291 = arith.constant 0 : i32
          %dma_start3A_292 = tpu.memref_slice %arg2[%dma_start3A_290, %dma_start3A_291] : memref<10000x128xf32, #tpu.memory_space<hbm>> -> memref<10000x128xf32, #tpu.memory_space<hbm>>
          %dma_start3A_293 = tpu.memref_slice %arg15[%dma_start3A_282] : memref<2x!tpu.dma_semaphore, #tpu.memory_space<semaphore_mem>> -> memref<1x!tpu.dma_semaphore, #tpu.memory_space<semaphore_mem>>
          %dma_start3A_294 = tpu.memref_squeeze %dma_start3A_293 : memref<1x!tpu.dma_semaphore, #tpu.memory_space<semaphore_mem>> -> memref<!tpu.dma_semaphore, #tpu.memory_space<semaphore_mem>>
          tpu.enqueue_indirect_dma source(%dma_start3A_292 : memref<10000x128xf32, #tpu.memory_space<hbm>>) target(%dma_start3A_286 : memref<128x128xf32, #tpu.memory_space<vmem>>) offsets(%dma_start3A_289 : memref<128xi32, #tpu.memory_space<vmem>>) semaphore(%dma_start3A_294 : memref<!tpu.dma_semaphore, #tpu.memory_space<semaphore_mem>>)
          %dma_start3A_295 = arith.constant 1 : i32
          %dma_start3A_296 = arith.constant 1 : i32
          %dma_start3A_297 = arith.constant 1 : i32
          %dma_start3A_298 = arith.constant 0 : i32
          %dma_start3A_299 = arith.constant 0 : i32
          %dma_start3A_300 = tpu.memref_slice %arg12[%dma_start3A_296, %dma_start3A_298, %dma_start3A_299] : memref<2x128x128xf32, #tpu.memory_space<vmem>> -> memref<1x128x128xf32, #tpu.memory_space<vmem>>
          %dma_start3A_301 = tpu.memref_squeeze %dma_start3A_300 : memref<1x128x128xf32, #tpu.memory_space<vmem>> -> memref<128x128xf32, #tpu.memory_space<vmem>>
          %dma_start3A_302 = arith.constant 0 : i32
          %dma_start3A_303 = tpu.memref_slice %arg9[%dma_start3A_295, %dma_start3A_302] : memref<2x128xi32, #tpu.memory_space<vmem>> -> memref<1x128xi32, #tpu.memory_space<vmem>>
          %dma_start3A_304 = tpu.memref_squeeze %dma_start3A_303 : memref<1x128xi32, #tpu.memory_space<vmem>> -> memref<128xi32, #tpu.memory_space<vmem>>
          %dma_start3A_305 = arith.constant 0 : i32
          %dma_start3A_306 = arith.constant 0 : i32
          %dma_start3A_307 = tpu.memref_slice %arg3[%dma_start3A_305, %dma_start3A_306] : memref<10000x128xf32, #tpu.memory_space<hbm>> -> memref<10000x128xf32, #tpu.memory_space<hbm>>
          %dma_start3A_308 = tpu.memref_slice %arg16[%dma_start3A_297] : memref<2x!tpu.dma_semaphore, #tpu.memory_space<semaphore_mem>> -> memref<1x!tpu.dma_semaphore, #tpu.memory_space<semaphore_mem>>
          %dma_start3A_309 = tpu.memref_squeeze %dma_start3A_308 : memref<1x!tpu.dma_semaphore, #tpu.memory_space<semaphore_mem>> -> memref<!tpu.dma_semaphore, #tpu.memory_space<semaphore_mem>>
          tpu.enqueue_indirect_dma source(%dma_start3A_307 : memref<10000x128xf32, #tpu.memory_space<hbm>>) target(%dma_start3A_301 : memref<128x128xf32, #tpu.memory_space<vmem>>) offsets(%dma_start3A_304 : memref<128xi32, #tpu.memory_space<vmem>>) semaphore(%dma_start3A_309 : memref<!tpu.dma_semaphore, #tpu.memory_space<semaphore_mem>>)
          %dma_start3A_310 = arith.constant 1 : i32
          %dma_start3A_311 = arith.constant 1 : i32
          %dma_start3A_312 = arith.constant 0 : i32
          %dma_start3A_313 = arith.constant 0 : i32
          %dma_start3A_314 = tpu.memref_slice %arg13[%dma_start3A_310, %dma_start3A_312, %dma_start3A_313] : memref<2x128x128xf32, #tpu.memory_space<vmem>> -> memref<1x128x128xf32, #tpu.memory_space<vmem>>
          %dma_start3A_315 = tpu.memref_squeeze %dma_start3A_314 : memref<1x128x128xf32, #tpu.memory_space<vmem>> -> memref<128x128xf32, #tpu.memory_space<vmem>>
          %dma_start3A_316 = arith.constant 0 : i32
          %dma_start3A_317 = tpu.memref_slice %arg4[%mul3A_279, %dma_start3A_316] : memref<160000x128xf32, #tpu.memory_space<hbm>> -> memref<128x128xf32, #tpu.memory_space<hbm>>
          %dma_start3A_318 = tpu.memref_slice %arg17[%dma_start3A_311] : memref<2x!tpu.dma_semaphore, #tpu.memory_space<semaphore_mem>> -> memref<1x!tpu.dma_semaphore, #tpu.memory_space<semaphore_mem>>
          %dma_start3A_319 = tpu.memref_squeeze %dma_start3A_318 : memref<1x!tpu.dma_semaphore, #tpu.memory_space<semaphore_mem>> -> memref<!tpu.dma_semaphore, #tpu.memory_space<semaphore_mem>>
          %dma_start3A_320 = arith.constant 0 : i32
          %dma_start3A_321 = arith.constant 0 : i32
          %dma_start3A_322 = tpu.memref_slice %arg13[%dma_start3A_310, %dma_start3A_320, %dma_start3A_321] : memref<2x128x128xf32, #tpu.memory_space<vmem>> -> memref<1x128x128xf32, #tpu.memory_space<vmem>>
          %dma_start3A_323 = tpu.memref_squeeze %dma_start3A_322 : memref<1x128x128xf32, #tpu.memory_space<vmem>> -> memref<128x128xf32, #tpu.memory_space<vmem>>
          %dma_start3A_324 = arith.constant 0 : i32
          %dma_start3A_325 = tpu.memref_slice %arg4[%mul3A_279, %dma_start3A_324] : memref<160000x128xf32, #tpu.memory_space<hbm>> -> memref<128x128xf32, #tpu.memory_space<hbm>>
          tpu.enqueue_dma source(%dma_start3A_325 : memref<128x128xf32, #tpu.memory_space<hbm>>) target(%dma_start3A_323 : memref<128x128xf32, #tpu.memory_space<vmem>>) target_semaphore(%dma_start3A_319 : memref<!tpu.dma_semaphore, #tpu.memory_space<semaphore_mem>>)
          %dma_start3A_326 = arith.constant 1 : i32
          %dma_start3A_327 = arith.constant 1 : i32
          %dma_start3A_328 = arith.constant 1 : i32
          %dma_start3A_329 = arith.constant 0 : i32
          %dma_start3A_330 = tpu.memref_slice %arg10[%dma_start3A_327, %dma_start3A_329] : memref<2x128xi32, #tpu.memory_space<vmem>> -> memref<1x128xi32, #tpu.memory_space<vmem>>
          %dma_start3A_331 = tpu.memref_squeeze %dma_start3A_330 : memref<1x128xi32, #tpu.memory_space<vmem>> -> memref<128xi32, #tpu.memory_space<vmem>>
          %dma_start3A_332 = arith.constant 0 : i32
          %dma_start3A_333 = tpu.memref_slice %arg8[%dma_start3A_326, %dma_start3A_332] : memref<2x128xi32, #tpu.memory_space<vmem>> -> memref<1x128xi32, #tpu.memory_space<vmem>>
          %dma_start3A_334 = tpu.memref_squeeze %dma_start3A_333 : memref<1x128xi32, #tpu.memory_space<vmem>> -> memref<128xi32, #tpu.memory_space<vmem>>
          %dma_start3A_335 = arith.constant 0 : i32
          %dma_start3A_336 = tpu.memref_slice %arg6[%dma_start3A_335] : memref<10000xi32, #tpu.memory_space<hbm>> -> memref<10000xi32, #tpu.memory_space<hbm>>
          %dma_start3A_337 = tpu.memref_slice %arg18[%dma_start3A_328] : memref<2x!tpu.dma_semaphore, #tpu.memory_space<semaphore_mem>> -> memref<1x!tpu.dma_semaphore, #tpu.memory_space<semaphore_mem>>
          %dma_start3A_338 = tpu.memref_squeeze %dma_start3A_337 : memref<1x!tpu.dma_semaphore, #tpu.memory_space<semaphore_mem>> -> memref<!tpu.dma_semaphore, #tpu.memory_space<semaphore_mem>>
          tpu.enqueue_indirect_dma source(%dma_start3A_336 : memref<10000xi32, #tpu.memory_space<hbm>>) target(%dma_start3A_331 : memref<128xi32, #tpu.memory_space<vmem>>) offsets(%dma_start3A_334 : memref<128xi32, #tpu.memory_space<vmem>>) semaphore(%dma_start3A_338 : memref<!tpu.dma_semaphore, #tpu.memory_space<semaphore_mem>>)
        } else {
        }
        %dma_wait3A_146 = arith.constant 0 : i32
        %dma_wait3A_147 = arith.constant 0 : i32
        %dma_wait3A_148 = arith.constant 0 : i32
        %dma_wait3A_149 = arith.constant 0 : i32
        %dma_wait3A_150 = arith.constant 0 : i32
        %dma_wait3A_151 = tpu.memref_slice %arg11[%dma_wait3A_147, %dma_wait3A_149, %dma_wait3A_150] : memref<2x128x128xf32, #tpu.memory_space<vmem>> -> memref<1x128x128xf32, #tpu.memory_space<vmem>>
        %dma_wait3A_152 = tpu.memref_squeeze %dma_wait3A_151 : memref<1x128x128xf32, #tpu.memory_space<vmem>> -> memref<128x128xf32, #tpu.memory_space<vmem>>
        %dma_wait3A_153 = arith.constant 0 : i32
        %dma_wait3A_154 = tpu.memref_slice %arg8[%dma_wait3A_146, %dma_wait3A_153] : memref<2x128xi32, #tpu.memory_space<vmem>> -> memref<1x128xi32, #tpu.memory_space<vmem>>
        %dma_wait3A_155 = tpu.memref_squeeze %dma_wait3A_154 : memref<1x128xi32, #tpu.memory_space<vmem>> -> memref<128xi32, #tpu.memory_space<vmem>>
        %dma_wait3A_156 = arith.constant 0 : i32
        %dma_wait3A_157 = arith.constant 0 : i32
        %dma_wait3A_158 = tpu.memref_slice %arg2[%dma_wait3A_156, %dma_wait3A_157] : memref<10000x128xf32, #tpu.memory_space<hbm>> -> memref<10000x128xf32, #tpu.memory_space<hbm>>
        %dma_wait3A_159 = tpu.memref_slice %arg15[%dma_wait3A_148] : memref<2x!tpu.dma_semaphore, #tpu.memory_space<semaphore_mem>> -> memref<1x!tpu.dma_semaphore, #tpu.memory_space<semaphore_mem>>
        %dma_wait3A_160 = tpu.memref_squeeze %dma_wait3A_159 : memref<1x!tpu.dma_semaphore, #tpu.memory_space<semaphore_mem>> -> memref<!tpu.dma_semaphore, #tpu.memory_space<semaphore_mem>>
        tpu.wait_indirect_dma semaphore(%dma_wait3A_160 : memref<!tpu.dma_semaphore, #tpu.memory_space<semaphore_mem>>) src(%dma_wait3A_158 : memref<10000x128xf32, #tpu.memory_space<hbm>>) dst(%dma_wait3A_152 : memref<128x128xf32, #tpu.memory_space<vmem>>)
        %dma_wait3A_161 = arith.constant 0 : i32
        %dma_wait3A_162 = arith.constant 0 : i32
        %dma_wait3A_163 = arith.constant 0 : i32
        %dma_wait3A_164 = arith.constant 0 : i32
        %dma_wait3A_165 = arith.constant 0 : i32
        %dma_wait3A_166 = tpu.memref_slice %arg12[%dma_wait3A_162, %dma_wait3A_164, %dma_wait3A_165] : memref<2x128x128xf32, #tpu.memory_space<vmem>> -> memref<1x128x128xf32, #tpu.memory_space<vmem>>
        %dma_wait3A_167 = tpu.memref_squeeze %dma_wait3A_166 : memref<1x128x128xf32, #tpu.memory_space<vmem>> -> memref<128x128xf32, #tpu.memory_space<vmem>>
        %dma_wait3A_168 = arith.constant 0 : i32
        %dma_wait3A_169 = tpu.memref_slice %arg9[%dma_wait3A_161, %dma_wait3A_168] : memref<2x128xi32, #tpu.memory_space<vmem>> -> memref<1x128xi32, #tpu.memory_space<vmem>>
        %dma_wait3A_170 = tpu.memref_squeeze %dma_wait3A_169 : memref<1x128xi32, #tpu.memory_space<vmem>> -> memref<128xi32, #tpu.memory_space<vmem>>
        %dma_wait3A_171 = arith.constant 0 : i32
        %dma_wait3A_172 = arith.constant 0 : i32
        %dma_wait3A_173 = tpu.memref_slice %arg3[%dma_wait3A_171, %dma_wait3A_172] : memref<10000x128xf32, #tpu.memory_space<hbm>> -> memref<10000x128xf32, #tpu.memory_space<hbm>>
        %dma_wait3A_174 = tpu.memref_slice %arg16[%dma_wait3A_163] : memref<2x!tpu.dma_semaphore, #tpu.memory_space<semaphore_mem>> -> memref<1x!tpu.dma_semaphore, #tpu.memory_space<semaphore_mem>>
        %dma_wait3A_175 = tpu.memref_squeeze %dma_wait3A_174 : memref<1x!tpu.dma_semaphore, #tpu.memory_space<semaphore_mem>> -> memref<!tpu.dma_semaphore, #tpu.memory_space<semaphore_mem>>
        tpu.wait_indirect_dma semaphore(%dma_wait3A_175 : memref<!tpu.dma_semaphore, #tpu.memory_space<semaphore_mem>>) src(%dma_wait3A_173 : memref<10000x128xf32, #tpu.memory_space<hbm>>) dst(%dma_wait3A_167 : memref<128x128xf32, #tpu.memory_space<vmem>>)
        %dma_wait3A_176 = arith.constant 0 : i32
        %dma_wait3A_177 = arith.constant 0 : i32
        %dma_wait3A_178 = arith.constant 0 : i32
        %dma_wait3A_179 = arith.constant 0 : i32
        %dma_wait3A_180 = tpu.memref_slice %arg13[%dma_wait3A_176, %dma_wait3A_178, %dma_wait3A_179] : memref<2x128x128xf32, #tpu.memory_space<vmem>> -> memref<1x128x128xf32, #tpu.memory_space<vmem>>
        %dma_wait3A_181 = tpu.memref_squeeze %dma_wait3A_180 : memref<1x128x128xf32, #tpu.memory_space<vmem>> -> memref<128x128xf32, #tpu.memory_space<vmem>>
        %dma_wait3A_182 = arith.constant 0 : i32
        %dma_wait3A_183 = arith.constant 0 : i32
        %dma_wait3A_184 = tpu.memref_slice %arg4[%dma_wait3A_182, %dma_wait3A_183] : memref<160000x128xf32, #tpu.memory_space<hbm>> -> memref<128x128xf32, #tpu.memory_space<hbm>>
        %dma_wait3A_185 = tpu.memref_slice %arg17[%dma_wait3A_177] : memref<2x!tpu.dma_semaphore, #tpu.memory_space<semaphore_mem>> -> memref<1x!tpu.dma_semaphore, #tpu.memory_space<semaphore_mem>>
        %dma_wait3A_186 = tpu.memref_squeeze %dma_wait3A_185 : memref<1x!tpu.dma_semaphore, #tpu.memory_space<semaphore_mem>> -> memref<!tpu.dma_semaphore, #tpu.memory_space<semaphore_mem>>
        %dma_wait3A_187 = arith.constant 0 : i32
        %dma_wait3A_188 = arith.constant 0 : i32
        %dma_wait3A_189 = tpu.memref_slice %arg13[%dma_wait3A_176, %dma_wait3A_187, %dma_wait3A_188] : memref<2x128x128xf32, #tpu.memory_space<vmem>> -> memref<1x128x128xf32, #tpu.memory_space<vmem>>
        %dma_wait3A_190 = tpu.memref_squeeze %dma_wait3A_189 : memref<1x128x128xf32, #tpu.memory_space<vmem>> -> memref<128x128xf32, #tpu.memory_space<vmem>>
        %dma_wait3A_191 = arith.constant 0 : i32
        %dma_wait3A_192 = arith.constant 0 : i32
        %dma_wait3A_193 = tpu.memref_slice %arg4[%dma_wait3A_191, %dma_wait3A_192] : memref<160000x128xf32, #tpu.memory_space<hbm>> -> memref<128x128xf32, #tpu.memory_space<hbm>>
        tpu.wait_dma2 semaphore(%dma_wait3A_186 : memref<!tpu.dma_semaphore, #tpu.memory_space<semaphore_mem>>) src(%dma_wait3A_193 : memref<128x128xf32, #tpu.memory_space<hbm>>) dst(%dma_wait3A_190 : memref<128x128xf32, #tpu.memory_space<vmem>>)
        %dma_wait3A_194 = arith.constant 0 : i32
        %dma_wait3A_195 = arith.constant 0 : i32
        %dma_wait3A_196 = arith.constant 0 : i32
        %dma_wait3A_197 = arith.constant 0 : i32
        %dma_wait3A_198 = tpu.memref_slice %arg10[%dma_wait3A_195, %dma_wait3A_197] : memref<2x128xi32, #tpu.memory_space<vmem>> -> memref<1x128xi32, #tpu.memory_space<vmem>>
        %dma_wait3A_199 = tpu.memref_squeeze %dma_wait3A_198 : memref<1x128xi32, #tpu.memory_space<vmem>> -> memref<128xi32, #tpu.memory_space<vmem>>
        %dma_wait3A_200 = arith.constant 0 : i32
        %dma_wait3A_201 = tpu.memref_slice %arg8[%dma_wait3A_194, %dma_wait3A_200] : memref<2x128xi32, #tpu.memory_space<vmem>> -> memref<1x128xi32, #tpu.memory_space<vmem>>
        %dma_wait3A_202 = tpu.memref_squeeze %dma_wait3A_201 : memref<1x128xi32, #tpu.memory_space<vmem>> -> memref<128xi32, #tpu.memory_space<vmem>>
        %dma_wait3A_203 = arith.constant 0 : i32
        %dma_wait3A_204 = tpu.memref_slice %arg6[%dma_wait3A_203] : memref<10000xi32, #tpu.memory_space<hbm>> -> memref<10000xi32, #tpu.memory_space<hbm>>
        %dma_wait3A_205 = tpu.memref_slice %arg18[%dma_wait3A_196] : memref<2x!tpu.dma_semaphore, #tpu.memory_space<semaphore_mem>> -> memref<1x!tpu.dma_semaphore, #tpu.memory_space<semaphore_mem>>
        %dma_wait3A_206 = tpu.memref_squeeze %dma_wait3A_205 : memref<1x!tpu.dma_semaphore, #tpu.memory_space<semaphore_mem>> -> memref<!tpu.dma_semaphore, #tpu.memory_space<semaphore_mem>>
        tpu.wait_indirect_dma semaphore(%dma_wait3A_206 : memref<!tpu.dma_semaphore, #tpu.memory_space<semaphore_mem>>) src(%dma_wait3A_204 : memref<10000xi32, #tpu.memory_space<hbm>>) dst(%dma_wait3A_199 : memref<128xi32, #tpu.memory_space<vmem>>)
        %add3A_207 = arith.constant 2 : i32
        %add3A_208 = arith.addi %mul3A_110, %add3A_207 : i32
        %mul3A_209 = arith.constant 32 : i32
        %mul3A_210 = arith.muli %add3A_208, %mul3A_209 : i32
        %add3A_211 = arith.addi %mul3A_210, %add3A : i32
        %lt3A_212 = arith.constant 1250 : i32
        %lt3A_213 = arith.cmpi slt, %add3A_211, %lt3A_212 : i32
        %convert_element_type3A_214 = arith.extui %lt3A_213 : i1 to i32
        %cond3A_215 = arith.constant 0 : i32
        %cond3A_216 = arith.cmpi ne, %convert_element_type3A_214, %cond3A_215 : i32
        scf.if %cond3A_216 {
          %add3A_239 = arith.constant 2 : i32
          %add3A_240 = arith.addi %mul3A_110, %add3A_239 : i32
          %mul3A_241 = arith.constant 32 : i32
          %mul3A_242 = arith.muli %add3A_240, %mul3A_241 : i32
          %add3A_243 = arith.addi %mul3A_242, %add3A : i32
          %mul3A_244 = arith.constant 128 : i32
          %mul3A_245 = arith.muli %add3A_243, %mul3A_244 : i32
          %add3A_246 = arith.constant 0 : i32
          %add3A_247 = arith.addi %add3A_246, %mul3A_245 : i32
          %dma_start3A_248 = arith.constant 0 : i32
          %dma_start3A_249 = arith.constant 0 : i32
          %dma_start3A_250 = arith.constant 0 : i32
          %dma_start3A_251 = arith.constant 0 : i32
          %dma_start3A_252 = tpu.memref_slice %arg8[%dma_start3A_249, %dma_start3A_251] : memref<2x128xi32, #tpu.memory_space<vmem>> -> memref<1x128xi32, #tpu.memory_space<vmem>>
          %dma_start3A_253 = tpu.memref_squeeze %dma_start3A_252 : memref<1x128xi32, #tpu.memory_space<vmem>> -> memref<128xi32, #tpu.memory_space<vmem>>
          %dma_start3A_254 = tpu.memref_slice %arg5[%dma_start3A_248, %add3A_247] : memref<2x320000xi32, #tpu.memory_space<hbm>> -> memref<1x128xi32, #tpu.memory_space<hbm>>
          %dma_start3A_255 = tpu.memref_squeeze %dma_start3A_254 : memref<1x128xi32, #tpu.memory_space<hbm>> -> memref<128xi32, #tpu.memory_space<hbm>>
          %dma_start3A_256 = tpu.memref_slice %arg19[%dma_start3A_250] : memref<2x!tpu.dma_semaphore, #tpu.memory_space<semaphore_mem>> -> memref<1x!tpu.dma_semaphore, #tpu.memory_space<semaphore_mem>>
          %dma_start3A_257 = tpu.memref_squeeze %dma_start3A_256 : memref<1x!tpu.dma_semaphore, #tpu.memory_space<semaphore_mem>> -> memref<!tpu.dma_semaphore, #tpu.memory_space<semaphore_mem>>
          %dma_start3A_258 = arith.constant 0 : i32
          %dma_start3A_259 = tpu.memref_slice %arg8[%dma_start3A_249, %dma_start3A_258] : memref<2x128xi32, #tpu.memory_space<vmem>> -> memref<1x128xi32, #tpu.memory_space<vmem>>
          %dma_start3A_260 = tpu.memref_squeeze %dma_start3A_259 : memref<1x128xi32, #tpu.memory_space<vmem>> -> memref<128xi32, #tpu.memory_space<vmem>>
          %dma_start3A_261 = tpu.memref_slice %arg5[%dma_start3A_248, %add3A_247] : memref<2x320000xi32, #tpu.memory_space<hbm>> -> memref<1x128xi32, #tpu.memory_space<hbm>>
          %dma_start3A_262 = tpu.memref_squeeze %dma_start3A_261 : memref<1x128xi32, #tpu.memory_space<hbm>> -> memref<128xi32, #tpu.memory_space<hbm>>
          tpu.enqueue_dma source(%dma_start3A_262 : memref<128xi32, #tpu.memory_space<hbm>>) target(%dma_start3A_260 : memref<128xi32, #tpu.memory_space<vmem>>) target_semaphore(%dma_start3A_257 : memref<!tpu.dma_semaphore, #tpu.memory_space<semaphore_mem>>)
          %dma_start3A_263 = arith.constant 1 : i32
          %dma_start3A_264 = arith.constant 0 : i32
          %dma_start3A_265 = arith.constant 0 : i32
          %dma_start3A_266 = arith.constant 0 : i32
          %dma_start3A_267 = tpu.memref_slice %arg9[%dma_start3A_264, %dma_start3A_266] : memref<2x128xi32, #tpu.memory_space<vmem>> -> memref<1x128xi32, #tpu.memory_space<vmem>>
          %dma_start3A_268 = tpu.memref_squeeze %dma_start3A_267 : memref<1x128xi32, #tpu.memory_space<vmem>> -> memref<128xi32, #tpu.memory_space<vmem>>
          %dma_start3A_269 = tpu.memref_slice %arg5[%dma_start3A_263, %add3A_247] : memref<2x320000xi32, #tpu.memory_space<hbm>> -> memref<1x128xi32, #tpu.memory_space<hbm>>
          %dma_start3A_270 = tpu.memref_squeeze %dma_start3A_269 : memref<1x128xi32, #tpu.memory_space<hbm>> -> memref<128xi32, #tpu.memory_space<hbm>>
          %dma_start3A_271 = tpu.memref_slice %arg19[%dma_start3A_265] : memref<2x!tpu.dma_semaphore, #tpu.memory_space<semaphore_mem>> -> memref<1x!tpu.dma_semaphore, #tpu.memory_space<semaphore_mem>>
          %dma_start3A_272 = tpu.memref_squeeze %dma_start3A_271 : memref<1x!tpu.dma_semaphore, #tpu.memory_space<semaphore_mem>> -> memref<!tpu.dma_semaphore, #tpu.memory_space<semaphore_mem>>
          %dma_start3A_273 = arith.constant 0 : i32
          %dma_start3A_274 = tpu.memref_slice %arg9[%dma_start3A_264, %dma_start3A_273] : memref<2x128xi32, #tpu.memory_space<vmem>> -> memref<1x128xi32, #tpu.memory_space<vmem>>
          %dma_start3A_275 = tpu.memref_squeeze %dma_start3A_274 : memref<1x128xi32, #tpu.memory_space<vmem>> -> memref<128xi32, #tpu.memory_space<vmem>>
          %dma_start3A_276 = tpu.memref_slice %arg5[%dma_start3A_263, %add3A_247] : memref<2x320000xi32, #tpu.memory_space<hbm>> -> memref<1x128xi32, #tpu.memory_space<hbm>>
          %dma_start3A_277 = tpu.memref_squeeze %dma_start3A_276 : memref<1x128xi32, #tpu.memory_space<hbm>> -> memref<128xi32, #tpu.memory_space<hbm>>
          tpu.enqueue_dma source(%dma_start3A_277 : memref<128xi32, #tpu.memory_space<hbm>>) target(%dma_start3A_275 : memref<128xi32, #tpu.memory_space<vmem>>) target_semaphore(%dma_start3A_272 : memref<!tpu.dma_semaphore, #tpu.memory_space<semaphore_mem>>)
        } else {
        }
        %scan3A_217 = arith.constant 0 : i32
        %scan3A_218 = arith.constant 0 : i32
        %scan3A_219 = arith.constant 128 : i32
        %scan3A_220 = arith.addi %scan3A_218, %scan3A_219 : i32
        %scan3A_221 = arith.constant 1 : i32
        %scan3A_222 = scf.for %scan3A_239 = %scan3A_218 to %scan3A_220 step %scan3A_221 iter_args(%scan3A_240 = %scan3A_217) -> (i32)  : i32 {
          %get3A = arith.constant 0 : i32
          %get3A_241 = arith.index_cast %get3A : i32 to index
          %get3A_242 = arith.index_cast %scan3A_239 : i32 to index
          %get3A_243 = arith.constant 0 : index
          %get3A_244 = tpu.vector_load %arg11[%get3A_241, %get3A_242, %get3A_243] {strides = array<i32>} : memref<2x128x128xf32, #tpu.memory_space<vmem>>, vector<1x1x16xf32>,
          %get3A_245 = vector.shape_cast %get3A_244 : vector<1x1x16xf32> to vector<16xf32>
          %get3A_246 = arith.constant 0 : i32
          %get3A_247 = arith.index_cast %get3A_246 : i32 to index
          %get3A_248 = arith.index_cast %scan3A_239 : i32 to index
          %get3A_249 = arith.constant 0 : index
          %get3A_250 = tpu.vector_load %arg12[%get3A_247, %get3A_248, %get3A_249] {strides = array<i32>} : memref<2x128x128xf32, #tpu.memory_space<vmem>>, vector<1x1x16xf32>,
          %get3A_251 = vector.shape_cast %get3A_250 : vector<1x1x16xf32> to vector<16xf32>
          %add3A_252 = arith.addf %get3A_245, %get3A_251 : vector<16xf32>
          %get3A_253 = arith.constant 0 : i32
          %get3A_254 = arith.index_cast %get3A_253 : i32 to index
          %get3A_255 = arith.index_cast %scan3A_239 : i32 to index
          %get3A_256 = arith.constant 0 : index
          %get3A_257 = tpu.vector_load %arg13[%get3A_254, %get3A_255, %get3A_256] {strides = array<i32>} : memref<2x128x128xf32, #tpu.memory_space<vmem>>, vector<1x1x16xf32>,
          %get3A_258 = vector.shape_cast %get3A_257 : vector<1x1x16xf32> to vector<16xf32>
          %add3A_259 = arith.addf %add3A_252, %get3A_258 : vector<16xf32>
          %max3A = arith.constant 0.000000e+00 : f32
          %max3A_260 = vector.broadcast %max3A : f32 to vector<16xf32>
          %max3A_261 = arith.maximumf %add3A_259, %max3A_260 : vector<16xf32>
          %swap3A = arith.constant 0 : i32
          %swap3A_262 = arith.index_cast %swap3A : i32 to index
          %swap3A_263 = arith.index_cast %scan3A_239 : i32 to index
          %swap3A_264 = arith.constant 0 : index
          %swap3A_265 = tpu.vector_load %arg11[%swap3A_262, %swap3A_263, %swap3A_264] {strides = array<i32>} : memref<2x128x128xf32, #tpu.memory_space<vmem>>, vector<1x1x16xf32>,
          %swap3A_266 = vector.shape_cast %swap3A_265 : vector<1x1x16xf32> to vector<16xf32>
          %swap3A_267 = vector.shape_cast %max3A_261 : vector<16xf32> to vector<1x1x16xf32>
          tpu.vector_store %arg11[%swap3A_262, %swap3A_263, %swap3A_264], %swap3A_267 {strides = array<i32>} : memref<2x128x128xf32, #tpu.memory_space<vmem>>, vector<1x1x16xf32>,
          %get3A_268 = arith.constant 0 : i32
          %get3A_269 = arith.index_cast %get3A_268 : i32 to index
          %get3A_270 = arith.index_cast %scan3A_239 : i32 to index
          %get3A_271 = arith.constant 16 : index
          %get3A_272 = tpu.vector_load %arg11[%get3A_269, %get3A_270, %get3A_271] {strides = array<i32>} : memref<2x128x128xf32, #tpu.memory_space<vmem>>, vector<1x1x16xf32>,
          %get3A_273 = vector.shape_cast %get3A_272 : vector<1x1x16xf32> to vector<16xf32>
          %get3A_274 = arith.constant 0 : i32
          %get3A_275 = arith.index_cast %get3A_274 : i32 to index
          %get3A_276 = arith.index_cast %scan3A_239 : i32 to index
          %get3A_277 = arith.constant 16 : index
          %get3A_278 = tpu.vector_load %arg12[%get3A_275, %get3A_276, %get3A_277] {strides = array<i32>} : memref<2x128x128xf32, #tpu.memory_space<vmem>>, vector<1x1x16xf32>,
          %get3A_279 = vector.shape_cast %get3A_278 : vector<1x1x16xf32> to vector<16xf32>
          %add3A_280 = arith.addf %get3A_273, %get3A_279 : vector<16xf32>
          %get3A_281 = arith.constant 0 : i32
          %get3A_282 = arith.index_cast %get3A_281 : i32 to index
          %get3A_283 = arith.index_cast %scan3A_239 : i32 to index
          %get3A_284 = arith.constant 16 : index
          %get3A_285 = tpu.vector_load %arg13[%get3A_282, %get3A_283, %get3A_284] {strides = array<i32>} : memref<2x128x128xf32, #tpu.memory_space<vmem>>, vector<1x1x16xf32>,
          %get3A_286 = vector.shape_cast %get3A_285 : vector<1x1x16xf32> to vector<16xf32>
          %add3A_287 = arith.addf %add3A_280, %get3A_286 : vector<16xf32>
          %max3A_288 = arith.constant 0.000000e+00 : f32
          %max3A_289 = vector.broadcast %max3A_288 : f32 to vector<16xf32>
          %max3A_290 = arith.maximumf %add3A_287, %max3A_289 : vector<16xf32>
          %swap3A_291 = arith.constant 0 : i32
          %swap3A_292 = arith.index_cast %swap3A_291 : i32 to index
          %swap3A_293 = arith.index_cast %scan3A_239 : i32 to index
          %swap3A_294 = arith.constant 16 : index
          %swap3A_295 = tpu.vector_load %arg11[%swap3A_292, %swap3A_293, %swap3A_294] {strides = array<i32>} : memref<2x128x128xf32, #tpu.memory_space<vmem>>, vector<1x1x16xf32>,
          %swap3A_296 = vector.shape_cast %swap3A_295 : vector<1x1x16xf32> to vector<16xf32>
          %swap3A_297 = vector.shape_cast %max3A_290 : vector<16xf32> to vector<1x1x16xf32>
          tpu.vector_store %arg11[%swap3A_292, %swap3A_293, %swap3A_294], %swap3A_297 {strides = array<i32>} : memref<2x128x128xf32, #tpu.memory_space<vmem>>, vector<1x1x16xf32>,
          %get3A_298 = arith.constant 0 : i32
          %get3A_299 = arith.index_cast %get3A_298 : i32 to index
          %get3A_300 = arith.index_cast %scan3A_239 : i32 to index
          %get3A_301 = arith.constant 32 : index
          %get3A_302 = tpu.vector_load %arg11[%get3A_299, %get3A_300, %get3A_301] {strides = array<i32>} : memref<2x128x128xf32, #tpu.memory_space<vmem>>, vector<1x1x16xf32>,
          %get3A_303 = vector.shape_cast %get3A_302 : vector<1x1x16xf32> to vector<16xf32>
          %get3A_304 = arith.constant 0 : i32
          %get3A_305 = arith.index_cast %get3A_304 : i32 to index
          %get3A_306 = arith.index_cast %scan3A_239 : i32 to index
          %get3A_307 = arith.constant 32 : index
          %get3A_308 = tpu.vector_load %arg12[%get3A_305, %get3A_306, %get3A_307] {strides = array<i32>} : memref<2x128x128xf32, #tpu.memory_space<vmem>>, vector<1x1x16xf32>,
          %get3A_309 = vector.shape_cast %get3A_308 : vector<1x1x16xf32> to vector<16xf32>
          %add3A_310 = arith.addf %get3A_303, %get3A_309 : vector<16xf32>
          %get3A_311 = arith.constant 0 : i32
          %get3A_312 = arith.index_cast %get3A_311 : i32 to index
          %get3A_313 = arith.index_cast %scan3A_239 : i32 to index
          %get3A_314 = arith.constant 32 : index
          %get3A_315 = tpu.vector_load %arg13[%get3A_312, %get3A_313, %get3A_314] {strides = array<i32>} : memref<2x128x128xf32, #tpu.memory_space<vmem>>, vector<1x1x16xf32>,
          %get3A_316 = vector.shape_cast %get3A_315 : vector<1x1x16xf32> to vector<16xf32>
          %add3A_317 = arith.addf %add3A_310, %get3A_316 : vector<16xf32>
          %max3A_318 = arith.constant 0.000000e+00 : f32
          %max3A_319 = vector.broadcast %max3A_318 : f32 to vector<16xf32>
          %max3A_320 = arith.maximumf %add3A_317, %max3A_319 : vector<16xf32>
          %swap3A_321 = arith.constant 0 : i32
          %swap3A_322 = arith.index_cast %swap3A_321 : i32 to index
          %swap3A_323 = arith.index_cast %scan3A_239 : i32 to index
          %swap3A_324 = arith.constant 32 : index
          %swap3A_325 = tpu.vector_load %arg11[%swap3A_322, %swap3A_323, %swap3A_324] {strides = array<i32>} : memref<2x128x128xf32, #tpu.memory_space<vmem>>, vector<1x1x16xf32>,
          %swap3A_326 = vector.shape_cast %swap3A_325 : vector<1x1x16xf32> to vector<16xf32>
          %swap3A_327 = vector.shape_cast %max3A_320 : vector<16xf32> to vector<1x1x16xf32>
          tpu.vector_store %arg11[%swap3A_322, %swap3A_323, %swap3A_324], %swap3A_327 {strides = array<i32>} : memref<2x128x128xf32, #tpu.memory_space<vmem>>, vector<1x1x16xf32>,
          %get3A_328 = arith.constant 0 : i32
          %get3A_329 = arith.index_cast %get3A_328 : i32 to index
          %get3A_330 = arith.index_cast %scan3A_239 : i32 to index
          %get3A_331 = arith.constant 48 : index
          %get3A_332 = tpu.vector_load %arg11[%get3A_329, %get3A_330, %get3A_331] {strides = array<i32>} : memref<2x128x128xf32, #tpu.memory_space<vmem>>, vector<1x1x16xf32>,
          %get3A_333 = vector.shape_cast %get3A_332 : vector<1x1x16xf32> to vector<16xf32>
          %get3A_334 = arith.constant 0 : i32
          %get3A_335 = arith.index_cast %get3A_334 : i32 to index
          %get3A_336 = arith.index_cast %scan3A_239 : i32 to index
          %get3A_337 = arith.constant 48 : index
          %get3A_338 = tpu.vector_load %arg12[%get3A_335, %get3A_336, %get3A_337] {strides = array<i32>} : memref<2x128x128xf32, #tpu.memory_space<vmem>>, vector<1x1x16xf32>,
          %get3A_339 = vector.shape_cast %get3A_338 : vector<1x1x16xf32> to vector<16xf32>
          %add3A_340 = arith.addf %get3A_333, %get3A_339 : vector<16xf32>
          %get3A_341 = arith.constant 0 : i32
          %get3A_342 = arith.index_cast %get3A_341 : i32 to index
          %get3A_343 = arith.index_cast %scan3A_239 : i32 to index
          %get3A_344 = arith.constant 48 : index
          %get3A_345 = tpu.vector_load %arg13[%get3A_342, %get3A_343, %get3A_344] {strides = array<i32>} : memref<2x128x128xf32, #tpu.memory_space<vmem>>, vector<1x1x16xf32>,
          %get3A_346 = vector.shape_cast %get3A_345 : vector<1x1x16xf32> to vector<16xf32>
          %add3A_347 = arith.addf %add3A_340, %get3A_346 : vector<16xf32>
          %max3A_348 = arith.constant 0.000000e+00 : f32
          %max3A_349 = vector.broadcast %max3A_348 : f32 to vector<16xf32>
          %max3A_350 = arith.maximumf %add3A_347, %max3A_349 : vector<16xf32>
          %swap3A_351 = arith.constant 0 : i32
          %swap3A_352 = arith.index_cast %swap3A_351 : i32 to index
          %swap3A_353 = arith.index_cast %scan3A_239 : i32 to index
          %swap3A_354 = arith.constant 48 : index
          %swap3A_355 = tpu.vector_load %arg11[%swap3A_352, %swap3A_353, %swap3A_354] {strides = array<i32>} : memref<2x128x128xf32, #tpu.memory_space<vmem>>, vector<1x1x16xf32>,
          %swap3A_356 = vector.shape_cast %swap3A_355 : vector<1x1x16xf32> to vector<16xf32>
          %swap3A_357 = vector.shape_cast %max3A_350 : vector<16xf32> to vector<1x1x16xf32>
          tpu.vector_store %arg11[%swap3A_352, %swap3A_353, %swap3A_354], %swap3A_357 {strides = array<i32>} : memref<2x128x128xf32, #tpu.memory_space<vmem>>, vector<1x1x16xf32>,
          %get3A_358 = arith.constant 0 : i32
          %get3A_359 = arith.index_cast %get3A_358 : i32 to index
          %get3A_360 = arith.index_cast %scan3A_239 : i32 to index
          %get3A_361 = arith.constant 64 : index
          %get3A_362 = tpu.vector_load %arg11[%get3A_359, %get3A_360, %get3A_361] {strides = array<i32>} : memref<2x128x128xf32, #tpu.memory_space<vmem>>, vector<1x1x16xf32>,
          %get3A_363 = vector.shape_cast %get3A_362 : vector<1x1x16xf32> to vector<16xf32>
          %get3A_364 = arith.constant 0 : i32
          %get3A_365 = arith.index_cast %get3A_364 : i32 to index
          %get3A_366 = arith.index_cast %scan3A_239 : i32 to index
          %get3A_367 = arith.constant 64 : index
          %get3A_368 = tpu.vector_load %arg12[%get3A_365, %get3A_366, %get3A_367] {strides = array<i32>} : memref<2x128x128xf32, #tpu.memory_space<vmem>>, vector<1x1x16xf32>,
          %get3A_369 = vector.shape_cast %get3A_368 : vector<1x1x16xf32> to vector<16xf32>
          %add3A_370 = arith.addf %get3A_363, %get3A_369 : vector<16xf32>
          %get3A_371 = arith.constant 0 : i32
          %get3A_372 = arith.index_cast %get3A_371 : i32 to index
          %get3A_373 = arith.index_cast %scan3A_239 : i32 to index
          %get3A_374 = arith.constant 64 : index
          %get3A_375 = tpu.vector_load %arg13[%get3A_372, %get3A_373, %get3A_374] {strides = array<i32>} : memref<2x128x128xf32, #tpu.memory_space<vmem>>, vector<1x1x16xf32>,
          %get3A_376 = vector.shape_cast %get3A_375 : vector<1x1x16xf32> to vector<16xf32>
          %add3A_377 = arith.addf %add3A_370, %get3A_376 : vector<16xf32>
          %max3A_378 = arith.constant 0.000000e+00 : f32
          %max3A_379 = vector.broadcast %max3A_378 : f32 to vector<16xf32>
          %max3A_380 = arith.maximumf %add3A_377, %max3A_379 : vector<16xf32>
          %swap3A_381 = arith.constant 0 : i32
          %swap3A_382 = arith.index_cast %swap3A_381 : i32 to index
          %swap3A_383 = arith.index_cast %scan3A_239 : i32 to index
          %swap3A_384 = arith.constant 64 : index
          %swap3A_385 = tpu.vector_load %arg11[%swap3A_382, %swap3A_383, %swap3A_384] {strides = array<i32>} : memref<2x128x128xf32, #tpu.memory_space<vmem>>, vector<1x1x16xf32>,
          %swap3A_386 = vector.shape_cast %swap3A_385 : vector<1x1x16xf32> to vector<16xf32>
          %swap3A_387 = vector.shape_cast %max3A_380 : vector<16xf32> to vector<1x1x16xf32>
          tpu.vector_store %arg11[%swap3A_382, %swap3A_383, %swap3A_384], %swap3A_387 {strides = array<i32>} : memref<2x128x128xf32, #tpu.memory_space<vmem>>, vector<1x1x16xf32>,
          %get3A_388 = arith.constant 0 : i32
          %get3A_389 = arith.index_cast %get3A_388 : i32 to index
          %get3A_390 = arith.index_cast %scan3A_239 : i32 to index
          %get3A_391 = arith.constant 80 : index
          %get3A_392 = tpu.vector_load %arg11[%get3A_389, %get3A_390, %get3A_391] {strides = array<i32>} : memref<2x128x128xf32, #tpu.memory_space<vmem>>, vector<1x1x16xf32>,
          %get3A_393 = vector.shape_cast %get3A_392 : vector<1x1x16xf32> to vector<16xf32>
          %get3A_394 = arith.constant 0 : i32
          %get3A_395 = arith.index_cast %get3A_394 : i32 to index
          %get3A_396 = arith.index_cast %scan3A_239 : i32 to index
          %get3A_397 = arith.constant 80 : index
          %get3A_398 = tpu.vector_load %arg12[%get3A_395, %get3A_396, %get3A_397] {strides = array<i32>} : memref<2x128x128xf32, #tpu.memory_space<vmem>>, vector<1x1x16xf32>,
          %get3A_399 = vector.shape_cast %get3A_398 : vector<1x1x16xf32> to vector<16xf32>
          %add3A_400 = arith.addf %get3A_393, %get3A_399 : vector<16xf32>
          %get3A_401 = arith.constant 0 : i32
          %get3A_402 = arith.index_cast %get3A_401 : i32 to index
          %get3A_403 = arith.index_cast %scan3A_239 : i32 to index
          %get3A_404 = arith.constant 80 : index
          %get3A_405 = tpu.vector_load %arg13[%get3A_402, %get3A_403, %get3A_404] {strides = array<i32>} : memref<2x128x128xf32, #tpu.memory_space<vmem>>, vector<1x1x16xf32>,
          %get3A_406 = vector.shape_cast %get3A_405 : vector<1x1x16xf32> to vector<16xf32>
          %add3A_407 = arith.addf %add3A_400, %get3A_406 : vector<16xf32>
          %max3A_408 = arith.constant 0.000000e+00 : f32
          %max3A_409 = vector.broadcast %max3A_408 : f32 to vector<16xf32>
          %max3A_410 = arith.maximumf %add3A_407, %max3A_409 : vector<16xf32>
          %swap3A_411 = arith.constant 0 : i32
          %swap3A_412 = arith.index_cast %swap3A_411 : i32 to index
          %swap3A_413 = arith.index_cast %scan3A_239 : i32 to index
          %swap3A_414 = arith.constant 80 : index
          %swap3A_415 = tpu.vector_load %arg11[%swap3A_412, %swap3A_413, %swap3A_414] {strides = array<i32>} : memref<2x128x128xf32, #tpu.memory_space<vmem>>, vector<1x1x16xf32>,
          %swap3A_416 = vector.shape_cast %swap3A_415 : vector<1x1x16xf32> to vector<16xf32>
          %swap3A_417 = vector.shape_cast %max3A_410 : vector<16xf32> to vector<1x1x16xf32>
          tpu.vector_store %arg11[%swap3A_412, %swap3A_413, %swap3A_414], %swap3A_417 {strides = array<i32>} : memref<2x128x128xf32, #tpu.memory_space<vmem>>, vector<1x1x16xf32>,
          %get3A_418 = arith.constant 0 : i32
          %get3A_419 = arith.index_cast %get3A_418 : i32 to index
          %get3A_420 = arith.index_cast %scan3A_239 : i32 to index
          %get3A_421 = arith.constant 96 : index
          %get3A_422 = tpu.vector_load %arg11[%get3A_419, %get3A_420, %get3A_421] {strides = array<i32>} : memref<2x128x128xf32, #tpu.memory_space<vmem>>, vector<1x1x16xf32>,
          %get3A_423 = vector.shape_cast %get3A_422 : vector<1x1x16xf32> to vector<16xf32>
          %get3A_424 = arith.constant 0 : i32
          %get3A_425 = arith.index_cast %get3A_424 : i32 to index
          %get3A_426 = arith.index_cast %scan3A_239 : i32 to index
          %get3A_427 = arith.constant 96 : index
          %get3A_428 = tpu.vector_load %arg12[%get3A_425, %get3A_426, %get3A_427] {strides = array<i32>} : memref<2x128x128xf32, #tpu.memory_space<vmem>>, vector<1x1x16xf32>,
          %get3A_429 = vector.shape_cast %get3A_428 : vector<1x1x16xf32> to vector<16xf32>
          %add3A_430 = arith.addf %get3A_423, %get3A_429 : vector<16xf32>
          %get3A_431 = arith.constant 0 : i32
          %get3A_432 = arith.index_cast %get3A_431 : i32 to index
          %get3A_433 = arith.index_cast %scan3A_239 : i32 to index
          %get3A_434 = arith.constant 96 : index
          %get3A_435 = tpu.vector_load %arg13[%get3A_432, %get3A_433, %get3A_434] {strides = array<i32>} : memref<2x128x128xf32, #tpu.memory_space<vmem>>, vector<1x1x16xf32>,
          %get3A_436 = vector.shape_cast %get3A_435 : vector<1x1x16xf32> to vector<16xf32>
          %add3A_437 = arith.addf %add3A_430, %get3A_436 : vector<16xf32>
          %max3A_438 = arith.constant 0.000000e+00 : f32
          %max3A_439 = vector.broadcast %max3A_438 : f32 to vector<16xf32>
          %max3A_440 = arith.maximumf %add3A_437, %max3A_439 : vector<16xf32>
          %swap3A_441 = arith.constant 0 : i32
          %swap3A_442 = arith.index_cast %swap3A_441 : i32 to index
          %swap3A_443 = arith.index_cast %scan3A_239 : i32 to index
          %swap3A_444 = arith.constant 96 : index
          %swap3A_445 = tpu.vector_load %arg11[%swap3A_442, %swap3A_443, %swap3A_444] {strides = array<i32>} : memref<2x128x128xf32, #tpu.memory_space<vmem>>, vector<1x1x16xf32>,
          %swap3A_446 = vector.shape_cast %swap3A_445 : vector<1x1x16xf32> to vector<16xf32>
          %swap3A_447 = vector.shape_cast %max3A_440 : vector<16xf32> to vector<1x1x16xf32>
          tpu.vector_store %arg11[%swap3A_442, %swap3A_443, %swap3A_444], %swap3A_447 {strides = array<i32>} : memref<2x128x128xf32, #tpu.memory_space<vmem>>, vector<1x1x16xf32>,
          %get3A_448 = arith.constant 0 : i32
          %get3A_449 = arith.index_cast %get3A_448 : i32 to index
          %get3A_450 = arith.index_cast %scan3A_239 : i32 to index
          %get3A_451 = arith.constant 112 : index
          %get3A_452 = tpu.vector_load %arg11[%get3A_449, %get3A_450, %get3A_451] {strides = array<i32>} : memref<2x128x128xf32, #tpu.memory_space<vmem>>, vector<1x1x16xf32>,
          %get3A_453 = vector.shape_cast %get3A_452 : vector<1x1x16xf32> to vector<16xf32>
          %get3A_454 = arith.constant 0 : i32
          %get3A_455 = arith.index_cast %get3A_454 : i32 to index
          %get3A_456 = arith.index_cast %scan3A_239 : i32 to index
          %get3A_457 = arith.constant 112 : index
          %get3A_458 = tpu.vector_load %arg12[%get3A_455, %get3A_456, %get3A_457] {strides = array<i32>} : memref<2x128x128xf32, #tpu.memory_space<vmem>>, vector<1x1x16xf32>,
          %get3A_459 = vector.shape_cast %get3A_458 : vector<1x1x16xf32> to vector<16xf32>
          %add3A_460 = arith.addf %get3A_453, %get3A_459 : vector<16xf32>
          %get3A_461 = arith.constant 0 : i32
          %get3A_462 = arith.index_cast %get3A_461 : i32 to index
          %get3A_463 = arith.index_cast %scan3A_239 : i32 to index
          %get3A_464 = arith.constant 112 : index
          %get3A_465 = tpu.vector_load %arg13[%get3A_462, %get3A_463, %get3A_464] {strides = array<i32>} : memref<2x128x128xf32, #tpu.memory_space<vmem>>, vector<1x1x16xf32>,
          %get3A_466 = vector.shape_cast %get3A_465 : vector<1x1x16xf32> to vector<16xf32>
          %add3A_467 = arith.addf %add3A_460, %get3A_466 : vector<16xf32>
          %max3A_468 = arith.constant 0.000000e+00 : f32
          %max3A_469 = vector.broadcast %max3A_468 : f32 to vector<16xf32>
          %max3A_470 = arith.maximumf %add3A_467, %max3A_469 : vector<16xf32>
          %swap3A_471 = arith.constant 0 : i32
          %swap3A_472 = arith.index_cast %swap3A_471 : i32 to index
          %swap3A_473 = arith.index_cast %scan3A_239 : i32 to index
          %swap3A_474 = arith.constant 112 : index
          %swap3A_475 = tpu.vector_load %arg11[%swap3A_472, %swap3A_473, %swap3A_474] {strides = array<i32>} : memref<2x128x128xf32, #tpu.memory_space<vmem>>, vector<1x1x16xf32>,
          %swap3A_476 = vector.shape_cast %swap3A_475 : vector<1x1x16xf32> to vector<16xf32>
          %swap3A_477 = vector.shape_cast %max3A_470 : vector<16xf32> to vector<1x1x16xf32>
          tpu.vector_store %arg11[%swap3A_472, %swap3A_473, %swap3A_474], %swap3A_477 {strides = array<i32>} : memref<2x128x128xf32, #tpu.memory_space<vmem>>, vector<1x1x16xf32>,
          %scan3A_478 = arith.constant 0 : i32
          scf.yield %scan3A_478 : i32
        }
        %scan3A_223 = arith.constant 128 : i32
        %dma_start3A_224 = arith.constant 0 : i32
        %dma_start3A_225 = arith.constant 0 : i32
        %dma_start3A_226 = arith.constant 0 : i32
        %dma_start3A_227 = arith.constant 0 : i32
        %dma_start3A_228 = arith.constant 0 : i32
        %dma_start3A_229 = tpu.memref_slice %arg11[%dma_start3A_224, %dma_start3A_227, %dma_start3A_228] : memref<2x128x128xf32, #tpu.memory_space<vmem>> -> memref<1x128x128xf32, #tpu.memory_space<vmem>>
        %dma_start3A_230 = tpu.memref_squeeze %dma_start3A_229 : memref<1x128x128xf32, #tpu.memory_space<vmem>> -> memref<128x128xf32, #tpu.memory_space<vmem>>
        %dma_start3A_231 = arith.constant 0 : i32
        %dma_start3A_232 = tpu.memref_slice %arg10[%dma_start3A_225, %dma_start3A_231] : memref<2x128xi32, #tpu.memory_space<vmem>> -> memref<1x128xi32, #tpu.memory_space<vmem>>
        %dma_start3A_233 = tpu.memref_squeeze %dma_start3A_232 : memref<1x128xi32, #tpu.memory_space<vmem>> -> memref<128xi32, #tpu.memory_space<vmem>>
        %dma_start3A_234 = arith.constant 0 : i32
        %dma_start3A_235 = arith.constant 0 : i32
        %dma_start3A_236 = tpu.memref_slice %arg14[%dma_start3A_234, %dma_start3A_235] : memref<64x128xf32, #tpu.memory_space<vmem_shared>> -> memref<64x128xf32, #tpu.memory_space<vmem_shared>>
        %dma_start3A_237 = tpu.memref_slice %arg20[%dma_start3A_226] : memref<2x!tpu.dma_semaphore, #tpu.memory_space<semaphore_mem>> -> memref<1x!tpu.dma_semaphore, #tpu.memory_space<semaphore_mem>>
        %dma_start3A_238 = tpu.memref_squeeze %dma_start3A_237 : memref<1x!tpu.dma_semaphore, #tpu.memory_space<semaphore_mem>> -> memref<!tpu.dma_semaphore, #tpu.memory_space<semaphore_mem>>
        tpu.enqueue_indirect_dma source(%dma_start3A_230 : memref<128x128xf32, #tpu.memory_space<vmem>>) target(%dma_start3A_236 : memref<64x128xf32, #tpu.memory_space<vmem_shared>>) offsets(%dma_start3A_233 : memref<128xi32, #tpu.memory_space<vmem>>) semaphore(%dma_start3A_238 : memref<!tpu.dma_semaphore, #tpu.memory_space<semaphore_mem>>) {add = true}
      } else {
      }
      %mul3A_119 = arith.constant 2 : i32
      %mul3A_120 = arith.muli %scan3A_107, %mul3A_119 : i32
      %add3A_121 = arith.constant 1 : i32
      %add3A_122 = arith.addi %mul3A_120, %add3A_121 : i32
      %mul3A_123 = arith.constant 32 : i32
      %mul3A_124 = arith.muli %add3A_122, %mul3A_123 : i32
      %add3A_125 = arith.addi %mul3A_124, %add3A : i32
      %lt3A_126 = arith.constant 1250 : i32
      %lt3A_127 = arith.cmpi slt, %add3A_125, %lt3A_126 : i32
      %convert_element_type3A_128 = arith.extui %lt3A_127 : i1 to i32
      %cond3A_129 = arith.constant 0 : i32
      %cond3A_130 = arith.cmpi ne, %convert_element_type3A_128, %cond3A_129 : i32
      scf.if %cond3A_130 {
        %ge3A = arith.constant 1 : i32
        %ge3A_132 = arith.cmpi sge, %add3A_122, %ge3A : i32
        %convert_element_type3A_133 = arith.extui %ge3A_132 : i1 to i32
        %cond3A_134 = arith.constant 0 : i32
        %cond3A_135 = arith.cmpi ne, %convert_element_type3A_133, %cond3A_134 : i32
        scf.if %cond3A_135 {
          %dma_wait3A_239 = arith.constant 0 : i32
          %dma_wait3A_240 = arith.constant 0 : i32
          %dma_wait3A_241 = arith.constant 0 : i32
          %dma_wait3A_242 = arith.constant 0 : i32
          %dma_wait3A_243 = arith.constant 0 : i32
          %dma_wait3A_244 = tpu.memref_slice %arg11[%dma_wait3A_239, %dma_wait3A_242, %dma_wait3A_243] : memref<2x128x128xf32, #tpu.memory_space<vmem>> -> memref<1x128x128xf32, #tpu.memory_space<vmem>>
          %dma_wait3A_245 = tpu.memref_squeeze %dma_wait3A_244 : memref<1x128x128xf32, #tpu.memory_space<vmem>> -> memref<128x128xf32, #tpu.memory_space<vmem>>
          %dma_wait3A_246 = arith.constant 0 : i32
          %dma_wait3A_247 = tpu.memref_slice %arg10[%dma_wait3A_240, %dma_wait3A_246] : memref<2x128xi32, #tpu.memory_space<vmem>> -> memref<1x128xi32, #tpu.memory_space<vmem>>
          %dma_wait3A_248 = tpu.memref_squeeze %dma_wait3A_247 : memref<1x128xi32, #tpu.memory_space<vmem>> -> memref<128xi32, #tpu.memory_space<vmem>>
          %dma_wait3A_249 = arith.constant 0 : i32
          %dma_wait3A_250 = arith.constant 0 : i32
          %dma_wait3A_251 = tpu.memref_slice %arg14[%dma_wait3A_249, %dma_wait3A_250] : memref<64x128xf32, #tpu.memory_space<vmem_shared>> -> memref<64x128xf32, #tpu.memory_space<vmem_shared>>
          %dma_wait3A_252 = tpu.memref_slice %arg20[%dma_wait3A_241] : memref<2x!tpu.dma_semaphore, #tpu.memory_space<semaphore_mem>> -> memref<1x!tpu.dma_semaphore, #tpu.memory_space<semaphore_mem>>
          %dma_wait3A_253 = tpu.memref_squeeze %dma_wait3A_252 : memref<1x!tpu.dma_semaphore, #tpu.memory_space<semaphore_mem>> -> memref<!tpu.dma_semaphore, #tpu.memory_space<semaphore_mem>>
          tpu.wait_indirect_dma semaphore(%dma_wait3A_253 : memref<!tpu.dma_semaphore, #tpu.memory_space<semaphore_mem>>) src(%dma_wait3A_245 : memref<128x128xf32, #tpu.memory_space<vmem>>) dst(%dma_wait3A_251 : memref<64x128xf32, #tpu.memory_space<vmem_shared>>)
        } else {
        }
        %add3A_136 = arith.constant 1 : i32
        %add3A_137 = arith.addi %add3A_122, %add3A_136 : i32
        %mul3A_138 = arith.constant 32 : i32
        %mul3A_139 = arith.muli %add3A_137, %mul3A_138 : i32
        %add3A_140 = arith.addi %mul3A_139, %add3A : i32
        %lt3A_141 = arith.constant 1250 : i32
        %lt3A_142 = arith.cmpi slt, %add3A_140, %lt3A_141 : i32
        %convert_element_type3A_143 = arith.extui %lt3A_142 : i1 to i32
        %cond3A_144 = arith.constant 0 : i32
        %cond3A_145 = arith.cmpi ne, %convert_element_type3A_143, %cond3A_144 : i32
        scf.if %cond3A_145 {
          %dma_wait3A_239 = arith.constant 0 : i32
          %dma_wait3A_240 = arith.constant 0 : i32
          %dma_wait3A_241 = arith.constant 0 : i32
          %dma_wait3A_242 = arith.constant 0 : i32
          %dma_wait3A_243 = tpu.memref_slice %arg8[%dma_wait3A_240, %dma_wait3A_242] : memref<2x128xi32, #tpu.memory_space<vmem>> -> memref<1x128xi32, #tpu.memory_space<vmem>>
          %dma_wait3A_244 = tpu.memref_squeeze %dma_wait3A_243 : memref<1x128xi32, #tpu.memory_space<vmem>> -> memref<128xi32, #tpu.memory_space<vmem>>
          %dma_wait3A_245 = arith.constant 0 : i32
          %dma_wait3A_246 = tpu.memref_slice %arg5[%dma_wait3A_239, %dma_wait3A_245] : memref<2x320000xi32, #tpu.memory_space<hbm>> -> memref<1x128xi32, #tpu.memory_space<hbm>>
          %dma_wait3A_247 = tpu.memref_squeeze %dma_wait3A_246 : memref<1x128xi32, #tpu.memory_space<hbm>> -> memref<128xi32, #tpu.memory_space<hbm>>
          %dma_wait3A_248 = tpu.memref_slice %arg19[%dma_wait3A_241] : memref<2x!tpu.dma_semaphore, #tpu.memory_space<semaphore_mem>> -> memref<1x!tpu.dma_semaphore, #tpu.memory_space<semaphore_mem>>
          %dma_wait3A_249 = tpu.memref_squeeze %dma_wait3A_248 : memref<1x!tpu.dma_semaphore, #tpu.memory_space<semaphore_mem>> -> memref<!tpu.dma_semaphore, #tpu.memory_space<semaphore_mem>>
          %dma_wait3A_250 = arith.constant 0 : i32
          %dma_wait3A_251 = tpu.memref_slice %arg8[%dma_wait3A_240, %dma_wait3A_250] : memref<2x128xi32, #tpu.memory_space<vmem>> -> memref<1x128xi32, #tpu.memory_space<vmem>>
          %dma_wait3A_252 = tpu.memref_squeeze %dma_wait3A_251 : memref<1x128xi32, #tpu.memory_space<vmem>> -> memref<128xi32, #tpu.memory_space<vmem>>
          %dma_wait3A_253 = arith.constant 0 : i32
          %dma_wait3A_254 = tpu.memref_slice %arg5[%dma_wait3A_239, %dma_wait3A_253] : memref<2x320000xi32, #tpu.memory_space<hbm>> -> memref<1x128xi32, #tpu.memory_space<hbm>>
          %dma_wait3A_255 = tpu.memref_squeeze %dma_wait3A_254 : memref<1x128xi32, #tpu.memory_space<hbm>> -> memref<128xi32, #tpu.memory_space<hbm>>
          tpu.wait_dma2 semaphore(%dma_wait3A_249 : memref<!tpu.dma_semaphore, #tpu.memory_space<semaphore_mem>>) src(%dma_wait3A_255 : memref<128xi32, #tpu.memory_space<hbm>>) dst(%dma_wait3A_252 : memref<128xi32, #tpu.memory_space<vmem>>)
          %dma_wait3A_256 = arith.constant 1 : i32
          %dma_wait3A_257 = arith.constant 0 : i32
          %dma_wait3A_258 = arith.constant 0 : i32
          %dma_wait3A_259 = arith.constant 0 : i32
          %dma_wait3A_260 = tpu.memref_slice %arg9[%dma_wait3A_257, %dma_wait3A_259] : memref<2x128xi32, #tpu.memory_space<vmem>> -> memref<1x128xi32, #tpu.memory_space<vmem>>
          %dma_wait3A_261 = tpu.memref_squeeze %dma_wait3A_260 : memref<1x128xi32, #tpu.memory_space<vmem>> -> memref<128xi32, #tpu.memory_space<vmem>>
          %dma_wait3A_262 = arith.constant 0 : i32
          %dma_wait3A_263 = tpu.memref_slice %arg5[%dma_wait3A_256, %dma_wait3A_262] : memref<2x320000xi32, #tpu.memory_space<hbm>> -> memref<1x128xi32, #tpu.memory_space<hbm>>
          %dma_wait3A_264 = tpu.memref_squeeze %dma_wait3A_263 : memref<1x128xi32, #tpu.memory_space<hbm>> -> memref<128xi32, #tpu.memory_space<hbm>>
          %dma_wait3A_265 = tpu.memref_slice %arg19[%dma_wait3A_258] : memref<2x!tpu.dma_semaphore, #tpu.memory_space<semaphore_mem>> -> memref<1x!tpu.dma_semaphore, #tpu.memory_space<semaphore_mem>>
          %dma_wait3A_266 = tpu.memref_squeeze %dma_wait3A_265 : memref<1x!tpu.dma_semaphore, #tpu.memory_space<semaphore_mem>> -> memref<!tpu.dma_semaphore, #tpu.memory_space<semaphore_mem>>
          %dma_wait3A_267 = arith.constant 0 : i32
          %dma_wait3A_268 = tpu.memref_slice %arg9[%dma_wait3A_257, %dma_wait3A_267] : memref<2x128xi32, #tpu.memory_space<vmem>> -> memref<1x128xi32, #tpu.memory_space<vmem>>
          %dma_wait3A_269 = tpu.memref_squeeze %dma_wait3A_268 : memref<1x128xi32, #tpu.memory_space<vmem>> -> memref<128xi32, #tpu.memory_space<vmem>>
          %dma_wait3A_270 = arith.constant 0 : i32
          %dma_wait3A_271 = tpu.memref_slice %arg5[%dma_wait3A_256, %dma_wait3A_270] : memref<2x320000xi32, #tpu.memory_space<hbm>> -> memref<1x128xi32, #tpu.memory_space<hbm>>
          %dma_wait3A_272 = tpu.memref_squeeze %dma_wait3A_271 : memref<1x128xi32, #tpu.memory_space<hbm>> -> memref<128xi32, #tpu.memory_space<hbm>>
          tpu.wait_dma2 semaphore(%dma_wait3A_266 : memref<!tpu.dma_semaphore, #tpu.memory_space<semaphore_mem>>) src(%dma_wait3A_272 : memref<128xi32, #tpu.memory_space<hbm>>) dst(%dma_wait3A_269 : memref<128xi32, #tpu.memory_space<vmem>>)
          %add3A_273 = arith.constant 1 : i32
          %add3A_274 = arith.addi %add3A_122, %add3A_273 : i32
          %mul3A_275 = arith.constant 32 : i32
          %mul3A_276 = arith.muli %add3A_274, %mul3A_275 : i32
          %add3A_277 = arith.addi %mul3A_276, %add3A : i32
          %mul3A_278 = arith.constant 128 : i32
          %mul3A_279 = arith.muli %add3A_277, %mul3A_278 : i32
          %dma_start3A_280 = arith.constant 0 : i32
          %dma_start3A_281 = arith.constant 0 : i32
          %dma_start3A_282 = arith.constant 0 : i32
          %dma_start3A_283 = arith.constant 0 : i32
          %dma_start3A_284 = arith.constant 0 : i32
          %dma_start3A_285 = tpu.memref_slice %arg11[%dma_start3A_281, %dma_start3A_283, %dma_start3A_284] : memref<2x128x128xf32, #tpu.memory_space<vmem>> -> memref<1x128x128xf32, #tpu.memory_space<vmem>>
          %dma_start3A_286 = tpu.memref_squeeze %dma_start3A_285 : memref<1x128x128xf32, #tpu.memory_space<vmem>> -> memref<128x128xf32, #tpu.memory_space<vmem>>
          %dma_start3A_287 = arith.constant 0 : i32
          %dma_start3A_288 = tpu.memref_slice %arg8[%dma_start3A_280, %dma_start3A_287] : memref<2x128xi32, #tpu.memory_space<vmem>> -> memref<1x128xi32, #tpu.memory_space<vmem>>
          %dma_start3A_289 = tpu.memref_squeeze %dma_start3A_288 : memref<1x128xi32, #tpu.memory_space<vmem>> -> memref<128xi32, #tpu.memory_space<vmem>>
          %dma_start3A_290 = arith.constant 0 : i32
          %dma_start3A_291 = arith.constant 0 : i32
          %dma_start3A_292 = tpu.memref_slice %arg2[%dma_start3A_290, %dma_start3A_291] : memref<10000x128xf32, #tpu.memory_space<hbm>> -> memref<10000x128xf32, #tpu.memory_space<hbm>>
          %dma_start3A_293 = tpu.memref_slice %arg15[%dma_start3A_282] : memref<2x!tpu.dma_semaphore, #tpu.memory_space<semaphore_mem>> -> memref<1x!tpu.dma_semaphore, #tpu.memory_space<semaphore_mem>>
          %dma_start3A_294 = tpu.memref_squeeze %dma_start3A_293 : memref<1x!tpu.dma_semaphore, #tpu.memory_space<semaphore_mem>> -> memref<!tpu.dma_semaphore, #tpu.memory_space<semaphore_mem>>
          tpu.enqueue_indirect_dma source(%dma_start3A_292 : memref<10000x128xf32, #tpu.memory_space<hbm>>) target(%dma_start3A_286 : memref<128x128xf32, #tpu.memory_space<vmem>>) offsets(%dma_start3A_289 : memref<128xi32, #tpu.memory_space<vmem>>) semaphore(%dma_start3A_294 : memref<!tpu.dma_semaphore, #tpu.memory_space<semaphore_mem>>)
          %dma_start3A_295 = arith.constant 0 : i32
          %dma_start3A_296 = arith.constant 0 : i32
          %dma_start3A_297 = arith.constant 0 : i32
          %dma_start3A_298 = arith.constant 0 : i32
          %dma_start3A_299 = arith.constant 0 : i32
          %dma_start3A_300 = tpu.memref_slice %arg12[%dma_start3A_296, %dma_start3A_298, %dma_start3A_299] : memref<2x128x128xf32, #tpu.memory_space<vmem>> -> memref<1x128x128xf32, #tpu.memory_space<vmem>>
          %dma_start3A_301 = tpu.memref_squeeze %dma_start3A_300 : memref<1x128x128xf32, #tpu.memory_space<vmem>> -> memref<128x128xf32, #tpu.memory_space<vmem>>
          %dma_start3A_302 = arith.constant 0 : i32
          %dma_start3A_303 = tpu.memref_slice %arg9[%dma_start3A_295, %dma_start3A_302] : memref<2x128xi32, #tpu.memory_space<vmem>> -> memref<1x128xi32, #tpu.memory_space<vmem>>
          %dma_start3A_304 = tpu.memref_squeeze %dma_start3A_303 : memref<1x128xi32, #tpu.memory_space<vmem>> -> memref<128xi32, #tpu.memory_space<vmem>>
          %dma_start3A_305 = arith.constant 0 : i32
          %dma_start3A_306 = arith.constant 0 : i32
          %dma_start3A_307 = tpu.memref_slice %arg3[%dma_start3A_305, %dma_start3A_306] : memref<10000x128xf32, #tpu.memory_space<hbm>> -> memref<10000x128xf32, #tpu.memory_space<hbm>>
          %dma_start3A_308 = tpu.memref_slice %arg16[%dma_start3A_297] : memref<2x!tpu.dma_semaphore, #tpu.memory_space<semaphore_mem>> -> memref<1x!tpu.dma_semaphore, #tpu.memory_space<semaphore_mem>>
          %dma_start3A_309 = tpu.memref_squeeze %dma_start3A_308 : memref<1x!tpu.dma_semaphore, #tpu.memory_space<semaphore_mem>> -> memref<!tpu.dma_semaphore, #tpu.memory_space<semaphore_mem>>
          tpu.enqueue_indirect_dma source(%dma_start3A_307 : memref<10000x128xf32, #tpu.memory_space<hbm>>) target(%dma_start3A_301 : memref<128x128xf32, #tpu.memory_space<vmem>>) offsets(%dma_start3A_304 : memref<128xi32, #tpu.memory_space<vmem>>) semaphore(%dma_start3A_309 : memref<!tpu.dma_semaphore, #tpu.memory_space<semaphore_mem>>)
          %dma_start3A_310 = arith.constant 0 : i32
          %dma_start3A_311 = arith.constant 0 : i32
          %dma_start3A_312 = arith.constant 0 : i32
          %dma_start3A_313 = arith.constant 0 : i32
          %dma_start3A_314 = tpu.memref_slice %arg13[%dma_start3A_310, %dma_start3A_312, %dma_start3A_313] : memref<2x128x128xf32, #tpu.memory_space<vmem>> -> memref<1x128x128xf32, #tpu.memory_space<vmem>>
          %dma_start3A_315 = tpu.memref_squeeze %dma_start3A_314 : memref<1x128x128xf32, #tpu.memory_space<vmem>> -> memref<128x128xf32, #tpu.memory_space<vmem>>
          %dma_start3A_316 = arith.constant 0 : i32
          %dma_start3A_317 = tpu.memref_slice %arg4[%mul3A_279, %dma_start3A_316] : memref<160000x128xf32, #tpu.memory_space<hbm>> -> memref<128x128xf32, #tpu.memory_space<hbm>>
          %dma_start3A_318 = tpu.memref_slice %arg17[%dma_start3A_311] : memref<2x!tpu.dma_semaphore, #tpu.memory_space<semaphore_mem>> -> memref<1x!tpu.dma_semaphore, #tpu.memory_space<semaphore_mem>>
          %dma_start3A_319 = tpu.memref_squeeze %dma_start3A_318 : memref<1x!tpu.dma_semaphore, #tpu.memory_space<semaphore_mem>> -> memref<!tpu.dma_semaphore, #tpu.memory_space<semaphore_mem>>
          %dma_start3A_320 = arith.constant 0 : i32
          %dma_start3A_321 = arith.constant 0 : i32
          %dma_start3A_322 = tpu.memref_slice %arg13[%dma_start3A_310, %dma_start3A_320, %dma_start3A_321] : memref<2x128x128xf32, #tpu.memory_space<vmem>> -> memref<1x128x128xf32, #tpu.memory_space<vmem>>
          %dma_start3A_323 = tpu.memref_squeeze %dma_start3A_322 : memref<1x128x128xf32, #tpu.memory_space<vmem>> -> memref<128x128xf32, #tpu.memory_space<vmem>>
          %dma_start3A_324 = arith.constant 0 : i32
          %dma_start3A_325 = tpu.memref_slice %arg4[%mul3A_279, %dma_start3A_324] : memref<160000x128xf32, #tpu.memory_space<hbm>> -> memref<128x128xf32, #tpu.memory_space<hbm>>
          tpu.enqueue_dma source(%dma_start3A_325 : memref<128x128xf32, #tpu.memory_space<hbm>>) target(%dma_start3A_323 : memref<128x128xf32, #tpu.memory_space<vmem>>) target_semaphore(%dma_start3A_319 : memref<!tpu.dma_semaphore, #tpu.memory_space<semaphore_mem>>)
          %dma_start3A_326 = arith.constant 0 : i32
          %dma_start3A_327 = arith.constant 0 : i32
          %dma_start3A_328 = arith.constant 0 : i32
          %dma_start3A_329 = arith.constant 0 : i32
          %dma_start3A_330 = tpu.memref_slice %arg10[%dma_start3A_327, %dma_start3A_329] : memref<2x128xi32, #tpu.memory_space<vmem>> -> memref<1x128xi32, #tpu.memory_space<vmem>>
          %dma_start3A_331 = tpu.memref_squeeze %dma_start3A_330 : memref<1x128xi32, #tpu.memory_space<vmem>> -> memref<128xi32, #tpu.memory_space<vmem>>
          %dma_start3A_332 = arith.constant 0 : i32
          %dma_start3A_333 = tpu.memref_slice %arg8[%dma_start3A_326, %dma_start3A_332] : memref<2x128xi32, #tpu.memory_space<vmem>> -> memref<1x128xi32, #tpu.memory_space<vmem>>
          %dma_start3A_334 = tpu.memref_squeeze %dma_start3A_333 : memref<1x128xi32, #tpu.memory_space<vmem>> -> memref<128xi32, #tpu.memory_space<vmem>>
          %dma_start3A_335 = arith.constant 0 : i32
          %dma_start3A_336 = tpu.memref_slice %arg6[%dma_start3A_335] : memref<10000xi32, #tpu.memory_space<hbm>> -> memref<10000xi32, #tpu.memory_space<hbm>>
          %dma_start3A_337 = tpu.memref_slice %arg18[%dma_start3A_328] : memref<2x!tpu.dma_semaphore, #tpu.memory_space<semaphore_mem>> -> memref<1x!tpu.dma_semaphore, #tpu.memory_space<semaphore_mem>>
          %dma_start3A_338 = tpu.memref_squeeze %dma_start3A_337 : memref<1x!tpu.dma_semaphore, #tpu.memory_space<semaphore_mem>> -> memref<!tpu.dma_semaphore, #tpu.memory_space<semaphore_mem>>
          tpu.enqueue_indirect_dma source(%dma_start3A_336 : memref<10000xi32, #tpu.memory_space<hbm>>) target(%dma_start3A_331 : memref<128xi32, #tpu.memory_space<vmem>>) offsets(%dma_start3A_334 : memref<128xi32, #tpu.memory_space<vmem>>) semaphore(%dma_start3A_338 : memref<!tpu.dma_semaphore, #tpu.memory_space<semaphore_mem>>)
        } else {
        }
        %dma_wait3A_146 = arith.constant 1 : i32
        %dma_wait3A_147 = arith.constant 1 : i32
        %dma_wait3A_148 = arith.constant 1 : i32
        %dma_wait3A_149 = arith.constant 0 : i32
        %dma_wait3A_150 = arith.constant 0 : i32
        %dma_wait3A_151 = tpu.memref_slice %arg11[%dma_wait3A_147, %dma_wait3A_149, %dma_wait3A_150] : memref<2x128x128xf32, #tpu.memory_space<vmem>> -> memref<1x128x128xf32, #tpu.memory_space<vmem>>
        %dma_wait3A_152 = tpu.memref_squeeze %dma_wait3A_151 : memref<1x128x128xf32, #tpu.memory_space<vmem>> -> memref<128x128xf32, #tpu.memory_space<vmem>>
        %dma_wait3A_153 = arith.constant 0 : i32
        %dma_wait3A_154 = tpu.memref_slice %arg8[%dma_wait3A_146, %dma_wait3A_153] : memref<2x128xi32, #tpu.memory_space<vmem>> -> memref<1x128xi32, #tpu.memory_space<vmem>>
        %dma_wait3A_155 = tpu.memref_squeeze %dma_wait3A_154 : memref<1x128xi32, #tpu.memory_space<vmem>> -> memref<128xi32, #tpu.memory_space<vmem>>
        %dma_wait3A_156 = arith.constant 0 : i32
        %dma_wait3A_157 = arith.constant 0 : i32
        %dma_wait3A_158 = tpu.memref_slice %arg2[%dma_wait3A_156, %dma_wait3A_157] : memref<10000x128xf32, #tpu.memory_space<hbm>> -> memref<10000x128xf32, #tpu.memory_space<hbm>>
        %dma_wait3A_159 = tpu.memref_slice %arg15[%dma_wait3A_148] : memref<2x!tpu.dma_semaphore, #tpu.memory_space<semaphore_mem>> -> memref<1x!tpu.dma_semaphore, #tpu.memory_space<semaphore_mem>>
        %dma_wait3A_160 = tpu.memref_squeeze %dma_wait3A_159 : memref<1x!tpu.dma_semaphore, #tpu.memory_space<semaphore_mem>> -> memref<!tpu.dma_semaphore, #tpu.memory_space<semaphore_mem>>
        tpu.wait_indirect_dma semaphore(%dma_wait3A_160 : memref<!tpu.dma_semaphore, #tpu.memory_space<semaphore_mem>>) src(%dma_wait3A_158 : memref<10000x128xf32, #tpu.memory_space<hbm>>) dst(%dma_wait3A_152 : memref<128x128xf32, #tpu.memory_space<vmem>>)
        %dma_wait3A_161 = arith.constant 1 : i32
        %dma_wait3A_162 = arith.constant 1 : i32
        %dma_wait3A_163 = arith.constant 1 : i32
        %dma_wait3A_164 = arith.constant 0 : i32
        %dma_wait3A_165 = arith.constant 0 : i32
        %dma_wait3A_166 = tpu.memref_slice %arg12[%dma_wait3A_162, %dma_wait3A_164, %dma_wait3A_165] : memref<2x128x128xf32, #tpu.memory_space<vmem>> -> memref<1x128x128xf32, #tpu.memory_space<vmem>>
        %dma_wait3A_167 = tpu.memref_squeeze %dma_wait3A_166 : memref<1x128x128xf32, #tpu.memory_space<vmem>> -> memref<128x128xf32, #tpu.memory_space<vmem>>
        %dma_wait3A_168 = arith.constant 0 : i32
        %dma_wait3A_169 = tpu.memref_slice %arg9[%dma_wait3A_161, %dma_wait3A_168] : memref<2x128xi32, #tpu.memory_space<vmem>> -> memref<1x128xi32, #tpu.memory_space<vmem>>
        %dma_wait3A_170 = tpu.memref_squeeze %dma_wait3A_169 : memref<1x128xi32, #tpu.memory_space<vmem>> -> memref<128xi32, #tpu.memory_space<vmem>>
        %dma_wait3A_171 = arith.constant 0 : i32
        %dma_wait3A_172 = arith.constant 0 : i32
        %dma_wait3A_173 = tpu.memref_slice %arg3[%dma_wait3A_171, %dma_wait3A_172] : memref<10000x128xf32, #tpu.memory_space<hbm>> -> memref<10000x128xf32, #tpu.memory_space<hbm>>
        %dma_wait3A_174 = tpu.memref_slice %arg16[%dma_wait3A_163] : memref<2x!tpu.dma_semaphore, #tpu.memory_space<semaphore_mem>> -> memref<1x!tpu.dma_semaphore, #tpu.memory_space<semaphore_mem>>
        %dma_wait3A_175 = tpu.memref_squeeze %dma_wait3A_174 : memref<1x!tpu.dma_semaphore, #tpu.memory_space<semaphore_mem>> -> memref<!tpu.dma_semaphore, #tpu.memory_space<semaphore_mem>>
        tpu.wait_indirect_dma semaphore(%dma_wait3A_175 : memref<!tpu.dma_semaphore, #tpu.memory_space<semaphore_mem>>) src(%dma_wait3A_173 : memref<10000x128xf32, #tpu.memory_space<hbm>>) dst(%dma_wait3A_167 : memref<128x128xf32, #tpu.memory_space<vmem>>)
        %dma_wait3A_176 = arith.constant 1 : i32
        %dma_wait3A_177 = arith.constant 1 : i32
        %dma_wait3A_178 = arith.constant 0 : i32
        %dma_wait3A_179 = arith.constant 0 : i32
        %dma_wait3A_180 = tpu.memref_slice %arg13[%dma_wait3A_176, %dma_wait3A_178, %dma_wait3A_179] : memref<2x128x128xf32, #tpu.memory_space<vmem>> -> memref<1x128x128xf32, #tpu.memory_space<vmem>>
        %dma_wait3A_181 = tpu.memref_squeeze %dma_wait3A_180 : memref<1x128x128xf32, #tpu.memory_space<vmem>> -> memref<128x128xf32, #tpu.memory_space<vmem>>
        %dma_wait3A_182 = arith.constant 0 : i32
        %dma_wait3A_183 = arith.constant 0 : i32
        %dma_wait3A_184 = tpu.memref_slice %arg4[%dma_wait3A_182, %dma_wait3A_183] : memref<160000x128xf32, #tpu.memory_space<hbm>> -> memref<128x128xf32, #tpu.memory_space<hbm>>
        %dma_wait3A_185 = tpu.memref_slice %arg17[%dma_wait3A_177] : memref<2x!tpu.dma_semaphore, #tpu.memory_space<semaphore_mem>> -> memref<1x!tpu.dma_semaphore, #tpu.memory_space<semaphore_mem>>
        %dma_wait3A_186 = tpu.memref_squeeze %dma_wait3A_185 : memref<1x!tpu.dma_semaphore, #tpu.memory_space<semaphore_mem>> -> memref<!tpu.dma_semaphore, #tpu.memory_space<semaphore_mem>>
        %dma_wait3A_187 = arith.constant 0 : i32
        %dma_wait3A_188 = arith.constant 0 : i32
        %dma_wait3A_189 = tpu.memref_slice %arg13[%dma_wait3A_176, %dma_wait3A_187, %dma_wait3A_188] : memref<2x128x128xf32, #tpu.memory_space<vmem>> -> memref<1x128x128xf32, #tpu.memory_space<vmem>>
        %dma_wait3A_190 = tpu.memref_squeeze %dma_wait3A_189 : memref<1x128x128xf32, #tpu.memory_space<vmem>> -> memref<128x128xf32, #tpu.memory_space<vmem>>
        %dma_wait3A_191 = arith.constant 0 : i32
        %dma_wait3A_192 = arith.constant 0 : i32
        %dma_wait3A_193 = tpu.memref_slice %arg4[%dma_wait3A_191, %dma_wait3A_192] : memref<160000x128xf32, #tpu.memory_space<hbm>> -> memref<128x128xf32, #tpu.memory_space<hbm>>
        tpu.wait_dma2 semaphore(%dma_wait3A_186 : memref<!tpu.dma_semaphore, #tpu.memory_space<semaphore_mem>>) src(%dma_wait3A_193 : memref<128x128xf32, #tpu.memory_space<hbm>>) dst(%dma_wait3A_190 : memref<128x128xf32, #tpu.memory_space<vmem>>)
        %dma_wait3A_194 = arith.constant 1 : i32
        %dma_wait3A_195 = arith.constant 1 : i32
        %dma_wait3A_196 = arith.constant 1 : i32
        %dma_wait3A_197 = arith.constant 0 : i32
        %dma_wait3A_198 = tpu.memref_slice %arg10[%dma_wait3A_195, %dma_wait3A_197] : memref<2x128xi32, #tpu.memory_space<vmem>> -> memref<1x128xi32, #tpu.memory_space<vmem>>
        %dma_wait3A_199 = tpu.memref_squeeze %dma_wait3A_198 : memref<1x128xi32, #tpu.memory_space<vmem>> -> memref<128xi32, #tpu.memory_space<vmem>>
        %dma_wait3A_200 = arith.constant 0 : i32
        %dma_wait3A_201 = tpu.memref_slice %arg8[%dma_wait3A_194, %dma_wait3A_200] : memref<2x128xi32, #tpu.memory_space<vmem>> -> memref<1x128xi32, #tpu.memory_space<vmem>>
        %dma_wait3A_202 = tpu.memref_squeeze %dma_wait3A_201 : memref<1x128xi32, #tpu.memory_space<vmem>> -> memref<128xi32, #tpu.memory_space<vmem>>
        %dma_wait3A_203 = arith.constant 0 : i32
        %dma_wait3A_204 = tpu.memref_slice %arg6[%dma_wait3A_203] : memref<10000xi32, #tpu.memory_space<hbm>> -> memref<10000xi32, #tpu.memory_space<hbm>>
        %dma_wait3A_205 = tpu.memref_slice %arg18[%dma_wait3A_196] : memref<2x!tpu.dma_semaphore, #tpu.memory_space<semaphore_mem>> -> memref<1x!tpu.dma_semaphore, #tpu.memory_space<semaphore_mem>>
        %dma_wait3A_206 = tpu.memref_squeeze %dma_wait3A_205 : memref<1x!tpu.dma_semaphore, #tpu.memory_space<semaphore_mem>> -> memref<!tpu.dma_semaphore, #tpu.memory_space<semaphore_mem>>
        tpu.wait_indirect_dma semaphore(%dma_wait3A_206 : memref<!tpu.dma_semaphore, #tpu.memory_space<semaphore_mem>>) src(%dma_wait3A_204 : memref<10000xi32, #tpu.memory_space<hbm>>) dst(%dma_wait3A_199 : memref<128xi32, #tpu.memory_space<vmem>>)
        %add3A_207 = arith.constant 2 : i32
        %add3A_208 = arith.addi %add3A_122, %add3A_207 : i32
        %mul3A_209 = arith.constant 32 : i32
        %mul3A_210 = arith.muli %add3A_208, %mul3A_209 : i32
        %add3A_211 = arith.addi %mul3A_210, %add3A : i32
        %lt3A_212 = arith.constant 1250 : i32
        %lt3A_213 = arith.cmpi slt, %add3A_211, %lt3A_212 : i32
        %convert_element_type3A_214 = arith.extui %lt3A_213 : i1 to i32
        %cond3A_215 = arith.constant 0 : i32
        %cond3A_216 = arith.cmpi ne, %convert_element_type3A_214, %cond3A_215 : i32
        scf.if %cond3A_216 {
          %add3A_239 = arith.constant 2 : i32
          %add3A_240 = arith.addi %add3A_122, %add3A_239 : i32
          %mul3A_241 = arith.constant 32 : i32
          %mul3A_242 = arith.muli %add3A_240, %mul3A_241 : i32
          %add3A_243 = arith.addi %mul3A_242, %add3A : i32
          %mul3A_244 = arith.constant 128 : i32
          %mul3A_245 = arith.muli %add3A_243, %mul3A_244 : i32
          %add3A_246 = arith.constant 0 : i32
          %add3A_247 = arith.addi %add3A_246, %mul3A_245 : i32
          %dma_start3A_248 = arith.constant 0 : i32
          %dma_start3A_249 = arith.constant 1 : i32
          %dma_start3A_250 = arith.constant 1 : i32
          %dma_start3A_251 = arith.constant 0 : i32
          %dma_start3A_252 = tpu.memref_slice %arg8[%dma_start3A_249, %dma_start3A_251] : memref<2x128xi32, #tpu.memory_space<vmem>> -> memref<1x128xi32, #tpu.memory_space<vmem>>
          %dma_start3A_253 = tpu.memref_squeeze %dma_start3A_252 : memref<1x128xi32, #tpu.memory_space<vmem>> -> memref<128xi32, #tpu.memory_space<vmem>>
          %dma_start3A_254 = tpu.memref_slice %arg5[%dma_start3A_248, %add3A_247] : memref<2x320000xi32, #tpu.memory_space<hbm>> -> memref<1x128xi32, #tpu.memory_space<hbm>>
          %dma_start3A_255 = tpu.memref_squeeze %dma_start3A_254 : memref<1x128xi32, #tpu.memory_space<hbm>> -> memref<128xi32, #tpu.memory_space<hbm>>
          %dma_start3A_256 = tpu.memref_slice %arg19[%dma_start3A_250] : memref<2x!tpu.dma_semaphore, #tpu.memory_space<semaphore_mem>> -> memref<1x!tpu.dma_semaphore, #tpu.memory_space<semaphore_mem>>
          %dma_start3A_257 = tpu.memref_squeeze %dma_start3A_256 : memref<1x!tpu.dma_semaphore, #tpu.memory_space<semaphore_mem>> -> memref<!tpu.dma_semaphore, #tpu.memory_space<semaphore_mem>>
          %dma_start3A_258 = arith.constant 0 : i32
          %dma_start3A_259 = tpu.memref_slice %arg8[%dma_start3A_249, %dma_start3A_258] : memref<2x128xi32, #tpu.memory_space<vmem>> -> memref<1x128xi32, #tpu.memory_space<vmem>>
          %dma_start3A_260 = tpu.memref_squeeze %dma_start3A_259 : memref<1x128xi32, #tpu.memory_space<vmem>> -> memref<128xi32, #tpu.memory_space<vmem>>
          %dma_start3A_261 = tpu.memref_slice %arg5[%dma_start3A_248, %add3A_247] : memref<2x320000xi32, #tpu.memory_space<hbm>> -> memref<1x128xi32, #tpu.memory_space<hbm>>
          %dma_start3A_262 = tpu.memref_squeeze %dma_start3A_261 : memref<1x128xi32, #tpu.memory_space<hbm>> -> memref<128xi32, #tpu.memory_space<hbm>>
          tpu.enqueue_dma source(%dma_start3A_262 : memref<128xi32, #tpu.memory_space<hbm>>) target(%dma_start3A_260 : memref<128xi32, #tpu.memory_space<vmem>>) target_semaphore(%dma_start3A_257 : memref<!tpu.dma_semaphore, #tpu.memory_space<semaphore_mem>>)
          %dma_start3A_263 = arith.constant 1 : i32
          %dma_start3A_264 = arith.constant 1 : i32
          %dma_start3A_265 = arith.constant 1 : i32
          %dma_start3A_266 = arith.constant 0 : i32
          %dma_start3A_267 = tpu.memref_slice %arg9[%dma_start3A_264, %dma_start3A_266] : memref<2x128xi32, #tpu.memory_space<vmem>> -> memref<1x128xi32, #tpu.memory_space<vmem>>
          %dma_start3A_268 = tpu.memref_squeeze %dma_start3A_267 : memref<1x128xi32, #tpu.memory_space<vmem>> -> memref<128xi32, #tpu.memory_space<vmem>>
          %dma_start3A_269 = tpu.memref_slice %arg5[%dma_start3A_263, %add3A_247] : memref<2x320000xi32, #tpu.memory_space<hbm>> -> memref<1x128xi32, #tpu.memory_space<hbm>>
          %dma_start3A_270 = tpu.memref_squeeze %dma_start3A_269 : memref<1x128xi32, #tpu.memory_space<hbm>> -> memref<128xi32, #tpu.memory_space<hbm>>
          %dma_start3A_271 = tpu.memref_slice %arg19[%dma_start3A_265] : memref<2x!tpu.dma_semaphore, #tpu.memory_space<semaphore_mem>> -> memref<1x!tpu.dma_semaphore, #tpu.memory_space<semaphore_mem>>
          %dma_start3A_272 = tpu.memref_squeeze %dma_start3A_271 : memref<1x!tpu.dma_semaphore, #tpu.memory_space<semaphore_mem>> -> memref<!tpu.dma_semaphore, #tpu.memory_space<semaphore_mem>>
          %dma_start3A_273 = arith.constant 0 : i32
          %dma_start3A_274 = tpu.memref_slice %arg9[%dma_start3A_264, %dma_start3A_273] : memref<2x128xi32, #tpu.memory_space<vmem>> -> memref<1x128xi32, #tpu.memory_space<vmem>>
          %dma_start3A_275 = tpu.memref_squeeze %dma_start3A_274 : memref<1x128xi32, #tpu.memory_space<vmem>> -> memref<128xi32, #tpu.memory_space<vmem>>
          %dma_start3A_276 = tpu.memref_slice %arg5[%dma_start3A_263, %add3A_247] : memref<2x320000xi32, #tpu.memory_space<hbm>> -> memref<1x128xi32, #tpu.memory_space<hbm>>
          %dma_start3A_277 = tpu.memref_squeeze %dma_start3A_276 : memref<1x128xi32, #tpu.memory_space<hbm>> -> memref<128xi32, #tpu.memory_space<hbm>>
          tpu.enqueue_dma source(%dma_start3A_277 : memref<128xi32, #tpu.memory_space<hbm>>) target(%dma_start3A_275 : memref<128xi32, #tpu.memory_space<vmem>>) target_semaphore(%dma_start3A_272 : memref<!tpu.dma_semaphore, #tpu.memory_space<semaphore_mem>>)
        } else {
        }
        %scan3A_217 = arith.constant 0 : i32
        %scan3A_218 = arith.constant 0 : i32
        %scan3A_219 = arith.constant 128 : i32
        %scan3A_220 = arith.addi %scan3A_218, %scan3A_219 : i32
        %scan3A_221 = arith.constant 1 : i32
        %scan3A_222 = scf.for %scan3A_239 = %scan3A_218 to %scan3A_220 step %scan3A_221 iter_args(%scan3A_240 = %scan3A_217) -> (i32)  : i32 {
          %get3A = arith.constant 1 : i32
          %get3A_241 = arith.index_cast %get3A : i32 to index
          %get3A_242 = arith.index_cast %scan3A_239 : i32 to index
          %get3A_243 = arith.constant 0 : index
          %get3A_244 = tpu.vector_load %arg11[%get3A_241, %get3A_242, %get3A_243] {strides = array<i32>} : memref<2x128x128xf32, #tpu.memory_space<vmem>>, vector<1x1x16xf32>,
          %get3A_245 = vector.shape_cast %get3A_244 : vector<1x1x16xf32> to vector<16xf32>
          %get3A_246 = arith.constant 1 : i32
          %get3A_247 = arith.index_cast %get3A_246 : i32 to index
          %get3A_248 = arith.index_cast %scan3A_239 : i32 to index
          %get3A_249 = arith.constant 0 : index
          %get3A_250 = tpu.vector_load %arg12[%get3A_247, %get3A_248, %get3A_249] {strides = array<i32>} : memref<2x128x128xf32, #tpu.memory_space<vmem>>, vector<1x1x16xf32>,
          %get3A_251 = vector.shape_cast %get3A_250 : vector<1x1x16xf32> to vector<16xf32>
          %add3A_252 = arith.addf %get3A_245, %get3A_251 : vector<16xf32>
          %get3A_253 = arith.constant 1 : i32
          %get3A_254 = arith.index_cast %get3A_253 : i32 to index
          %get3A_255 = arith.index_cast %scan3A_239 : i32 to index
          %get3A_256 = arith.constant 0 : index
          %get3A_257 = tpu.vector_load %arg13[%get3A_254, %get3A_255, %get3A_256] {strides = array<i32>} : memref<2x128x128xf32, #tpu.memory_space<vmem>>, vector<1x1x16xf32>,
          %get3A_258 = vector.shape_cast %get3A_257 : vector<1x1x16xf32> to vector<16xf32>
          %add3A_259 = arith.addf %add3A_252, %get3A_258 : vector<16xf32>
          %max3A = arith.constant 0.000000e+00 : f32
          %max3A_260 = vector.broadcast %max3A : f32 to vector<16xf32>
          %max3A_261 = arith.maximumf %add3A_259, %max3A_260 : vector<16xf32>
          %swap3A = arith.constant 1 : i32
          %swap3A_262 = arith.index_cast %swap3A : i32 to index
          %swap3A_263 = arith.index_cast %scan3A_239 : i32 to index
          %swap3A_264 = arith.constant 0 : index
          %swap3A_265 = tpu.vector_load %arg11[%swap3A_262, %swap3A_263, %swap3A_264] {strides = array<i32>} : memref<2x128x128xf32, #tpu.memory_space<vmem>>, vector<1x1x16xf32>,
          %swap3A_266 = vector.shape_cast %swap3A_265 : vector<1x1x16xf32> to vector<16xf32>
          %swap3A_267 = vector.shape_cast %max3A_261 : vector<16xf32> to vector<1x1x16xf32>
          tpu.vector_store %arg11[%swap3A_262, %swap3A_263, %swap3A_264], %swap3A_267 {strides = array<i32>} : memref<2x128x128xf32, #tpu.memory_space<vmem>>, vector<1x1x16xf32>,
          %get3A_268 = arith.constant 1 : i32
          %get3A_269 = arith.index_cast %get3A_268 : i32 to index
          %get3A_270 = arith.index_cast %scan3A_239 : i32 to index
          %get3A_271 = arith.constant 16 : index
          %get3A_272 = tpu.vector_load %arg11[%get3A_269, %get3A_270, %get3A_271] {strides = array<i32>} : memref<2x128x128xf32, #tpu.memory_space<vmem>>, vector<1x1x16xf32>,
          %get3A_273 = vector.shape_cast %get3A_272 : vector<1x1x16xf32> to vector<16xf32>
          %get3A_274 = arith.constant 1 : i32
          %get3A_275 = arith.index_cast %get3A_274 : i32 to index
          %get3A_276 = arith.index_cast %scan3A_239 : i32 to index
          %get3A_277 = arith.constant 16 : index
          %get3A_278 = tpu.vector_load %arg12[%get3A_275, %get3A_276, %get3A_277] {strides = array<i32>} : memref<2x128x128xf32, #tpu.memory_space<vmem>>, vector<1x1x16xf32>,
          %get3A_279 = vector.shape_cast %get3A_278 : vector<1x1x16xf32> to vector<16xf32>
          %add3A_280 = arith.addf %get3A_273, %get3A_279 : vector<16xf32>
          %get3A_281 = arith.constant 1 : i32
          %get3A_282 = arith.index_cast %get3A_281 : i32 to index
          %get3A_283 = arith.index_cast %scan3A_239 : i32 to index
          %get3A_284 = arith.constant 16 : index
          %get3A_285 = tpu.vector_load %arg13[%get3A_282, %get3A_283, %get3A_284] {strides = array<i32>} : memref<2x128x128xf32, #tpu.memory_space<vmem>>, vector<1x1x16xf32>,
          %get3A_286 = vector.shape_cast %get3A_285 : vector<1x1x16xf32> to vector<16xf32>
          %add3A_287 = arith.addf %add3A_280, %get3A_286 : vector<16xf32>
          %max3A_288 = arith.constant 0.000000e+00 : f32
          %max3A_289 = vector.broadcast %max3A_288 : f32 to vector<16xf32>
          %max3A_290 = arith.maximumf %add3A_287, %max3A_289 : vector<16xf32>
          %swap3A_291 = arith.constant 1 : i32
          %swap3A_292 = arith.index_cast %swap3A_291 : i32 to index
          %swap3A_293 = arith.index_cast %scan3A_239 : i32 to index
          %swap3A_294 = arith.constant 16 : index
          %swap3A_295 = tpu.vector_load %arg11[%swap3A_292, %swap3A_293, %swap3A_294] {strides = array<i32>} : memref<2x128x128xf32, #tpu.memory_space<vmem>>, vector<1x1x16xf32>,
          %swap3A_296 = vector.shape_cast %swap3A_295 : vector<1x1x16xf32> to vector<16xf32>
          %swap3A_297 = vector.shape_cast %max3A_290 : vector<16xf32> to vector<1x1x16xf32>
          tpu.vector_store %arg11[%swap3A_292, %swap3A_293, %swap3A_294], %swap3A_297 {strides = array<i32>} : memref<2x128x128xf32, #tpu.memory_space<vmem>>, vector<1x1x16xf32>,
          %get3A_298 = arith.constant 1 : i32
          %get3A_299 = arith.index_cast %get3A_298 : i32 to index
          %get3A_300 = arith.index_cast %scan3A_239 : i32 to index
          %get3A_301 = arith.constant 32 : index
          %get3A_302 = tpu.vector_load %arg11[%get3A_299, %get3A_300, %get3A_301] {strides = array<i32>} : memref<2x128x128xf32, #tpu.memory_space<vmem>>, vector<1x1x16xf32>,
          %get3A_303 = vector.shape_cast %get3A_302 : vector<1x1x16xf32> to vector<16xf32>
          %get3A_304 = arith.constant 1 : i32
          %get3A_305 = arith.index_cast %get3A_304 : i32 to index
          %get3A_306 = arith.index_cast %scan3A_239 : i32 to index
          %get3A_307 = arith.constant 32 : index
          %get3A_308 = tpu.vector_load %arg12[%get3A_305, %get3A_306, %get3A_307] {strides = array<i32>} : memref<2x128x128xf32, #tpu.memory_space<vmem>>, vector<1x1x16xf32>,
          %get3A_309 = vector.shape_cast %get3A_308 : vector<1x1x16xf32> to vector<16xf32>
          %add3A_310 = arith.addf %get3A_303, %get3A_309 : vector<16xf32>
          %get3A_311 = arith.constant 1 : i32
          %get3A_312 = arith.index_cast %get3A_311 : i32 to index
          %get3A_313 = arith.index_cast %scan3A_239 : i32 to index
          %get3A_314 = arith.constant 32 : index
          %get3A_315 = tpu.vector_load %arg13[%get3A_312, %get3A_313, %get3A_314] {strides = array<i32>} : memref<2x128x128xf32, #tpu.memory_space<vmem>>, vector<1x1x16xf32>,
          %get3A_316 = vector.shape_cast %get3A_315 : vector<1x1x16xf32> to vector<16xf32>
          %add3A_317 = arith.addf %add3A_310, %get3A_316 : vector<16xf32>
          %max3A_318 = arith.constant 0.000000e+00 : f32
          %max3A_319 = vector.broadcast %max3A_318 : f32 to vector<16xf32>
          %max3A_320 = arith.maximumf %add3A_317, %max3A_319 : vector<16xf32>
          %swap3A_321 = arith.constant 1 : i32
          %swap3A_322 = arith.index_cast %swap3A_321 : i32 to index
          %swap3A_323 = arith.index_cast %scan3A_239 : i32 to index
          %swap3A_324 = arith.constant 32 : index
          %swap3A_325 = tpu.vector_load %arg11[%swap3A_322, %swap3A_323, %swap3A_324] {strides = array<i32>} : memref<2x128x128xf32, #tpu.memory_space<vmem>>, vector<1x1x16xf32>,
          %swap3A_326 = vector.shape_cast %swap3A_325 : vector<1x1x16xf32> to vector<16xf32>
          %swap3A_327 = vector.shape_cast %max3A_320 : vector<16xf32> to vector<1x1x16xf32>
          tpu.vector_store %arg11[%swap3A_322, %swap3A_323, %swap3A_324], %swap3A_327 {strides = array<i32>} : memref<2x128x128xf32, #tpu.memory_space<vmem>>, vector<1x1x16xf32>,
          %get3A_328 = arith.constant 1 : i32
          %get3A_329 = arith.index_cast %get3A_328 : i32 to index
          %get3A_330 = arith.index_cast %scan3A_239 : i32 to index
          %get3A_331 = arith.constant 48 : index
          %get3A_332 = tpu.vector_load %arg11[%get3A_329, %get3A_330, %get3A_331] {strides = array<i32>} : memref<2x128x128xf32, #tpu.memory_space<vmem>>, vector<1x1x16xf32>,
          %get3A_333 = vector.shape_cast %get3A_332 : vector<1x1x16xf32> to vector<16xf32>
          %get3A_334 = arith.constant 1 : i32
          %get3A_335 = arith.index_cast %get3A_334 : i32 to index
          %get3A_336 = arith.index_cast %scan3A_239 : i32 to index
          %get3A_337 = arith.constant 48 : index
          %get3A_338 = tpu.vector_load %arg12[%get3A_335, %get3A_336, %get3A_337] {strides = array<i32>} : memref<2x128x128xf32, #tpu.memory_space<vmem>>, vector<1x1x16xf32>,
          %get3A_339 = vector.shape_cast %get3A_338 : vector<1x1x16xf32> to vector<16xf32>
          %add3A_340 = arith.addf %get3A_333, %get3A_339 : vector<16xf32>
          %get3A_341 = arith.constant 1 : i32
          %get3A_342 = arith.index_cast %get3A_341 : i32 to index
          %get3A_343 = arith.index_cast %scan3A_239 : i32 to index
          %get3A_344 = arith.constant 48 : index
          %get3A_345 = tpu.vector_load %arg13[%get3A_342, %get3A_343, %get3A_344] {strides = array<i32>} : memref<2x128x128xf32, #tpu.memory_space<vmem>>, vector<1x1x16xf32>,
          %get3A_346 = vector.shape_cast %get3A_345 : vector<1x1x16xf32> to vector<16xf32>
          %add3A_347 = arith.addf %add3A_340, %get3A_346 : vector<16xf32>
          %max3A_348 = arith.constant 0.000000e+00 : f32
          %max3A_349 = vector.broadcast %max3A_348 : f32 to vector<16xf32>
          %max3A_350 = arith.maximumf %add3A_347, %max3A_349 : vector<16xf32>
          %swap3A_351 = arith.constant 1 : i32
          %swap3A_352 = arith.index_cast %swap3A_351 : i32 to index
          %swap3A_353 = arith.index_cast %scan3A_239 : i32 to index
          %swap3A_354 = arith.constant 48 : index
          %swap3A_355 = tpu.vector_load %arg11[%swap3A_352, %swap3A_353, %swap3A_354] {strides = array<i32>} : memref<2x128x128xf32, #tpu.memory_space<vmem>>, vector<1x1x16xf32>,
          %swap3A_356 = vector.shape_cast %swap3A_355 : vector<1x1x16xf32> to vector<16xf32>
          %swap3A_357 = vector.shape_cast %max3A_350 : vector<16xf32> to vector<1x1x16xf32>
          tpu.vector_store %arg11[%swap3A_352, %swap3A_353, %swap3A_354], %swap3A_357 {strides = array<i32>} : memref<2x128x128xf32, #tpu.memory_space<vmem>>, vector<1x1x16xf32>,
          %get3A_358 = arith.constant 1 : i32
          %get3A_359 = arith.index_cast %get3A_358 : i32 to index
          %get3A_360 = arith.index_cast %scan3A_239 : i32 to index
          %get3A_361 = arith.constant 64 : index
          %get3A_362 = tpu.vector_load %arg11[%get3A_359, %get3A_360, %get3A_361] {strides = array<i32>} : memref<2x128x128xf32, #tpu.memory_space<vmem>>, vector<1x1x16xf32>,
          %get3A_363 = vector.shape_cast %get3A_362 : vector<1x1x16xf32> to vector<16xf32>
          %get3A_364 = arith.constant 1 : i32
          %get3A_365 = arith.index_cast %get3A_364 : i32 to index
          %get3A_366 = arith.index_cast %scan3A_239 : i32 to index
          %get3A_367 = arith.constant 64 : index
          %get3A_368 = tpu.vector_load %arg12[%get3A_365, %get3A_366, %get3A_367] {strides = array<i32>} : memref<2x128x128xf32, #tpu.memory_space<vmem>>, vector<1x1x16xf32>,
          %get3A_369 = vector.shape_cast %get3A_368 : vector<1x1x16xf32> to vector<16xf32>
          %add3A_370 = arith.addf %get3A_363, %get3A_369 : vector<16xf32>
          %get3A_371 = arith.constant 1 : i32
          %get3A_372 = arith.index_cast %get3A_371 : i32 to index
          %get3A_373 = arith.index_cast %scan3A_239 : i32 to index
          %get3A_374 = arith.constant 64 : index
          %get3A_375 = tpu.vector_load %arg13[%get3A_372, %get3A_373, %get3A_374] {strides = array<i32>} : memref<2x128x128xf32, #tpu.memory_space<vmem>>, vector<1x1x16xf32>,
          %get3A_376 = vector.shape_cast %get3A_375 : vector<1x1x16xf32> to vector<16xf32>
          %add3A_377 = arith.addf %add3A_370, %get3A_376 : vector<16xf32>
          %max3A_378 = arith.constant 0.000000e+00 : f32
          %max3A_379 = vector.broadcast %max3A_378 : f32 to vector<16xf32>
          %max3A_380 = arith.maximumf %add3A_377, %max3A_379 : vector<16xf32>
          %swap3A_381 = arith.constant 1 : i32
          %swap3A_382 = arith.index_cast %swap3A_381 : i32 to index
          %swap3A_383 = arith.index_cast %scan3A_239 : i32 to index
          %swap3A_384 = arith.constant 64 : index
          %swap3A_385 = tpu.vector_load %arg11[%swap3A_382, %swap3A_383, %swap3A_384] {strides = array<i32>} : memref<2x128x128xf32, #tpu.memory_space<vmem>>, vector<1x1x16xf32>,
          %swap3A_386 = vector.shape_cast %swap3A_385 : vector<1x1x16xf32> to vector<16xf32>
          %swap3A_387 = vector.shape_cast %max3A_380 : vector<16xf32> to vector<1x1x16xf32>
          tpu.vector_store %arg11[%swap3A_382, %swap3A_383, %swap3A_384], %swap3A_387 {strides = array<i32>} : memref<2x128x128xf32, #tpu.memory_space<vmem>>, vector<1x1x16xf32>,
          %get3A_388 = arith.constant 1 : i32
          %get3A_389 = arith.index_cast %get3A_388 : i32 to index
          %get3A_390 = arith.index_cast %scan3A_239 : i32 to index
          %get3A_391 = arith.constant 80 : index
          %get3A_392 = tpu.vector_load %arg11[%get3A_389, %get3A_390, %get3A_391] {strides = array<i32>} : memref<2x128x128xf32, #tpu.memory_space<vmem>>, vector<1x1x16xf32>,
          %get3A_393 = vector.shape_cast %get3A_392 : vector<1x1x16xf32> to vector<16xf32>
          %get3A_394 = arith.constant 1 : i32
          %get3A_395 = arith.index_cast %get3A_394 : i32 to index
          %get3A_396 = arith.index_cast %scan3A_239 : i32 to index
          %get3A_397 = arith.constant 80 : index
          %get3A_398 = tpu.vector_load %arg12[%get3A_395, %get3A_396, %get3A_397] {strides = array<i32>} : memref<2x128x128xf32, #tpu.memory_space<vmem>>, vector<1x1x16xf32>,
          %get3A_399 = vector.shape_cast %get3A_398 : vector<1x1x16xf32> to vector<16xf32>
          %add3A_400 = arith.addf %get3A_393, %get3A_399 : vector<16xf32>
          %get3A_401 = arith.constant 1 : i32
          %get3A_402 = arith.index_cast %get3A_401 : i32 to index
          %get3A_403 = arith.index_cast %scan3A_239 : i32 to index
          %get3A_404 = arith.constant 80 : index
          %get3A_405 = tpu.vector_load %arg13[%get3A_402, %get3A_403, %get3A_404] {strides = array<i32>} : memref<2x128x128xf32, #tpu.memory_space<vmem>>, vector<1x1x16xf32>,
          %get3A_406 = vector.shape_cast %get3A_405 : vector<1x1x16xf32> to vector<16xf32>
          %add3A_407 = arith.addf %add3A_400, %get3A_406 : vector<16xf32>
          %max3A_408 = arith.constant 0.000000e+00 : f32
          %max3A_409 = vector.broadcast %max3A_408 : f32 to vector<16xf32>
          %max3A_410 = arith.maximumf %add3A_407, %max3A_409 : vector<16xf32>
          %swap3A_411 = arith.constant 1 : i32
          %swap3A_412 = arith.index_cast %swap3A_411 : i32 to index
          %swap3A_413 = arith.index_cast %scan3A_239 : i32 to index
          %swap3A_414 = arith.constant 80 : index
          %swap3A_415 = tpu.vector_load %arg11[%swap3A_412, %swap3A_413, %swap3A_414] {strides = array<i32>} : memref<2x128x128xf32, #tpu.memory_space<vmem>>, vector<1x1x16xf32>,
          %swap3A_416 = vector.shape_cast %swap3A_415 : vector<1x1x16xf32> to vector<16xf32>
          %swap3A_417 = vector.shape_cast %max3A_410 : vector<16xf32> to vector<1x1x16xf32>
          tpu.vector_store %arg11[%swap3A_412, %swap3A_413, %swap3A_414], %swap3A_417 {strides = array<i32>} : memref<2x128x128xf32, #tpu.memory_space<vmem>>, vector<1x1x16xf32>,
          %get3A_418 = arith.constant 1 : i32
          %get3A_419 = arith.index_cast %get3A_418 : i32 to index
          %get3A_420 = arith.index_cast %scan3A_239 : i32 to index
          %get3A_421 = arith.constant 96 : index
          %get3A_422 = tpu.vector_load %arg11[%get3A_419, %get3A_420, %get3A_421] {strides = array<i32>} : memref<2x128x128xf32, #tpu.memory_space<vmem>>, vector<1x1x16xf32>,
          %get3A_423 = vector.shape_cast %get3A_422 : vector<1x1x16xf32> to vector<16xf32>
          %get3A_424 = arith.constant 1 : i32
          %get3A_425 = arith.index_cast %get3A_424 : i32 to index
          %get3A_426 = arith.index_cast %scan3A_239 : i32 to index
          %get3A_427 = arith.constant 96 : index
          %get3A_428 = tpu.vector_load %arg12[%get3A_425, %get3A_426, %get3A_427] {strides = array<i32>} : memref<2x128x128xf32, #tpu.memory_space<vmem>>, vector<1x1x16xf32>,
          %get3A_429 = vector.shape_cast %get3A_428 : vector<1x1x16xf32> to vector<16xf32>
          %add3A_430 = arith.addf %get3A_423, %get3A_429 : vector<16xf32>
          %get3A_431 = arith.constant 1 : i32
          %get3A_432 = arith.index_cast %get3A_431 : i32 to index
          %get3A_433 = arith.index_cast %scan3A_239 : i32 to index
          %get3A_434 = arith.constant 96 : index
          %get3A_435 = tpu.vector_load %arg13[%get3A_432, %get3A_433, %get3A_434] {strides = array<i32>} : memref<2x128x128xf32, #tpu.memory_space<vmem>>, vector<1x1x16xf32>,
          %get3A_436 = vector.shape_cast %get3A_435 : vector<1x1x16xf32> to vector<16xf32>
          %add3A_437 = arith.addf %add3A_430, %get3A_436 : vector<16xf32>
          %max3A_438 = arith.constant 0.000000e+00 : f32
          %max3A_439 = vector.broadcast %max3A_438 : f32 to vector<16xf32>
          %max3A_440 = arith.maximumf %add3A_437, %max3A_439 : vector<16xf32>
          %swap3A_441 = arith.constant 1 : i32
          %swap3A_442 = arith.index_cast %swap3A_441 : i32 to index
          %swap3A_443 = arith.index_cast %scan3A_239 : i32 to index
          %swap3A_444 = arith.constant 96 : index
          %swap3A_445 = tpu.vector_load %arg11[%swap3A_442, %swap3A_443, %swap3A_444] {strides = array<i32>} : memref<2x128x128xf32, #tpu.memory_space<vmem>>, vector<1x1x16xf32>,
          %swap3A_446 = vector.shape_cast %swap3A_445 : vector<1x1x16xf32> to vector<16xf32>
          %swap3A_447 = vector.shape_cast %max3A_440 : vector<16xf32> to vector<1x1x16xf32>
          tpu.vector_store %arg11[%swap3A_442, %swap3A_443, %swap3A_444], %swap3A_447 {strides = array<i32>} : memref<2x128x128xf32, #tpu.memory_space<vmem>>, vector<1x1x16xf32>,
          %get3A_448 = arith.constant 1 : i32
          %get3A_449 = arith.index_cast %get3A_448 : i32 to index
          %get3A_450 = arith.index_cast %scan3A_239 : i32 to index
          %get3A_451 = arith.constant 112 : index
          %get3A_452 = tpu.vector_load %arg11[%get3A_449, %get3A_450, %get3A_451] {strides = array<i32>} : memref<2x128x128xf32, #tpu.memory_space<vmem>>, vector<1x1x16xf32>,
          %get3A_453 = vector.shape_cast %get3A_452 : vector<1x1x16xf32> to vector<16xf32>
          %get3A_454 = arith.constant 1 : i32
          %get3A_455 = arith.index_cast %get3A_454 : i32 to index
          %get3A_456 = arith.index_cast %scan3A_239 : i32 to index
          %get3A_457 = arith.constant 112 : index
          %get3A_458 = tpu.vector_load %arg12[%get3A_455, %get3A_456, %get3A_457] {strides = array<i32>} : memref<2x128x128xf32, #tpu.memory_space<vmem>>, vector<1x1x16xf32>,
          %get3A_459 = vector.shape_cast %get3A_458 : vector<1x1x16xf32> to vector<16xf32>
          %add3A_460 = arith.addf %get3A_453, %get3A_459 : vector<16xf32>
          %get3A_461 = arith.constant 1 : i32
          %get3A_462 = arith.index_cast %get3A_461 : i32 to index
          %get3A_463 = arith.index_cast %scan3A_239 : i32 to index
          %get3A_464 = arith.constant 112 : index
          %get3A_465 = tpu.vector_load %arg13[%get3A_462, %get3A_463, %get3A_464] {strides = array<i32>} : memref<2x128x128xf32, #tpu.memory_space<vmem>>, vector<1x1x16xf32>,
          %get3A_466 = vector.shape_cast %get3A_465 : vector<1x1x16xf32> to vector<16xf32>
          %add3A_467 = arith.addf %add3A_460, %get3A_466 : vector<16xf32>
          %max3A_468 = arith.constant 0.000000e+00 : f32
          %max3A_469 = vector.broadcast %max3A_468 : f32 to vector<16xf32>
          %max3A_470 = arith.maximumf %add3A_467, %max3A_469 : vector<16xf32>
          %swap3A_471 = arith.constant 1 : i32
          %swap3A_472 = arith.index_cast %swap3A_471 : i32 to index
          %swap3A_473 = arith.index_cast %scan3A_239 : i32 to index
          %swap3A_474 = arith.constant 112 : index
          %swap3A_475 = tpu.vector_load %arg11[%swap3A_472, %swap3A_473, %swap3A_474] {strides = array<i32>} : memref<2x128x128xf32, #tpu.memory_space<vmem>>, vector<1x1x16xf32>,
          %swap3A_476 = vector.shape_cast %swap3A_475 : vector<1x1x16xf32> to vector<16xf32>
          %swap3A_477 = vector.shape_cast %max3A_470 : vector<16xf32> to vector<1x1x16xf32>
          tpu.vector_store %arg11[%swap3A_472, %swap3A_473, %swap3A_474], %swap3A_477 {strides = array<i32>} : memref<2x128x128xf32, #tpu.memory_space<vmem>>, vector<1x1x16xf32>,
          %scan3A_478 = arith.constant 0 : i32
          scf.yield %scan3A_478 : i32
        }
        %scan3A_223 = arith.constant 128 : i32
        %dma_start3A_224 = arith.constant 1 : i32
        %dma_start3A_225 = arith.constant 1 : i32
        %dma_start3A_226 = arith.constant 1 : i32
        %dma_start3A_227 = arith.constant 0 : i32
        %dma_start3A_228 = arith.constant 0 : i32
        %dma_start3A_229 = tpu.memref_slice %arg11[%dma_start3A_224, %dma_start3A_227, %dma_start3A_228] : memref<2x128x128xf32, #tpu.memory_space<vmem>> -> memref<1x128x128xf32, #tpu.memory_space<vmem>>
        %dma_start3A_230 = tpu.memref_squeeze %dma_start3A_229 : memref<1x128x128xf32, #tpu.memory_space<vmem>> -> memref<128x128xf32, #tpu.memory_space<vmem>>
        %dma_start3A_231 = arith.constant 0 : i32
        %dma_start3A_232 = tpu.memref_slice %arg10[%dma_start3A_225, %dma_start3A_231] : memref<2x128xi32, #tpu.memory_space<vmem>> -> memref<1x128xi32, #tpu.memory_space<vmem>>
        %dma_start3A_233 = tpu.memref_squeeze %dma_start3A_232 : memref<1x128xi32, #tpu.memory_space<vmem>> -> memref<128xi32, #tpu.memory_space<vmem>>
        %dma_start3A_234 = arith.constant 0 : i32
        %dma_start3A_235 = arith.constant 0 : i32
        %dma_start3A_236 = tpu.memref_slice %arg14[%dma_start3A_234, %dma_start3A_235] : memref<64x128xf32, #tpu.memory_space<vmem_shared>> -> memref<64x128xf32, #tpu.memory_space<vmem_shared>>
        %dma_start3A_237 = tpu.memref_slice %arg20[%dma_start3A_226] : memref<2x!tpu.dma_semaphore, #tpu.memory_space<semaphore_mem>> -> memref<1x!tpu.dma_semaphore, #tpu.memory_space<semaphore_mem>>
        %dma_start3A_238 = tpu.memref_squeeze %dma_start3A_237 : memref<1x!tpu.dma_semaphore, #tpu.memory_space<semaphore_mem>> -> memref<!tpu.dma_semaphore, #tpu.memory_space<semaphore_mem>>
        tpu.enqueue_indirect_dma source(%dma_start3A_230 : memref<128x128xf32, #tpu.memory_space<vmem>>) target(%dma_start3A_236 : memref<64x128xf32, #tpu.memory_space<vmem_shared>>) offsets(%dma_start3A_233 : memref<128xi32, #tpu.memory_space<vmem>>) semaphore(%dma_start3A_238 : memref<!tpu.dma_semaphore, #tpu.memory_space<semaphore_mem>>) {add = true}
      } else {
      }
      %scan3A_131 = arith.constant 0 : i32
      scf.yield %scan3A_131 : i32
    }
    %scan3A_85 = arith.constant 20 : i32
    %lt3A_86 = arith.constant 2 : i32
    %lt3A_87 = arith.cmpi slt, %add3A, %lt3A_86 : i32
    %select_n3A = arith.constant 0 : i32
    %select_n3A_88 = arith.constant 1 : i32
    %select_n3A_89 = arith.select %lt3A_87, %select_n3A_88, %select_n3A : i32
    %dma_wait3A = arith.constant 0 : i32
    %dma_wait3A_90 = arith.constant 0 : i32
    %dma_wait3A_91 = tpu.memref_slice %arg11[%select_n3A_89, %dma_wait3A, %dma_wait3A_90] : memref<2x128x128xf32, #tpu.memory_space<vmem>> -> memref<1x128x128xf32, #tpu.memory_space<vmem>>
    %dma_wait3A_92 = tpu.memref_squeeze %dma_wait3A_91 : memref<1x128x128xf32, #tpu.memory_space<vmem>> -> memref<128x128xf32, #tpu.memory_space<vmem>>
    %dma_wait3A_93 = arith.constant 0 : i32
    %dma_wait3A_94 = tpu.memref_slice %arg10[%select_n3A_89, %dma_wait3A_93] : memref<2x128xi32, #tpu.memory_space<vmem>> -> memref<1x128xi32, #tpu.memory_space<vmem>>
    %dma_wait3A_95 = tpu.memref_squeeze %dma_wait3A_94 : memref<1x128xi32, #tpu.memory_space<vmem>> -> memref<128xi32, #tpu.memory_space<vmem>>
    %dma_wait3A_96 = arith.constant 0 : i32
    %dma_wait3A_97 = arith.constant 0 : i32
    %dma_wait3A_98 = tpu.memref_slice %arg14[%dma_wait3A_96, %dma_wait3A_97] : memref<64x128xf32, #tpu.memory_space<vmem_shared>> -> memref<64x128xf32, #tpu.memory_space<vmem_shared>>
    %dma_wait3A_99 = tpu.memref_slice %arg20[%select_n3A_89] : memref<2x!tpu.dma_semaphore, #tpu.memory_space<semaphore_mem>> -> memref<1x!tpu.dma_semaphore, #tpu.memory_space<semaphore_mem>>
    %dma_wait3A_100 = tpu.memref_squeeze %dma_wait3A_99 : memref<1x!tpu.dma_semaphore, #tpu.memory_space<semaphore_mem>> -> memref<!tpu.dma_semaphore, #tpu.memory_space<semaphore_mem>>
    tpu.wait_indirect_dma semaphore(%dma_wait3A_100 : memref<!tpu.dma_semaphore, #tpu.memory_space<semaphore_mem>>) src(%dma_wait3A_92 : memref<128x128xf32, #tpu.memory_space<vmem>>) dst(%dma_wait3A_98 : memref<64x128xf32, #tpu.memory_space<vmem_shared>>)
    %barrier3A_101 = arith.constant 0 : index
    tpu.barrier barrier_id(%barrier3A_101)
    %eq3A_102 = arith.constant 0 : i32
    %eq3A_103 = arith.cmpi eq, %arg1, %eq3A_102 : i32
    %convert_element_type3A_104 = arith.extui %eq3A_103 : i1 to i32
    %cond3A_105 = arith.constant 0 : i32
    %cond3A_106 = arith.cmpi ne, %convert_element_type3A_104, %cond3A_105 : i32
    scf.if %cond3A_106 {
      "tpu.region"() ({
        %run_scoped3A_107 = tpu.sem_alloc : memref<!tpu.dma_semaphore, #tpu.memory_space<semaphore_mem>>
        %dma_start3A_108 = arith.constant 0 : i32
        %dma_start3A_109 = arith.constant 0 : i32
        %dma_start3A_110 = tpu.memref_slice %arg7[%arg0, %dma_start3A_108, %dma_start3A_109] : memref<2x64x128xf32, #tpu.memory_space<hbm>> -> memref<1x64x128xf32, #tpu.memory_space<hbm>>
        %dma_start3A_111 = tpu.memref_squeeze %dma_start3A_110 : memref<1x64x128xf32, #tpu.memory_space<hbm>> -> memref<64x128xf32, #tpu.memory_space<hbm>>
        tpu.enqueue_dma source(%arg14 : memref<64x128xf32, #tpu.memory_space<vmem_shared>>) target(%dma_start3A_111 : memref<64x128xf32, #tpu.memory_space<hbm>>) target_semaphore(%run_scoped3A_107 : memref<!tpu.dma_semaphore, #tpu.memory_space<semaphore_mem>>)
        %dma_wait3A_112 = arith.constant 0 : i32
        %dma_wait3A_113 = arith.constant 0 : i32
        %dma_wait3A_114 = tpu.memref_slice %arg7[%arg0, %dma_wait3A_112, %dma_wait3A_113] : memref<2x64x128xf32, #tpu.memory_space<hbm>> -> memref<1x64x128xf32, #tpu.memory_space<hbm>>
        %dma_wait3A_115 = tpu.memref_squeeze %dma_wait3A_114 : memref<1x64x128xf32, #tpu.memory_space<hbm>> -> memref<64x128xf32, #tpu.memory_space<hbm>>
        tpu.wait_dma2 semaphore(%run_scoped3A_107 : memref<!tpu.dma_semaphore, #tpu.memory_space<semaphore_mem>>) src(%arg14 : memref<64x128xf32, #tpu.memory_space<vmem_shared>>) dst(%dma_wait3A_115 : memref<64x128xf32, #tpu.memory_space<hbm>>)
        tpu.yield
      }) : () -> ()
    } else {
    }
    return
  }
}

module attributes {stable_mosaic.version = 14 : i64} {
  func.func @_edge_term_body(%arg0: i32, %arg1: memref<5000x16xf32, #tpu.memory_space<vmem>>, %arg2: memref<16x128xf32, #tpu.memory_space<vmem>>, %arg3: memref<1x128xf32, #tpu.memory_space<vmem>>, %arg4: memref<128x128xf32, #tpu.memory_space<vmem>>, %arg5: memref<1x128xf32, #tpu.memory_space<vmem>>, %arg6: memref<5000x128xf32, #tpu.memory_space<vmem>>) attributes {dimension_semantics = [#tpu.dimension_semantics<arbitrary>], iteration_bounds = array<i64: 32>, scalar_prefetch = 0 : i64, scratch_operands = 0 : i64, tpu.core_type = #tpu.core_type<tc>, window_params = [{transform_indices = @transform_0, window_bounds = array<i64: 5000, 16>}, {pipeline_mode = #tpu.pipeline_mode<synchronous>, transform_indices = @transform_1, window_bounds = array<i64: 16, 128>}, {pipeline_mode = #tpu.pipeline_mode<synchronous>, transform_indices = @transform_2, window_bounds = array<i64: 1, 128>}, {pipeline_mode = #tpu.pipeline_mode<synchronous>, transform_indices = @transform_3, window_bounds = array<i64: 128, 128>}, {pipeline_mode = #tpu.pipeline_mode<synchronous>, transform_indices = @transform_4, window_bounds = array<i64: 1, 128>}, {transform_indices = @transform_5, window_bounds = array<i64: 5000, 128>}]} {
    %get3A = arith.constant 0 : index
    %get3A_0 = arith.constant 0 : index
    %get3A_1 = vector.load %arg1[%get3A, %get3A_0] : memref<5000x16xf32, #tpu.memory_space<vmem>>, vector<5000x16xf32>
    %get3A_2 = arith.constant 0 : index
    %get3A_3 = arith.constant 0 : index
    %get3A_4 = vector.load %arg2[%get3A_2, %get3A_3] : memref<16x128xf32, #tpu.memory_space<vmem>>, vector<16x128xf32>
    %dot_general3A = arith.constant dense<0.000000e+00> : vector<5000x128xf32>
    %dot_general3A_5 = tpu.matmul %get3A_1, %get3A_4, %dot_general3A {dimension_numbers = #tpu.dot_dimension_numbers<[1], [0], [0], [1], [0, 0, 1, 1], [], []>, transpose_lhs_hint = false} : vector<5000x16xf32>, vector<16x128xf32>, vector<5000x128xf32> -> vector<5000x128xf32>
    %get3A_6 = arith.constant 0 : index
    %get3A_7 = arith.constant 0 : index
    %get3A_8 = vector.load %arg3[%get3A_6, %get3A_7] : memref<1x128xf32, #tpu.memory_space<vmem>>, vector<1x128xf32>
    %add3A = vector.broadcast %get3A_8 : vector<1x128xf32> to vector<5000x128xf32>
    %add3A_9 = arith.addf %dot_general3A_5, %add3A : vector<5000x128xf32>
    %max3A = arith.constant 0.000000e+00 : f32
    %max3A_10 = vector.broadcast %max3A : f32 to vector<5000x128xf32>
    %max3A_11 = arith.maximumf %add3A_9, %max3A_10 : vector<5000x128xf32>
    %get3A_12 = arith.constant 0 : index
    %get3A_13 = arith.constant 0 : index
    %get3A_14 = vector.load %arg4[%get3A_12, %get3A_13] : memref<128x128xf32, #tpu.memory_space<vmem>>, vector<128x128xf32>
    %dot_general3A_15 = arith.constant dense<0.000000e+00> : vector<5000x128xf32>
    %dot_general3A_16 = tpu.matmul %max3A_11, %get3A_14, %dot_general3A_15 {dimension_numbers = #tpu.dot_dimension_numbers<[1], [0], [0], [1], [0, 0, 1, 1], [], []>, transpose_lhs_hint = false} : vector<5000x128xf32>, vector<128x128xf32>, vector<5000x128xf32> -> vector<5000x128xf32>
    %get3A_17 = arith.constant 0 : index
    %get3A_18 = arith.constant 0 : index
    %get3A_19 = vector.load %arg5[%get3A_17, %get3A_18] : memref<1x128xf32, #tpu.memory_space<vmem>>, vector<1x128xf32>
    %add3A_20 = vector.broadcast %get3A_19 : vector<1x128xf32> to vector<5000x128xf32>
    %add3A_21 = arith.addf %dot_general3A_16, %add3A_20 : vector<5000x128xf32>
    %swap3A = arith.constant 0 : index
    %swap3A_22 = arith.constant 0 : index
    %swap3A_23 = vector.load %arg6[%swap3A, %swap3A_22] : memref<5000x128xf32, #tpu.memory_space<vmem>>, vector<5000x128xf32>
    tpu.vector_store %arg6[%swap3A, %swap3A_22], %add3A_21 {strides = array<i32>} : memref<5000x128xf32, #tpu.memory_space<vmem>>, vector<5000x128xf32>,
    return
  }
  func.func @transform_0(%arg0: i32) -> (i32, i32) {
    %c0_i32 = arith.constant 0 : i32
    %c0_i32_0 = arith.constant 0 : i32
    return %arg0, %c0_i32 : i32, i32
  }
  func.func @transform_1(%arg0: i32) -> (i32, i32) {
    %c0_i32 = arith.constant 0 : i32
    %c0_i32_0 = arith.constant 0 : i32
    %c0_i32_1 = arith.constant 0 : i32
    return %c0_i32, %c0_i32_0 : i32, i32
  }
  func.func @transform_2(%arg0: i32) -> (i32, i32) {
    %c0_i32 = arith.constant 0 : i32
    %c0_i32_0 = arith.constant 0 : i32
    %c0_i32_1 = arith.constant 0 : i32
    return %c0_i32, %c0_i32_0 : i32, i32
  }
  func.func @transform_3(%arg0: i32) -> (i32, i32) {
    %c0_i32 = arith.constant 0 : i32
    %c0_i32_0 = arith.constant 0 : i32
    %c0_i32_1 = arith.constant 0 : i32
    return %c0_i32, %c0_i32_0 : i32, i32
  }
  func.func @transform_4(%arg0: i32) -> (i32, i32) {
    %c0_i32 = arith.constant 0 : i32
    %c0_i32_0 = arith.constant 0 : i32
    %c0_i32_1 = arith.constant 0 : i32
    return %c0_i32, %c0_i32_0 : i32, i32
  }
  func.func @transform_5(%arg0: i32) -> (i32, i32) {
    %c0_i32 = arith.constant 0 : i32
    %c0_i32_0 = arith.constant 0 : i32
    return %arg0, %c0_i32 : i32, i32
  }
}

module attributes {stable_mosaic.version = 14 : i64} {
  func.func @_tables_body(%arg0: i32, %arg1: memref<1000x64xf32, #tpu.memory_space<vmem>>, %arg2: memref<1000x64xf32, #tpu.memory_space<vmem>>, %arg3: memref<64x128xf32, #tpu.memory_space<vmem>>, %arg4: memref<64x128xf32, #tpu.memory_space<vmem>>, %arg5: memref<1x128xf32, #tpu.memory_space<vmem>>, %arg6: memref<128x128xf32, #tpu.memory_space<vmem>>, %arg7: memref<128x128xf32, #tpu.memory_space<vmem>>, %arg8: memref<1000x128xf32, #tpu.memory_space<vmem>>, %arg9: memref<1000x128xf32, #tpu.memory_space<vmem>>) attributes {dimension_semantics = [#tpu.dimension_semantics<arbitrary>], iteration_bounds = array<i64: 10>, scalar_prefetch = 0 : i64, scratch_operands = 0 : i64, tpu.core_type = #tpu.core_type<tc>, window_params = [{transform_indices = @transform_0, window_bounds = array<i64: 1000, 64>}, {transform_indices = @transform_1, window_bounds = array<i64: 1000, 64>}, {pipeline_mode = #tpu.pipeline_mode<synchronous>, transform_indices = @transform_2, window_bounds = array<i64: 64, 128>}, {pipeline_mode = #tpu.pipeline_mode<synchronous>, transform_indices = @transform_3, window_bounds = array<i64: 64, 128>}, {pipeline_mode = #tpu.pipeline_mode<synchronous>, transform_indices = @transform_4, window_bounds = array<i64: 1, 128>}, {pipeline_mode = #tpu.pipeline_mode<synchronous>, transform_indices = @transform_5, window_bounds = array<i64: 128, 128>}, {pipeline_mode = #tpu.pipeline_mode<synchronous>, transform_indices = @transform_6, window_bounds = array<i64: 128, 128>}, {transform_indices = @transform_7, window_bounds = array<i64: 1000, 128>}, {transform_indices = @transform_8, window_bounds = array<i64: 1000, 128>}]} {
    %get3A = arith.constant 0 : index
    %get3A_0 = arith.constant 0 : index
    %get3A_1 = vector.load %arg1[%get3A, %get3A_0] : memref<1000x64xf32, #tpu.memory_space<vmem>>, vector<1000x64xf32>
    %get3A_2 = arith.constant 0 : index
    %get3A_3 = arith.constant 0 : index
    %get3A_4 = vector.load %arg3[%get3A_2, %get3A_3] : memref<64x128xf32, #tpu.memory_space<vmem>>, vector<64x128xf32>
    %dot_general3A = arith.constant dense<0.000000e+00> : vector<1000x128xf32>
    %dot_general3A_5 = tpu.matmul %get3A_1, %get3A_4, %dot_general3A {dimension_numbers = #tpu.dot_dimension_numbers<[1], [0], [0], [1], [0, 0, 1, 1], [], []>, transpose_lhs_hint = false} : vector<1000x64xf32>, vector<64x128xf32>, vector<1000x128xf32> -> vector<1000x128xf32>
    %get3A_6 = arith.constant 0 : index
    %get3A_7 = arith.constant 0 : index
    %get3A_8 = vector.load %arg2[%get3A_6, %get3A_7] : memref<1000x64xf32, #tpu.memory_space<vmem>>, vector<1000x64xf32>
    %get3A_9 = arith.constant 0 : index
    %get3A_10 = arith.constant 0 : index
    %get3A_11 = vector.load %arg4[%get3A_9, %get3A_10] : memref<64x128xf32, #tpu.memory_space<vmem>>, vector<64x128xf32>
    %dot_general3A_12 = arith.constant dense<0.000000e+00> : vector<1000x128xf32>
    %dot_general3A_13 = tpu.matmul %get3A_8, %get3A_11, %dot_general3A_12 {dimension_numbers = #tpu.dot_dimension_numbers<[1], [0], [0], [1], [0, 0, 1, 1], [], []>, transpose_lhs_hint = false} : vector<1000x64xf32>, vector<64x128xf32>, vector<1000x128xf32> -> vector<1000x128xf32>
    %add3A = arith.addf %dot_general3A_5, %dot_general3A_13 : vector<1000x128xf32>
    %get3A_14 = arith.constant 0 : index
    %get3A_15 = arith.constant 0 : index
    %get3A_16 = vector.load %arg5[%get3A_14, %get3A_15] : memref<1x128xf32, #tpu.memory_space<vmem>>, vector<1x128xf32>
    %add3A_17 = vector.broadcast %get3A_16 : vector<1x128xf32> to vector<1000x128xf32>
    %add3A_18 = arith.addf %add3A, %add3A_17 : vector<1000x128xf32>
    %max3A = arith.constant 0.000000e+00 : f32
    %max3A_19 = vector.broadcast %max3A : f32 to vector<1000x128xf32>
    %max3A_20 = arith.maximumf %add3A_18, %max3A_19 : vector<1000x128xf32>
    %get3A_21 = arith.constant 0 : index
    %get3A_22 = arith.constant 0 : index
    %get3A_23 = vector.load %arg6[%get3A_21, %get3A_22] : memref<128x128xf32, #tpu.memory_space<vmem>>, vector<128x128xf32>
    %dot_general3A_24 = arith.constant dense<0.000000e+00> : vector<1000x128xf32>
    %dot_general3A_25 = tpu.matmul %max3A_20, %get3A_23, %dot_general3A_24 {dimension_numbers = #tpu.dot_dimension_numbers<[1], [0], [0], [1], [0, 0, 1, 1], [], []>, transpose_lhs_hint = false} : vector<1000x128xf32>, vector<128x128xf32>, vector<1000x128xf32> -> vector<1000x128xf32>
    %swap3A = arith.constant 0 : index
    %swap3A_26 = arith.constant 0 : index
    %swap3A_27 = vector.load %arg8[%swap3A, %swap3A_26] : memref<1000x128xf32, #tpu.memory_space<vmem>>, vector<1000x128xf32>
    tpu.vector_store %arg8[%swap3A, %swap3A_26], %dot_general3A_25 {strides = array<i32>} : memref<1000x128xf32, #tpu.memory_space<vmem>>, vector<1000x128xf32>,
    %get3A_28 = arith.constant 0 : index
    %get3A_29 = arith.constant 0 : index
    %get3A_30 = vector.load %arg7[%get3A_28, %get3A_29] : memref<128x128xf32, #tpu.memory_space<vmem>>, vector<128x128xf32>
    %dot_general3A_31 = arith.constant dense<0.000000e+00> : vector<1000x128xf32>
    %dot_general3A_32 = tpu.matmul %max3A_20, %get3A_30, %dot_general3A_31 {dimension_numbers = #tpu.dot_dimension_numbers<[1], [0], [0], [1], [0, 0, 1, 1], [], []>, transpose_lhs_hint = false} : vector<1000x128xf32>, vector<128x128xf32>, vector<1000x128xf32> -> vector<1000x128xf32>
    %swap3A_33 = arith.constant 0 : index
    %swap3A_34 = arith.constant 0 : index
    %swap3A_35 = vector.load %arg9[%swap3A_33, %swap3A_34] : memref<1000x128xf32, #tpu.memory_space<vmem>>, vector<1000x128xf32>
    tpu.vector_store %arg9[%swap3A_33, %swap3A_34], %dot_general3A_32 {strides = array<i32>} : memref<1000x128xf32, #tpu.memory_space<vmem>>, vector<1000x128xf32>,
    return
  }
  func.func @transform_0(%arg0: i32) -> (i32, i32) {
    %c0_i32 = arith.constant 0 : i32
    %c0_i32_0 = arith.constant 0 : i32
    return %arg0, %c0_i32 : i32, i32
  }
  func.func @transform_1(%arg0: i32) -> (i32, i32) {
    %c0_i32 = arith.constant 0 : i32
    %c0_i32_0 = arith.constant 0 : i32
    return %arg0, %c0_i32 : i32, i32
  }
  func.func @transform_2(%arg0: i32) -> (i32, i32) {
    %c0_i32 = arith.constant 0 : i32
    %c0_i32_0 = arith.constant 0 : i32
    %c0_i32_1 = arith.constant 0 : i32
    return %c0_i32, %c0_i32_0 : i32, i32
  }
  func.func @transform_3(%arg0: i32) -> (i32, i32) {
    %c0_i32 = arith.constant 0 : i32
    %c0_i32_0 = arith.constant 0 : i32
    %c0_i32_1 = arith.constant 0 : i32
    return %c0_i32, %c0_i32_0 : i32, i32
  }
  func.func @transform_4(%arg0: i32) -> (i32, i32) {
    %c0_i32 = arith.constant 0 : i32
    %c0_i32_0 = arith.constant 0 : i32
    %c0_i32_1 = arith.constant 0 : i32
    return %c0_i32, %c0_i32_0 : i32, i32
  }
  func.func @transform_5(%arg0: i32) -> (i32, i32) {
    %c0_i32 = arith.constant 0 : i32
    %c0_i32_0 = arith.constant 0 : i32
    %c0_i32_1 = arith.constant 0 : i32
    return %c0_i32, %c0_i32_0 : i32, i32
  }
  func.func @transform_6(%arg0: i32) -> (i32, i32) {
    %c0_i32 = arith.constant 0 : i32
    %c0_i32_0 = arith.constant 0 : i32
    %c0_i32_1 = arith.constant 0 : i32
    return %c0_i32, %c0_i32_0 : i32, i32
  }
  func.func @transform_7(%arg0: i32) -> (i32, i32) {
    %c0_i32 = arith.constant 0 : i32
    %c0_i32_0 = arith.constant 0 : i32
    return %arg0, %c0_i32 : i32, i32
  }
  func.func @transform_8(%arg0: i32) -> (i32, i32) {
    %c0_i32 = arith.constant 0 : i32
    %c0_i32_0 = arith.constant 0 : i32
    return %arg0, %c0_i32 : i32, i32
  }
}

module attributes {stable_mosaic.version = 14 : i64} {
  func.func @_final_body(%arg0: memref<2x64x128xf32, #tpu.memory_space<vmem>>, %arg1: memref<2x64x128xf32, #tpu.memory_space<vmem>>, %arg2: memref<128x32xf32, #tpu.memory_space<vmem>>, %arg3: memref<1x32xf32, #tpu.memory_space<vmem>>, %arg4: memref<64x32xf32, #tpu.memory_space<vmem>>) attributes {dimension_semantics = [], scalar_prefetch = 0 : i64, scratch_operands = 0 : i64, tpu.core_type = #tpu.core_type<tc>} {
    %get3A = arith.constant 0 : index
    %get3A_0 = arith.constant 0 : index
    %get3A_1 = arith.constant 0 : index
    %get3A_2 = vector.load %arg0[%get3A, %get3A_0, %get3A_1] : memref<2x64x128xf32, #tpu.memory_space<vmem>>, vector<1x64x128xf32>
    %get3A_3 = vector.shape_cast %get3A_2 : vector<1x64x128xf32> to vector<64x128xf32>
    %get3A_4 = arith.constant 1 : index
    %get3A_5 = arith.constant 0 : index
    %get3A_6 = arith.constant 0 : index
    %get3A_7 = vector.load %arg0[%get3A_4, %get3A_5, %get3A_6] : memref<2x64x128xf32, #tpu.memory_space<vmem>>, vector<1x64x128xf32>
    %get3A_8 = vector.shape_cast %get3A_7 : vector<1x64x128xf32> to vector<64x128xf32>
    %add3A = arith.addf %get3A_3, %get3A_8 : vector<64x128xf32>
    %get3A_9 = arith.constant 0 : index
    %get3A_10 = arith.constant 0 : index
    %get3A_11 = arith.constant 0 : index
    %get3A_12 = vector.load %arg1[%get3A_9, %get3A_10, %get3A_11] : memref<2x64x128xf32, #tpu.memory_space<vmem>>, vector<1x64x128xf32>
    %get3A_13 = vector.shape_cast %get3A_12 : vector<1x64x128xf32> to vector<64x128xf32>
    %add3A_14 = arith.addf %add3A, %get3A_13 : vector<64x128xf32>
    %get3A_15 = arith.constant 1 : index
    %get3A_16 = arith.constant 0 : index
    %get3A_17 = arith.constant 0 : index
    %get3A_18 = vector.load %arg1[%get3A_15, %get3A_16, %get3A_17] : memref<2x64x128xf32, #tpu.memory_space<vmem>>, vector<1x64x128xf32>
    %get3A_19 = vector.shape_cast %get3A_18 : vector<1x64x128xf32> to vector<64x128xf32>
    %add3A_20 = arith.addf %add3A_14, %get3A_19 : vector<64x128xf32>
    %get3A_21 = arith.constant 0 : index
    %get3A_22 = arith.constant 0 : index
    %get3A_23 = vector.load %arg2[%get3A_21, %get3A_22] : memref<128x32xf32, #tpu.memory_space<vmem>>, vector<128x32xf32>
    %dot_general3A = arith.constant dense<0.000000e+00> : vector<64x32xf32>
    %dot_general3A_24 = tpu.matmul %add3A_20, %get3A_23, %dot_general3A {dimension_numbers = #tpu.dot_dimension_numbers<[1], [0], [0], [1], [0, 0, 1, 1], [], []>, transpose_lhs_hint = false} : vector<64x128xf32>, vector<128x32xf32>, vector<64x32xf32> -> vector<64x32xf32>
    %get3A_25 = arith.constant 0 : index
    %get3A_26 = arith.constant 0 : index
    %get3A_27 = vector.load %arg3[%get3A_25, %get3A_26] : memref<1x32xf32, #tpu.memory_space<vmem>>, vector<1x32xf32>
    %add3A_28 = vector.broadcast %get3A_27 : vector<1x32xf32> to vector<64x32xf32>
    %add3A_29 = arith.addf %dot_general3A_24, %add3A_28 : vector<64x32xf32>
    %swap3A = arith.constant 0 : index
    %swap3A_30 = arith.constant 0 : index
    %swap3A_31 = vector.load %arg4[%swap3A, %swap3A_30] : memref<64x32xf32, #tpu.memory_space<vmem>>, vector<64x32xf32>
    tpu.vector_store %arg4[%swap3A, %swap3A_30], %add3A_29 {strides = array<i32>} : memref<64x32xf32, #tpu.memory_space<vmem>>, vector<64x32xf32>,
    return
  }
}

</mosaic_0001>

<sc_bundles>
// kernel: kernel.11.cloned.1.call-start
scs
__scs_entry_jumppad:
0x0: {  	(pc) =	sbr.rel $0x88, $3  }
0x1: {  	(tag) =	ssettag $0x0;
	lr =	simm.s32 $0x1  }
0x2: {  	[smem:$0x3F94] =	sst lr;
	_ =	strace $0xD0000000  }
0x3: {  	_ = 	snop  }
0x4: {  	_ = 	snop  }
0x5: {  	_ = 	snop  }
0x6: {  	_ = 	snop  }
0x7: {  	_ = 	snop  }
__scs_overlays_trampoline_lowered:
0x8: {  	[smem:$0x3FA3] =	sst s0  }
0x9: {  	[smem:$0x3FA4] =	sst s1  }
0xa: {  	[smem:$0x3FA5] =	sst s2  }
0xb: {  	[smem:$0x3FA6] =	sst s3  }
0xc: {  	[smem:$0x3FA7] =	sst s4  }
0xd: {  	[smem:$0x3FA8] =	sst s5  }
0xe: {  	[smem:$0x3FA9] =	sst s6  }
0xf: {  	[smem:$0x3FAA] =	sst s7  }
0x10: {  	[smem:$0x3FAB] =	sst s8  }
0x11: {  	[smem:$0x3FAC] =	sst s9;
	s0 =	simm.s32 @!p0 $0x0  }
0x12: {  	s1 =	sld [smem:$0x3F92];
	s0 =	simm.s32 @p0 $0x1  }
0x13: {  	[smem:$0x3FAD] =	sst s0;
	s0 =	simm.s32 @!p1 $0x0  }
0x14: {  	s2 =	sld [smem:$0x3F91];
	s0 =	simm.s32 @p1 $0x1  }
0x15: {  	[smem:$0x3FAE] =	sst s0;
	s0 =	simm.s32 @!p2 $0x0  }
0x16: {  	s3 =	sld [smem:$0x3FDB];
	s0 =	simm.s32 @p2 $0x1  }
0x17: {  	s4 =	simm.s32 $0x1BF5;
	[smem:$0x3FB0] =	sst s0  }
0x18: {  	s0 =	sld [smem:$0x3F93];
	_ =	swait.ge [sflag:s4], $0x0  }
0x19: {  	s7 =	sld [smem:$0x3F94]  }
0x1a: {  	s8 =	sadd.s32 $0xFFFFE003, lr  }
0x1b: {  	s9 =	sadd.s32 $0xFFFFFEF7, lr;
	s5 =	simm.s32 $0xFFFFFFFF;
	p2 =	slt.u32 s8, $0xFFFFF086  }
0x1c: {  	p1 =	slt.u32 s9, $0xF7A;
	s5 =	simm.s32 @!p2 $0x0  }
0x1d: {  	s5 =	simm.s32 @p1 $0x1;
	p0 =	seq.s32 s7, s2  }
0x1e: {  	s7 =	smul.u32 @!p0 $0xF7A, s2;
	p2 =	seq.s32 @!p0 s5, $0x0  }
0x1f: {  	s9 =	smul.u32 $0xF7A, s1;
	s8 =	simm.s32 @!p0 $0x1BF5;
	p2 =	por !p2, p0  }
0x20: {  	[sflag:s8] =	ssyncset.s32 @!p0 $0xFFFFF086;
	s6 =	sadd.s32 @!p0 s3, s7;
	s7 =	simm.s32 @!p0 $0x108  }
0x21: {  	s3 =	sadd.s32 s3, s9;
	s6 =	sadd.s32 @!p0 $0x88, s6;
	s7 =	simm.s32 @p2 $0x1082  }
0x22: {  	[simem:s7], [sflag:s8] =	dma.local @!p0 [hbm:s6], $0xF7A  }
0x23: {  	s9 =	sor.u32 $0xD0000000, s2;
	s6 =	simm.s32 $0x108;
	_ =	swait.ge @!p0 [sflag:s8], $0x0  }
0x24: {  	s3 =	sadd.s32 $0x88, s3;
	s6 =	simm.s32 @!p1 $0x1082;
	[sflag:s4] =	ssyncset.s32 $0xFFFFF086  }
0x25: {  	[simem:s6], [sflag:s4] =	dma.local [hbm:s3], $0xF7A  }
0x26: {  	[smem:$0x3F94] =	sst s1;
	(tag) =	ssettag s2;
	_ =	strace s9  }
0x27: {  	s1 =	sld [smem:$0x3FA4]  }
0x28: {  	s2 =	sld [smem:$0x3FA5]  }
0x29: {  	s4 =	sld [smem:$0x3FA7]  }
0x2a: {  	p0 =	seq.s32 s5, $0x0;
	s5 =	sld [smem:$0x3FA8]  }
0x2b: {  	s6 =	sld [smem:$0x3FA9]  }
0x2c: {  	s7 =	sld [smem:$0x3FAA]  }
0x2d: {  	s3 =	simm.s32 $0x108;
	s8 =	sld [smem:$0x3FAB]  }
0x2e: {  	s3 =	simm.s32 @!p0 $0x1082;
	s9 =	sld [smem:$0x3FAC]  }
0x2f: {  	lr =	sadd.s32 s0, s3;
	s0 =	sld [smem:$0x3FA3]  }
0x30: {  	s3 =	sld [smem:$0x3FA6]  }
0x31: {  	[smem:$0x3FAF] =	sst s10  }
0x32: {  	s10 =	sld [smem:$0x3FAD];
	_ =	sdelay $0x3  }
0x33: {  	p0 =	seq.s32 s10, $0x1;
	s10 =	sld [smem:$0x3FAF];
	_ =	sdelay $0x3  }
0x34: {  	[smem:$0x3FAF] =	sst s10  }
0x35: {  	s10 =	sld [smem:$0x3FAE];
	_ =	sdelay $0x3  }
0x36: {  	p1 =	seq.s32 s10, $0x1;
	s10 =	sld [smem:$0x3FAF];
	_ =	sdelay $0x3  }
0x37: {  	[smem:$0x3FAF] =	sst s10  }
0x38: {  	s10 =	sld [smem:$0x3FB0]  }
0x39: {  	_ = 	snop;
	(pc) =	sbr.ind lr, $3  }
0x3a: {  	_ = 	snop  }
0x3b: {  	_ = 	snop  }
0x3c: {  	p2 =	seq.s32 s10, $0x1;
	s10 =	sld [smem:$0x3FAF]  }
0x3d: {  	_ =	shalt  }
0x3e: {  	_ =	shalt  }
0x3f: {  	_ =	shalt  }
0x40: {  	_ =	shalt  }
0x41: {  	_ =	shalt  }
0x42: {  	_ =	shalt  }
0x43: {  	_ =	shalt  }
0x44: {  	_ =	shalt  }
0x45: {  	_ =	shalt  }
0x46: {  	_ =	shalt  }
0x47: {  	_ =	shalt  }
0x48: {  	_ =	shalt  }
0x49: {  	_ =	shalt  }
0x4a: {  	_ =	shalt  }
0x4b: {  	_ =	shalt  }
0x4c: {  	_ =	shalt  }
0x4d: {  	_ =	shalt  }
0x4e: {  	_ =	shalt  }
0x4f: {  	_ =	shalt  }
0x50: {  	_ =	shalt  }
0x51: {  	_ =	shalt  }
0x52: {  	_ =	shalt  }
0x53: {  	_ =	shalt  }
0x54: {  	_ =	shalt  }
0x55: {  	_ =	shalt  }
0x56: {  	_ =	shalt  }
0x57: {  	_ =	shalt  }
0x58: {  	_ =	shalt  }
0x59: {  	_ =	shalt  }
0x5a: {  	_ =	shalt  }
0x5b: {  	_ =	shalt  }
0x5c: {  	_ =	shalt  }
0x5d: {  	_ =	shalt  }
0x5e: {  	_ =	shalt  }
0x5f: {  	_ =	shalt  }
0x60: {  	_ =	shalt  }
0x61: {  	_ =	shalt  }
0x62: {  	_ =	shalt  }
0x63: {  	_ =	shalt  }
0x64: {  	_ =	shalt  }
0x65: {  	_ =	shalt  }
0x66: {  	_ =	shalt  }
0x67: {  	_ =	shalt  }
0x68: {  	_ =	shalt  }
0x69: {  	_ =	shalt  }
0x6a: {  	_ =	shalt  }
0x6b: {  	_ =	shalt  }
0x6c: {  	_ =	shalt  }
0x6d: {  	_ =	shalt  }
0x6e: {  	_ =	shalt  }
0x6f: {  	_ =	shalt  }
0x70: {  	_ =	shalt  }
0x71: {  	_ =	shalt  }
0x72: {  	_ =	shalt  }
0x73: {  	_ =	shalt  }
0x74: {  	_ =	shalt  }
0x75: {  	_ =	shalt  }
0x76: {  	_ =	shalt  }
0x77: {  	_ =	shalt  }
0x78: {  	_ =	shalt  }
0x79: {  	_ =	shalt  }
0x7a: {  	_ =	shalt  }
0x7b: {  	_ =	shalt  }
0x7c: {  	_ =	shalt  }
0x7d: {  	_ =	shalt  }
0x7e: {  	_ =	shalt  }
0x7f: {  	_ =	shalt  }
0x80: {  	_ =	shalt  }
0x81: {  	_ =	shalt  }
0x82: {  	_ =	shalt  }
0x83: {  	_ =	shalt  }
0x84: {  	_ =	shalt  }
0x85: {  	_ =	shalt  }
0x86: {  	_ =	shalt  }
0x87: {  	_ =	shalt  }
.Lfunc_end0:
.L_simem_size_0:
called_computation.1_lowered:
.L_overlay_start_0:
0x88: {  	s2 =	sld [smem:$0x3FD9]  }
0x89: {  	s3 =	sld [smem:$0x3FFE];
	_ =	sdelay $0x1  }
0x8a: {  	s1 =	srdreg.scid  }
0x8b: {  	s0 =	sand.u32 $0x1, s1  }
0x8c: {  	s17 =	sshll.u32 s0, $0xA;
	s2 =	sadd.s32 s3, s2  }
0x8d: {  	s2 =	sadd.s32 s2, s17  }
0x8e: {  	[smem:$0x3FBB] =	sst s2  }
0x8f: {  	_ = 	snop  }
0x90: {  	s2 =	sld [smem:$0x3FC6]  }
0x91: {  	s18 =	sld [smem:$0x3FC5];
	(tm) =	ssettm $0x1  }
0x92: {  	s4 =	sld [smem:$0x3FFB];
	_ =	sdelay $0x3  }
0x93: {  	_ =	strace s4  }
0x94: {  	s4 =	sld [smem:$0x3FFC];
	_ =	sdelay $0x3  }
0x95: {  	_ =	strace s4  }
0x96: {  	s4 =	sld [smem:$0x3FFD];
	_ =	sdelay $0x3  }
0x97: {  	_ =	strace s4  }
0x98: {  	_ =	strace $0x8FFFFFFF  }
0x99: {  	s19 =	sld [smem:$0x3FDB];
	_ =	sdelay $0x1  }
0x9a: {  	s5 =	simm.s32 $_scs_section_size  }
0x9b: {  	s6 =	simm.s32 $_size__tile_overlayer_lowered;
	s7 =	simm.s32 $_tile_overlayer_lowered  }
0x9c: {  	s22 =	simm.s32 $0x1BFF;
	s21 =	sshll.u32 s7, $0x1;
	s4 =	sadd.s32 s5, s19  }
0x9d: {  	s8 =	simm.s32 $0x0;
	s20 =	sshll.u32 s6, $0x1;
	s6 =	sadd.s32 s21, s4  }
0x9e: {  	[timem:s8], [sflag:s22] =	dma.local [hbm:s6], s20  }
0x9f: {  	_ =	swait.ge [sflag:s22], s20  }
0xa0: {  	s5 =	ssub.s32 $0x0, s20;
	[sflag:s22] =	ssyncset.done $0x0  }
0xa1: {  	[sflag:s22] =	ssyncadd.s32 s5;
	_ =	sdelay $0x1  }
0xa2: {  	s23 =	simm.s32 $0x1B8B  }
0xa3: {  	_ =	swait.ge [sflag:s23], $0x1  }
0xa4: {  	[sflag:s23] =	ssyncset.done $0x0  }
0xa5: {  	s25 =	simm.s32 $0x1B8E;
	s24 =	sld [smem:$0x3FFE];
	[sflag:s23] =	ssyncadd.s32 $0xFFFFFFFF  }
0xa6: {  	s26 =	simm.s32 $execute0_lowered;
	[smem:$0x3FD2] =	sst s25  }
0xa7: {  	s6 =	sshll.u32 s26, $0x1;
	_ =	strace $0x80000046;
	[dreg:$0x1] =	wrdreg $0xFFFFFFFF  }
0xa8: {  	s28 =	simm.s32 $_size_execute0_lowered;
	s4 =	sadd.s32 s4, s6;
	[dreg:$0x0] =	wrdreg $0x0  }
0xa9: {  	s6 =	sshll.u32 s28, $0x1;
	[dreg:$0x2] =	wrdreg s4  }
0xaa: {  	[dreg:$0x3] =	wrdreg s6  }
0xab: {  	[dreg:$0x4] =	wrdreg $0xC0  }
0xac: {  	_ =	task [dreg:s8], $0x5FFFF  }
0xad: {  	[dreg:$0x1] =	wrdreg $0xFFFFFFFF  }
0xae: {  	[dreg:$0x0] =	wrdreg $0x60  }
0xaf: {  	[dreg:$0x2] =	wrdreg s24  }
0xb0: {  	[dreg:$0x3] =	wrdreg s2  }
0xb1: {  	[dreg:$0x4] =	wrdreg s18  }
0xb2: {  	[dreg:$0x5] =	wrdreg $0x183000  }
0xb3: {  	[dreg:$0x6] =	wrdreg $0xA  }
0xb4: {  	_ =	task.clear_ibuf [dreg:s8], $0x7FFFF;
	_ =	strace $0x90000046  }
0xb5: {  	s29 =	simm.s32 $0xA;
	_ =	strace $0x80000048  }
0xb6: {  	_ =	swait.ge [sflag:s29], $0x1  }
0xb7: {  	[sflag:s29] =	ssyncadd.s32 $0xFFFFFFFF  }
0xb8: {  	_ =	strace $0x90000048  }
0xb9: {  	_ =	sfence  }
0xba: {  	s30 =	sld [smem:$0x0];
	_ =	sdelay $0x2  }
0xbb: {  	s31 =	sshll.u32 s1, $0xD;
	s1 =	sshrl.u32 s1, $0x2  }
0xbc: {  	s3 =	sand.u32 $0x4000, s31;
	s1 =	sadd.s32 s1, s30  }
0xbd: {  	s0 =	sor.u32 s3, s0;
	s1 =	sshll.u32 s1, $0x11  }
0xbe: {  	s0 =	sor.u32 s1, s0  }
0xbf: {  	s0 =	sadd.s32 $0x8F2B, s0  }
0xc0: {  	[sflag:s0] =	ssyncadd.remote.s32 $0x1  }
0xc1: {  	_ =	sfence.sel $0xFFFF  }
0xc2: {  	[dreg:$0x0] =	wrdreg $0xFFFFFFFF;
	(pc) =	sbr.abs _section_cstart, $3  }
0xc3: {  	[dreg:$0x1] =	wrdreg $0xFFFFFFFF  }
0xc4: {  	_ =	task.clear_ibuf [dreg:s8], $0x2FFFF;
	_ =	strace $0x9FFFFFFF  }
0xc5: {  	(tm) =	ssettm $0x7FFFFFFF  }
tec
execute0_lowered:
.L_overlay_start_1:
0x0: {  	(tag) =	ssettag $0x1  }
0x1: {  	s0 =	rddreg [dreg:$0x0]  }
0x2: {  	s1 =	rddreg [dreg:$0x1]  }
0x3: {  	s2 =	rddreg [dreg:$0x2]  }
0x4: {  	s3 =	rddreg [dreg:$0x3];
	s4 =	simm.s32 $0x0;
	s19 =	srdreg.scid  }
0x5: {  	s8 =	stileid.u32;
	s15 =	simm.s32 $0x1;
	s28 =	simm.s32 $0x200  }
0x6: {  	s30 =	simm.s32 $0x3;
	s31 =	simm.s32 $0x5;
	s29 =	simm.s32 $0x4  }
0x7: {  	s16 =	simm.s32 $0x0;
	[smem:$0x7FF] =	sst s4;
	s5 =	sadd.s32 $0x51200, s0  }
0x8: {  	s6 =	sadd.s32 $0x78400, s0;
	s7 =	sadd.s32 $0x2C2200, s0;
	s4 =	sand.u32 $0x1, s19  }
0x9: {  	s9 =	sshll.u32 s8, $0x1;
	p0 =	seq.s32 s8, $0x0;
	_ =	strace $0x80000047  }
0xa: {  	s10 =	sshll.u32 s4, $0xA;
	s11 =	ssub.s32 $0x2, s4;
	s4 =	sor.u32 s4, s9  }
0xb: {  	s0 =	sadd.s32 s10, s0;
	s20 =	sshrl.u32 s11, $0x1;
	s12 =	sshll.u32 s4, $0x5  }
0xc: {  	s23 =	sshll.u32 s4, $0xB;
	s13 =	sor.u32 $0x40, s4;
	s14 =	sor.u32 $0x60, s4  }
0xd: {  	s19 =	sor.u32 $0x20, s4;
	s4 =	simm.s32 $0xB;
	s10 =	ssub.s32 s11, s20  }
0xe: {  	s21 =	sadd.s32 s1, s12;
	s0 =	sadd.s32 $0x9F600, s0;
	s20 =	ssub.s32 $0x4C2, s9  }
0xf: {  	s9 =	simm.s32 $0x280;
	s12 =	sadd.s32 $0x9C40, s21;
	[dreg:$0xb] =	wrdreg s0  }
0x10: {  	s22 =	sadd.s32 $0x9C50, s21;
	s24 =	sadd.s32 $0xA040, s21;
	[dreg:$0x5] =	wrdreg s12  }
0x11: {  	s11 =	sadd.s32 $0xA050, s21;
	s26 =	smax.u32 s10, $0x1;
	[dreg:$0x6] =	wrdreg s22  }
0x12: {  	s0 =	simm.s32 $0x7;
	s21 =	simm.s32 $0x6;
	[dreg:$0x8] =	wrdreg s24  }
.Ltmp0:
0x13: {  	s12 =	sadd.s32 s7, s23;
	[dreg:$0x9] =	wrdreg s11;
	(pc) =	sbr.rel .LBB2_1-.Ltmp0, $4  }
0x14: {  	s10 =	simm.s32 $0x4300;
	[dreg:$0x7] =	wrdreg s12;
	s12 =	simm.s32 $0x1  }
0x15: {  	[dreg:$0xc] =	wrdreg s26;
	s24 =	simm.s32 $0x80;
	s12 =	simm.s32 @!p0 $0x0  }
0x16: {  	s26 =	simm.s32 $0x2;
	p0 =	sne.s32 s8, $0x0;
	s25 =	sadd.s32 $0xB, s12  }
0x17: {  	v0 =	vimm.f32 $0.0e+00;
	s8 =	simm.s32 $0x8;
	[dreg:$0xa] =	wrdreg s25;
	s25 =	simm.s32 $0x300  }
.LBB2_13:
0x18: {  	s11 =	rddreg [dreg:$0xa]  }
0x19: {  	_ =	swait.ge [sflag:s11], $0x4000  }
0x1a: {  	[sflag:s11] =	ssyncset.done $0x0  }
0x1b: {  	[sflag:s11] =	ssyncadd.s32 $0xFFFFC000  }
0x1c: {  	[bflag:$0x0] =	sbarrier.arrive $0xFFFF  }
0x1d: {  	s12 =	simm.s32 @!p0 $0x1C0D;
	s11 =	sshrl.u32 @!p0 s3, $0x3;
	s16 =	rddreg [dreg:$0xb]  }
0x1e: {  	[hbm:s16], [sflag:s12] =	dma.local @!p0 [spmem:s11], $0x400  }
0x1f: {  	s11 =	simm.s32 @!p0 $0xD  }
0x20: {  	_ =	swait.ge @!p0 [sflag:s11], $0x400  }
0x21: {  	s22 =	rddreg [dreg:$0xd]  }
0x22: {  	s23 =	rddreg [dreg:$0xc];
	s16 =	sadd.s32 $0x1, s22  }
0x23: {  	p1 =	sne.s32 s16, s23  }
.Ltmp1:
0x24: {  	_ = 	snop;
	(pc) =	sbr.rel @!p1 .LBB2_14-.Ltmp1, $3  }
0x25: {  	_ =	sdelay $0x1  }
0x26: {  	[sflag:s11] =	ssyncset.done @!p0 $0x0  }
0x27: {  	[sflag:s11] =	ssyncadd.s32 @!p0 $0xFFFFFC00  }
.LBB2_1:
.Ltmp2:
0x28: {  	(pc) =	sbr.rel @p0 .LBB2_5-.Ltmp2, $2  }
0x29: {  	_ =	sdelay $0x2  }
0x2a: {  	[dreg:$0xd] =	wrdreg s16  }
0x2b: {  	s11 =	simm.s32 $0x0  }
0x2c: {  	s12 =	sshra.s32 s11, $0x2;
	s16 =	sadd.s32 $0x200, s11  }
.LBB2_3:
0x2d: {  	p1 =	sne.s32 s16, $0x7E00;
	[tilespmem:s12+$0x10370] =	vst v0  }
0x2e: {  	[tilespmem:s12+$0x10300] =	vst v0  }
0x2f: {  	[tilespmem:s12+$0x10310] =	vst v0  }
.Ltmp3:
0x30: {  	[tilespmem:s12+$0x10320] =	vst v0;
	(pc) =	sbr.rel @p1 .LBB2_3-.Ltmp3, $4  }
0x31: {  	[tilespmem:s12+$0x10330] =	vst v0  }
0x32: {  	[tilespmem:s12+$0x10340] =	vst v0  }
0x33: {  	[tilespmem:s12+$0x10350] =	vst v0  }
0x34: {  	[tilespmem:s12+$0x10360] =	vst v0;
	s12 =	sshra.s32 s16, $0x2;
	s16 =	sadd.s32 $0x200, s16  }
0x35: {  	[tilespmem:s12+$0x10370] =	vst v0  }
0x36: {  	[tilespmem:s12+$0x10300] =	vst v0  }
0x37: {  	[tilespmem:s12+$0x10310] =	vst v0  }
0x38: {  	[tilespmem:s12+$0x10320] =	vst v0  }
0x39: {  	[tilespmem:s12+$0x10330] =	vst v0  }
0x3a: {  	[tilespmem:s12+$0x10340] =	vst v0  }
0x3b: {  	[tilespmem:s12+$0x10350] =	vst v0  }
0x3c: {  	[tilespmem:s12+$0x10360] =	vst v0;
	s11 =	simm.s32 $0x10300;
	s23 =	simm.s32 $0xD  }
0x3d: {  	[spmem:s3] =	stream.linear.scatter [tilespmem:s11], [sflag:$0xD], $0x2000, $0x38;
	[tilespmem:$0x18500] =	vst v63  }
0x3e: {  	_ =	swait.ge [sflag:s23], $0x2000  }
0x3f: {  	[sflag:s23] =	ssyncset.done $0x0  }
0x40: {  	[sflag:s23] =	ssyncadd.s32 $0xFFFFE000  }
.LBB2_5:
0x41: {  	[bflag:$0x0] =	sbarrier.arrive $0xFFFF  }
0x42: {  	s12 =	simm.s32 $0x0;
	s16 =	simm.s32 $0xD;
	s11 =	rddreg [dreg:$0x5]  }
0x43: {  	[tilespmem:s12], [sflag:$0xD] =	stream.linear.gather [hbm4b:s11+s12], $0x80, $0x38;
	[tilespmem:$0x18500] =	vst v63  }
0x44: {  	_ =	swait.ge [sflag:s16], $0x80  }
0x45: {  	[sflag:s16] =	ssyncset.done $0x0  }
0x46: {  	s17 =	simm.s32 $0x100;
	s22 =	rddreg [dreg:$0x6];
	[sflag:s16] =	ssyncadd.s32 $0xFFFFFF80  }
0x47: {  	[tilespmem:s17], [sflag:$0xD] =	stream.linear.gather [hbm4b:s22+s12], $0x80, $0x38;
	[tilespmem:$0x18500] =	vst v63  }
0x48: {  	_ =	swait.ge [sflag:s16], $0x80  }
0x49: {  	[sflag:s16] =	ssyncset.done $0x0  }
0x4a: {  	[sflag:s16] =	ssyncadd.s32 $0xFFFFFF80  }
0x4b: {  	[tilespmem:s25], [sflag:$0x1] =	stream.indirect.gather [hbm4b:s5+s24], $0x80, s12, s24, $0xb8;
	[tilespmem:$0x18500] =	vst v63  }
0x4c: {  	s23 =	simm.s32 $0x8300  }
0x4d: {  	[tilespmem:s23], [sflag:$0x3] =	stream.indirect.gather [hbm4b:s6+s24], $0x80, s17, s24, $0xb8;
	[tilespmem:$0x18500] =	vst v63  }
0x4e: {  	s16 =	rddreg [dreg:$0x7];
	s17 =	simm.s32 $0x10300  }
0x4f: {  	[tilespmem:s17], [sflag:$0x5] =	stream.linear.gather [hbm4b:s16+s12], $0x4000, $0x38;
	[tilespmem:$0x18500] =	vst v63  }
0x50: {  	_ = 	snop  }
0x51: {  	[tilespmem:s28], [sflag:$0x7] =	stream.indirect.gather [hbm4b:s2+s24], $0x1, s12, s24, $0xb8;
	[tilespmem:$0x18500] =	vst v63  }
.Ltmp4:
0x52: {  	_ = 	snop;
	(pc) =	sbr.rel .LBB2_6-.Ltmp4, $4  }
0x53: {  	s18 =	rddreg [dreg:$0x8]  }
0x54: {  	[tilespmem:s24], [sflag:$0xA] =	stream.linear.gather [hbm4b:s18+s12], $0x80, $0x38;
	[tilespmem:$0x18500] =	vst v63  }
0x55: {  	s22 =	rddreg [dreg:$0x9];
	s23 =	simm.s32 $0x180  }
0x56: {  	[tilespmem:s23], [sflag:$0xA] =	stream.linear.gather [hbm4b:s22+s12], $0x80, $0x38;
	[tilespmem:$0x18500] =	vst v63  }
.LBB2_12:
0x57: {  	s12 =	sadd.s32 $0x1, s12  }
0x58: {  	p1 =	sne.s32 s12, $0x14  }
.Ltmp5:
0x59: {  	_ = 	snop;
	(pc) =	sbr.rel @!p1 .LBB2_13-.Ltmp5, $1  }
0x5a: {  	_ =	sdelay $0x3  }
.LBB2_6:
0x5b: {  	p2 =	seq.s32 s12, $0x0  }
0x5c: {  	s23 =	sshll.u32 s12, $0x6;
	s16 =	simm.s32 @!p2 $0xC  }
0x5d: {  	s17 =	sor.u32 s19, s23;
	_ =	swait.ge @!p2 [sflag:s16], $0x4000  }
0x5e: {  	p1 =	sgt.u32 s17, $0x4E1;
	[sflag:s16] =	ssyncset.done @!p2 $0x0  }
0x5f: {  	[sflag:s16] =	ssyncadd.s32 @!p2 $0xFFFFC000;
	s16 =	simm.s32 @!p1 $0xA  }
0x60: {  	_ =	swait.ge @!p1 [sflag:s16], $0x80  }
0x61: {  	[sflag:s16] =	ssyncset.done @!p1 $0x0  }
0x62: {  	[sflag:s16] =	ssyncadd.s32 @!p1 $0xFFFFFF80  }
0x63: {  	_ =	swait.ge @!p1 [sflag:s16], $0x80  }
0x64: {  	[sflag:s16] =	ssyncset.done @!p1 $0x0  }
0x65: {  	s18 =	simm.s32 @!p1 $0x4300;
	[sflag:s16] =	ssyncadd.s32 @!p1 $0xFFFFFF80;
	s16 =	simm.s32 @!p1 $0x80  }
0x66: {  	[tilespmem:s18], [sflag:$0x2] =	stream.indirect.gather @!p1 [hbm4b:s5+s16], $0x80, s16, s16, $0xb8;
	[tilespmem:$0x18500] =	vst v63  }
0x67: {  	s22 =	simm.s32 @!p1 $0xC300;
	s17 =	sshll.u32 @!p1 s17, $0xB;
	s18 =	simm.s32 @!p1 $0x180  }
0x68: {  	[tilespmem:s22], [sflag:$0x4] =	stream.indirect.gather @!p1 [hbm4b:s6+s16], $0x80, s18, s16, $0xb8;
	[tilespmem:$0x18500] =	vst v63  }
0x69: {  	s17 =	sadd.s32 @!p1 s7, s17;
	s18 =	simm.s32 @!p1 $0x0;
	s22 =	simm.s32 @!p1 $0x14300  }
0x6a: {  	[tilespmem:s22], [sflag:$0x6] =	stream.linear.gather @!p1 [hbm4b:s17+s18], $0x4000, $0x38;
	[tilespmem:$0x18500] =	vst v63  }
0x6b: {  	s17 =	simm.s32 @!p1 $0x280  }
0x6c: {  	[tilespmem:s17], [sflag:$0x8] =	stream.indirect.gather @!p1 [hbm4b:s2+s16], $0x1, s16, s16, $0xb8;
	[tilespmem:$0x18500] =	vst v63  }
0x6d: {  	_ =	swait.ge [sflag:s15], $0x4000  }
0x6e: {  	[sflag:s15] =	ssyncset.done $0x0  }
0x6f: {  	[sflag:s15] =	ssyncadd.s32 $0xFFFFC000  }
0x70: {  	_ =	swait.ge [sflag:s30], $0x4000  }
0x71: {  	[sflag:s30] =	ssyncset.done $0x0  }
0x72: {  	[sflag:s30] =	ssyncadd.s32 $0xFFFFC000  }
0x73: {  	s17 =	sadd.s32 s13, s23;
	_ =	swait.ge [sflag:s31], $0x4000  }
0x74: {  	p1 =	sgt.u32 s17, $0x4E1;
	[sflag:s31] =	ssyncset.done $0x0  }
0x75: {  	s16 =	sshll.u32 @!p1 s17, $0x5;
	[sflag:s31] =	ssyncadd.s32 $0xFFFFC000  }
0x76: {  	s16 =	sand.u32 @!p1 $0x1FFFFFE0, s16;
	_ =	swait.ge [sflag:s0], $0x80  }
0x77: {  	s16 =	sadd.s32 @!p1 s1, s16;
	[sflag:s0] =	ssyncset.done $0x0  }
0x78: {  	s22 =	simm.s32 @!p1 $0x0;
	s18 =	sadd.s32 @!p1 $0x9C40, s16;
	[sflag:s0] =	ssyncadd.s32 $0xFFFFFF80  }
0x79: {  	[tilespmem:s22], [sflag:$0x9] =	stream.linear.gather @!p1 [hbm4b:s18+s22], $0x80, $0x38;
	[tilespmem:$0x18500] =	vst v63  }
0x7a: {  	s16 =	sadd.s32 @!p1 $0x9C50, s16;
	s18 =	simm.s32 @!p1 $0x100  }
0x7b: {  	[tilespmem:s18], [sflag:$0x9] =	stream.linear.gather @!p1 [hbm4b:s16+s22], $0x80, $0x38;
	[tilespmem:$0x18500] =	vst v63  }
0x7c: {  	s18 =	simm.s32 $0x0  }
0x7d: {  	v5 =	vld [tilespmem:s18+$0x10300]  }
0x7e: {  	v6 =	vld [tilespmem:s18+$0x10310]  }
0x7f: {  	v4 =	vld [tilespmem:s18+$0x10320]  }
0x80: {  	v3 =	vld [tilespmem:s18+$0x10330]  }
0x81: {  	v2 =	vld [tilespmem:s18+$0x10340]  }
0x82: {  	v1 =	vld [tilespmem:s18+$0x10350]  }
0x83: {  	v13 =	vld [tilespmem:s18+$0x8300]  }
0x84: {  	v18 =	vld [tilespmem:s18+$0x8310]  }
0x85: {  	v12 =	vld [tilespmem:s18+$0x8320]  }
0x86: {  	v11 =	vld [tilespmem:s18+$0x8330]  }
0x87: {  	v10 =	vld [tilespmem:s18+$0x8340]  }
0x88: {  	v9 =	vld [tilespmem:s18+$0x8350]  }
0x89: {  	v8 =	vld [tilespmem:s18+$0x8360]  }
0x8a: {  	v7 =	vld [tilespmem:s18+$0x8370]  }
0x8b: {  	v19 =	vld [tilespmem:s18+$0x300]  }
0x8c: {  	v20 =	vld [tilespmem:s18+$0x310]  }
0x8d: {  	v17 =	vld [tilespmem:s18+$0x320]  }
0x8e: {  	v16 =	vld [tilespmem:s18+$0x330]  }
0x8f: {  	v15 =	vld [tilespmem:s18+$0x340]  }
0x90: {  	v14 =	vld [tilespmem:s18+$0x350];
	v19 =	vadd.f32 v13, v19  }
0x91: {  	s16 =	simm.s32 $0x200;
	v18 =	vadd.f32 v18, v20;
	v13 =	vld [tilespmem:s18+$0x360]  }
.LBB2_7:
0x92: {  	p2 =	sne.s32 s16, $0xFE00;
	v5 =	vadd.f32 v5, v19;
	v12 =	vadd.f32 v12, v17;
	v17 =	vld [tilespmem:s18+$0x370]  }
0x93: {  	v6 =	vadd.f32 v6, v18;
	v11 =	vadd.f32 v11, v16;
	v16 =	vld [tilespmem:s18+$0x10360]  }
0x94: {  	s22 =	sshra.s32 s16, $0x2;
	v18 =	vmax.f32 v5, $0.0e+00;
	v4 =	vadd.f32 v4, v12;
	v10 =	vadd.f32 v10, v15;
	v12 =	vld [tilespmem:s18+$0x10370]  }
0x95: {  	v5 =	vld [tilespmem:s22+$0x10300];
	[tilespmem:s18+$0x300] =	vst v18;
	v15 =	vmax.f32 v6, $0.0e+00;
	v3 =	vadd.f32 v3, v11;
	v9 =	vadd.f32 v9, v14  }
0x96: {  	v6 =	vld [tilespmem:s22+$0x10310];
	[tilespmem:s18+$0x310] =	vst v15;
	v11 =	vmax.f32 v4, $0.0e+00;
	v2 =	vadd.f32 v2, v10;
	v8 =	vadd.f32 v8, v13  }
0x97: {  	v4 =	vld [tilespmem:s22+$0x10320];
	[tilespmem:s18+$0x320] =	vst v11;
	v10 =	vmax.f32 v3, $0.0e+00;
	v1 =	vadd.f32 v1, v9;
	v7 =	vadd.f32 v7, v17  }
0x98: {  	v3 =	vld [tilespmem:s22+$0x10330];
	[tilespmem:s18+$0x330] =	vst v10;
	v9 =	vmax.f32 v2, $0.0e+00;
	v8 =	vadd.f32 v16, v8  }
0x99: {  	v2 =	vld [tilespmem:s22+$0x10340];
	[tilespmem:s18+$0x340] =	vst v9;
	v9 =	vmax.f32 v1, $0.0e+00;
	v7 =	vadd.f32 v12, v7  }
0x9a: {  	v1 =	vld [tilespmem:s22+$0x10350];
	[tilespmem:s18+$0x350] =	vst v9;
	v8 =	vmax.f32 v8, $0.0e+00  }
0x9b: {  	v13 =	vld [tilespmem:s22+$0x8300];
	[tilespmem:s18+$0x360] =	vst v8;
	v7 =	vmax.f32 v7, $0.0e+00  }
0x9c: {  	v18 =	vld [tilespmem:s22+$0x8310];
	[tilespmem:s18+$0x370] =	vst v7;
	s18 =	smov.u32 s22  }
0x9d: {  	v12 =	vld [tilespmem:s18+$0x8320]  }
0x9e: {  	v11 =	vld [tilespmem:s18+$0x8330]  }
0x9f: {  	v10 =	vld [tilespmem:s18+$0x8340]  }
0xa0: {  	v9 =	vld [tilespmem:s18+$0x8350]  }
0xa1: {  	v8 =	vld [tilespmem:s18+$0x8360]  }
0xa2: {  	v7 =	vld [tilespmem:s18+$0x8370]  }
0xa3: {  	v14 =	vld [tilespmem:s18+$0x300]  }
0xa4: {  	v20 =	vld [tilespmem:s18+$0x310]  }
.Ltmp6:
0xa5: {  	v17 =	vld [tilespmem:s18+$0x320];
	(pc) =	sbr.rel @p2 .LBB2_7-.Ltmp6, $4  }
0xa6: {  	v16 =	vld [tilespmem:s18+$0x330]  }
0xa7: {  	v15 =	vld [tilespmem:s18+$0x340]  }
0xa8: {  	v19 =	vadd.f32 v13, v14;
	v14 =	vld [tilespmem:s18+$0x350]  }
0xa9: {  	s16 =	sadd.s32 $0x200, s16;
	v18 =	vadd.f32 v18, v20;
	v13 =	vld [tilespmem:s18+$0x360]  }
0xaa: {  	v5 =	vadd.f32 v5, v19;
	v12 =	vadd.f32 v12, v17;
	v57 =	vld [tilespmem:s18+$0x370]  }
0xab: {  	v58 =	vld [tilespmem:s18+$0x10360];
	v6 =	vadd.f32 v6, v18;
	v11 =	vadd.f32 v11, v16  }
0xac: {  	v59 =	vld [tilespmem:s18+$0x10370];
	v5 =	vmax.f32 v5, $0.0e+00;
	v4 =	vadd.f32 v4, v12;
	v10 =	vadd.f32 v10, v15  }
0xad: {  	[tilespmem:s18+$0x300] =	vst v5;
	v60 =	vmax.f32 v6, $0.0e+00;
	v3 =	vadd.f32 v3, v11;
	v61 =	vadd.f32 v9, v14  }
0xae: {  	[tilespmem:s18+$0x310] =	vst v60;
	v4 =	vmax.f32 v4, $0.0e+00;
	v2 =	vadd.f32 v2, v10;
	v62 =	vadd.f32 v8, v13  }
0xaf: {  	[tilespmem:s18+$0x320] =	vst v4;
	v3 =	vmax.f32 v3, $0.0e+00;
	v1 =	vadd.f32 v1, v61;
	v63 =	vadd.f32 v7, v57  }
0xb0: {  	p2 =	sge.u32 s23, s20;
	[tilespmem:s18+$0x330] =	vst v3;
	v2 =	vmax.f32 v2, $0.0e+00;
	v3 =	vadd.f32 v58, v62  }
.Ltmp7:
0xb1: {  	[tilespmem:s18+$0x340] =	vst v2;
	v1 =	vmax.f32 v1, $0.0e+00;
	v2 =	vadd.f32 v59, v63;
	(pc) =	sbr.rel @p2 .LBB2_12-.Ltmp7, $4  }
0xb2: {  	[tilespmem:s18+$0x350] =	vst v1;
	v1 =	vmax.f32 v3, $0.0e+00  }
0xb3: {  	[tilespmem:s18+$0x360] =	vst v1;
	v1 =	vmax.f32 v2, $0.0e+00  }
0xb4: {  	[tilespmem:s18+$0x370] =	vst v1  }
0xb5: {  	[spmem:s3] =	stream.indirect.scatter.add.f32 [tilespmem:s25], [sflag:$0xB], $0x80, s28, s24, $0xb8;
	[tilespmem:$0x18500] =	vst v63  }
0xb6: {  	_ =	swait.ge [sflag:s4], $0x4000  }
0xb7: {  	[sflag:s4] =	ssyncset.done $0x0  }
0xb8: {  	s16 =	simm.s32 @!p1 $0x9;
	[sflag:s4] =	ssyncadd.s32 $0xFFFFC000  }
0xb9: {  	_ =	swait.ge @!p1 [sflag:s16], $0x80  }
0xba: {  	[sflag:s16] =	ssyncset.done @!p1 $0x0  }
0xbb: {  	[sflag:s16] =	ssyncadd.s32 @!p1 $0xFFFFFF80  }
0xbc: {  	_ =	swait.ge @!p1 [sflag:s16], $0x80  }
0xbd: {  	s18 =	simm.s32 @!p1 $0x0;
	[sflag:s16] =	ssyncset.done @!p1 $0x0  }
0xbe: {  	s22 =	simm.s32 @!p1 $0x300;
	[sflag:s16] =	ssyncadd.s32 @!p1 $0xFFFFFF80;
	s16 =	simm.s32 @!p1 $0x80  }
0xbf: {  	[tilespmem:s22], [sflag:$0x1] =	stream.indirect.gather @!p1 [hbm4b:s5+s16], $0x80, s18, s16, $0xb8;
	[tilespmem:$0x18500] =	vst v63  }
0xc0: {  	s11 =	simm.s32 @!p1 $0x8300;
	s22 =	simm.s32 @!p1 $0x100  }
0xc1: {  	[tilespmem:s11], [sflag:$0x3] =	stream.indirect.gather @!p1 [hbm4b:s6+s16], $0x80, s22, s16, $0xb8;
	[tilespmem:$0x18500] =	vst v63  }
0xc2: {  	s11 =	sshll.u32 @!p1 s17, $0xB  }
0xc3: {  	s17 =	simm.s32 @!p1 $0x10300;
	s11 =	sadd.s32 @!p1 s7, s11  }
0xc4: {  	[tilespmem:s17], [sflag:$0x5] =	stream.linear.gather @!p1 [hbm4b:s11+s18], $0x4000, $0x38;
	[tilespmem:$0x18500] =	vst v63  }
0xc5: {  	s11 =	simm.s32 @!p1 $0x200  }
0xc6: {  	[tilespmem:s11], [sflag:$0x7] =	stream.indirect.gather @!p1 [hbm4b:s2+s16], $0x1, s18, s16, $0xb8;
	[tilespmem:$0x18500] =	vst v63  }
0xc7: {  	_ =	swait.ge [sflag:s26], $0x4000  }
0xc8: {  	[sflag:s26] =	ssyncset.done $0x0  }
0xc9: {  	[sflag:s26] =	ssyncadd.s32 $0xFFFFC000  }
0xca: {  	_ =	swait.ge [sflag:s29], $0x4000  }
0xcb: {  	[sflag:s29] =	ssyncset.done $0x0  }
0xcc: {  	[sflag:s29] =	ssyncadd.s32 $0xFFFFC000  }
0xcd: {  	s11 =	sadd.s32 s14, s23;
	_ =	swait.ge [sflag:s21], $0x4000  }
0xce: {  	p1 =	sgt.u32 s11, $0x4E1;
	[sflag:s21] =	ssyncset.done $0x0  }
0xcf: {  	s11 =	sshll.u32 @!p1 s11, $0x5;
	[sflag:s21] =	ssyncadd.s32 $0xFFFFC000  }
0xd0: {  	s11 =	sand.u32 @!p1 $0x1FFFFFE0, s11;
	_ =	swait.ge [sflag:s8], $0x80  }
0xd1: {  	s17 =	simm.s32 @!p1 $0x0;
	s11 =	sadd.s32 @!p1 s1, s11;
	[sflag:s8] =	ssyncset.done $0x0  }
0xd2: {  	s18 =	simm.s32 @!p1 $0x80;
	s16 =	sadd.s32 @!p1 $0x9C40, s11;
	[sflag:s8] =	ssyncadd.s32 $0xFFFFFF80  }
0xd3: {  	[tilespmem:s18], [sflag:$0xA] =	stream.linear.gather @!p1 [hbm4b:s16+s17], $0x80, $0x38;
	[tilespmem:$0x18500] =	vst v63  }
0xd4: {  	s11 =	sadd.s32 @!p1 $0x9C50, s11;
	s16 =	simm.s32 @!p1 $0x180  }
0xd5: {  	[tilespmem:s16], [sflag:$0xA] =	stream.linear.gather @!p1 [hbm4b:s11+s17], $0x80, $0x38;
	[tilespmem:$0x18500] =	vst v63  }
0xd6: {  	s17 =	simm.s32 $0x0  }
0xd7: {  	v5 =	vld [tilespmem:s17+$0x14300]  }
0xd8: {  	v6 =	vld [tilespmem:s17+$0x14310]  }
0xd9: {  	v4 =	vld [tilespmem:s17+$0x14320]  }
0xda: {  	v3 =	vld [tilespmem:s17+$0x14330]  }
0xdb: {  	v2 =	vld [tilespmem:s17+$0x14340]  }
0xdc: {  	v1 =	vld [tilespmem:s17+$0x14350]  }
0xdd: {  	v13 =	vld [tilespmem:s17+$0xC300]  }
0xde: {  	v18 =	vld [tilespmem:s17+$0xC310]  }
0xdf: {  	v12 =	vld [tilespmem:s17+$0xC320]  }
0xe0: {  	v11 =	vld [tilespmem:s17+$0xC330]  }
0xe1: {  	v10 =	vld [tilespmem:s17+$0xC340]  }
0xe2: {  	v9 =	vld [tilespmem:s17+$0xC350]  }
0xe3: {  	v8 =	vld [tilespmem:s17+$0xC360]  }
0xe4: {  	v7 =	vld [tilespmem:s17+$0xC370]  }
0xe5: {  	v19 =	vld [tilespmem:s17+$0x4300]  }
0xe6: {  	v20 =	vld [tilespmem:s17+$0x4310]  }
0xe7: {  	v17 =	vld [tilespmem:s17+$0x4320]  }
0xe8: {  	v16 =	vld [tilespmem:s17+$0x4330]  }
0xe9: {  	v15 =	vld [tilespmem:s17+$0x4340]  }
0xea: {  	v14 =	vld [tilespmem:s17+$0x4350];
	v19 =	vadd.f32 v13, v19  }
0xeb: {  	s16 =	simm.s32 $0x200;
	v18 =	vadd.f32 v18, v20;
	v13 =	vld [tilespmem:s17+$0x4360]  }
.LBB2_10:
0xec: {  	p1 =	sne.s32 s16, $0xFE00;
	v5 =	vadd.f32 v5, v19;
	v12 =	vadd.f32 v12, v17;
	v17 =	vld [tilespmem:s17+$0x4370]  }
0xed: {  	v6 =	vadd.f32 v6, v18;
	v11 =	vadd.f32 v11, v16;
	v16 =	vld [tilespmem:s17+$0x14360]  }
0xee: {  	s11 =	sshra.s32 s16, $0x2;
	v18 =	vmax.f32 v5, $0.0e+00;
	v4 =	vadd.f32 v4, v12;
	v10 =	vadd.f32 v10, v15;
	v12 =	vld [tilespmem:s17+$0x14370]  }
0xef: {  	v5 =	vld [tilespmem:s11+$0x14300];
	[tilespmem:s17+$0x4300] =	vst v18;
	v15 =	vmax.f32 v6, $0.0e+00;
	v3 =	vadd.f32 v3, v11;
	v9 =	vadd.f32 v9, v14  }
0xf0: {  	v6 =	vld [tilespmem:s11+$0x14310];
	[tilespmem:s17+$0x4310] =	vst v15;
	v11 =	vmax.f32 v4, $0.0e+00;
	v2 =	vadd.f32 v2, v10;
	v8 =	vadd.f32 v8, v13  }
0xf1: {  	v4 =	vld [tilespmem:s11+$0x14320];
	[tilespmem:s17+$0x4320] =	vst v11;
	v10 =	vmax.f32 v3, $0.0e+00;
	v1 =	vadd.f32 v1, v9;
	v7 =	vadd.f32 v7, v17  }
0xf2: {  	v3 =	vld [tilespmem:s11+$0x14330];
	[tilespmem:s17+$0x4330] =	vst v10;
	v9 =	vmax.f32 v2, $0.0e+00;
	v8 =	vadd.f32 v16, v8  }
0xf3: {  	v2 =	vld [tilespmem:s11+$0x14340];
	[tilespmem:s17+$0x4340] =	vst v9;
	v9 =	vmax.f32 v1, $0.0e+00;
	v7 =	vadd.f32 v12, v7  }
0xf4: {  	v1 =	vld [tilespmem:s11+$0x14350];
	[tilespmem:s17+$0x4350] =	vst v9;
	v8 =	vmax.f32 v8, $0.0e+00  }
0xf5: {  	v13 =	vld [tilespmem:s11+$0xC300];
	[tilespmem:s17+$0x4360] =	vst v8;
	v7 =	vmax.f32 v7, $0.0e+00  }
0xf6: {  	v18 =	vld [tilespmem:s11+$0xC310];
	[tilespmem:s17+$0x4370] =	vst v7;
	s17 =	smov.u32 s11  }
0xf7: {  	v12 =	vld [tilespmem:s17+$0xC320]  }
0xf8: {  	v11 =	vld [tilespmem:s17+$0xC330]  }
0xf9: {  	v10 =	vld [tilespmem:s17+$0xC340]  }
0xfa: {  	v9 =	vld [tilespmem:s17+$0xC350]  }
0xfb: {  	v8 =	vld [tilespmem:s17+$0xC360]  }
0xfc: {  	v7 =	vld [tilespmem:s17+$0xC370]  }
0xfd: {  	v14 =	vld [tilespmem:s17+$0x4300]  }
0xfe: {  	v20 =	vld [tilespmem:s17+$0x4310]  }
.Ltmp8:
0xff: {  	v17 =	vld [tilespmem:s17+$0x4320];
	(pc) =	sbr.rel @p1 .LBB2_10-.Ltmp8, $4  }
0x100: {  	v16 =	vld [tilespmem:s17+$0x4330]  }
0x101: {  	v15 =	vld [tilespmem:s17+$0x4340]  }
0x102: {  	v19 =	vadd.f32 v13, v14;
	v14 =	vld [tilespmem:s17+$0x4350]  }
0x103: {  	s16 =	sadd.s32 $0x200, s16;
	v18 =	vadd.f32 v18, v20;
	v13 =	vld [tilespmem:s17+$0x4360]  }
0x104: {  	v5 =	vadd.f32 v5, v19;
	v12 =	vadd.f32 v12, v17;
	v57 =	vld [tilespmem:s17+$0x4370]  }
0x105: {  	v58 =	vld [tilespmem:s17+$0x14360];
	v6 =	vadd.f32 v6, v18;
	v11 =	vadd.f32 v11, v16  }
0x106: {  	v59 =	vld [tilespmem:s17+$0x14370];
	v5 =	vmax.f32 v5, $0.0e+00;
	v4 =	vadd.f32 v4, v12;
	v10 =	vadd.f32 v10, v15  }
0x107: {  	[tilespmem:s17+$0x4300] =	vst v5;
	v60 =	vmax.f32 v6, $0.0e+00;
	v3 =	vadd.f32 v3, v11;
	v61 =	vadd.f32 v9, v14  }
0x108: {  	[tilespmem:s17+$0x4310] =	vst v60;
	v4 =	vmax.f32 v4, $0.0e+00;
	v2 =	vadd.f32 v2, v10;
	v62 =	vadd.f32 v8, v13  }
0x109: {  	[tilespmem:s17+$0x4320] =	vst v4;
	v3 =	vmax.f32 v3, $0.0e+00;
	v1 =	vadd.f32 v1, v61;
	v63 =	vadd.f32 v7, v57  }
0x10a: {  	[tilespmem:s17+$0x4330] =	vst v3;
	v2 =	vmax.f32 v2, $0.0e+00;
	v3 =	vadd.f32 v58, v62  }
.Ltmp9:
0x10b: {  	[tilespmem:s17+$0x4340] =	vst v2;
	v1 =	vmax.f32 v1, $0.0e+00;
	v2 =	vadd.f32 v59, v63;
	(pc) =	sbr.rel .LBB2_12-.Ltmp9, $4  }
0x10c: {  	[tilespmem:s17+$0x4350] =	vst v1;
	v1 =	vmax.f32 v3, $0.0e+00  }
0x10d: {  	[tilespmem:s17+$0x4360] =	vst v1;
	v1 =	vmax.f32 v2, $0.0e+00  }
0x10e: {  	[tilespmem:s17+$0x4370] =	vst v1  }
0x10f: {  	[spmem:s3] =	stream.indirect.scatter.add.f32 [tilespmem:s10], [sflag:$0xC], $0x80, s9, s24, $0xb8;
	[tilespmem:$0x18500] =	vst v63  }
.LBB2_14:
0x110: {  	_ =	sfence.sel $0x180000  }
0x111: {  	[bflag:$0x0] =	sbarrier.arrive $0xFFFF  }
0x112: {  	_ =	strace $0x90000047  }
0x113: {  	[bflag:$0x2] =	sbarrier.arrive $0xFFFF  }
0x114: {  	s0 =	rddreg [dreg:$0x4]  }
0x115: {  	s0 =	sadd.s32 @!p0 $0x100000, s0  }
0x116: {  	[sflag:s0] =	ssyncadd.tile.s32 @!p0 $0x1;
	_ =	shalt  }
.Lfunc_end2:
_tile_overlayer_lowered:
.L_overlay_start_2:
0x117: {  	(tag) =	ssettag $0x2  }
0x118: {  	s0 =	rddreg [dreg:$0x0];
	s2 =	stileid.u32  }
0x119: {  	s1 =	rddreg [dreg:$0x1];
	p0 =	sne.s32 s2, $0x0  }
0x11a: {  	s3 =	rddreg [dreg:$0x2];
	[bflag:$0x3] =	sbarrier.arrive $0xFFFF;
	s2 =	simm.s32 @!p0 $0x1C0D  }
0x11b: {  	[timem:s3], [sflag:s2] =	dma.local @!p0 [hbm:s0], s1  }
0x11c: {  	s0 =	simm.s32 @!p0 $0xD  }
0x11d: {  	_ =	swait.ge @!p0 [sflag:s0], s1  }
0x11e: {  	s1 =	ssub.s32 @!p0 $0x0, s1;
	[sflag:s0] =	ssyncset.done @!p0 $0x0  }
0x11f: {  	[sflag:s0] =	ssyncadd.s32 @!p0 s1  }
0x120: {  	[bflag:$0x3] =	sbarrier.arrive $0xFFFF  }
0x121: {  	_ =	shalt  }

// kernel: kernel.8.cloned.1.call-start
scs
__scs_entry_jumppad:
0x0: {  	(pc) =	sbr.rel $0x88, $3  }
0x1: {  	(tag) =	ssettag $0x0;
	lr =	simm.s32 $0x1  }
0x2: {  	[smem:$0x3F94] =	sst lr;
	_ =	strace $0xD0000000  }
0x3: {  	_ = 	snop  }
0x4: {  	_ = 	snop  }
0x5: {  	_ = 	snop  }
0x6: {  	_ = 	snop  }
0x7: {  	_ = 	snop  }
__scs_overlays_trampoline_lowered:
0x8: {  	[smem:$0x3FA3] =	sst s0  }
0x9: {  	[smem:$0x3FA4] =	sst s1  }
0xa: {  	[smem:$0x3FA5] =	sst s2  }
0xb: {  	[smem:$0x3FA6] =	sst s3  }
0xc: {  	[smem:$0x3FA7] =	sst s4  }
0xd: {  	[smem:$0x3FA8] =	sst s5  }
0xe: {  	[smem:$0x3FA9] =	sst s6  }
0xf: {  	[smem:$0x3FAA] =	sst s7  }
0x10: {  	[smem:$0x3FAB] =	sst s8  }
0x11: {  	[smem:$0x3FAC] =	sst s9;
	s0 =	simm.s32 @!p0 $0x0  }
0x12: {  	s1 =	sld [smem:$0x3F92];
	s0 =	simm.s32 @p0 $0x1  }
0x13: {  	[smem:$0x3FAD] =	sst s0;
	s0 =	simm.s32 @!p1 $0x0  }
0x14: {  	s2 =	sld [smem:$0x3F91];
	s0 =	simm.s32 @p1 $0x1  }
0x15: {  	[smem:$0x3FAE] =	sst s0;
	s0 =	simm.s32 @!p2 $0x0  }
0x16: {  	s3 =	sld [smem:$0x3FDB];
	s0 =	simm.s32 @p2 $0x1  }
0x17: {  	s4 =	simm.s32 $0x1BF5;
	[smem:$0x3FB0] =	sst s0  }
0x18: {  	s0 =	sld [smem:$0x3F93];
	_ =	swait.ge [sflag:s4], $0x0  }
0x19: {  	s7 =	sld [smem:$0x3F94]  }
0x1a: {  	s8 =	sadd.s32 $0xFFFFE003, lr  }
0x1b: {  	s9 =	sadd.s32 $0xFFFFFEF7, lr;
	s5 =	simm.s32 $0xFFFFFFFF;
	p2 =	slt.u32 s8, $0xFFFFF086  }
0x1c: {  	p1 =	slt.u32 s9, $0xF7A;
	s5 =	simm.s32 @!p2 $0x0  }
0x1d: {  	s5 =	simm.s32 @p1 $0x1;
	p0 =	seq.s32 s7, s2  }
0x1e: {  	s7 =	smul.u32 @!p0 $0xF7A, s2;
	p2 =	seq.s32 @!p0 s5, $0x0  }
0x1f: {  	s9 =	smul.u32 $0xF7A, s1;
	s8 =	simm.s32 @!p0 $0x1BF5;
	p2 =	por !p2, p0  }
0x20: {  	[sflag:s8] =	ssyncset.s32 @!p0 $0xFFFFF086;
	s6 =	sadd.s32 @!p0 s3, s7;
	s7 =	simm.s32 @!p0 $0x108  }
0x21: {  	s3 =	sadd.s32 s3, s9;
	s6 =	sadd.s32 @!p0 $0x88, s6;
	s7 =	simm.s32 @p2 $0x1082  }
0x22: {  	[simem:s7], [sflag:s8] =	dma.local @!p0 [hbm:s6], $0xF7A  }
0x23: {  	s9 =	sor.u32 $0xD0000000, s2;
	s6 =	simm.s32 $0x108;
	_ =	swait.ge @!p0 [sflag:s8], $0x0  }
0x24: {  	s3 =	sadd.s32 $0x88, s3;
	s6 =	simm.s32 @!p1 $0x1082;
	[sflag:s4] =	ssyncset.s32 $0xFFFFF086  }
0x25: {  	[simem:s6], [sflag:s4] =	dma.local [hbm:s3], $0xF7A  }
0x26: {  	[smem:$0x3F94] =	sst s1;
	(tag) =	ssettag s2;
	_ =	strace s9  }
0x27: {  	s1 =	sld [smem:$0x3FA4]  }
0x28: {  	s2 =	sld [smem:$0x3FA5]  }
0x29: {  	s4 =	sld [smem:$0x3FA7]  }
0x2a: {  	p0 =	seq.s32 s5, $0x0;
	s5 =	sld [smem:$0x3FA8]  }
0x2b: {  	s6 =	sld [smem:$0x3FA9]  }
0x2c: {  	s7 =	sld [smem:$0x3FAA]  }
0x2d: {  	s3 =	simm.s32 $0x108;
	s8 =	sld [smem:$0x3FAB]  }
0x2e: {  	s3 =	simm.s32 @!p0 $0x1082;
	s9 =	sld [smem:$0x3FAC]  }
0x2f: {  	lr =	sadd.s32 s0, s3;
	s0 =	sld [smem:$0x3FA3]  }
0x30: {  	s3 =	sld [smem:$0x3FA6]  }
0x31: {  	[smem:$0x3FAF] =	sst s10  }
0x32: {  	s10 =	sld [smem:$0x3FAD];
	_ =	sdelay $0x3  }
0x33: {  	p0 =	seq.s32 s10, $0x1;
	s10 =	sld [smem:$0x3FAF];
	_ =	sdelay $0x3  }
0x34: {  	[smem:$0x3FAF] =	sst s10  }
0x35: {  	s10 =	sld [smem:$0x3FAE];
	_ =	sdelay $0x3  }
0x36: {  	p1 =	seq.s32 s10, $0x1;
	s10 =	sld [smem:$0x3FAF];
	_ =	sdelay $0x3  }
0x37: {  	[smem:$0x3FAF] =	sst s10  }
0x38: {  	s10 =	sld [smem:$0x3FB0]  }
0x39: {  	_ = 	snop;
	(pc) =	sbr.ind lr, $3  }
0x3a: {  	_ = 	snop  }
0x3b: {  	_ = 	snop  }
0x3c: {  	p2 =	seq.s32 s10, $0x1;
	s10 =	sld [smem:$0x3FAF]  }
0x3d: {  	_ =	shalt  }
0x3e: {  	_ =	shalt  }
0x3f: {  	_ =	shalt  }
0x40: {  	_ =	shalt  }
0x41: {  	_ =	shalt  }
0x42: {  	_ =	shalt  }
0x43: {  	_ =	shalt  }
0x44: {  	_ =	shalt  }
0x45: {  	_ =	shalt  }
0x46: {  	_ =	shalt  }
0x47: {  	_ =	shalt  }
0x48: {  	_ =	shalt  }
0x49: {  	_ =	shalt  }
0x4a: {  	_ =	shalt  }
0x4b: {  	_ =	shalt  }
0x4c: {  	_ =	shalt  }
0x4d: {  	_ =	shalt  }
0x4e: {  	_ =	shalt  }
0x4f: {  	_ =	shalt  }
0x50: {  	_ =	shalt  }
0x51: {  	_ =	shalt  }
0x52: {  	_ =	shalt  }
0x53: {  	_ =	shalt  }
0x54: {  	_ =	shalt  }
0x55: {  	_ =	shalt  }
0x56: {  	_ =	shalt  }
0x57: {  	_ =	shalt  }
0x58: {  	_ =	shalt  }
0x59: {  	_ =	shalt  }
0x5a: {  	_ =	shalt  }
0x5b: {  	_ =	shalt  }
0x5c: {  	_ =	shalt  }
0x5d: {  	_ =	shalt  }
0x5e: {  	_ =	shalt  }
0x5f: {  	_ =	shalt  }
0x60: {  	_ =	shalt  }
0x61: {  	_ =	shalt  }
0x62: {  	_ =	shalt  }
0x63: {  	_ =	shalt  }
0x64: {  	_ =	shalt  }
0x65: {  	_ =	shalt  }
0x66: {  	_ =	shalt  }
0x67: {  	_ =	shalt  }
0x68: {  	_ =	shalt  }
0x69: {  	_ =	shalt  }
0x6a: {  	_ =	shalt  }
0x6b: {  	_ =	shalt  }
0x6c: {  	_ =	shalt  }
0x6d: {  	_ =	shalt  }
0x6e: {  	_ =	shalt  }
0x6f: {  	_ =	shalt  }
0x70: {  	_ =	shalt  }
0x71: {  	_ =	shalt  }
0x72: {  	_ =	shalt  }
0x73: {  	_ =	shalt  }
0x74: {  	_ =	shalt  }
0x75: {  	_ =	shalt  }
0x76: {  	_ =	shalt  }
0x77: {  	_ =	shalt  }
0x78: {  	_ =	shalt  }
0x79: {  	_ =	shalt  }
0x7a: {  	_ =	shalt  }
0x7b: {  	_ =	shalt  }
0x7c: {  	_ =	shalt  }
0x7d: {  	_ =	shalt  }
0x7e: {  	_ =	shalt  }
0x7f: {  	_ =	shalt  }
0x80: {  	_ =	shalt  }
0x81: {  	_ =	shalt  }
0x82: {  	_ =	shalt  }
0x83: {  	_ =	shalt  }
0x84: {  	_ =	shalt  }
0x85: {  	_ =	shalt  }
0x86: {  	_ =	shalt  }
0x87: {  	_ =	shalt  }
.Lfunc_end0:
.L_simem_size_0:
called_computation_lowered:
.L_overlay_start_0:
0x88: {  	s2 =	sld [smem:$0x3FD9]  }
0x89: {  	s3 =	sld [smem:$0x3FFE];
	_ =	sdelay $0x1  }
0x8a: {  	s1 =	srdreg.scid  }
0x8b: {  	s0 =	sand.u32 $0x1, s1  }
0x8c: {  	s17 =	sshll.u32 s0, $0xA;
	s2 =	sadd.s32 s3, s2  }
0x8d: {  	s2 =	sadd.s32 s2, s17  }
0x8e: {  	[smem:$0x3FBB] =	sst s2  }
0x8f: {  	_ = 	snop  }
0x90: {  	s18 =	sld [smem:$0x3FC6]  }
0x91: {  	s4 =	sld [smem:$0x3FC5];
	(tm) =	ssettm $0x1  }
0x92: {  	s19 =	sld [smem:$0x3FFB];
	_ =	sdelay $0x3  }
0x93: {  	_ =	strace s19  }
0x94: {  	s2 =	sld [smem:$0x3FFC];
	_ =	sdelay $0x3  }
0x95: {  	_ =	strace s2  }
0x96: {  	s2 =	sld [smem:$0x3FFD];
	_ =	sdelay $0x3  }
0x97: {  	_ =	strace s2  }
0x98: {  	_ =	strace $0x8FFFFFFF  }
0x99: {  	s20 =	sld [smem:$0x3FDB];
	_ =	sdelay $0x1  }
0x9a: {  	s5 =	simm.s32 $_scs_section_size  }
0x9b: {  	s6 =	simm.s32 $_size__tile_overlayer_lowered;
	s7 =	simm.s32 $_tile_overlayer_lowered  }
0x9c: {  	s8 =	simm.s32 $0x1BFF;
	s21 =	sshll.u32 s7, $0x1;
	s5 =	sadd.s32 s5, s20  }
0x9d: {  	s22 =	simm.s32 $0x0;
	s6 =	sshll.u32 s6, $0x1;
	s7 =	sadd.s32 s21, s5  }
0x9e: {  	[timem:s22], [sflag:s8] =	dma.local [hbm:s7], s6  }
0x9f: {  	_ =	swait.ge [sflag:s8], s6  }
0xa0: {  	s6 =	ssub.s32 $0x0, s6;
	[sflag:s8] =	ssyncset.done $0x0  }
0xa1: {  	[sflag:s8] =	ssyncadd.s32 s6;
	_ =	sdelay $0x1  }
0xa2: {  	s23 =	simm.s32 $0x1B8B  }
0xa3: {  	_ =	swait.ge [sflag:s23], $0x1  }
0xa4: {  	[sflag:s23] =	ssyncset.done $0x0  }
0xa5: {  	[sflag:s23] =	ssyncadd.s32 $0xFFFFFFFF  }
0xa6: {  	s6 =	sld [smem:$0x0]  }
0xa7: {  	s7 =	sand.u32 $0xFFFFFFFE, s1  }
0xa8: {  	p0 =	sne.s32 s1, s7  }
0xa9: {  	s7 =	sshll.u32 @p0 s7, $0xE  }
0xaa: {  	s7 =	sadd.s32 @p0 $0x11B8D, s7;
	s8 =	sshll.u32 @p0 s6, $0x11  }
0xab: {  	s7 =	sor.u32 @p0 s8, s7  }
0xac: {  	[sflag:s7] =	ssyncadd.remote.s32 @p0 $0x1;
	_ =	sdelay $0x1  }
0xad: {  	s7 =	simm.s32 @p0 $0x1B8D  }
0xae: {  	_ =	swait.eq @p0 [sflag:s7], $0x1  }
0xaf: {  	[sflag:s7] =	ssyncadd.s32 @p0 $0xFFFFFFFF  }
0xb0: {  	s8 =	sshll.u32 @!p0 s1, $0xE  }
0xb1: {  	s8 =	sor.u32 @!p0 $0x4000, s8;
	s7 =	simm.s32 @!p0 $0x1B8D  }
0xb2: {  	s6 =	sshll.u32 @!p0 s6, $0x11;
	s8 =	sadd.s32 @!p0 $0x11B8D, s8;
	_ =	swait.eq @!p0 [sflag:s7], $0x1  }
0xb3: {  	s6 =	sor.u32 @!p0 s6, s8;
	[sflag:s7] =	ssyncadd.s32 @!p0 $0xFFFFFFFF  }
0xb4: {  	s25 =	simm.s32 $0x1B8E;
	s24 =	sld [smem:$0x3FFE];
	[sflag:s6] =	ssyncadd.remote.s32 @!p0 $0x1  }
0xb5: {  	s26 =	simm.s32 $execute0_lowered;
	[smem:$0x3FD2] =	sst s25  }
0xb6: {  	s7 =	sshll.u32 s26, $0x1;
	_ =	strace $0x80000049;
	[dreg:$0x1] =	wrdreg $0xFFFFFFFF  }
0xb7: {  	s28 =	simm.s32 $_size_execute0_lowered;
	s5 =	sadd.s32 s5, s7;
	[dreg:$0x0] =	wrdreg $0x0  }
0xb8: {  	s7 =	sshll.u32 s28, $0x1;
	[dreg:$0x2] =	wrdreg s5  }
0xb9: {  	[dreg:$0x3] =	wrdreg s7  }
0xba: {  	[dreg:$0x4] =	wrdreg $0xC0  }
0xbb: {  	_ =	task [dreg:s22], $0x5FFFF  }
0xbc: {  	[dreg:$0x1] =	wrdreg $0xFFFFFFFF  }
0xbd: {  	[dreg:$0x0] =	wrdreg $0x60  }
0xbe: {  	[dreg:$0x2] =	wrdreg s24  }
0xbf: {  	[dreg:$0x3] =	wrdreg s18  }
0xc0: {  	[dreg:$0x4] =	wrdreg s4  }
0xc1: {  	[dreg:$0x5] =	wrdreg $0x183000  }
0xc2: {  	[dreg:$0x6] =	wrdreg $0x9  }
0xc3: {  	_ =	task.clear_ibuf [dreg:s22], $0x7FFFF;
	_ =	strace $0x90000049  }
0xc4: {  	s29 =	simm.s32 $0x9;
	_ =	strace $0x8000004B  }
0xc5: {  	_ =	swait.ge [sflag:s29], $0x1  }
0xc6: {  	[sflag:s29] =	ssyncadd.s32 $0xFFFFFFFF  }
0xc7: {  	_ =	strace $0x9000004B  }
0xc8: {  	_ =	sfence  }
0xc9: {  	s30 =	sld [smem:$0x0];
	_ =	sdelay $0x2  }
0xca: {  	s31 =	sshll.u32 s1, $0xD;
	s1 =	sshrl.u32 s1, $0x2  }
0xcb: {  	s4 =	sand.u32 $0x4000, s31;
	s1 =	sadd.s32 s1, s30  }
0xcc: {  	s0 =	sor.u32 s4, s0;
	s1 =	sshll.u32 s1, $0x11  }
0xcd: {  	s0 =	sor.u32 s1, s0  }
0xce: {  	s0 =	sadd.s32 $0x8F2B, s0  }
0xcf: {  	[sflag:s0] =	ssyncadd.remote.s32 $0x1  }
0xd0: {  	_ =	sfence.sel $0xFFFF  }
0xd1: {  	[dreg:$0x0] =	wrdreg $0xFFFFFFFF;
	(pc) =	sbr.abs _section_cstart, $3  }
0xd2: {  	[dreg:$0x1] =	wrdreg $0xFFFFFFFF  }
0xd3: {  	_ =	task.clear_ibuf [dreg:s22], $0x2FFFF;
	_ =	strace $0x9FFFFFFF  }
0xd4: {  	(tm) =	ssettm $0x7FFFFFFF  }
0xd5: {  	_ =	shalt  }
tec
execute0_lowered:
.L_overlay_start_1:
0x0: {  	(tag) =	ssettag $0x1  }
0x1: {  	s0 =	rddreg [dreg:$0x0]  }
0x2: {  	s1 =	rddreg [dreg:$0x1]  }
0x3: {  	s2 =	rddreg [dreg:$0x2]  }
0x4: {  	s3 =	rddreg [dreg:$0x3];
	s4 =	simm.s32 $0x0  }
0x5: {  	s21 =	srdreg.scid;
	s9 =	stileid.u32;
	s16 =	simm.s32 $0x1  }
0x6: {  	s29 =	simm.s32 $0x200;
	s31 =	simm.s32 $0x3;
	s28 =	simm.s32 $0xB  }
0x7: {  	s30 =	simm.s32 $0x2;
	s17 =	simm.s32 $0x0;
	[smem:$0x7FF] =	sst s4  }
0x8: {  	s5 =	sadd.s32 $0x51200, s0;
	s6 =	sadd.s32 $0x78400, s0;
	s4 =	sand.u32 $0x1, s21  }
0x9: {  	s7 =	sadd.s32 $0x7A4200, s0;
	s12 =	sshll.u32 s9, $0x1;
	p0 =	seq.s32 s9, $0x0  }
0xa: {  	_ =	strace $0x8000004A;
	s8 =	ssub.s32 $0x2, s4;
	s10 =	sshll.u32 s4, $0xA  }
0xb: {  	s4 =	sor.u32 s4, s12;
	s21 =	ssub.s32 $0x4C2, s12;
	s11 =	sshrl.u32 s8, $0x1  }
0xc: {  	s0 =	sadd.s32 s10, s0;
	s23 =	sshll.u32 s4, $0x5;
	s24 =	sshll.u32 s4, $0xB  }
0xd: {  	s14 =	sor.u32 $0x40, s4;
	s15 =	sor.u32 $0x60, s4;
	s20 =	sor.u32 $0x20, s4  }
0xe: {  	s4 =	simm.s32 $0x7;
	s22 =	ssub.s32 s8, s11;
	s13 =	sadd.s32 s1, s23  }
0xf: {  	s8 =	sadd.s32 $0x10, s1;
	s0 =	sadd.s32 $0x3000, s0;
	[dreg:$0x5] =	wrdreg s13  }
0x10: {  	s10 =	simm.s32 $0x6;
	s11 =	sadd.s32 s23, s8;
	[dreg:$0xb] =	wrdreg s0  }
0x11: {  	s25 =	sadd.s32 $0x400, s13;
	s13 =	sadd.s32 $0x410, s13;
	[dreg:$0x6] =	wrdreg s11  }
0x12: {  	s26 =	smax.u32 s22, $0x1;
	s0 =	simm.s32 $0x5;
	[dreg:$0x8] =	wrdreg s25  }
.Ltmp0:
0x13: {  	s11 =	sadd.s32 s7, s24;
	[dreg:$0x9] =	wrdreg s13;
	(pc) =	sbr.rel .LBB2_1-.Ltmp0, $4  }
0x14: {  	s22 =	simm.s32 $0x4;
	[dreg:$0x7] =	wrdreg s11;
	s11 =	simm.s32 $0x1  }
0x15: {  	[dreg:$0xc] =	wrdreg s26;
	s25 =	simm.s32 $0x80;
	s11 =	simm.s32 @!p0 $0x0  }
0x16: {  	s26 =	simm.s32 $0x300;
	s13 =	simm.s32 $0x4300;
	s11 =	sadd.s32 $0xB, s11  }
0x17: {  	v0 =	vimm.f32 $0.0e+00;
	p0 =	sne.s32 s9, $0x0;
	[dreg:$0xa] =	wrdreg s11;
	s11 =	simm.s32 $0x8  }
.LBB2_13:
0x18: {  	s9 =	rddreg [dreg:$0xa]  }
0x19: {  	_ =	swait.ge [sflag:s9], $0x4000  }
0x1a: {  	[sflag:s9] =	ssyncset.done $0x0  }
0x1b: {  	[sflag:s9] =	ssyncadd.s32 $0xFFFFC000  }
0x1c: {  	[bflag:$0x0] =	sbarrier.arrive $0xFFFF  }
0x1d: {  	s12 =	simm.s32 @!p0 $0x1C0D;
	s9 =	sshrl.u32 @!p0 s3, $0x3;
	s17 =	rddreg [dreg:$0xb]  }
0x1e: {  	[hbm:s17], [sflag:s12] =	dma.local @!p0 [spmem:s9], $0x400  }
0x1f: {  	s9 =	simm.s32 @!p0 $0xD  }
0x20: {  	_ =	swait.ge @!p0 [sflag:s9], $0x400  }
0x21: {  	s23 =	rddreg [dreg:$0xd]  }
0x22: {  	s24 =	rddreg [dreg:$0xc];
	s17 =	sadd.s32 $0x1, s23  }
0x23: {  	p1 =	sne.s32 s17, s24  }
.Ltmp1:
0x24: {  	_ = 	snop;
	(pc) =	sbr.rel @!p1 .LBB2_14-.Ltmp1, $3  }
0x25: {  	_ =	sdelay $0x1  }
0x26: {  	[sflag:s9] =	ssyncset.done @!p0 $0x0  }
0x27: {  	[sflag:s9] =	ssyncadd.s32 @!p0 $0xFFFFFC00  }
.LBB2_1:
.Ltmp2:
0x28: {  	(pc) =	sbr.rel @p0 .LBB2_5-.Ltmp2, $2  }
0x29: {  	_ =	sdelay $0x2  }
0x2a: {  	[dreg:$0xd] =	wrdreg s17  }
0x2b: {  	s12 =	simm.s32 $0x0  }
0x2c: {  	s9 =	sshra.s32 s12, $0x2;
	s17 =	sadd.s32 $0x200, s12  }
.LBB2_3:
0x2d: {  	p1 =	sne.s32 s17, $0x7E00;
	[tilespmem:s9+$0x10370] =	vst v0  }
0x2e: {  	[tilespmem:s9+$0x10300] =	vst v0  }
0x2f: {  	[tilespmem:s9+$0x10310] =	vst v0  }
.Ltmp3:
0x30: {  	[tilespmem:s9+$0x10320] =	vst v0;
	(pc) =	sbr.rel @p1 .LBB2_3-.Ltmp3, $4  }
0x31: {  	[tilespmem:s9+$0x10330] =	vst v0  }
0x32: {  	[tilespmem:s9+$0x10340] =	vst v0  }
0x33: {  	[tilespmem:s9+$0x10350] =	vst v0  }
0x34: {  	[tilespmem:s9+$0x10360] =	vst v0;
	s9 =	sshra.s32 s17, $0x2;
	s17 =	sadd.s32 $0x200, s17  }
0x35: {  	[tilespmem:s9+$0x10370] =	vst v0  }
0x36: {  	[tilespmem:s9+$0x10300] =	vst v0  }
0x37: {  	[tilespmem:s9+$0x10310] =	vst v0  }
0x38: {  	[tilespmem:s9+$0x10320] =	vst v0  }
0x39: {  	[tilespmem:s9+$0x10330] =	vst v0  }
0x3a: {  	[tilespmem:s9+$0x10340] =	vst v0  }
0x3b: {  	[tilespmem:s9+$0x10350] =	vst v0  }
0x3c: {  	[tilespmem:s9+$0x10360] =	vst v0;
	s23 =	simm.s32 $0x10300;
	s24 =	simm.s32 $0xD  }
0x3d: {  	[spmem:s3] =	stream.linear.scatter [tilespmem:s23], [sflag:$0xD], $0x2000, $0x38;
	[tilespmem:$0x18500] =	vst v63  }
0x3e: {  	_ =	swait.ge [sflag:s24], $0x2000  }
0x3f: {  	[sflag:s24] =	ssyncset.done $0x0  }
0x40: {  	[sflag:s24] =	ssyncadd.s32 $0xFFFFE000  }
.LBB2_5:
0x41: {  	[bflag:$0x0] =	sbarrier.arrive $0xFFFF  }
0x42: {  	s18 =	simm.s32 $0x0;
	s12 =	simm.s32 $0xD;
	s9 =	rddreg [dreg:$0x5]  }
0x43: {  	[tilespmem:s18], [sflag:$0xD] =	stream.linear.gather [hbm4b:s9+s18], $0x80, $0x38;
	[tilespmem:$0x18500] =	vst v63  }
0x44: {  	_ =	swait.ge [sflag:s12], $0x80  }
0x45: {  	[sflag:s12] =	ssyncset.done $0x0  }
0x46: {  	s17 =	simm.s32 $0x100;
	s23 =	rddreg [dreg:$0x6];
	[sflag:s12] =	ssyncadd.s32 $0xFFFFFF80  }
0x47: {  	[tilespmem:s17], [sflag:$0xD] =	stream.linear.gather [hbm4b:s23+s18], $0x80, $0x38;
	[tilespmem:$0x18500] =	vst v63  }
0x48: {  	_ =	swait.ge [sflag:s12], $0x80  }
0x49: {  	[sflag:s12] =	ssyncset.done $0x0  }
0x4a: {  	[sflag:s12] =	ssyncadd.s32 $0xFFFFFF80  }
0x4b: {  	[tilespmem:s26], [sflag:$0x1] =	stream.indirect.gather [hbm4b:s5+s25], $0x80, s18, s25, $0xb8;
	[tilespmem:$0x18500] =	vst v63  }
0x4c: {  	s24 =	simm.s32 $0x8300  }
0x4d: {  	[tilespmem:s24], [sflag:$0x3] =	stream.indirect.gather [hbm4b:s6+s25], $0x80, s17, s25, $0xb8;
	[tilespmem:$0x18500] =	vst v63  }
0x4e: {  	s12 =	rddreg [dreg:$0x7];
	s17 =	simm.s32 $0x10300  }
0x4f: {  	[tilespmem:s17], [sflag:$0x5] =	stream.linear.gather [hbm4b:s12+s18], $0x4000, $0x38;
	[tilespmem:$0x18500] =	vst v63  }
0x50: {  	_ = 	snop  }
0x51: {  	[tilespmem:s29], [sflag:$0x7] =	stream.indirect.gather [hbm4b:s2+s25], $0x1, s18, s25, $0xb8;
	[tilespmem:$0x18500] =	vst v63  }
.Ltmp4:
0x52: {  	_ = 	snop;
	(pc) =	sbr.rel .LBB2_6-.Ltmp4, $4  }
0x53: {  	s19 =	rddreg [dreg:$0x8]  }
0x54: {  	[tilespmem:s25], [sflag:$0xA] =	stream.linear.gather [hbm4b:s19+s18], $0x80, $0x38;
	[tilespmem:$0x18500] =	vst v63  }
0x55: {  	s23 =	rddreg [dreg:$0x9];
	s24 =	simm.s32 $0x180  }
0x56: {  	[tilespmem:s24], [sflag:$0xA] =	stream.linear.gather [hbm4b:s23+s18], $0x80, $0x38;
	[tilespmem:$0x18500] =	vst v63  }
.LBB2_12:
0x57: {  	s18 =	sadd.s32 $0x1, s18  }
0x58: {  	p1 =	sne.s32 s18, $0x14  }
.Ltmp5:
0x59: {  	_ = 	snop;
	(pc) =	sbr.rel @!p1 .LBB2_13-.Ltmp5, $1  }
0x5a: {  	_ =	sdelay $0x3  }
.LBB2_6:
0x5b: {  	p2 =	seq.s32 s18, $0x0  }
0x5c: {  	s19 =	sshll.u32 s18, $0x6;
	s9 =	simm.s32 @!p2 $0xC  }
0x5d: {  	s17 =	sor.u32 s20, s19;
	_ =	swait.ge @!p2 [sflag:s9], $0x4000  }
0x5e: {  	p1 =	sgt.u32 s17, $0x4E1;
	[sflag:s9] =	ssyncset.done @!p2 $0x0  }
0x5f: {  	[sflag:s9] =	ssyncadd.s32 @!p2 $0xFFFFC000;
	s9 =	simm.s32 @!p1 $0xA  }
0x60: {  	_ =	swait.ge @!p1 [sflag:s9], $0x80  }
0x61: {  	[sflag:s9] =	ssyncset.done @!p1 $0x0  }
0x62: {  	[sflag:s9] =	ssyncadd.s32 @!p1 $0xFFFFFF80  }
0x63: {  	_ =	swait.ge @!p1 [sflag:s9], $0x80  }
0x64: {  	[sflag:s9] =	ssyncset.done @!p1 $0x0  }
0x65: {  	s23 =	simm.s32 @!p1 $0x4300;
	[sflag:s9] =	ssyncadd.s32 @!p1 $0xFFFFFF80;
	s9 =	simm.s32 @!p1 $0x80  }
0x66: {  	[tilespmem:s23], [sflag:$0x2] =	stream.indirect.gather @!p1 [hbm4b:s5+s9], $0x80, s9, s9, $0xb8;
	[tilespmem:$0x18500] =	vst v63  }
0x67: {  	s24 =	simm.s32 @!p1 $0xC300;
	s17 =	sshll.u32 @!p1 s17, $0xB;
	s23 =	simm.s32 @!p1 $0x180  }
0x68: {  	[tilespmem:s24], [sflag:$0x4] =	stream.indirect.gather @!p1 [hbm4b:s6+s9], $0x80, s23, s9, $0xb8;
	[tilespmem:$0x18500] =	vst v63  }
0x69: {  	s17 =	sadd.s32 @!p1 s7, s17;
	s23 =	simm.s32 @!p1 $0x0;
	s24 =	simm.s32 @!p1 $0x14300  }
0x6a: {  	[tilespmem:s24], [sflag:$0x6] =	stream.linear.gather @!p1 [hbm4b:s17+s23], $0x4000, $0x38;
	[tilespmem:$0x18500] =	vst v63  }
0x6b: {  	s17 =	simm.s32 @!p1 $0x280  }
0x6c: {  	[tilespmem:s17], [sflag:$0x8] =	stream.indirect.gather @!p1 [hbm4b:s2+s9], $0x1, s9, s9, $0xb8;
	[tilespmem:$0x18500] =	vst v63  }
0x6d: {  	_ =	swait.ge [sflag:s16], $0x4000  }
0x6e: {  	[sflag:s16] =	ssyncset.done $0x0  }
0x6f: {  	[sflag:s16] =	ssyncadd.s32 $0xFFFFC000  }
0x70: {  	_ =	swait.ge [sflag:s31], $0x4000  }
0x71: {  	[sflag:s31] =	ssyncset.done $0x0  }
0x72: {  	[sflag:s31] =	ssyncadd.s32 $0xFFFFC000  }
0x73: {  	_ =	swait.ge [sflag:s0], $0x4000  }
0x74: {  	[sflag:s0] =	ssyncset.done $0x0  }
0x75: {  	s9 =	sadd.s32 s14, s19;
	[sflag:s0] =	ssyncadd.s32 $0xFFFFC000  }
0x76: {  	p1 =	sgt.u32 s9, $0x4E1;
	_ =	swait.ge [sflag:s4], $0x80  }
0x77: {  	s17 =	sshll.u32 @!p1 s9, $0x5;
	[sflag:s4] =	ssyncset.done $0x0  }
0x78: {  	s24 =	simm.s32 @!p1 $0x0;
	s23 =	sadd.s32 @!p1 s1, s17;
	[sflag:s4] =	ssyncadd.s32 $0xFFFFFF80  }
0x79: {  	[tilespmem:s24], [sflag:$0x9] =	stream.linear.gather @!p1 [hbm4b:s23+s24], $0x80, $0x38;
	[tilespmem:$0x18500] =	vst v63  }
0x7a: {  	s17 =	sadd.s32 @!p1 s17, s8;
	s23 =	simm.s32 @!p1 $0x100  }
0x7b: {  	[tilespmem:s23], [sflag:$0x9] =	stream.linear.gather @!p1 [hbm4b:s17+s24], $0x80, $0x38;
	[tilespmem:$0x18500] =	vst v63  }
0x7c: {  	s17 =	simm.s32 $0x0  }
0x7d: {  	v5 =	vld [tilespmem:s17+$0x10300]  }
0x7e: {  	v6 =	vld [tilespmem:s17+$0x10310]  }
0x7f: {  	v4 =	vld [tilespmem:s17+$0x10320]  }
0x80: {  	v3 =	vld [tilespmem:s17+$0x10330]  }
0x81: {  	v2 =	vld [tilespmem:s17+$0x10340]  }
0x82: {  	v1 =	vld [tilespmem:s17+$0x10350]  }
0x83: {  	v13 =	vld [tilespmem:s17+$0x8300]  }
0x84: {  	v18 =	vld [tilespmem:s17+$0x8310]  }
0x85: {  	v12 =	vld [tilespmem:s17+$0x8320]  }
0x86: {  	v11 =	vld [tilespmem:s17+$0x8330]  }
0x87: {  	v10 =	vld [tilespmem:s17+$0x8340]  }
0x88: {  	v9 =	vld [tilespmem:s17+$0x8350]  }
0x89: {  	v8 =	vld [tilespmem:s17+$0x8360]  }
0x8a: {  	v7 =	vld [tilespmem:s17+$0x8370]  }
0x8b: {  	v19 =	vld [tilespmem:s17+$0x300]  }
0x8c: {  	v20 =	vld [tilespmem:s17+$0x310]  }
0x8d: {  	v17 =	vld [tilespmem:s17+$0x320]  }
0x8e: {  	v16 =	vld [tilespmem:s17+$0x330]  }
0x8f: {  	v15 =	vld [tilespmem:s17+$0x340]  }
0x90: {  	v14 =	vld [tilespmem:s17+$0x350];
	v19 =	vadd.f32 v13, v19  }
0x91: {  	s23 =	simm.s32 $0x200;
	v18 =	vadd.f32 v18, v20;
	v13 =	vld [tilespmem:s17+$0x360]  }
.LBB2_7:
0x92: {  	p2 =	sne.s32 s23, $0xFE00;
	v5 =	vadd.f32 v5, v19;
	v12 =	vadd.f32 v12, v17;
	v17 =	vld [tilespmem:s17+$0x370]  }
0x93: {  	v6 =	vadd.f32 v6, v18;
	v11 =	vadd.f32 v11, v16;
	v16 =	vld [tilespmem:s17+$0x10360]  }
0x94: {  	s24 =	sshra.s32 s23, $0x2;
	v18 =	vmax.f32 v5, $0.0e+00;
	v4 =	vadd.f32 v4, v12;
	v10 =	vadd.f32 v10, v15;
	v12 =	vld [tilespmem:s17+$0x10370]  }
0x95: {  	v5 =	vld [tilespmem:s24+$0x10300];
	[tilespmem:s17+$0x300] =	vst v18;
	v15 =	vmax.f32 v6, $0.0e+00;
	v3 =	vadd.f32 v3, v11;
	v9 =	vadd.f32 v9, v14  }
0x96: {  	v6 =	vld [tilespmem:s24+$0x10310];
	[tilespmem:s17+$0x310] =	vst v15;
	v11 =	vmax.f32 v4, $0.0e+00;
	v2 =	vadd.f32 v2, v10;
	v8 =	vadd.f32 v8, v13  }
0x97: {  	v4 =	vld [tilespmem:s24+$0x10320];
	[tilespmem:s17+$0x320] =	vst v11;
	v10 =	vmax.f32 v3, $0.0e+00;
	v1 =	vadd.f32 v1, v9;
	v7 =	vadd.f32 v7, v17  }
0x98: {  	v3 =	vld [tilespmem:s24+$0x10330];
	[tilespmem:s17+$0x330] =	vst v10;
	v9 =	vmax.f32 v2, $0.0e+00;
	v8 =	vadd.f32 v16, v8  }
0x99: {  	v2 =	vld [tilespmem:s24+$0x10340];
	[tilespmem:s17+$0x340] =	vst v9;
	v9 =	vmax.f32 v1, $0.0e+00;
	v7 =	vadd.f32 v12, v7  }
0x9a: {  	v1 =	vld [tilespmem:s24+$0x10350];
	[tilespmem:s17+$0x350] =	vst v9;
	v8 =	vmax.f32 v8, $0.0e+00  }
0x9b: {  	v13 =	vld [tilespmem:s24+$0x8300];
	[tilespmem:s17+$0x360] =	vst v8;
	v7 =	vmax.f32 v7, $0.0e+00  }
0x9c: {  	v18 =	vld [tilespmem:s24+$0x8310];
	[tilespmem:s17+$0x370] =	vst v7;
	s17 =	smov.u32 s24  }
0x9d: {  	v12 =	vld [tilespmem:s17+$0x8320]  }
0x9e: {  	v11 =	vld [tilespmem:s17+$0x8330]  }
0x9f: {  	v10 =	vld [tilespmem:s17+$0x8340]  }
0xa0: {  	v9 =	vld [tilespmem:s17+$0x8350]  }
0xa1: {  	v8 =	vld [tilespmem:s17+$0x8360]  }
0xa2: {  	v7 =	vld [tilespmem:s17+$0x8370]  }
0xa3: {  	v14 =	vld [tilespmem:s17+$0x300]  }
0xa4: {  	v20 =	vld [tilespmem:s17+$0x310]  }
.Ltmp6:
0xa5: {  	v17 =	vld [tilespmem:s17+$0x320];
	(pc) =	sbr.rel @p2 .LBB2_7-.Ltmp6, $4  }
0xa6: {  	v16 =	vld [tilespmem:s17+$0x330]  }
0xa7: {  	v15 =	vld [tilespmem:s17+$0x340]  }
0xa8: {  	v19 =	vadd.f32 v13, v14;
	v14 =	vld [tilespmem:s17+$0x350]  }
0xa9: {  	s23 =	sadd.s32 $0x200, s23;
	v18 =	vadd.f32 v18, v20;
	v13 =	vld [tilespmem:s17+$0x360]  }
0xaa: {  	v5 =	vadd.f32 v5, v19;
	v12 =	vadd.f32 v12, v17;
	v57 =	vld [tilespmem:s17+$0x370]  }
0xab: {  	v58 =	vld [tilespmem:s17+$0x10360];
	v6 =	vadd.f32 v6, v18;
	v11 =	vadd.f32 v11, v16  }
0xac: {  	v59 =	vld [tilespmem:s17+$0x10370];
	v5 =	vmax.f32 v5, $0.0e+00;
	v4 =	vadd.f32 v4, v12;
	v10 =	vadd.f32 v10, v15  }
0xad: {  	[tilespmem:s17+$0x300] =	vst v5;
	v60 =	vmax.f32 v6, $0.0e+00;
	v3 =	vadd.f32 v3, v11;
	v61 =	vadd.f32 v9, v14  }
0xae: {  	[tilespmem:s17+$0x310] =	vst v60;
	v4 =	vmax.f32 v4, $0.0e+00;
	v2 =	vadd.f32 v2, v10;
	v62 =	vadd.f32 v8, v13  }
0xaf: {  	[tilespmem:s17+$0x320] =	vst v4;
	v3 =	vmax.f32 v3, $0.0e+00;
	v1 =	vadd.f32 v1, v61;
	v63 =	vadd.f32 v7, v57  }
0xb0: {  	p2 =	sge.u32 s19, s21;
	[tilespmem:s17+$0x330] =	vst v3;
	v2 =	vmax.f32 v2, $0.0e+00;
	v3 =	vadd.f32 v58, v62  }
.Ltmp7:
0xb1: {  	[tilespmem:s17+$0x340] =	vst v2;
	v1 =	vmax.f32 v1, $0.0e+00;
	v2 =	vadd.f32 v59, v63;
	(pc) =	sbr.rel @p2 .LBB2_12-.Ltmp7, $4  }
0xb2: {  	[tilespmem:s17+$0x350] =	vst v1;
	v1 =	vmax.f32 v3, $0.0e+00  }
0xb3: {  	[tilespmem:s17+$0x360] =	vst v1;
	v1 =	vmax.f32 v2, $0.0e+00  }
0xb4: {  	[tilespmem:s17+$0x370] =	vst v1  }
0xb5: {  	[spmem:s3] =	stream.indirect.scatter.add.f32 [tilespmem:s26], [sflag:$0xB], $0x80, s29, s25, $0xb8;
	[tilespmem:$0x18500] =	vst v63  }
0xb6: {  	_ =	swait.ge [sflag:s28], $0x4000  }
0xb7: {  	[sflag:s28] =	ssyncset.done $0x0  }
0xb8: {  	s17 =	simm.s32 @!p1 $0x9;
	[sflag:s28] =	ssyncadd.s32 $0xFFFFC000  }
0xb9: {  	_ =	swait.ge @!p1 [sflag:s17], $0x80  }
0xba: {  	[sflag:s17] =	ssyncset.done @!p1 $0x0  }
0xbb: {  	[sflag:s17] =	ssyncadd.s32 @!p1 $0xFFFFFF80  }
0xbc: {  	_ =	swait.ge @!p1 [sflag:s17], $0x80  }
0xbd: {  	s23 =	simm.s32 @!p1 $0x0;
	[sflag:s17] =	ssyncset.done @!p1 $0x0  }
0xbe: {  	s24 =	simm.s32 @!p1 $0x300;
	[sflag:s17] =	ssyncadd.s32 @!p1 $0xFFFFFF80;
	s17 =	simm.s32 @!p1 $0x80  }
0xbf: {  	[tilespmem:s24], [sflag:$0x1] =	stream.indirect.gather @!p1 [hbm4b:s5+s17], $0x80, s23, s17, $0xb8;
	[tilespmem:$0x18500] =	vst v63  }
0xc0: {  	s12 =	simm.s32 @!p1 $0x8300;
	s9 =	sshll.u32 @!p1 s9, $0xB;
	s24 =	simm.s32 @!p1 $0x100  }
0xc1: {  	[tilespmem:s12], [sflag:$0x3] =	stream.indirect.gather @!p1 [hbm4b:s6+s17], $0x80, s24, s17, $0xb8;
	[tilespmem:$0x18500] =	vst v63  }
0xc2: {  	s9 =	sadd.s32 @!p1 s7, s9;
	s12 =	simm.s32 @!p1 $0x10300  }
0xc3: {  	[tilespmem:s12], [sflag:$0x5] =	stream.linear.gather @!p1 [hbm4b:s9+s23], $0x4000, $0x38;
	[tilespmem:$0x18500] =	vst v63  }
0xc4: {  	s9 =	simm.s32 @!p1 $0x200  }
0xc5: {  	[tilespmem:s9], [sflag:$0x7] =	stream.indirect.gather @!p1 [hbm4b:s2+s17], $0x1, s23, s17, $0xb8;
	[tilespmem:$0x18500] =	vst v63  }
0xc6: {  	_ =	swait.ge [sflag:s30], $0x4000  }
0xc7: {  	[sflag:s30] =	ssyncset.done $0x0  }
0xc8: {  	[sflag:s30] =	ssyncadd.s32 $0xFFFFC000  }
0xc9: {  	_ =	swait.ge [sflag:s22], $0x4000  }
0xca: {  	[sflag:s22] =	ssyncset.done $0x0  }
0xcb: {  	[sflag:s22] =	ssyncadd.s32 $0xFFFFC000  }
0xcc: {  	_ =	swait.ge [sflag:s10], $0x4000  }
0xcd: {  	[sflag:s10] =	ssyncset.done $0x0  }
0xce: {  	s9 =	sadd.s32 s15, s19;
	[sflag:s10] =	ssyncadd.s32 $0xFFFFC000  }
0xcf: {  	p1 =	sgt.u32 s9, $0x4E1;
	_ =	swait.ge [sflag:s11], $0x80  }
0xd0: {  	s9 =	sshll.u32 @!p1 s9, $0x5;
	s17 =	simm.s32 @!p1 $0x0;
	[sflag:s11] =	ssyncset.done $0x0  }
0xd1: {  	s19 =	simm.s32 @!p1 $0x80;
	s12 =	sadd.s32 @!p1 s1, s9;
	[sflag:s11] =	ssyncadd.s32 $0xFFFFFF80  }
0xd2: {  	[tilespmem:s19], [sflag:$0xA] =	stream.linear.gather @!p1 [hbm4b:s12+s17], $0x80, $0x38;
	[tilespmem:$0x18500] =	vst v63  }
0xd3: {  	s9 =	sadd.s32 @!p1 s9, s8;
	s12 =	simm.s32 @!p1 $0x180  }
0xd4: {  	[tilespmem:s12], [sflag:$0xA] =	stream.linear.gather @!p1 [hbm4b:s9+s17], $0x80, $0x38;
	[tilespmem:$0x18500] =	vst v63  }
0xd5: {  	s9 =	simm.s32 $0x0  }
0xd6: {  	v5 =	vld [tilespmem:s9+$0x14300]  }
0xd7: {  	v6 =	vld [tilespmem:s9+$0x14310]  }
0xd8: {  	v4 =	vld [tilespmem:s9+$0x14320]  }
0xd9: {  	v3 =	vld [tilespmem:s9+$0x14330]  }
0xda: {  	v2 =	vld [tilespmem:s9+$0x14340]  }
0xdb: {  	v1 =	vld [tilespmem:s9+$0x14350]  }
0xdc: {  	v13 =	vld [tilespmem:s9+$0xC300]  }
0xdd: {  	v18 =	vld [tilespmem:s9+$0xC310]  }
0xde: {  	v12 =	vld [tilespmem:s9+$0xC320]  }
0xdf: {  	v11 =	vld [tilespmem:s9+$0xC330]  }
0xe0: {  	v10 =	vld [tilespmem:s9+$0xC340]  }
0xe1: {  	v9 =	vld [tilespmem:s9+$0xC350]  }
0xe2: {  	v8 =	vld [tilespmem:s9+$0xC360]  }
0xe3: {  	v7 =	vld [tilespmem:s9+$0xC370]  }
0xe4: {  	v19 =	vld [tilespmem:s9+$0x4300]  }
0xe5: {  	v20 =	vld [tilespmem:s9+$0x4310]  }
0xe6: {  	v17 =	vld [tilespmem:s9+$0x4320]  }
0xe7: {  	v16 =	vld [tilespmem:s9+$0x4330]  }
0xe8: {  	v15 =	vld [tilespmem:s9+$0x4340]  }
0xe9: {  	v14 =	vld [tilespmem:s9+$0x4350];
	v19 =	vadd.f32 v13, v19  }
0xea: {  	s17 =	simm.s32 $0x200;
	v18 =	vadd.f32 v18, v20;
	v13 =	vld [tilespmem:s9+$0x4360]  }
.LBB2_10:
0xeb: {  	p1 =	sne.s32 s17, $0xFE00;
	v5 =	vadd.f32 v5, v19;
	v12 =	vadd.f32 v12, v17;
	v17 =	vld [tilespmem:s9+$0x4370]  }
0xec: {  	v6 =	vadd.f32 v6, v18;
	v11 =	vadd.f32 v11, v16;
	v16 =	vld [tilespmem:s9+$0x14360]  }
0xed: {  	s12 =	sshra.s32 s17, $0x2;
	v18 =	vmax.f32 v5, $0.0e+00;
	v4 =	vadd.f32 v4, v12;
	v10 =	vadd.f32 v10, v15;
	v12 =	vld [tilespmem:s9+$0x14370]  }
0xee: {  	v5 =	vld [tilespmem:s12+$0x14300];
	[tilespmem:s9+$0x4300] =	vst v18;
	v15 =	vmax.f32 v6, $0.0e+00;
	v3 =	vadd.f32 v3, v11;
	v9 =	vadd.f32 v9, v14  }
0xef: {  	v6 =	vld [tilespmem:s12+$0x14310];
	[tilespmem:s9+$0x4310] =	vst v15;
	v11 =	vmax.f32 v4, $0.0e+00;
	v2 =	vadd.f32 v2, v10;
	v8 =	vadd.f32 v8, v13  }
0xf0: {  	v4 =	vld [tilespmem:s12+$0x14320];
	[tilespmem:s9+$0x4320] =	vst v11;
	v10 =	vmax.f32 v3, $0.0e+00;
	v1 =	vadd.f32 v1, v9;
	v7 =	vadd.f32 v7, v17  }
0xf1: {  	v3 =	vld [tilespmem:s12+$0x14330];
	[tilespmem:s9+$0x4330] =	vst v10;
	v9 =	vmax.f32 v2, $0.0e+00;
	v8 =	vadd.f32 v16, v8  }
0xf2: {  	v2 =	vld [tilespmem:s12+$0x14340];
	[tilespmem:s9+$0x4340] =	vst v9;
	v9 =	vmax.f32 v1, $0.0e+00;
	v7 =	vadd.f32 v12, v7  }
0xf3: {  	v1 =	vld [tilespmem:s12+$0x14350];
	[tilespmem:s9+$0x4350] =	vst v9;
	v8 =	vmax.f32 v8, $0.0e+00  }
0xf4: {  	v13 =	vld [tilespmem:s12+$0xC300];
	[tilespmem:s9+$0x4360] =	vst v8;
	v7 =	vmax.f32 v7, $0.0e+00  }
0xf5: {  	v18 =	vld [tilespmem:s12+$0xC310];
	[tilespmem:s9+$0x4370] =	vst v7;
	s9 =	smov.u32 s12  }
0xf6: {  	v12 =	vld [tilespmem:s9+$0xC320]  }
0xf7: {  	v11 =	vld [tilespmem:s9+$0xC330]  }
0xf8: {  	v10 =	vld [tilespmem:s9+$0xC340]  }
0xf9: {  	v9 =	vld [tilespmem:s9+$0xC350]  }
0xfa: {  	v8 =	vld [tilespmem:s9+$0xC360]  }
0xfb: {  	v7 =	vld [tilespmem:s9+$0xC370]  }
0xfc: {  	v14 =	vld [tilespmem:s9+$0x4300]  }
0xfd: {  	v20 =	vld [tilespmem:s9+$0x4310]  }
.Ltmp8:
0xfe: {  	v17 =	vld [tilespmem:s9+$0x4320];
	(pc) =	sbr.rel @p1 .LBB2_10-.Ltmp8, $4  }
0xff: {  	v16 =	vld [tilespmem:s9+$0x4330]  }
0x100: {  	v15 =	vld [tilespmem:s9+$0x4340]  }
0x101: {  	v19 =	vadd.f32 v13, v14;
	v14 =	vld [tilespmem:s9+$0x4350]  }
0x102: {  	s17 =	sadd.s32 $0x200, s17;
	v18 =	vadd.f32 v18, v20;
	v13 =	vld [tilespmem:s9+$0x4360]  }
0x103: {  	v5 =	vadd.f32 v5, v19;
	v12 =	vadd.f32 v12, v17;
	v57 =	vld [tilespmem:s9+$0x4370]  }
0x104: {  	v58 =	vld [tilespmem:s9+$0x14360];
	v6 =	vadd.f32 v6, v18;
	v11 =	vadd.f32 v11, v16  }
0x105: {  	v59 =	vld [tilespmem:s9+$0x14370];
	v5 =	vmax.f32 v5, $0.0e+00;
	v4 =	vadd.f32 v4, v12;
	v10 =	vadd.f32 v10, v15  }
0x106: {  	[tilespmem:s9+$0x4300] =	vst v5;
	v60 =	vmax.f32 v6, $0.0e+00;
	v3 =	vadd.f32 v3, v11;
	v61 =	vadd.f32 v9, v14  }
0x107: {  	[tilespmem:s9+$0x4310] =	vst v60;
	v4 =	vmax.f32 v4, $0.0e+00;
	v2 =	vadd.f32 v2, v10;
	v62 =	vadd.f32 v8, v13  }
0x108: {  	[tilespmem:s9+$0x4320] =	vst v4;
	v3 =	vmax.f32 v3, $0.0e+00;
	v1 =	vadd.f32 v1, v61;
	v63 =	vadd.f32 v7, v57  }
0x109: {  	[tilespmem:s9+$0x4330] =	vst v3;
	v2 =	vmax.f32 v2, $0.0e+00;
	v3 =	vadd.f32 v58, v62  }
.Ltmp9:
0x10a: {  	[tilespmem:s9+$0x4340] =	vst v2;
	v1 =	vmax.f32 v1, $0.0e+00;
	v2 =	vadd.f32 v59, v63;
	(pc) =	sbr.rel .LBB2_12-.Ltmp9, $4  }
0x10b: {  	[tilespmem:s9+$0x4350] =	vst v1;
	v1 =	vmax.f32 v3, $0.0e+00  }
0x10c: {  	[tilespmem:s9+$0x4360] =	vst v1;
	v1 =	vmax.f32 v2, $0.0e+00  }
0x10d: {  	s24 =	simm.s32 $0x280;
	[tilespmem:s9+$0x4370] =	vst v1  }
0x10e: {  	[spmem:s3] =	stream.indirect.scatter.add.f32 [tilespmem:s13], [sflag:$0xC], $0x80, s24, s25, $0xb8;
	[tilespmem:$0x18500] =	vst v63  }
.LBB2_14:
0x10f: {  	_ =	sfence.sel $0x180000  }
0x110: {  	[bflag:$0x0] =	sbarrier.arrive $0xFFFF  }
0x111: {  	_ =	strace $0x9000004A  }
0x112: {  	[bflag:$0x2] =	sbarrier.arrive $0xFFFF  }
0x113: {  	s0 =	rddreg [dreg:$0x4]  }
0x114: {  	s0 =	sadd.s32 @!p0 $0x100000, s0  }
0x115: {  	[sflag:s0] =	ssyncadd.tile.s32 @!p0 $0x1;
	_ =	shalt  }
.Lfunc_end2:
_tile_overlayer_lowered:
.L_overlay_start_2:
0x116: {  	(tag) =	ssettag $0x2  }
0x117: {  	s0 =	rddreg [dreg:$0x0];
	s2 =	stileid.u32  }
0x118: {  	s1 =	rddreg [dreg:$0x1];
	p0 =	sne.s32 s2, $0x0  }
0x119: {  	s3 =	rddreg [dreg:$0x2];
	[bflag:$0x3] =	sbarrier.arrive $0xFFFF;
	s2 =	simm.s32 @!p0 $0x1C0D  }
0x11a: {  	[timem:s3], [sflag:s2] =	dma.local @!p0 [hbm:s0], s1  }
0x11b: {  	s0 =	simm.s32 @!p0 $0xD  }
0x11c: {  	_ =	swait.ge @!p0 [sflag:s0], s1  }
0x11d: {  	s1 =	ssub.s32 @!p0 $0x0, s1;
	[sflag:s0] =	ssyncset.done @!p0 $0x0  }
0x11e: {  	[sflag:s0] =	ssyncadd.s32 @!p0 s1  }
0x11f: {  	[bflag:$0x3] =	sbarrier.arrive $0xFFFF  }
0x120: {  	_ =	shalt  }

</sc_bundles>
